<compile_context>
chip_gen: v7x
topology: tpu7x:2x2x1
jax: 0.10.2.dev20260603
libtpu: 0.0.44.dev20260713+nightly
codegen_flags: <defaults>
</compile_context>

<pallas_src>
import functools

import jax
import jax.numpy as jnp
from jax import lax
from jax.experimental import pallas as pl
from jax.experimental.pallas import tpu as pltpu
from jax.experimental.pallas import tpu_sc as plsc

B, S, H, E = 4, 2048, 4096, 64
N = B * S
K = 160

TILE = 512
GRID_A = N // TILE

NC, NS = 2, 16
NW = NC * NS
EPW = E // NW
CH = N // 16


def _router_body(x_ref, w_ref, probs_ref, probsT_ref):
    x = x_ref[...]
    w = w_ref[...]
    logits = lax.dot_general(
        x, w, (((1,), (1,)), ((), ())),
        preferred_element_type=jnp.float32,
        precision=lax.Precision.DEFAULT,
    )
    m = jnp.max(logits, axis=1, keepdims=True)
    e = jnp.exp(logits - m)
    probs = e / jnp.sum(e, axis=1, keepdims=True)
    probs_ref[...] = probs
    probsT_ref[...] = lax.bitcast_convert_type(probs.T, jnp.int32)


def _scan16(chunk_loader, nchunks, base_count, k_target, lane, bin_base=0):
    cum = base_count
    best = jnp.int32(-1)
    for c in range(nchunks - 1, -1, -1):
        acc = chunk_loader(c)
        desc = lax.rev(acc, (0,))
        cs = plsc.cumsum(desc) + cum
        hit = (cs >= k_target) & ((cs - desc) < k_target)
        enc = (cs - desc) * 4096 + (bin_base + c * 16 + 15 - lane)
        best = jnp.maximum(best, jnp.max(jnp.where(hit, enc, -1)))
        if nchunks > 1:
            cum = cum + jnp.sum(acc)
    return best & 4095, lax.shift_right_logical(best, 12)


def _sc_topk_body(probsT_hbm, out_hbm, data0_v, data1_v, cidx0_v, cidx1_v,
                  histf0_v, histf1_v, histc0_v, histc1_v, row_v, sem0, sem1):
    wid = lax.axis_index("s") * NC + lax.axis_index("c")
    lane = lax.iota(jnp.int32, 16)
    ones = jnp.ones((16,), jnp.int32)
    zeros16 = jnp.zeros((16,), jnp.int32)

    e0 = wid * EPW
    cp0 = pltpu.async_copy(probsT_hbm.at[e0], data0_v, sem0)
    cp1 = pltpu.async_copy(probsT_hbm.at[e0 + 1], data1_v, sem1)

    @plsc.parallel_loop(0, 4096, 16, unroll=4)
    def _(c):
        histf0_v[pl.ds(c, 16)] = zeros16
        histf1_v[pl.ds(c, 16)] = zeros16

    for c in range(16):
        histc0_v[pl.ds(c * 16, 16)] = zeros16
        histc1_v[pl.ds(c * 16, 16)] = zeros16

    cp0.wait()
    cp1.wait()

    @plsc.parallel_loop(0, CH, 1, unroll=4)
    def _(i):
        b0 = data0_v[pl.ds(i * 16, 16)]
        b1 = data1_v[pl.ds(i * 16, 16)]
        d0 = lax.shift_right_logical(b0, 19)
        d1 = lax.shift_right_logical(b1, 19)
        plsc.addupdate_scatter(histf0_v, [d0], ones)
        plsc.addupdate_scatter(histc0_v, [lax.shift_right_logical(d0, 4)],
                               ones)
        plsc.addupdate_scatter(histf1_v, [d1], ones)
        plsc.addupdate_scatter(histc1_v, [lax.shift_right_logical(d1, 4)],
                               ones)

    def resolve_r1(histc_v, histf_v):
        cb, c_above = _scan16(
            lambda c: histc_v[pl.ds(c * 16, 16)], 16, jnp.int32(0),
            jnp.int32(K), lane)
        fb, f_above = _scan16(
            lambda c, cb=cb: histf_v[pl.ds(cb * 16, 16)], 1, c_above,
            jnp.int32(K), lane, bin_base=0)
        fb = fb + cb * 16
        return fb, K - f_above

    bin0, krem0 = resolve_r1(histc0_v, histf0_v)
    bin1, krem1 = resolve_r1(histc1_v, histf1_v)

    @plsc.parallel_loop(0, CH, 1, unroll=4,
                        carry=(jnp.int32(0), jnp.int32(0)))
    def offs(i, carry):
        o0, o1 = carry
        b0 = data0_v[pl.ds(i * 16, 16)]
        b1 = data1_v[pl.ds(i * 16, 16)]
        idxv = i * 16 + lane
        m0 = lax.shift_right_logical(b0, 19) == bin0
        m1 = lax.shift_right_logical(b1, 19) == bin1
        plsc.store_compressed(cidx0_v.at[pl.ds(o0, 16)], idxv, mask=m0)
        plsc.store_compressed(cidx1_v.at[pl.ds(o1, 16)], idxv, mask=m1)
        return (o0 + plsc.all_reduce_population_count(m0)[0],
                o1 + plsc.all_reduce_population_count(m1)[0])

    l0, l1 = offs

    results = []
    for data_v, cidx_v, histc_v, bin_r1, krem, l_cand in (
            (data0_v, cidx0_v, histc0_v, bin0, krem0, l0),
            (data1_v, cidx1_v, histc1_v, bin1, krem1, l1)):
        nch = lax.shift_right_logical(l_cand + 15, 4)
        prefix = bin_r1
        k_rem = krem

        for sh, w in ((15, 4), (11, 4), (7, 4), (3, 4), (0, 3)):
            histc_v[pl.ds(0, 16)] = zeros16

            def hist_body(i, _, sh=sh, w=w, prefix=prefix, l_cand=l_cand,
                          data_v=data_v, cidx_v=cidx_v, histc_v=histc_v):
                valid = (i * 16 + lane) < l_cand
                ci = cidx_v[pl.ds(i * 16, 16)] & (N - 1)
                b = plsc.load_gather(data_v, [ci], mask=valid)
                m = valid & (lax.shift_right_logical(b, sh + w) == prefix)
                dig = lax.shift_right_logical(b, sh) & ((1 << w) - 1)
                plsc.addupdate_scatter(histc_v, [dig], ones, mask=m)
                return 0

            lax.fori_loop(0, nch, hist_body, 0)

            bv, cbv = _scan16(
                lambda c, histc_v=histc_v: histc_v[pl.ds(0, 16)],
                1, jnp.int32(0), k_rem, lane)
            prefix = prefix * (1 << w) + bv
            k_rem = k_rem - cbv

        t_bits = prefix

        def tie_body(i, carry, t_bits=t_bits, k_rem=k_rem, l_cand=l_cand,
                     data_v=data_v, cidx_v=cidx_v):
            run, p = carry
            valid = (i * 16 + lane) < l_cand
            ci = cidx_v[pl.ds(i * 16, 16)] & (N - 1)
            b = plsc.load_gather(data_v, [ci], mask=valid)
            tie = valid & (b == t_bits)
            ti = tie.astype(jnp.int32)
            cs = plsc.cumsum(ti)
            hit = tie & ((run + cs) == k_rem)
            p = jnp.maximum(p, jnp.max(jnp.where(hit, ci, -1)))
            return (run + jnp.sum(ti), p)

        _, p_cut = lax.fori_loop(0, nch, tie_body,
                                 (jnp.int32(0), jnp.int32(-1)))
        results.append((t_bits, p_cut))

    (t0, p0), (t1, p1) = results
    row = jnp.where(lane == 0, t0,
          jnp.where(lane == 1, t1,
          jnp.where(lane == 2, p0,
          jnp.where(lane == 3, p1, jnp.int32(0)))))
    row_v[...] = row
    pltpu.sync_copy(row_v, out_hbm.at[wid])


_sc_topk = functools.partial(
    pl.kernel,
    out_type=jax.ShapeDtypeStruct((NW, 16), jnp.int32),
    mesh=plsc.VectorSubcoreMesh(core_axis_name="c", subcore_axis_name="s"),
    compiler_params=pltpu.CompilerParams(needs_layout_passes=False),
    scratch_types=[
        pltpu.VMEM((N,), jnp.int32),
        pltpu.VMEM((N,), jnp.int32),
        pltpu.VMEM((N,), jnp.int32),
        pltpu.VMEM((N,), jnp.int32),
        pltpu.VMEM((4096,), jnp.int32),
        pltpu.VMEM((4096,), jnp.int32),
        pltpu.VMEM((256,), jnp.int32),
        pltpu.VMEM((256,), jnp.int32),
        pltpu.VMEM((16,), jnp.int32),
        pltpu.SemaphoreType.DMA,
        pltpu.SemaphoreType.DMA,
    ],
)(_sc_topk_body)


def _mask_body(probs_ref, t_ref, cut_ref, disp_ref, comb_ref):
    p = probs_ref[...]
    bits = lax.bitcast_convert_type(p, jnp.int32)
    t = t_ref[...]
    cut = cut_ref[...]
    idx = lax.broadcasted_iota(jnp.int32, (N, E), 0)
    sel = (bits > t) | ((bits == t) & (idx <= cut))
    disp = jnp.where(sel, p, 0.0)
    dsum = jnp.sum(disp, axis=1, keepdims=True)
    comb = jnp.where(dsum > 0, disp / dsum, 0.0)
    disp_ref[...] = disp
    comb_ref[...] = comb


@jax.jit
def kernel(hidden_states, W):
    x = hidden_states.reshape(N, H)
    probs, probsT = pl.pallas_call(
        _router_body,
        grid=(GRID_A,),
        in_specs=[
            pl.BlockSpec((TILE, H), lambda i: (i, 0)),
            pl.BlockSpec((E, H), lambda i: (0, 0)),
        ],
        out_specs=[
            pl.BlockSpec((TILE, E), lambda i: (i, 0)),
            pl.BlockSpec((E, TILE), lambda i: (0, i)),
        ],
        out_shape=[
            jax.ShapeDtypeStruct((N, E), jnp.float32),
            jax.ShapeDtypeStruct((E, N), jnp.int32),
        ],
    )(x, W)

    sc_out = _sc_topk(probsT)
    t_bits = sc_out[:, 0:2].reshape(1, E)
    cut = sc_out[:, 2:4].reshape(1, E)

    disp, comb = pl.pallas_call(
        _mask_body,
        out_shape=[
            jax.ShapeDtypeStruct((N, E), jnp.float32),
            jax.ShapeDtypeStruct((N, E), jnp.float32),
        ],
    )(probs, t_bits, cut)

    shape = (B, S, E)
    return (disp.reshape(shape), comb.reshape(shape),
            jnp.array(0.0, dtype=jnp.float32), probs.reshape(shape))

# --- scband reference (transcript-rebuilt; emitter-appended) ---
"""Pipeline reference for scband-expert-choice-routing-44117904065241 (READ-ONLY COPY).

The authoritative reference and input builder live on the scoring server;
editing this copy changes nothing except your own understanding.
"""

import jax, jax.numpy as jnp
import numpy as np

B, S, H, E = 4, 2048, 4096, 64
EXPERT_CAPACITY = 1.25
ROUTER_TEMPERATURE = 1.0

def setup_inputs(seed: int = 0) -> dict:
    key = jax.random.key(seed)
    k1, k2 = jax.random.split(key)
    hidden_states = jax.random.normal(k1, (B, S, H), dtype=jnp.float32)
    # router weight, matches nn.Linear(hidden_size, num_experts, bias=False) with std=0.02 init
    W = jax.random.normal(k2, (E, H), dtype=jnp.float32) * 0.02
    return {"hidden_states": hidden_states, "W": W}

def reference(hidden_states, W):
    b, s, h = hidden_states.shape
    n = b * s
    tokens_per_expert = int(EXPERT_CAPACITY * n / E)
    k = min(tokens_per_expert, n)
    # RouterNetwork forward (training noise disabled: router_noise_epsilon=0.0)
    router_logits = hidden_states @ W.T
    router_logits = router_logits / ROUTER_TEMPERATURE
    router_probs = jax.nn.softmax(router_logits, axis=-1)
    # rearrange 'b s e -> e (b s)'
    expert_probs = router_probs.reshape(n, E).T  # [E, N]
    # each expert picks its top-k tokens
    top_k_scores, top_k_indices = jax.lax.top_k(expert_probs, k)  # [E, k]
    dispatch_flat = jnp.zeros((E, n), dtype=router_probs.dtype)
    dispatch_flat = dispatch_flat.at[jnp.arange(E)[:, None], top_k_indices].set(top_k_scores)
    dispatch_mask = dispatch_flat.T.reshape(b, s, E)
    dispatch_sum = dispatch_mask.sum(axis=-1, keepdims=True)
    combine_weights = jnp.where(dispatch_sum > 0, dispatch_mask / dispatch_sum, jnp.zeros_like(dispatch_mask))
    load_balancing_loss = jnp.array(0.0, dtype=jnp.float32)
    return (dispatch_mask, combine_weights, load_balancing_loss, router_probs)

if __name__ == "__main__":
    import jax
    _d = setup_inputs()
    print(jax.jit(kernel)(*tuple(_d.values())))

</pallas_src>

<mosaic_0001>
#map = affine_map<(d0, d1) -> (0, 0)>
module attributes {stable_mosaic.version = 14 : i64} {
  func.func @_sc_topk_body(%arg0: i32, %arg1: i32, %arg2: memref<64x8192xi32, #tpu.memory_space<hbm>>, %arg3: memref<32x16xi32, #tpu.memory_space<hbm>>, %arg4: memref<8192xi32, #tpu.memory_space<vmem>>, %arg5: memref<8192xi32, #tpu.memory_space<vmem>>, %arg6: memref<8192xi32, #tpu.memory_space<vmem>>, %arg7: memref<8192xi32, #tpu.memory_space<vmem>>, %arg8: memref<4096xi32, #tpu.memory_space<vmem>>, %arg9: memref<4096xi32, #tpu.memory_space<vmem>>, %arg10: memref<256xi32, #tpu.memory_space<vmem>>, %arg11: memref<256xi32, #tpu.memory_space<vmem>>, %arg12: memref<16xi32, #tpu.memory_space<vmem>>, %arg13: memref<!tpu.dma_semaphore, #tpu.memory_space<semaphore_mem>>, %arg14: memref<!tpu.dma_semaphore, #tpu.memory_space<semaphore_mem>>) attributes {dimension_semantics = [#tpu.dimension_semantics<core_parallel>, #tpu.dimension_semantics<subcore_parallel>], iteration_bounds = array<i64: 2, 16>, scalar_prefetch = 0 : i64, scratch_operands = 11 : i64, tpu.core_type = #tpu.core_type<sc_vector_subcore>, window_params = [{transform_indices = #map}, {transform_indices = #map}]} {
    %mul3A = arith.constant 2 : i32
    %mul3A_0 = arith.muli %arg1, %mul3A : i32
    %add3A = arith.addi %mul3A_0, %arg0 : i32
    %iota3A = tpu.iota {dimensions = array<i32: 0>} : vector<16xi32>
    %broadcast_in_dim3A = arith.constant 1 : i32
    %broadcast_in_dim3A_1 = vector.broadcast %broadcast_in_dim3A : i32 to vector<16xi32>
    %broadcast_in_dim3A_2 = arith.constant 0 : i32
    %broadcast_in_dim3A_3 = vector.broadcast %broadcast_in_dim3A_2 : i32 to vector<16xi32>
    %mul3A_4 = arith.constant 2 : i32
    %mul3A_5 = arith.muli %add3A, %mul3A_4 : i32
    %dma_start3A = arith.constant 0 : i32
    %dma_start3A_6 = tpu.memref_slice %arg2[%mul3A_5, %dma_start3A] : memref<64x8192xi32, #tpu.memory_space<hbm>> -> memref<1x8192xi32, #tpu.memory_space<hbm>>
    %dma_start3A_7 = tpu.memref_squeeze %dma_start3A_6 : memref<1x8192xi32, #tpu.memory_space<hbm>> -> memref<8192xi32, #tpu.memory_space<hbm>>
    %dma_start3A_8 = arith.constant 0 : i32
    %dma_start3A_9 = tpu.memref_slice %arg2[%mul3A_5, %dma_start3A_8] : memref<64x8192xi32, #tpu.memory_space<hbm>> -> memref<1x8192xi32, #tpu.memory_space<hbm>>
    %dma_start3A_10 = tpu.memref_squeeze %dma_start3A_9 : memref<1x8192xi32, #tpu.memory_space<hbm>> -> memref<8192xi32, #tpu.memory_space<hbm>>
    tpu.enqueue_dma source(%dma_start3A_10 : memref<8192xi32, #tpu.memory_space<hbm>>) target(%arg4 : memref<8192xi32, #tpu.memory_space<vmem>>) target_semaphore(%arg13 : memref<!tpu.dma_semaphore, #tpu.memory_space<semaphore_mem>>)
    %add3A_11 = arith.constant 1 : i32
    %add3A_12 = arith.addi %mul3A_5, %add3A_11 : i32
    %dma_start3A_13 = arith.constant 0 : i32
    %dma_start3A_14 = tpu.memref_slice %arg2[%add3A_12, %dma_start3A_13] : memref<64x8192xi32, #tpu.memory_space<hbm>> -> memref<1x8192xi32, #tpu.memory_space<hbm>>
    %dma_start3A_15 = tpu.memref_squeeze %dma_start3A_14 : memref<1x8192xi32, #tpu.memory_space<hbm>> -> memref<8192xi32, #tpu.memory_space<hbm>>
    %dma_start3A_16 = arith.constant 0 : i32
    %dma_start3A_17 = tpu.memref_slice %arg2[%add3A_12, %dma_start3A_16] : memref<64x8192xi32, #tpu.memory_space<hbm>> -> memref<1x8192xi32, #tpu.memory_space<hbm>>
    %dma_start3A_18 = tpu.memref_squeeze %dma_start3A_17 : memref<1x8192xi32, #tpu.memory_space<hbm>> -> memref<8192xi32, #tpu.memory_space<hbm>>
    tpu.enqueue_dma source(%dma_start3A_18 : memref<8192xi32, #tpu.memory_space<hbm>>) target(%arg5 : memref<8192xi32, #tpu.memory_space<vmem>>) target_semaphore(%arg14 : memref<!tpu.dma_semaphore, #tpu.memory_space<semaphore_mem>>)
    %parallel_loop3A = arith.constant 0 : i32
    %parallel_loop3A_19 = arith.constant 4096 : i32
    %parallel_loop3A_20 = arith.constant 16 : i32
    scf.for %parallel_loop3A_2325 = %parallel_loop3A to %parallel_loop3A_19 step %parallel_loop3A_20  : i32 {
      %parallel_loop3A_2326 = arith.index_cast %parallel_loop3A_2325 : i32 to index
      %parallel_loop3A_2327 = tpu.vector_load %arg8[%parallel_loop3A_2326] {strides = array<i32>} : memref<4096xi32, #tpu.memory_space<vmem>>, vector<16xi32>,
      tpu.vector_store %arg8[%parallel_loop3A_2326], %broadcast_in_dim3A_3 {strides = array<i32>} : memref<4096xi32, #tpu.memory_space<vmem>>, vector<16xi32>,
      %parallel_loop3A_2328 = arith.index_cast %parallel_loop3A_2325 : i32 to index
      %parallel_loop3A_2329 = tpu.vector_load %arg9[%parallel_loop3A_2328] {strides = array<i32>} : memref<4096xi32, #tpu.memory_space<vmem>>, vector<16xi32>,
      tpu.vector_store %arg9[%parallel_loop3A_2328], %broadcast_in_dim3A_3 {strides = array<i32>} : memref<4096xi32, #tpu.memory_space<vmem>>, vector<16xi32>,
    } {sc.loop_unroll_factor = 4 : i64, sc.parallel_access}
    %swap3A = arith.constant 0 : index
    %swap3A_21 = tpu.vector_load %arg10[%swap3A] {strides = array<i32>} : memref<256xi32, #tpu.memory_space<vmem>>, vector<16xi32>,
    tpu.vector_store %arg10[%swap3A], %broadcast_in_dim3A_3 {strides = array<i32>} : memref<256xi32, #tpu.memory_space<vmem>>, vector<16xi32>,
    %swap3A_22 = arith.constant 0 : index
    %swap3A_23 = tpu.vector_load %arg11[%swap3A_22] {strides = array<i32>} : memref<256xi32, #tpu.memory_space<vmem>>, vector<16xi32>,
    tpu.vector_store %arg11[%swap3A_22], %broadcast_in_dim3A_3 {strides = array<i32>} : memref<256xi32, #tpu.memory_space<vmem>>, vector<16xi32>,
    %swap3A_24 = arith.constant 16 : index
    %swap3A_25 = tpu.vector_load %arg10[%swap3A_24] {strides = array<i32>} : memref<256xi32, #tpu.memory_space<vmem>>, vector<16xi32>,
    tpu.vector_store %arg10[%swap3A_24], %broadcast_in_dim3A_3 {strides = array<i32>} : memref<256xi32, #tpu.memory_space<vmem>>, vector<16xi32>,
    %swap3A_26 = arith.constant 16 : index
    %swap3A_27 = tpu.vector_load %arg11[%swap3A_26] {strides = array<i32>} : memref<256xi32, #tpu.memory_space<vmem>>, vector<16xi32>,
    tpu.vector_store %arg11[%swap3A_26], %broadcast_in_dim3A_3 {strides = array<i32>} : memref<256xi32, #tpu.memory_space<vmem>>, vector<16xi32>,
    %swap3A_28 = arith.constant 32 : index
    %swap3A_29 = tpu.vector_load %arg10[%swap3A_28] {strides = array<i32>} : memref<256xi32, #tpu.memory_space<vmem>>, vector<16xi32>,
    tpu.vector_store %arg10[%swap3A_28], %broadcast_in_dim3A_3 {strides = array<i32>} : memref<256xi32, #tpu.memory_space<vmem>>, vector<16xi32>,
    %swap3A_30 = arith.constant 32 : index
    %swap3A_31 = tpu.vector_load %arg11[%swap3A_30] {strides = array<i32>} : memref<256xi32, #tpu.memory_space<vmem>>, vector<16xi32>,
    tpu.vector_store %arg11[%swap3A_30], %broadcast_in_dim3A_3 {strides = array<i32>} : memref<256xi32, #tpu.memory_space<vmem>>, vector<16xi32>,
    %swap3A_32 = arith.constant 48 : index
    %swap3A_33 = tpu.vector_load %arg10[%swap3A_32] {strides = array<i32>} : memref<256xi32, #tpu.memory_space<vmem>>, vector<16xi32>,
    tpu.vector_store %arg10[%swap3A_32], %broadcast_in_dim3A_3 {strides = array<i32>} : memref<256xi32, #tpu.memory_space<vmem>>, vector<16xi32>,
    %swap3A_34 = arith.constant 48 : index
    %swap3A_35 = tpu.vector_load %arg11[%swap3A_34] {strides = array<i32>} : memref<256xi32, #tpu.memory_space<vmem>>, vector<16xi32>,
    tpu.vector_store %arg11[%swap3A_34], %broadcast_in_dim3A_3 {strides = array<i32>} : memref<256xi32, #tpu.memory_space<vmem>>, vector<16xi32>,
    %swap3A_36 = arith.constant 64 : index
    %swap3A_37 = tpu.vector_load %arg10[%swap3A_36] {strides = array<i32>} : memref<256xi32, #tpu.memory_space<vmem>>, vector<16xi32>,
    tpu.vector_store %arg10[%swap3A_36], %broadcast_in_dim3A_3 {strides = array<i32>} : memref<256xi32, #tpu.memory_space<vmem>>, vector<16xi32>,
    %swap3A_38 = arith.constant 64 : index
    %swap3A_39 = tpu.vector_load %arg11[%swap3A_38] {strides = array<i32>} : memref<256xi32, #tpu.memory_space<vmem>>, vector<16xi32>,
    tpu.vector_store %arg11[%swap3A_38], %broadcast_in_dim3A_3 {strides = array<i32>} : memref<256xi32, #tpu.memory_space<vmem>>, vector<16xi32>,
    %swap3A_40 = arith.constant 80 : index
    %swap3A_41 = tpu.vector_load %arg10[%swap3A_40] {strides = array<i32>} : memref<256xi32, #tpu.memory_space<vmem>>, vector<16xi32>,
    tpu.vector_store %arg10[%swap3A_40], %broadcast_in_dim3A_3 {strides = array<i32>} : memref<256xi32, #tpu.memory_space<vmem>>, vector<16xi32>,
    %swap3A_42 = arith.constant 80 : index
    %swap3A_43 = tpu.vector_load %arg11[%swap3A_42] {strides = array<i32>} : memref<256xi32, #tpu.memory_space<vmem>>, vector<16xi32>,
    tpu.vector_store %arg11[%swap3A_42], %broadcast_in_dim3A_3 {strides = array<i32>} : memref<256xi32, #tpu.memory_space<vmem>>, vector<16xi32>,
    %swap3A_44 = arith.constant 96 : index
    %swap3A_45 = tpu.vector_load %arg10[%swap3A_44] {strides = array<i32>} : memref<256xi32, #tpu.memory_space<vmem>>, vector<16xi32>,
    tpu.vector_store %arg10[%swap3A_44], %broadcast_in_dim3A_3 {strides = array<i32>} : memref<256xi32, #tpu.memory_space<vmem>>, vector<16xi32>,
    %swap3A_46 = arith.constant 96 : index
    %swap3A_47 = tpu.vector_load %arg11[%swap3A_46] {strides = array<i32>} : memref<256xi32, #tpu.memory_space<vmem>>, vector<16xi32>,
    tpu.vector_store %arg11[%swap3A_46], %broadcast_in_dim3A_3 {strides = array<i32>} : memref<256xi32, #tpu.memory_space<vmem>>, vector<16xi32>,
    %swap3A_48 = arith.constant 112 : index
    %swap3A_49 = tpu.vector_load %arg10[%swap3A_48] {strides = array<i32>} : memref<256xi32, #tpu.memory_space<vmem>>, vector<16xi32>,
    tpu.vector_store %arg10[%swap3A_48], %broadcast_in_dim3A_3 {strides = array<i32>} : memref<256xi32, #tpu.memory_space<vmem>>, vector<16xi32>,
    %swap3A_50 = arith.constant 112 : index
    %swap3A_51 = tpu.vector_load %arg11[%swap3A_50] {strides = array<i32>} : memref<256xi32, #tpu.memory_space<vmem>>, vector<16xi32>,
    tpu.vector_store %arg11[%swap3A_50], %broadcast_in_dim3A_3 {strides = array<i32>} : memref<256xi32, #tpu.memory_space<vmem>>, vector<16xi32>,
    %swap3A_52 = arith.constant 128 : index
    %swap3A_53 = tpu.vector_load %arg10[%swap3A_52] {strides = array<i32>} : memref<256xi32, #tpu.memory_space<vmem>>, vector<16xi32>,
    tpu.vector_store %arg10[%swap3A_52], %broadcast_in_dim3A_3 {strides = array<i32>} : memref<256xi32, #tpu.memory_space<vmem>>, vector<16xi32>,
    %swap3A_54 = arith.constant 128 : index
    %swap3A_55 = tpu.vector_load %arg11[%swap3A_54] {strides = array<i32>} : memref<256xi32, #tpu.memory_space<vmem>>, vector<16xi32>,
    tpu.vector_store %arg11[%swap3A_54], %broadcast_in_dim3A_3 {strides = array<i32>} : memref<256xi32, #tpu.memory_space<vmem>>, vector<16xi32>,
    %swap3A_56 = arith.constant 144 : index
    %swap3A_57 = tpu.vector_load %arg10[%swap3A_56] {strides = array<i32>} : memref<256xi32, #tpu.memory_space<vmem>>, vector<16xi32>,
    tpu.vector_store %arg10[%swap3A_56], %broadcast_in_dim3A_3 {strides = array<i32>} : memref<256xi32, #tpu.memory_space<vmem>>, vector<16xi32>,
    %swap3A_58 = arith.constant 144 : index
    %swap3A_59 = tpu.vector_load %arg11[%swap3A_58] {strides = array<i32>} : memref<256xi32, #tpu.memory_space<vmem>>, vector<16xi32>,
    tpu.vector_store %arg11[%swap3A_58], %broadcast_in_dim3A_3 {strides = array<i32>} : memref<256xi32, #tpu.memory_space<vmem>>, vector<16xi32>,
    %swap3A_60 = arith.constant 160 : index
    %swap3A_61 = tpu.vector_load %arg10[%swap3A_60] {strides = array<i32>} : memref<256xi32, #tpu.memory_space<vmem>>, vector<16xi32>,
    tpu.vector_store %arg10[%swap3A_60], %broadcast_in_dim3A_3 {strides = array<i32>} : memref<256xi32, #tpu.memory_space<vmem>>, vector<16xi32>,
    %swap3A_62 = arith.constant 160 : index
    %swap3A_63 = tpu.vector_load %arg11[%swap3A_62] {strides = array<i32>} : memref<256xi32, #tpu.memory_space<vmem>>, vector<16xi32>,
    tpu.vector_store %arg11[%swap3A_62], %broadcast_in_dim3A_3 {strides = array<i32>} : memref<256xi32, #tpu.memory_space<vmem>>, vector<16xi32>,
    %swap3A_64 = arith.constant 176 : index
    %swap3A_65 = tpu.vector_load %arg10[%swap3A_64] {strides = array<i32>} : memref<256xi32, #tpu.memory_space<vmem>>, vector<16xi32>,
    tpu.vector_store %arg10[%swap3A_64], %broadcast_in_dim3A_3 {strides = array<i32>} : memref<256xi32, #tpu.memory_space<vmem>>, vector<16xi32>,
    %swap3A_66 = arith.constant 176 : index
    %swap3A_67 = tpu.vector_load %arg11[%swap3A_66] {strides = array<i32>} : memref<256xi32, #tpu.memory_space<vmem>>, vector<16xi32>,
    tpu.vector_store %arg11[%swap3A_66], %broadcast_in_dim3A_3 {strides = array<i32>} : memref<256xi32, #tpu.memory_space<vmem>>, vector<16xi32>,
    %swap3A_68 = arith.constant 192 : index
    %swap3A_69 = tpu.vector_load %arg10[%swap3A_68] {strides = array<i32>} : memref<256xi32, #tpu.memory_space<vmem>>, vector<16xi32>,
    tpu.vector_store %arg10[%swap3A_68], %broadcast_in_dim3A_3 {strides = array<i32>} : memref<256xi32, #tpu.memory_space<vmem>>, vector<16xi32>,
    %swap3A_70 = arith.constant 192 : index
    %swap3A_71 = tpu.vector_load %arg11[%swap3A_70] {strides = array<i32>} : memref<256xi32, #tpu.memory_space<vmem>>, vector<16xi32>,
    tpu.vector_store %arg11[%swap3A_70], %broadcast_in_dim3A_3 {strides = array<i32>} : memref<256xi32, #tpu.memory_space<vmem>>, vector<16xi32>,
    %swap3A_72 = arith.constant 208 : index
    %swap3A_73 = tpu.vector_load %arg10[%swap3A_72] {strides = array<i32>} : memref<256xi32, #tpu.memory_space<vmem>>, vector<16xi32>,
    tpu.vector_store %arg10[%swap3A_72], %broadcast_in_dim3A_3 {strides = array<i32>} : memref<256xi32, #tpu.memory_space<vmem>>, vector<16xi32>,
    %swap3A_74 = arith.constant 208 : index
    %swap3A_75 = tpu.vector_load %arg11[%swap3A_74] {strides = array<i32>} : memref<256xi32, #tpu.memory_space<vmem>>, vector<16xi32>,
    tpu.vector_store %arg11[%swap3A_74], %broadcast_in_dim3A_3 {strides = array<i32>} : memref<256xi32, #tpu.memory_space<vmem>>, vector<16xi32>,
    %swap3A_76 = arith.constant 224 : index
    %swap3A_77 = tpu.vector_load %arg10[%swap3A_76] {strides = array<i32>} : memref<256xi32, #tpu.memory_space<vmem>>, vector<16xi32>,
    tpu.vector_store %arg10[%swap3A_76], %broadcast_in_dim3A_3 {strides = array<i32>} : memref<256xi32, #tpu.memory_space<vmem>>, vector<16xi32>,
    %swap3A_78 = arith.constant 224 : index
    %swap3A_79 = tpu.vector_load %arg11[%swap3A_78] {strides = array<i32>} : memref<256xi32, #tpu.memory_space<vmem>>, vector<16xi32>,
    tpu.vector_store %arg11[%swap3A_78], %broadcast_in_dim3A_3 {strides = array<i32>} : memref<256xi32, #tpu.memory_space<vmem>>, vector<16xi32>,
    %swap3A_80 = arith.constant 240 : index
    %swap3A_81 = tpu.vector_load %arg10[%swap3A_80] {strides = array<i32>} : memref<256xi32, #tpu.memory_space<vmem>>, vector<16xi32>,
    tpu.vector_store %arg10[%swap3A_80], %broadcast_in_dim3A_3 {strides = array<i32>} : memref<256xi32, #tpu.memory_space<vmem>>, vector<16xi32>,
    %swap3A_82 = arith.constant 240 : index
    %swap3A_83 = tpu.vector_load %arg11[%swap3A_82] {strides = array<i32>} : memref<256xi32, #tpu.memory_space<vmem>>, vector<16xi32>,
    tpu.vector_store %arg11[%swap3A_82], %broadcast_in_dim3A_3 {strides = array<i32>} : memref<256xi32, #tpu.memory_space<vmem>>, vector<16xi32>,
    %dma_wait3A = arith.constant 0 : i32
    %dma_wait3A_84 = tpu.memref_slice %arg2[%mul3A_5, %dma_wait3A] : memref<64x8192xi32, #tpu.memory_space<hbm>> -> memref<1x8192xi32, #tpu.memory_space<hbm>>
    %dma_wait3A_85 = tpu.memref_squeeze %dma_wait3A_84 : memref<1x8192xi32, #tpu.memory_space<hbm>> -> memref<8192xi32, #tpu.memory_space<hbm>>
    %dma_wait3A_86 = arith.constant 0 : i32
    %dma_wait3A_87 = tpu.memref_slice %arg2[%mul3A_5, %dma_wait3A_86] : memref<64x8192xi32, #tpu.memory_space<hbm>> -> memref<1x8192xi32, #tpu.memory_space<hbm>>
    %dma_wait3A_88 = tpu.memref_squeeze %dma_wait3A_87 : memref<1x8192xi32, #tpu.memory_space<hbm>> -> memref<8192xi32, #tpu.memory_space<hbm>>
    tpu.wait_dma2 semaphore(%arg13 : memref<!tpu.dma_semaphore, #tpu.memory_space<semaphore_mem>>) src(%dma_wait3A_88 : memref<8192xi32, #tpu.memory_space<hbm>>) dst(%arg4 : memref<8192xi32, #tpu.memory_space<vmem>>)
    %dma_wait3A_89 = arith.constant 0 : i32
    %dma_wait3A_90 = tpu.memref_slice %arg2[%add3A_12, %dma_wait3A_89] : memref<64x8192xi32, #tpu.memory_space<hbm>> -> memref<1x8192xi32, #tpu.memory_space<hbm>>
    %dma_wait3A_91 = tpu.memref_squeeze %dma_wait3A_90 : memref<1x8192xi32, #tpu.memory_space<hbm>> -> memref<8192xi32, #tpu.memory_space<hbm>>
    %dma_wait3A_92 = arith.constant 0 : i32
    %dma_wait3A_93 = tpu.memref_slice %arg2[%add3A_12, %dma_wait3A_92] : memref<64x8192xi32, #tpu.memory_space<hbm>> -> memref<1x8192xi32, #tpu.memory_space<hbm>>
    %dma_wait3A_94 = tpu.memref_squeeze %dma_wait3A_93 : memref<1x8192xi32, #tpu.memory_space<hbm>> -> memref<8192xi32, #tpu.memory_space<hbm>>
    tpu.wait_dma2 semaphore(%arg14 : memref<!tpu.dma_semaphore, #tpu.memory_space<semaphore_mem>>) src(%dma_wait3A_94 : memref<8192xi32, #tpu.memory_space<hbm>>) dst(%arg5 : memref<8192xi32, #tpu.memory_space<vmem>>)
    %parallel_loop3A_95 = arith.constant 0 : i32
    %parallel_loop3A_96 = arith.constant 512 : i32
    %parallel_loop3A_97 = arith.constant 1 : i32
    scf.for %parallel_loop3A_2325 = %parallel_loop3A_95 to %parallel_loop3A_96 step %parallel_loop3A_97  : i32 {
      %parallel_loop3A_2326 = arith.constant 16 : i32
      %parallel_loop3A_2327 = arith.muli %parallel_loop3A_2325, %parallel_loop3A_2326 : i32
      %parallel_loop3A_2328 = arith.index_cast %parallel_loop3A_2327 : i32 to index
      %parallel_loop3A_2329 = tpu.vector_load %arg4[%parallel_loop3A_2328] {strides = array<i32>} : memref<8192xi32, #tpu.memory_space<vmem>>, vector<16xi32>,
      %parallel_loop3A_2330 = arith.constant 16 : i32
      %parallel_loop3A_2331 = arith.muli %parallel_loop3A_2325, %parallel_loop3A_2330 : i32
      %parallel_loop3A_2332 = arith.index_cast %parallel_loop3A_2331 : i32 to index
      %parallel_loop3A_2333 = tpu.vector_load %arg5[%parallel_loop3A_2332] {strides = array<i32>} : memref<8192xi32, #tpu.memory_space<vmem>>, vector<16xi32>,
      %parallel_loop3A_2334 = arith.constant 19 : i32
      %parallel_loop3A_2335 = vector.broadcast %parallel_loop3A_2334 : i32 to vector<16xi32>
      %parallel_loop3A_2336 = arith.shrui %parallel_loop3A_2329, %parallel_loop3A_2335 : vector<16xi32>
      %parallel_loop3A_2337 = arith.constant 19 : i32
      %parallel_loop3A_2338 = vector.broadcast %parallel_loop3A_2337 : i32 to vector<16xi32>
      %parallel_loop3A_2339 = arith.shrui %parallel_loop3A_2333, %parallel_loop3A_2338 : vector<16xi32>
      tpu.vector_store_idx %arg8[%parallel_loop3A_2336], %broadcast_in_dim3A_1 {add = true} : memref<4096xi32, #tpu.memory_space<vmem>>[vector<16xi32>], vector<16xi32>,
      %parallel_loop3A_2340 = arith.constant 4 : i32
      %parallel_loop3A_2341 = vector.broadcast %parallel_loop3A_2340 : i32 to vector<16xi32>
      %parallel_loop3A_2342 = arith.shrui %parallel_loop3A_2336, %parallel_loop3A_2341 : vector<16xi32>
      tpu.vector_store_idx %arg10[%parallel_loop3A_2342], %broadcast_in_dim3A_1 {add = true} : memref<256xi32, #tpu.memory_space<vmem>>[vector<16xi32>], vector<16xi32>,
      tpu.vector_store_idx %arg9[%parallel_loop3A_2339], %broadcast_in_dim3A_1 {add = true} : memref<4096xi32, #tpu.memory_space<vmem>>[vector<16xi32>], vector<16xi32>,
      %parallel_loop3A_2343 = arith.constant 4 : i32
      %parallel_loop3A_2344 = vector.broadcast %parallel_loop3A_2343 : i32 to vector<16xi32>
      %parallel_loop3A_2345 = arith.shrui %parallel_loop3A_2339, %parallel_loop3A_2344 : vector<16xi32>
      tpu.vector_store_idx %arg11[%parallel_loop3A_2345], %broadcast_in_dim3A_1 {add = true} : memref<256xi32, #tpu.memory_space<vmem>>[vector<16xi32>], vector<16xi32>,
    } {sc.loop_unroll_factor = 4 : i64, sc.parallel_access}
    %get3A = arith.constant 240 : index
    %get3A_98 = tpu.vector_load %arg10[%get3A] {strides = array<i32>} : memref<256xi32, #tpu.memory_space<vmem>>, vector<16xi32>,
    %rev3A = arith.constant 15 : i32
    %rev3A_99 = vector.broadcast %rev3A : i32 to vector<16xi32>
    %rev3A_100 = tpu.iota {dimensions = array<i32: 0>} : vector<16xi32>
    %rev3A_101 = arith.subi %rev3A_99, %rev3A_100 : vector<16xi32>
    %rev3A_102 = tpu.dynamic_gather %get3A_98[%rev3A_101] in [0] : vector<16xi32>, vector<16xi32> -> vector<16xi32>
    %broadcast_in_dim3A_103 = arith.constant true
    %broadcast_in_dim3A_104 = vector.broadcast %broadcast_in_dim3A_103 : i1 to vector<16xi1>
    %masked_cumsum3A = tpu.scan <sum>, %rev3A_102 masked %broadcast_in_dim3A_104 : vector<16xi32>, vector<16xi1> -> vector<16xi32>
    %add3A_105 = arith.constant 0 : i32
    %add3A_106 = vector.broadcast %add3A_105 : i32 to vector<16xi32>
    %add3A_107 = arith.addi %masked_cumsum3A, %add3A_106 : vector<16xi32>
    %ge3A = arith.constant 160 : i32
    %ge3A_108 = vector.broadcast %ge3A : i32 to vector<16xi32>
    %ge3A_109 = arith.cmpi sge, %add3A_107, %ge3A_108 : vector<16xi32>
    %sub3A = arith.subi %add3A_107, %rev3A_102 : vector<16xi32>
    %lt3A = arith.constant 160 : i32
    %lt3A_110 = vector.broadcast %lt3A : i32 to vector<16xi32>
    %lt3A_111 = arith.cmpi slt, %sub3A, %lt3A_110 : vector<16xi32>
    %and3A = arith.andi %ge3A_109, %lt3A_111 : vector<16xi1>
    %sub3A_112 = arith.subi %add3A_107, %rev3A_102 : vector<16xi32>
    %mul3A_113 = arith.constant 4096 : i32
    %mul3A_114 = vector.broadcast %mul3A_113 : i32 to vector<16xi32>
    %mul3A_115 = arith.muli %sub3A_112, %mul3A_114 : vector<16xi32>
    %sub3A_116 = arith.constant 255 : i32
    %sub3A_117 = vector.broadcast %sub3A_116 : i32 to vector<16xi32>
    %sub3A_118 = arith.subi %sub3A_117, %iota3A : vector<16xi32>
    %add3A_119 = arith.addi %mul3A_115, %sub3A_118 : vector<16xi32>
    %jit3A = arith.constant -1 : i32
    %broadcast_in_dim3A_120 = vector.broadcast %jit3A : i32 to vector<16xi32>
    %select_n3A = arith.select %and3A, %add3A_119, %broadcast_in_dim3A_120 : vector<16xi1>, vector<16xi32>
    %reduce_max3A = arith.constant true
    %reduce_max3A_121 = vector.broadcast %reduce_max3A : i1 to vector<16xi1>
    %reduce_max3A_122 = arith.constant -2147483648 : i32
    %reduce_max3A_123 = vector.broadcast %reduce_max3A_122 : i32 to vector<16xi32>
    %reduce_max3A_124 = arith.xori %select_n3A, %reduce_max3A_123 : vector<16xi32>
    %reduce_max3A_125 = tpu.scan <max>, %reduce_max3A_124 masked %reduce_max3A_121 : vector<16xi32>, vector<16xi1> -> vector<16xi32>
    %reduce_max3A_126 = arith.xori %reduce_max3A_125, %reduce_max3A_123 : vector<16xi32>
    %reduce_max3A_127 = vector.extract %reduce_max3A_126[15] : i32 from vector<16xi32>
    %max3A = arith.constant -1 : i32
    %max3A_128 = arith.maxsi %max3A, %reduce_max3A_127 : i32
    %reduce_sum3A = arith.constant true
    %reduce_sum3A_129 = vector.broadcast %reduce_sum3A : i1 to vector<16xi1>
    %reduce_sum3A_130 = tpu.scan <sum>, %get3A_98 masked %reduce_sum3A_129 : vector<16xi32>, vector<16xi1> -> vector<16xi32>
    %reduce_sum3A_131 = vector.extract %reduce_sum3A_130[15] : i32 from vector<16xi32>
    %add3A_132 = arith.constant 0 : i32
    %add3A_133 = arith.addi %add3A_132, %reduce_sum3A_131 : i32
    %get3A_134 = arith.constant 224 : index
    %get3A_135 = tpu.vector_load %arg10[%get3A_134] {strides = array<i32>} : memref<256xi32, #tpu.memory_space<vmem>>, vector<16xi32>,
    %rev3A_136 = arith.constant 15 : i32
    %rev3A_137 = vector.broadcast %rev3A_136 : i32 to vector<16xi32>
    %rev3A_138 = tpu.iota {dimensions = array<i32: 0>} : vector<16xi32>
    %rev3A_139 = arith.subi %rev3A_137, %rev3A_138 : vector<16xi32>
    %rev3A_140 = tpu.dynamic_gather %get3A_135[%rev3A_139] in [0] : vector<16xi32>, vector<16xi32> -> vector<16xi32>
    %broadcast_in_dim3A_141 = arith.constant true
    %broadcast_in_dim3A_142 = vector.broadcast %broadcast_in_dim3A_141 : i1 to vector<16xi1>
    %masked_cumsum3A_143 = tpu.scan <sum>, %rev3A_140 masked %broadcast_in_dim3A_142 : vector<16xi32>, vector<16xi1> -> vector<16xi32>
    %add3A_144 = vector.broadcast %add3A_133 : i32 to vector<16xi32>
    %add3A_145 = arith.addi %masked_cumsum3A_143, %add3A_144 : vector<16xi32>
    %ge3A_146 = arith.constant 160 : i32
    %ge3A_147 = vector.broadcast %ge3A_146 : i32 to vector<16xi32>
    %ge3A_148 = arith.cmpi sge, %add3A_145, %ge3A_147 : vector<16xi32>
    %sub3A_149 = arith.subi %add3A_145, %rev3A_140 : vector<16xi32>
    %lt3A_150 = arith.constant 160 : i32
    %lt3A_151 = vector.broadcast %lt3A_150 : i32 to vector<16xi32>
    %lt3A_152 = arith.cmpi slt, %sub3A_149, %lt3A_151 : vector<16xi32>
    %and3A_153 = arith.andi %ge3A_148, %lt3A_152 : vector<16xi1>
    %sub3A_154 = arith.subi %add3A_145, %rev3A_140 : vector<16xi32>
    %mul3A_155 = arith.constant 4096 : i32
    %mul3A_156 = vector.broadcast %mul3A_155 : i32 to vector<16xi32>
    %mul3A_157 = arith.muli %sub3A_154, %mul3A_156 : vector<16xi32>
    %sub3A_158 = arith.constant 239 : i32
    %sub3A_159 = vector.broadcast %sub3A_158 : i32 to vector<16xi32>
    %sub3A_160 = arith.subi %sub3A_159, %iota3A : vector<16xi32>
    %add3A_161 = arith.addi %mul3A_157, %sub3A_160 : vector<16xi32>
    %jit3A_162 = arith.constant -1 : i32
    %broadcast_in_dim3A_163 = vector.broadcast %jit3A_162 : i32 to vector<16xi32>
    %select_n3A_164 = arith.select %and3A_153, %add3A_161, %broadcast_in_dim3A_163 : vector<16xi1>, vector<16xi32>
    %reduce_max3A_165 = arith.constant true
    %reduce_max3A_166 = vector.broadcast %reduce_max3A_165 : i1 to vector<16xi1>
    %reduce_max3A_167 = arith.constant -2147483648 : i32
    %reduce_max3A_168 = vector.broadcast %reduce_max3A_167 : i32 to vector<16xi32>
    %reduce_max3A_169 = arith.xori %select_n3A_164, %reduce_max3A_168 : vector<16xi32>
    %reduce_max3A_170 = tpu.scan <max>, %reduce_max3A_169 masked %reduce_max3A_166 : vector<16xi32>, vector<16xi1> -> vector<16xi32>
    %reduce_max3A_171 = arith.xori %reduce_max3A_170, %reduce_max3A_168 : vector<16xi32>
    %reduce_max3A_172 = vector.extract %reduce_max3A_171[15] : i32 from vector<16xi32>
    %max3A_173 = arith.maxsi %max3A_128, %reduce_max3A_172 : i32
    %reduce_sum3A_174 = arith.constant true
    %reduce_sum3A_175 = vector.broadcast %reduce_sum3A_174 : i1 to vector<16xi1>
    %reduce_sum3A_176 = tpu.scan <sum>, %get3A_135 masked %reduce_sum3A_175 : vector<16xi32>, vector<16xi1> -> vector<16xi32>
    %reduce_sum3A_177 = vector.extract %reduce_sum3A_176[15] : i32 from vector<16xi32>
    %add3A_178 = arith.addi %add3A_133, %reduce_sum3A_177 : i32
    %get3A_179 = arith.constant 208 : index
    %get3A_180 = tpu.vector_load %arg10[%get3A_179] {strides = array<i32>} : memref<256xi32, #tpu.memory_space<vmem>>, vector<16xi32>,
    %rev3A_181 = arith.constant 15 : i32
    %rev3A_182 = vector.broadcast %rev3A_181 : i32 to vector<16xi32>
    %rev3A_183 = tpu.iota {dimensions = array<i32: 0>} : vector<16xi32>
    %rev3A_184 = arith.subi %rev3A_182, %rev3A_183 : vector<16xi32>
    %rev3A_185 = tpu.dynamic_gather %get3A_180[%rev3A_184] in [0] : vector<16xi32>, vector<16xi32> -> vector<16xi32>
    %broadcast_in_dim3A_186 = arith.constant true
    %broadcast_in_dim3A_187 = vector.broadcast %broadcast_in_dim3A_186 : i1 to vector<16xi1>
    %masked_cumsum3A_188 = tpu.scan <sum>, %rev3A_185 masked %broadcast_in_dim3A_187 : vector<16xi32>, vector<16xi1> -> vector<16xi32>
    %add3A_189 = vector.broadcast %add3A_178 : i32 to vector<16xi32>
    %add3A_190 = arith.addi %masked_cumsum3A_188, %add3A_189 : vector<16xi32>
    %ge3A_191 = arith.constant 160 : i32
    %ge3A_192 = vector.broadcast %ge3A_191 : i32 to vector<16xi32>
    %ge3A_193 = arith.cmpi sge, %add3A_190, %ge3A_192 : vector<16xi32>
    %sub3A_194 = arith.subi %add3A_190, %rev3A_185 : vector<16xi32>
    %lt3A_195 = arith.constant 160 : i32
    %lt3A_196 = vector.broadcast %lt3A_195 : i32 to vector<16xi32>
    %lt3A_197 = arith.cmpi slt, %sub3A_194, %lt3A_196 : vector<16xi32>
    %and3A_198 = arith.andi %ge3A_193, %lt3A_197 : vector<16xi1>
    %sub3A_199 = arith.subi %add3A_190, %rev3A_185 : vector<16xi32>
    %mul3A_200 = arith.constant 4096 : i32
    %mul3A_201 = vector.broadcast %mul3A_200 : i32 to vector<16xi32>
    %mul3A_202 = arith.muli %sub3A_199, %mul3A_201 : vector<16xi32>
    %sub3A_203 = arith.constant 223 : i32
    %sub3A_204 = vector.broadcast %sub3A_203 : i32 to vector<16xi32>
    %sub3A_205 = arith.subi %sub3A_204, %iota3A : vector<16xi32>
    %add3A_206 = arith.addi %mul3A_202, %sub3A_205 : vector<16xi32>
    %jit3A_207 = arith.constant -1 : i32
    %broadcast_in_dim3A_208 = vector.broadcast %jit3A_207 : i32 to vector<16xi32>
    %select_n3A_209 = arith.select %and3A_198, %add3A_206, %broadcast_in_dim3A_208 : vector<16xi1>, vector<16xi32>
    %reduce_max3A_210 = arith.constant true
    %reduce_max3A_211 = vector.broadcast %reduce_max3A_210 : i1 to vector<16xi1>
    %reduce_max3A_212 = arith.constant -2147483648 : i32
    %reduce_max3A_213 = vector.broadcast %reduce_max3A_212 : i32 to vector<16xi32>
    %reduce_max3A_214 = arith.xori %select_n3A_209, %reduce_max3A_213 : vector<16xi32>
    %reduce_max3A_215 = tpu.scan <max>, %reduce_max3A_214 masked %reduce_max3A_211 : vector<16xi32>, vector<16xi1> -> vector<16xi32>
    %reduce_max3A_216 = arith.xori %reduce_max3A_215, %reduce_max3A_213 : vector<16xi32>
    %reduce_max3A_217 = vector.extract %reduce_max3A_216[15] : i32 from vector<16xi32>
    %max3A_218 = arith.maxsi %max3A_173, %reduce_max3A_217 : i32
    %reduce_sum3A_219 = arith.constant true
    %reduce_sum3A_220 = vector.broadcast %reduce_sum3A_219 : i1 to vector<16xi1>
    %reduce_sum3A_221 = tpu.scan <sum>, %get3A_180 masked %reduce_sum3A_220 : vector<16xi32>, vector<16xi1> -> vector<16xi32>
    %reduce_sum3A_222 = vector.extract %reduce_sum3A_221[15] : i32 from vector<16xi32>
    %add3A_223 = arith.addi %add3A_178, %reduce_sum3A_222 : i32
    %get3A_224 = arith.constant 192 : index
    %get3A_225 = tpu.vector_load %arg10[%get3A_224] {strides = array<i32>} : memref<256xi32, #tpu.memory_space<vmem>>, vector<16xi32>,
    %rev3A_226 = arith.constant 15 : i32
    %rev3A_227 = vector.broadcast %rev3A_226 : i32 to vector<16xi32>
    %rev3A_228 = tpu.iota {dimensions = array<i32: 0>} : vector<16xi32>
    %rev3A_229 = arith.subi %rev3A_227, %rev3A_228 : vector<16xi32>
    %rev3A_230 = tpu.dynamic_gather %get3A_225[%rev3A_229] in [0] : vector<16xi32>, vector<16xi32> -> vector<16xi32>
    %broadcast_in_dim3A_231 = arith.constant true
    %broadcast_in_dim3A_232 = vector.broadcast %broadcast_in_dim3A_231 : i1 to vector<16xi1>
    %masked_cumsum3A_233 = tpu.scan <sum>, %rev3A_230 masked %broadcast_in_dim3A_232 : vector<16xi32>, vector<16xi1> -> vector<16xi32>
    %add3A_234 = vector.broadcast %add3A_223 : i32 to vector<16xi32>
    %add3A_235 = arith.addi %masked_cumsum3A_233, %add3A_234 : vector<16xi32>
    %ge3A_236 = arith.constant 160 : i32
    %ge3A_237 = vector.broadcast %ge3A_236 : i32 to vector<16xi32>
    %ge3A_238 = arith.cmpi sge, %add3A_235, %ge3A_237 : vector<16xi32>
    %sub3A_239 = arith.subi %add3A_235, %rev3A_230 : vector<16xi32>
    %lt3A_240 = arith.constant 160 : i32
    %lt3A_241 = vector.broadcast %lt3A_240 : i32 to vector<16xi32>
    %lt3A_242 = arith.cmpi slt, %sub3A_239, %lt3A_241 : vector<16xi32>
    %and3A_243 = arith.andi %ge3A_238, %lt3A_242 : vector<16xi1>
    %sub3A_244 = arith.subi %add3A_235, %rev3A_230 : vector<16xi32>
    %mul3A_245 = arith.constant 4096 : i32
    %mul3A_246 = vector.broadcast %mul3A_245 : i32 to vector<16xi32>
    %mul3A_247 = arith.muli %sub3A_244, %mul3A_246 : vector<16xi32>
    %sub3A_248 = arith.constant 207 : i32
    %sub3A_249 = vector.broadcast %sub3A_248 : i32 to vector<16xi32>
    %sub3A_250 = arith.subi %sub3A_249, %iota3A : vector<16xi32>
    %add3A_251 = arith.addi %mul3A_247, %sub3A_250 : vector<16xi32>
    %jit3A_252 = arith.constant -1 : i32
    %broadcast_in_dim3A_253 = vector.broadcast %jit3A_252 : i32 to vector<16xi32>
    %select_n3A_254 = arith.select %and3A_243, %add3A_251, %broadcast_in_dim3A_253 : vector<16xi1>, vector<16xi32>
    %reduce_max3A_255 = arith.constant true
    %reduce_max3A_256 = vector.broadcast %reduce_max3A_255 : i1 to vector<16xi1>
    %reduce_max3A_257 = arith.constant -2147483648 : i32
    %reduce_max3A_258 = vector.broadcast %reduce_max3A_257 : i32 to vector<16xi32>
    %reduce_max3A_259 = arith.xori %select_n3A_254, %reduce_max3A_258 : vector<16xi32>
    %reduce_max3A_260 = tpu.scan <max>, %reduce_max3A_259 masked %reduce_max3A_256 : vector<16xi32>, vector<16xi1> -> vector<16xi32>
    %reduce_max3A_261 = arith.xori %reduce_max3A_260, %reduce_max3A_258 : vector<16xi32>
    %reduce_max3A_262 = vector.extract %reduce_max3A_261[15] : i32 from vector<16xi32>
    %max3A_263 = arith.maxsi %max3A_218, %reduce_max3A_262 : i32
    %reduce_sum3A_264 = arith.constant true
    %reduce_sum3A_265 = vector.broadcast %reduce_sum3A_264 : i1 to vector<16xi1>
    %reduce_sum3A_266 = tpu.scan <sum>, %get3A_225 masked %reduce_sum3A_265 : vector<16xi32>, vector<16xi1> -> vector<16xi32>
    %reduce_sum3A_267 = vector.extract %reduce_sum3A_266[15] : i32 from vector<16xi32>
    %add3A_268 = arith.addi %add3A_223, %reduce_sum3A_267 : i32
    %get3A_269 = arith.constant 176 : index
    %get3A_270 = tpu.vector_load %arg10[%get3A_269] {strides = array<i32>} : memref<256xi32, #tpu.memory_space<vmem>>, vector<16xi32>,
    %rev3A_271 = arith.constant 15 : i32
    %rev3A_272 = vector.broadcast %rev3A_271 : i32 to vector<16xi32>
    %rev3A_273 = tpu.iota {dimensions = array<i32: 0>} : vector<16xi32>
    %rev3A_274 = arith.subi %rev3A_272, %rev3A_273 : vector<16xi32>
    %rev3A_275 = tpu.dynamic_gather %get3A_270[%rev3A_274] in [0] : vector<16xi32>, vector<16xi32> -> vector<16xi32>
    %broadcast_in_dim3A_276 = arith.constant true
    %broadcast_in_dim3A_277 = vector.broadcast %broadcast_in_dim3A_276 : i1 to vector<16xi1>
    %masked_cumsum3A_278 = tpu.scan <sum>, %rev3A_275 masked %broadcast_in_dim3A_277 : vector<16xi32>, vector<16xi1> -> vector<16xi32>
    %add3A_279 = vector.broadcast %add3A_268 : i32 to vector<16xi32>
    %add3A_280 = arith.addi %masked_cumsum3A_278, %add3A_279 : vector<16xi32>
    %ge3A_281 = arith.constant 160 : i32
    %ge3A_282 = vector.broadcast %ge3A_281 : i32 to vector<16xi32>
    %ge3A_283 = arith.cmpi sge, %add3A_280, %ge3A_282 : vector<16xi32>
    %sub3A_284 = arith.subi %add3A_280, %rev3A_275 : vector<16xi32>
    %lt3A_285 = arith.constant 160 : i32
    %lt3A_286 = vector.broadcast %lt3A_285 : i32 to vector<16xi32>
    %lt3A_287 = arith.cmpi slt, %sub3A_284, %lt3A_286 : vector<16xi32>
    %and3A_288 = arith.andi %ge3A_283, %lt3A_287 : vector<16xi1>
    %sub3A_289 = arith.subi %add3A_280, %rev3A_275 : vector<16xi32>
    %mul3A_290 = arith.constant 4096 : i32
    %mul3A_291 = vector.broadcast %mul3A_290 : i32 to vector<16xi32>
    %mul3A_292 = arith.muli %sub3A_289, %mul3A_291 : vector<16xi32>
    %sub3A_293 = arith.constant 191 : i32
    %sub3A_294 = vector.broadcast %sub3A_293 : i32 to vector<16xi32>
    %sub3A_295 = arith.subi %sub3A_294, %iota3A : vector<16xi32>
    %add3A_296 = arith.addi %mul3A_292, %sub3A_295 : vector<16xi32>
    %jit3A_297 = arith.constant -1 : i32
    %broadcast_in_dim3A_298 = vector.broadcast %jit3A_297 : i32 to vector<16xi32>
    %select_n3A_299 = arith.select %and3A_288, %add3A_296, %broadcast_in_dim3A_298 : vector<16xi1>, vector<16xi32>
    %reduce_max3A_300 = arith.constant true
    %reduce_max3A_301 = vector.broadcast %reduce_max3A_300 : i1 to vector<16xi1>
    %reduce_max3A_302 = arith.constant -2147483648 : i32
    %reduce_max3A_303 = vector.broadcast %reduce_max3A_302 : i32 to vector<16xi32>
    %reduce_max3A_304 = arith.xori %select_n3A_299, %reduce_max3A_303 : vector<16xi32>
    %reduce_max3A_305 = tpu.scan <max>, %reduce_max3A_304 masked %reduce_max3A_301 : vector<16xi32>, vector<16xi1> -> vector<16xi32>
    %reduce_max3A_306 = arith.xori %reduce_max3A_305, %reduce_max3A_303 : vector<16xi32>
    %reduce_max3A_307 = vector.extract %reduce_max3A_306[15] : i32 from vector<16xi32>
    %max3A_308 = arith.maxsi %max3A_263, %reduce_max3A_307 : i32
    %reduce_sum3A_309 = arith.constant true
    %reduce_sum3A_310 = vector.broadcast %reduce_sum3A_309 : i1 to vector<16xi1>
    %reduce_sum3A_311 = tpu.scan <sum>, %get3A_270 masked %reduce_sum3A_310 : vector<16xi32>, vector<16xi1> -> vector<16xi32>
    %reduce_sum3A_312 = vector.extract %reduce_sum3A_311[15] : i32 from vector<16xi32>
    %add3A_313 = arith.addi %add3A_268, %reduce_sum3A_312 : i32
    %get3A_314 = arith.constant 160 : index
    %get3A_315 = tpu.vector_load %arg10[%get3A_314] {strides = array<i32>} : memref<256xi32, #tpu.memory_space<vmem>>, vector<16xi32>,
    %rev3A_316 = arith.constant 15 : i32
    %rev3A_317 = vector.broadcast %rev3A_316 : i32 to vector<16xi32>
    %rev3A_318 = tpu.iota {dimensions = array<i32: 0>} : vector<16xi32>
    %rev3A_319 = arith.subi %rev3A_317, %rev3A_318 : vector<16xi32>
    %rev3A_320 = tpu.dynamic_gather %get3A_315[%rev3A_319] in [0] : vector<16xi32>, vector<16xi32> -> vector<16xi32>
    %broadcast_in_dim3A_321 = arith.constant true
    %broadcast_in_dim3A_322 = vector.broadcast %broadcast_in_dim3A_321 : i1 to vector<16xi1>
    %masked_cumsum3A_323 = tpu.scan <sum>, %rev3A_320 masked %broadcast_in_dim3A_322 : vector<16xi32>, vector<16xi1> -> vector<16xi32>
    %add3A_324 = vector.broadcast %add3A_313 : i32 to vector<16xi32>
    %add3A_325 = arith.addi %masked_cumsum3A_323, %add3A_324 : vector<16xi32>
    %ge3A_326 = arith.constant 160 : i32
    %ge3A_327 = vector.broadcast %ge3A_326 : i32 to vector<16xi32>
    %ge3A_328 = arith.cmpi sge, %add3A_325, %ge3A_327 : vector<16xi32>
    %sub3A_329 = arith.subi %add3A_325, %rev3A_320 : vector<16xi32>
    %lt3A_330 = arith.constant 160 : i32
    %lt3A_331 = vector.broadcast %lt3A_330 : i32 to vector<16xi32>
    %lt3A_332 = arith.cmpi slt, %sub3A_329, %lt3A_331 : vector<16xi32>
    %and3A_333 = arith.andi %ge3A_328, %lt3A_332 : vector<16xi1>
    %sub3A_334 = arith.subi %add3A_325, %rev3A_320 : vector<16xi32>
    %mul3A_335 = arith.constant 4096 : i32
    %mul3A_336 = vector.broadcast %mul3A_335 : i32 to vector<16xi32>
    %mul3A_337 = arith.muli %sub3A_334, %mul3A_336 : vector<16xi32>
    %sub3A_338 = arith.constant 175 : i32
    %sub3A_339 = vector.broadcast %sub3A_338 : i32 to vector<16xi32>
    %sub3A_340 = arith.subi %sub3A_339, %iota3A : vector<16xi32>
    %add3A_341 = arith.addi %mul3A_337, %sub3A_340 : vector<16xi32>
    %jit3A_342 = arith.constant -1 : i32
    %broadcast_in_dim3A_343 = vector.broadcast %jit3A_342 : i32 to vector<16xi32>
    %select_n3A_344 = arith.select %and3A_333, %add3A_341, %broadcast_in_dim3A_343 : vector<16xi1>, vector<16xi32>
    %reduce_max3A_345 = arith.constant true
    %reduce_max3A_346 = vector.broadcast %reduce_max3A_345 : i1 to vector<16xi1>
    %reduce_max3A_347 = arith.constant -2147483648 : i32
    %reduce_max3A_348 = vector.broadcast %reduce_max3A_347 : i32 to vector<16xi32>
    %reduce_max3A_349 = arith.xori %select_n3A_344, %reduce_max3A_348 : vector<16xi32>
    %reduce_max3A_350 = tpu.scan <max>, %reduce_max3A_349 masked %reduce_max3A_346 : vector<16xi32>, vector<16xi1> -> vector<16xi32>
    %reduce_max3A_351 = arith.xori %reduce_max3A_350, %reduce_max3A_348 : vector<16xi32>
    %reduce_max3A_352 = vector.extract %reduce_max3A_351[15] : i32 from vector<16xi32>
    %max3A_353 = arith.maxsi %max3A_308, %reduce_max3A_352 : i32
    %reduce_sum3A_354 = arith.constant true
    %reduce_sum3A_355 = vector.broadcast %reduce_sum3A_354 : i1 to vector<16xi1>
    %reduce_sum3A_356 = tpu.scan <sum>, %get3A_315 masked %reduce_sum3A_355 : vector<16xi32>, vector<16xi1> -> vector<16xi32>
    %reduce_sum3A_357 = vector.extract %reduce_sum3A_356[15] : i32 from vector<16xi32>
    %add3A_358 = arith.addi %add3A_313, %reduce_sum3A_357 : i32
    %get3A_359 = arith.constant 144 : index
    %get3A_360 = tpu.vector_load %arg10[%get3A_359] {strides = array<i32>} : memref<256xi32, #tpu.memory_space<vmem>>, vector<16xi32>,
    %rev3A_361 = arith.constant 15 : i32
    %rev3A_362 = vector.broadcast %rev3A_361 : i32 to vector<16xi32>
    %rev3A_363 = tpu.iota {dimensions = array<i32: 0>} : vector<16xi32>
    %rev3A_364 = arith.subi %rev3A_362, %rev3A_363 : vector<16xi32>
    %rev3A_365 = tpu.dynamic_gather %get3A_360[%rev3A_364] in [0] : vector<16xi32>, vector<16xi32> -> vector<16xi32>
    %broadcast_in_dim3A_366 = arith.constant true
    %broadcast_in_dim3A_367 = vector.broadcast %broadcast_in_dim3A_366 : i1 to vector<16xi1>
    %masked_cumsum3A_368 = tpu.scan <sum>, %rev3A_365 masked %broadcast_in_dim3A_367 : vector<16xi32>, vector<16xi1> -> vector<16xi32>
    %add3A_369 = vector.broadcast %add3A_358 : i32 to vector<16xi32>
    %add3A_370 = arith.addi %masked_cumsum3A_368, %add3A_369 : vector<16xi32>
    %ge3A_371 = arith.constant 160 : i32
    %ge3A_372 = vector.broadcast %ge3A_371 : i32 to vector<16xi32>
    %ge3A_373 = arith.cmpi sge, %add3A_370, %ge3A_372 : vector<16xi32>
    %sub3A_374 = arith.subi %add3A_370, %rev3A_365 : vector<16xi32>
    %lt3A_375 = arith.constant 160 : i32
    %lt3A_376 = vector.broadcast %lt3A_375 : i32 to vector<16xi32>
    %lt3A_377 = arith.cmpi slt, %sub3A_374, %lt3A_376 : vector<16xi32>
    %and3A_378 = arith.andi %ge3A_373, %lt3A_377 : vector<16xi1>
    %sub3A_379 = arith.subi %add3A_370, %rev3A_365 : vector<16xi32>
    %mul3A_380 = arith.constant 4096 : i32
    %mul3A_381 = vector.broadcast %mul3A_380 : i32 to vector<16xi32>
    %mul3A_382 = arith.muli %sub3A_379, %mul3A_381 : vector<16xi32>
    %sub3A_383 = arith.constant 159 : i32
    %sub3A_384 = vector.broadcast %sub3A_383 : i32 to vector<16xi32>
    %sub3A_385 = arith.subi %sub3A_384, %iota3A : vector<16xi32>
    %add3A_386 = arith.addi %mul3A_382, %sub3A_385 : vector<16xi32>
    %jit3A_387 = arith.constant -1 : i32
    %broadcast_in_dim3A_388 = vector.broadcast %jit3A_387 : i32 to vector<16xi32>
    %select_n3A_389 = arith.select %and3A_378, %add3A_386, %broadcast_in_dim3A_388 : vector<16xi1>, vector<16xi32>
    %reduce_max3A_390 = arith.constant true
    %reduce_max3A_391 = vector.broadcast %reduce_max3A_390 : i1 to vector<16xi1>
    %reduce_max3A_392 = arith.constant -2147483648 : i32
    %reduce_max3A_393 = vector.broadcast %reduce_max3A_392 : i32 to vector<16xi32>
    %reduce_max3A_394 = arith.xori %select_n3A_389, %reduce_max3A_393 : vector<16xi32>
    %reduce_max3A_395 = tpu.scan <max>, %reduce_max3A_394 masked %reduce_max3A_391 : vector<16xi32>, vector<16xi1> -> vector<16xi32>
    %reduce_max3A_396 = arith.xori %reduce_max3A_395, %reduce_max3A_393 : vector<16xi32>
    %reduce_max3A_397 = vector.extract %reduce_max3A_396[15] : i32 from vector<16xi32>
    %max3A_398 = arith.maxsi %max3A_353, %reduce_max3A_397 : i32
    %reduce_sum3A_399 = arith.constant true
    %reduce_sum3A_400 = vector.broadcast %reduce_sum3A_399 : i1 to vector<16xi1>
    %reduce_sum3A_401 = tpu.scan <sum>, %get3A_360 masked %reduce_sum3A_400 : vector<16xi32>, vector<16xi1> -> vector<16xi32>
    %reduce_sum3A_402 = vector.extract %reduce_sum3A_401[15] : i32 from vector<16xi32>
    %add3A_403 = arith.addi %add3A_358, %reduce_sum3A_402 : i32
    %get3A_404 = arith.constant 128 : index
    %get3A_405 = tpu.vector_load %arg10[%get3A_404] {strides = array<i32>} : memref<256xi32, #tpu.memory_space<vmem>>, vector<16xi32>,
    %rev3A_406 = arith.constant 15 : i32
    %rev3A_407 = vector.broadcast %rev3A_406 : i32 to vector<16xi32>
    %rev3A_408 = tpu.iota {dimensions = array<i32: 0>} : vector<16xi32>
    %rev3A_409 = arith.subi %rev3A_407, %rev3A_408 : vector<16xi32>
    %rev3A_410 = tpu.dynamic_gather %get3A_405[%rev3A_409] in [0] : vector<16xi32>, vector<16xi32> -> vector<16xi32>
    %broadcast_in_dim3A_411 = arith.constant true
    %broadcast_in_dim3A_412 = vector.broadcast %broadcast_in_dim3A_411 : i1 to vector<16xi1>
    %masked_cumsum3A_413 = tpu.scan <sum>, %rev3A_410 masked %broadcast_in_dim3A_412 : vector<16xi32>, vector<16xi1> -> vector<16xi32>
    %add3A_414 = vector.broadcast %add3A_403 : i32 to vector<16xi32>
    %add3A_415 = arith.addi %masked_cumsum3A_413, %add3A_414 : vector<16xi32>
    %ge3A_416 = arith.constant 160 : i32
    %ge3A_417 = vector.broadcast %ge3A_416 : i32 to vector<16xi32>
    %ge3A_418 = arith.cmpi sge, %add3A_415, %ge3A_417 : vector<16xi32>
    %sub3A_419 = arith.subi %add3A_415, %rev3A_410 : vector<16xi32>
    %lt3A_420 = arith.constant 160 : i32
    %lt3A_421 = vector.broadcast %lt3A_420 : i32 to vector<16xi32>
    %lt3A_422 = arith.cmpi slt, %sub3A_419, %lt3A_421 : vector<16xi32>
    %and3A_423 = arith.andi %ge3A_418, %lt3A_422 : vector<16xi1>
    %sub3A_424 = arith.subi %add3A_415, %rev3A_410 : vector<16xi32>
    %mul3A_425 = arith.constant 4096 : i32
    %mul3A_426 = vector.broadcast %mul3A_425 : i32 to vector<16xi32>
    %mul3A_427 = arith.muli %sub3A_424, %mul3A_426 : vector<16xi32>
    %sub3A_428 = arith.constant 143 : i32
    %sub3A_429 = vector.broadcast %sub3A_428 : i32 to vector<16xi32>
    %sub3A_430 = arith.subi %sub3A_429, %iota3A : vector<16xi32>
    %add3A_431 = arith.addi %mul3A_427, %sub3A_430 : vector<16xi32>
    %jit3A_432 = arith.constant -1 : i32
    %broadcast_in_dim3A_433 = vector.broadcast %jit3A_432 : i32 to vector<16xi32>
    %select_n3A_434 = arith.select %and3A_423, %add3A_431, %broadcast_in_dim3A_433 : vector<16xi1>, vector<16xi32>
    %reduce_max3A_435 = arith.constant true
    %reduce_max3A_436 = vector.broadcast %reduce_max3A_435 : i1 to vector<16xi1>
    %reduce_max3A_437 = arith.constant -2147483648 : i32
    %reduce_max3A_438 = vector.broadcast %reduce_max3A_437 : i32 to vector<16xi32>
    %reduce_max3A_439 = arith.xori %select_n3A_434, %reduce_max3A_438 : vector<16xi32>
    %reduce_max3A_440 = tpu.scan <max>, %reduce_max3A_439 masked %reduce_max3A_436 : vector<16xi32>, vector<16xi1> -> vector<16xi32>
    %reduce_max3A_441 = arith.xori %reduce_max3A_440, %reduce_max3A_438 : vector<16xi32>
    %reduce_max3A_442 = vector.extract %reduce_max3A_441[15] : i32 from vector<16xi32>
    %max3A_443 = arith.maxsi %max3A_398, %reduce_max3A_442 : i32
    %reduce_sum3A_444 = arith.constant true
    %reduce_sum3A_445 = vector.broadcast %reduce_sum3A_444 : i1 to vector<16xi1>
    %reduce_sum3A_446 = tpu.scan <sum>, %get3A_405 masked %reduce_sum3A_445 : vector<16xi32>, vector<16xi1> -> vector<16xi32>
    %reduce_sum3A_447 = vector.extract %reduce_sum3A_446[15] : i32 from vector<16xi32>
    %add3A_448 = arith.addi %add3A_403, %reduce_sum3A_447 : i32
    %get3A_449 = arith.constant 112 : index
    %get3A_450 = tpu.vector_load %arg10[%get3A_449] {strides = array<i32>} : memref<256xi32, #tpu.memory_space<vmem>>, vector<16xi32>,
    %rev3A_451 = arith.constant 15 : i32
    %rev3A_452 = vector.broadcast %rev3A_451 : i32 to vector<16xi32>
    %rev3A_453 = tpu.iota {dimensions = array<i32: 0>} : vector<16xi32>
    %rev3A_454 = arith.subi %rev3A_452, %rev3A_453 : vector<16xi32>
    %rev3A_455 = tpu.dynamic_gather %get3A_450[%rev3A_454] in [0] : vector<16xi32>, vector<16xi32> -> vector<16xi32>
    %broadcast_in_dim3A_456 = arith.constant true
    %broadcast_in_dim3A_457 = vector.broadcast %broadcast_in_dim3A_456 : i1 to vector<16xi1>
    %masked_cumsum3A_458 = tpu.scan <sum>, %rev3A_455 masked %broadcast_in_dim3A_457 : vector<16xi32>, vector<16xi1> -> vector<16xi32>
    %add3A_459 = vector.broadcast %add3A_448 : i32 to vector<16xi32>
    %add3A_460 = arith.addi %masked_cumsum3A_458, %add3A_459 : vector<16xi32>
    %ge3A_461 = arith.constant 160 : i32
    %ge3A_462 = vector.broadcast %ge3A_461 : i32 to vector<16xi32>
    %ge3A_463 = arith.cmpi sge, %add3A_460, %ge3A_462 : vector<16xi32>
    %sub3A_464 = arith.subi %add3A_460, %rev3A_455 : vector<16xi32>
    %lt3A_465 = arith.constant 160 : i32
    %lt3A_466 = vector.broadcast %lt3A_465 : i32 to vector<16xi32>
    %lt3A_467 = arith.cmpi slt, %sub3A_464, %lt3A_466 : vector<16xi32>
    %and3A_468 = arith.andi %ge3A_463, %lt3A_467 : vector<16xi1>
    %sub3A_469 = arith.subi %add3A_460, %rev3A_455 : vector<16xi32>
    %mul3A_470 = arith.constant 4096 : i32
    %mul3A_471 = vector.broadcast %mul3A_470 : i32 to vector<16xi32>
    %mul3A_472 = arith.muli %sub3A_469, %mul3A_471 : vector<16xi32>
    %sub3A_473 = arith.constant 127 : i32
    %sub3A_474 = vector.broadcast %sub3A_473 : i32 to vector<16xi32>
    %sub3A_475 = arith.subi %sub3A_474, %iota3A : vector<16xi32>
    %add3A_476 = arith.addi %mul3A_472, %sub3A_475 : vector<16xi32>
    %jit3A_477 = arith.constant -1 : i32
    %broadcast_in_dim3A_478 = vector.broadcast %jit3A_477 : i32 to vector<16xi32>
    %select_n3A_479 = arith.select %and3A_468, %add3A_476, %broadcast_in_dim3A_478 : vector<16xi1>, vector<16xi32>
    %reduce_max3A_480 = arith.constant true
    %reduce_max3A_481 = vector.broadcast %reduce_max3A_480 : i1 to vector<16xi1>
    %reduce_max3A_482 = arith.constant -2147483648 : i32
    %reduce_max3A_483 = vector.broadcast %reduce_max3A_482 : i32 to vector<16xi32>
    %reduce_max3A_484 = arith.xori %select_n3A_479, %reduce_max3A_483 : vector<16xi32>
    %reduce_max3A_485 = tpu.scan <max>, %reduce_max3A_484 masked %reduce_max3A_481 : vector<16xi32>, vector<16xi1> -> vector<16xi32>
    %reduce_max3A_486 = arith.xori %reduce_max3A_485, %reduce_max3A_483 : vector<16xi32>
    %reduce_max3A_487 = vector.extract %reduce_max3A_486[15] : i32 from vector<16xi32>
    %max3A_488 = arith.maxsi %max3A_443, %reduce_max3A_487 : i32
    %reduce_sum3A_489 = arith.constant true
    %reduce_sum3A_490 = vector.broadcast %reduce_sum3A_489 : i1 to vector<16xi1>
    %reduce_sum3A_491 = tpu.scan <sum>, %get3A_450 masked %reduce_sum3A_490 : vector<16xi32>, vector<16xi1> -> vector<16xi32>
    %reduce_sum3A_492 = vector.extract %reduce_sum3A_491[15] : i32 from vector<16xi32>
    %add3A_493 = arith.addi %add3A_448, %reduce_sum3A_492 : i32
    %get3A_494 = arith.constant 96 : index
    %get3A_495 = tpu.vector_load %arg10[%get3A_494] {strides = array<i32>} : memref<256xi32, #tpu.memory_space<vmem>>, vector<16xi32>,
    %rev3A_496 = arith.constant 15 : i32
    %rev3A_497 = vector.broadcast %rev3A_496 : i32 to vector<16xi32>
    %rev3A_498 = tpu.iota {dimensions = array<i32: 0>} : vector<16xi32>
    %rev3A_499 = arith.subi %rev3A_497, %rev3A_498 : vector<16xi32>
    %rev3A_500 = tpu.dynamic_gather %get3A_495[%rev3A_499] in [0] : vector<16xi32>, vector<16xi32> -> vector<16xi32>
    %broadcast_in_dim3A_501 = arith.constant true
    %broadcast_in_dim3A_502 = vector.broadcast %broadcast_in_dim3A_501 : i1 to vector<16xi1>
    %masked_cumsum3A_503 = tpu.scan <sum>, %rev3A_500 masked %broadcast_in_dim3A_502 : vector<16xi32>, vector<16xi1> -> vector<16xi32>
    %add3A_504 = vector.broadcast %add3A_493 : i32 to vector<16xi32>
    %add3A_505 = arith.addi %masked_cumsum3A_503, %add3A_504 : vector<16xi32>
    %ge3A_506 = arith.constant 160 : i32
    %ge3A_507 = vector.broadcast %ge3A_506 : i32 to vector<16xi32>
    %ge3A_508 = arith.cmpi sge, %add3A_505, %ge3A_507 : vector<16xi32>
    %sub3A_509 = arith.subi %add3A_505, %rev3A_500 : vector<16xi32>
    %lt3A_510 = arith.constant 160 : i32
    %lt3A_511 = vector.broadcast %lt3A_510 : i32 to vector<16xi32>
    %lt3A_512 = arith.cmpi slt, %sub3A_509, %lt3A_511 : vector<16xi32>
    %and3A_513 = arith.andi %ge3A_508, %lt3A_512 : vector<16xi1>
    %sub3A_514 = arith.subi %add3A_505, %rev3A_500 : vector<16xi32>
    %mul3A_515 = arith.constant 4096 : i32
    %mul3A_516 = vector.broadcast %mul3A_515 : i32 to vector<16xi32>
    %mul3A_517 = arith.muli %sub3A_514, %mul3A_516 : vector<16xi32>
    %sub3A_518 = arith.constant 111 : i32
    %sub3A_519 = vector.broadcast %sub3A_518 : i32 to vector<16xi32>
    %sub3A_520 = arith.subi %sub3A_519, %iota3A : vector<16xi32>
    %add3A_521 = arith.addi %mul3A_517, %sub3A_520 : vector<16xi32>
    %jit3A_522 = arith.constant -1 : i32
    %broadcast_in_dim3A_523 = vector.broadcast %jit3A_522 : i32 to vector<16xi32>
    %select_n3A_524 = arith.select %and3A_513, %add3A_521, %broadcast_in_dim3A_523 : vector<16xi1>, vector<16xi32>
    %reduce_max3A_525 = arith.constant true
    %reduce_max3A_526 = vector.broadcast %reduce_max3A_525 : i1 to vector<16xi1>
    %reduce_max3A_527 = arith.constant -2147483648 : i32
    %reduce_max3A_528 = vector.broadcast %reduce_max3A_527 : i32 to vector<16xi32>
    %reduce_max3A_529 = arith.xori %select_n3A_524, %reduce_max3A_528 : vector<16xi32>
    %reduce_max3A_530 = tpu.scan <max>, %reduce_max3A_529 masked %reduce_max3A_526 : vector<16xi32>, vector<16xi1> -> vector<16xi32>
    %reduce_max3A_531 = arith.xori %reduce_max3A_530, %reduce_max3A_528 : vector<16xi32>
    %reduce_max3A_532 = vector.extract %reduce_max3A_531[15] : i32 from vector<16xi32>
    %max3A_533 = arith.maxsi %max3A_488, %reduce_max3A_532 : i32
    %reduce_sum3A_534 = arith.constant true
    %reduce_sum3A_535 = vector.broadcast %reduce_sum3A_534 : i1 to vector<16xi1>
    %reduce_sum3A_536 = tpu.scan <sum>, %get3A_495 masked %reduce_sum3A_535 : vector<16xi32>, vector<16xi1> -> vector<16xi32>
    %reduce_sum3A_537 = vector.extract %reduce_sum3A_536[15] : i32 from vector<16xi32>
    %add3A_538 = arith.addi %add3A_493, %reduce_sum3A_537 : i32
    %get3A_539 = arith.constant 80 : index
    %get3A_540 = tpu.vector_load %arg10[%get3A_539] {strides = array<i32>} : memref<256xi32, #tpu.memory_space<vmem>>, vector<16xi32>,
    %rev3A_541 = arith.constant 15 : i32
    %rev3A_542 = vector.broadcast %rev3A_541 : i32 to vector<16xi32>
    %rev3A_543 = tpu.iota {dimensions = array<i32: 0>} : vector<16xi32>
    %rev3A_544 = arith.subi %rev3A_542, %rev3A_543 : vector<16xi32>
    %rev3A_545 = tpu.dynamic_gather %get3A_540[%rev3A_544] in [0] : vector<16xi32>, vector<16xi32> -> vector<16xi32>
    %broadcast_in_dim3A_546 = arith.constant true
    %broadcast_in_dim3A_547 = vector.broadcast %broadcast_in_dim3A_546 : i1 to vector<16xi1>
    %masked_cumsum3A_548 = tpu.scan <sum>, %rev3A_545 masked %broadcast_in_dim3A_547 : vector<16xi32>, vector<16xi1> -> vector<16xi32>
    %add3A_549 = vector.broadcast %add3A_538 : i32 to vector<16xi32>
    %add3A_550 = arith.addi %masked_cumsum3A_548, %add3A_549 : vector<16xi32>
    %ge3A_551 = arith.constant 160 : i32
    %ge3A_552 = vector.broadcast %ge3A_551 : i32 to vector<16xi32>
    %ge3A_553 = arith.cmpi sge, %add3A_550, %ge3A_552 : vector<16xi32>
    %sub3A_554 = arith.subi %add3A_550, %rev3A_545 : vector<16xi32>
    %lt3A_555 = arith.constant 160 : i32
    %lt3A_556 = vector.broadcast %lt3A_555 : i32 to vector<16xi32>
    %lt3A_557 = arith.cmpi slt, %sub3A_554, %lt3A_556 : vector<16xi32>
    %and3A_558 = arith.andi %ge3A_553, %lt3A_557 : vector<16xi1>
    %sub3A_559 = arith.subi %add3A_550, %rev3A_545 : vector<16xi32>
    %mul3A_560 = arith.constant 4096 : i32
    %mul3A_561 = vector.broadcast %mul3A_560 : i32 to vector<16xi32>
    %mul3A_562 = arith.muli %sub3A_559, %mul3A_561 : vector<16xi32>
    %sub3A_563 = arith.constant 95 : i32
    %sub3A_564 = vector.broadcast %sub3A_563 : i32 to vector<16xi32>
    %sub3A_565 = arith.subi %sub3A_564, %iota3A : vector<16xi32>
    %add3A_566 = arith.addi %mul3A_562, %sub3A_565 : vector<16xi32>
    %jit3A_567 = arith.constant -1 : i32
    %broadcast_in_dim3A_568 = vector.broadcast %jit3A_567 : i32 to vector<16xi32>
    %select_n3A_569 = arith.select %and3A_558, %add3A_566, %broadcast_in_dim3A_568 : vector<16xi1>, vector<16xi32>
    %reduce_max3A_570 = arith.constant true
    %reduce_max3A_571 = vector.broadcast %reduce_max3A_570 : i1 to vector<16xi1>
    %reduce_max3A_572 = arith.constant -2147483648 : i32
    %reduce_max3A_573 = vector.broadcast %reduce_max3A_572 : i32 to vector<16xi32>
    %reduce_max3A_574 = arith.xori %select_n3A_569, %reduce_max3A_573 : vector<16xi32>
    %reduce_max3A_575 = tpu.scan <max>, %reduce_max3A_574 masked %reduce_max3A_571 : vector<16xi32>, vector<16xi1> -> vector<16xi32>
    %reduce_max3A_576 = arith.xori %reduce_max3A_575, %reduce_max3A_573 : vector<16xi32>
    %reduce_max3A_577 = vector.extract %reduce_max3A_576[15] : i32 from vector<16xi32>
    %max3A_578 = arith.maxsi %max3A_533, %reduce_max3A_577 : i32
    %reduce_sum3A_579 = arith.constant true
    %reduce_sum3A_580 = vector.broadcast %reduce_sum3A_579 : i1 to vector<16xi1>
    %reduce_sum3A_581 = tpu.scan <sum>, %get3A_540 masked %reduce_sum3A_580 : vector<16xi32>, vector<16xi1> -> vector<16xi32>
    %reduce_sum3A_582 = vector.extract %reduce_sum3A_581[15] : i32 from vector<16xi32>
    %add3A_583 = arith.addi %add3A_538, %reduce_sum3A_582 : i32
    %get3A_584 = arith.constant 64 : index
    %get3A_585 = tpu.vector_load %arg10[%get3A_584] {strides = array<i32>} : memref<256xi32, #tpu.memory_space<vmem>>, vector<16xi32>,
    %rev3A_586 = arith.constant 15 : i32
    %rev3A_587 = vector.broadcast %rev3A_586 : i32 to vector<16xi32>
    %rev3A_588 = tpu.iota {dimensions = array<i32: 0>} : vector<16xi32>
    %rev3A_589 = arith.subi %rev3A_587, %rev3A_588 : vector<16xi32>
    %rev3A_590 = tpu.dynamic_gather %get3A_585[%rev3A_589] in [0] : vector<16xi32>, vector<16xi32> -> vector<16xi32>
    %broadcast_in_dim3A_591 = arith.constant true
    %broadcast_in_dim3A_592 = vector.broadcast %broadcast_in_dim3A_591 : i1 to vector<16xi1>
    %masked_cumsum3A_593 = tpu.scan <sum>, %rev3A_590 masked %broadcast_in_dim3A_592 : vector<16xi32>, vector<16xi1> -> vector<16xi32>
    %add3A_594 = vector.broadcast %add3A_583 : i32 to vector<16xi32>
    %add3A_595 = arith.addi %masked_cumsum3A_593, %add3A_594 : vector<16xi32>
    %ge3A_596 = arith.constant 160 : i32
    %ge3A_597 = vector.broadcast %ge3A_596 : i32 to vector<16xi32>
    %ge3A_598 = arith.cmpi sge, %add3A_595, %ge3A_597 : vector<16xi32>
    %sub3A_599 = arith.subi %add3A_595, %rev3A_590 : vector<16xi32>
    %lt3A_600 = arith.constant 160 : i32
    %lt3A_601 = vector.broadcast %lt3A_600 : i32 to vector<16xi32>
    %lt3A_602 = arith.cmpi slt, %sub3A_599, %lt3A_601 : vector<16xi32>
    %and3A_603 = arith.andi %ge3A_598, %lt3A_602 : vector<16xi1>
    %sub3A_604 = arith.subi %add3A_595, %rev3A_590 : vector<16xi32>
    %mul3A_605 = arith.constant 4096 : i32
    %mul3A_606 = vector.broadcast %mul3A_605 : i32 to vector<16xi32>
    %mul3A_607 = arith.muli %sub3A_604, %mul3A_606 : vector<16xi32>
    %sub3A_608 = arith.constant 79 : i32
    %sub3A_609 = vector.broadcast %sub3A_608 : i32 to vector<16xi32>
    %sub3A_610 = arith.subi %sub3A_609, %iota3A : vector<16xi32>
    %add3A_611 = arith.addi %mul3A_607, %sub3A_610 : vector<16xi32>
    %jit3A_612 = arith.constant -1 : i32
    %broadcast_in_dim3A_613 = vector.broadcast %jit3A_612 : i32 to vector<16xi32>
    %select_n3A_614 = arith.select %and3A_603, %add3A_611, %broadcast_in_dim3A_613 : vector<16xi1>, vector<16xi32>
    %reduce_max3A_615 = arith.constant true
    %reduce_max3A_616 = vector.broadcast %reduce_max3A_615 : i1 to vector<16xi1>
    %reduce_max3A_617 = arith.constant -2147483648 : i32
    %reduce_max3A_618 = vector.broadcast %reduce_max3A_617 : i32 to vector<16xi32>
    %reduce_max3A_619 = arith.xori %select_n3A_614, %reduce_max3A_618 : vector<16xi32>
    %reduce_max3A_620 = tpu.scan <max>, %reduce_max3A_619 masked %reduce_max3A_616 : vector<16xi32>, vector<16xi1> -> vector<16xi32>
    %reduce_max3A_621 = arith.xori %reduce_max3A_620, %reduce_max3A_618 : vector<16xi32>
    %reduce_max3A_622 = vector.extract %reduce_max3A_621[15] : i32 from vector<16xi32>
    %max3A_623 = arith.maxsi %max3A_578, %reduce_max3A_622 : i32
    %reduce_sum3A_624 = arith.constant true
    %reduce_sum3A_625 = vector.broadcast %reduce_sum3A_624 : i1 to vector<16xi1>
    %reduce_sum3A_626 = tpu.scan <sum>, %get3A_585 masked %reduce_sum3A_625 : vector<16xi32>, vector<16xi1> -> vector<16xi32>
    %reduce_sum3A_627 = vector.extract %reduce_sum3A_626[15] : i32 from vector<16xi32>
    %add3A_628 = arith.addi %add3A_583, %reduce_sum3A_627 : i32
    %get3A_629 = arith.constant 48 : index
    %get3A_630 = tpu.vector_load %arg10[%get3A_629] {strides = array<i32>} : memref<256xi32, #tpu.memory_space<vmem>>, vector<16xi32>,
    %rev3A_631 = arith.constant 15 : i32
    %rev3A_632 = vector.broadcast %rev3A_631 : i32 to vector<16xi32>
    %rev3A_633 = tpu.iota {dimensions = array<i32: 0>} : vector<16xi32>
    %rev3A_634 = arith.subi %rev3A_632, %rev3A_633 : vector<16xi32>
    %rev3A_635 = tpu.dynamic_gather %get3A_630[%rev3A_634] in [0] : vector<16xi32>, vector<16xi32> -> vector<16xi32>
    %broadcast_in_dim3A_636 = arith.constant true
    %broadcast_in_dim3A_637 = vector.broadcast %broadcast_in_dim3A_636 : i1 to vector<16xi1>
    %masked_cumsum3A_638 = tpu.scan <sum>, %rev3A_635 masked %broadcast_in_dim3A_637 : vector<16xi32>, vector<16xi1> -> vector<16xi32>
    %add3A_639 = vector.broadcast %add3A_628 : i32 to vector<16xi32>
    %add3A_640 = arith.addi %masked_cumsum3A_638, %add3A_639 : vector<16xi32>
    %ge3A_641 = arith.constant 160 : i32
    %ge3A_642 = vector.broadcast %ge3A_641 : i32 to vector<16xi32>
    %ge3A_643 = arith.cmpi sge, %add3A_640, %ge3A_642 : vector<16xi32>
    %sub3A_644 = arith.subi %add3A_640, %rev3A_635 : vector<16xi32>
    %lt3A_645 = arith.constant 160 : i32
    %lt3A_646 = vector.broadcast %lt3A_645 : i32 to vector<16xi32>
    %lt3A_647 = arith.cmpi slt, %sub3A_644, %lt3A_646 : vector<16xi32>
    %and3A_648 = arith.andi %ge3A_643, %lt3A_647 : vector<16xi1>
    %sub3A_649 = arith.subi %add3A_640, %rev3A_635 : vector<16xi32>
    %mul3A_650 = arith.constant 4096 : i32
    %mul3A_651 = vector.broadcast %mul3A_650 : i32 to vector<16xi32>
    %mul3A_652 = arith.muli %sub3A_649, %mul3A_651 : vector<16xi32>
    %sub3A_653 = arith.constant 63 : i32
    %sub3A_654 = vector.broadcast %sub3A_653 : i32 to vector<16xi32>
    %sub3A_655 = arith.subi %sub3A_654, %iota3A : vector<16xi32>
    %add3A_656 = arith.addi %mul3A_652, %sub3A_655 : vector<16xi32>
    %jit3A_657 = arith.constant -1 : i32
    %broadcast_in_dim3A_658 = vector.broadcast %jit3A_657 : i32 to vector<16xi32>
    %select_n3A_659 = arith.select %and3A_648, %add3A_656, %broadcast_in_dim3A_658 : vector<16xi1>, vector<16xi32>
    %reduce_max3A_660 = arith.constant true
    %reduce_max3A_661 = vector.broadcast %reduce_max3A_660 : i1 to vector<16xi1>
    %reduce_max3A_662 = arith.constant -2147483648 : i32
    %reduce_max3A_663 = vector.broadcast %reduce_max3A_662 : i32 to vector<16xi32>
    %reduce_max3A_664 = arith.xori %select_n3A_659, %reduce_max3A_663 : vector<16xi32>
    %reduce_max3A_665 = tpu.scan <max>, %reduce_max3A_664 masked %reduce_max3A_661 : vector<16xi32>, vector<16xi1> -> vector<16xi32>
    %reduce_max3A_666 = arith.xori %reduce_max3A_665, %reduce_max3A_663 : vector<16xi32>
    %reduce_max3A_667 = vector.extract %reduce_max3A_666[15] : i32 from vector<16xi32>
    %max3A_668 = arith.maxsi %max3A_623, %reduce_max3A_667 : i32
    %reduce_sum3A_669 = arith.constant true
    %reduce_sum3A_670 = vector.broadcast %reduce_sum3A_669 : i1 to vector<16xi1>
    %reduce_sum3A_671 = tpu.scan <sum>, %get3A_630 masked %reduce_sum3A_670 : vector<16xi32>, vector<16xi1> -> vector<16xi32>
    %reduce_sum3A_672 = vector.extract %reduce_sum3A_671[15] : i32 from vector<16xi32>
    %add3A_673 = arith.addi %add3A_628, %reduce_sum3A_672 : i32
    %get3A_674 = arith.constant 32 : index
    %get3A_675 = tpu.vector_load %arg10[%get3A_674] {strides = array<i32>} : memref<256xi32, #tpu.memory_space<vmem>>, vector<16xi32>,
    %rev3A_676 = arith.constant 15 : i32
    %rev3A_677 = vector.broadcast %rev3A_676 : i32 to vector<16xi32>
    %rev3A_678 = tpu.iota {dimensions = array<i32: 0>} : vector<16xi32>
    %rev3A_679 = arith.subi %rev3A_677, %rev3A_678 : vector<16xi32>
    %rev3A_680 = tpu.dynamic_gather %get3A_675[%rev3A_679] in [0] : vector<16xi32>, vector<16xi32> -> vector<16xi32>
    %broadcast_in_dim3A_681 = arith.constant true
    %broadcast_in_dim3A_682 = vector.broadcast %broadcast_in_dim3A_681 : i1 to vector<16xi1>
    %masked_cumsum3A_683 = tpu.scan <sum>, %rev3A_680 masked %broadcast_in_dim3A_682 : vector<16xi32>, vector<16xi1> -> vector<16xi32>
    %add3A_684 = vector.broadcast %add3A_673 : i32 to vector<16xi32>
    %add3A_685 = arith.addi %masked_cumsum3A_683, %add3A_684 : vector<16xi32>
    %ge3A_686 = arith.constant 160 : i32
    %ge3A_687 = vector.broadcast %ge3A_686 : i32 to vector<16xi32>
    %ge3A_688 = arith.cmpi sge, %add3A_685, %ge3A_687 : vector<16xi32>
    %sub3A_689 = arith.subi %add3A_685, %rev3A_680 : vector<16xi32>
    %lt3A_690 = arith.constant 160 : i32
    %lt3A_691 = vector.broadcast %lt3A_690 : i32 to vector<16xi32>
    %lt3A_692 = arith.cmpi slt, %sub3A_689, %lt3A_691 : vector<16xi32>
    %and3A_693 = arith.andi %ge3A_688, %lt3A_692 : vector<16xi1>
    %sub3A_694 = arith.subi %add3A_685, %rev3A_680 : vector<16xi32>
    %mul3A_695 = arith.constant 4096 : i32
    %mul3A_696 = vector.broadcast %mul3A_695 : i32 to vector<16xi32>
    %mul3A_697 = arith.muli %sub3A_694, %mul3A_696 : vector<16xi32>
    %sub3A_698 = arith.constant 47 : i32
    %sub3A_699 = vector.broadcast %sub3A_698 : i32 to vector<16xi32>
    %sub3A_700 = arith.subi %sub3A_699, %iota3A : vector<16xi32>
    %add3A_701 = arith.addi %mul3A_697, %sub3A_700 : vector<16xi32>
    %jit3A_702 = arith.constant -1 : i32
    %broadcast_in_dim3A_703 = vector.broadcast %jit3A_702 : i32 to vector<16xi32>
    %select_n3A_704 = arith.select %and3A_693, %add3A_701, %broadcast_in_dim3A_703 : vector<16xi1>, vector<16xi32>
    %reduce_max3A_705 = arith.constant true
    %reduce_max3A_706 = vector.broadcast %reduce_max3A_705 : i1 to vector<16xi1>
    %reduce_max3A_707 = arith.constant -2147483648 : i32
    %reduce_max3A_708 = vector.broadcast %reduce_max3A_707 : i32 to vector<16xi32>
    %reduce_max3A_709 = arith.xori %select_n3A_704, %reduce_max3A_708 : vector<16xi32>
    %reduce_max3A_710 = tpu.scan <max>, %reduce_max3A_709 masked %reduce_max3A_706 : vector<16xi32>, vector<16xi1> -> vector<16xi32>
    %reduce_max3A_711 = arith.xori %reduce_max3A_710, %reduce_max3A_708 : vector<16xi32>
    %reduce_max3A_712 = vector.extract %reduce_max3A_711[15] : i32 from vector<16xi32>
    %max3A_713 = arith.maxsi %max3A_668, %reduce_max3A_712 : i32
    %reduce_sum3A_714 = arith.constant true
    %reduce_sum3A_715 = vector.broadcast %reduce_sum3A_714 : i1 to vector<16xi1>
    %reduce_sum3A_716 = tpu.scan <sum>, %get3A_675 masked %reduce_sum3A_715 : vector<16xi32>, vector<16xi1> -> vector<16xi32>
    %reduce_sum3A_717 = vector.extract %reduce_sum3A_716[15] : i32 from vector<16xi32>
    %add3A_718 = arith.addi %add3A_673, %reduce_sum3A_717 : i32
    %get3A_719 = arith.constant 16 : index
    %get3A_720 = tpu.vector_load %arg10[%get3A_719] {strides = array<i32>} : memref<256xi32, #tpu.memory_space<vmem>>, vector<16xi32>,
    %rev3A_721 = arith.constant 15 : i32
    %rev3A_722 = vector.broadcast %rev3A_721 : i32 to vector<16xi32>
    %rev3A_723 = tpu.iota {dimensions = array<i32: 0>} : vector<16xi32>
    %rev3A_724 = arith.subi %rev3A_722, %rev3A_723 : vector<16xi32>
    %rev3A_725 = tpu.dynamic_gather %get3A_720[%rev3A_724] in [0] : vector<16xi32>, vector<16xi32> -> vector<16xi32>
    %broadcast_in_dim3A_726 = arith.constant true
    %broadcast_in_dim3A_727 = vector.broadcast %broadcast_in_dim3A_726 : i1 to vector<16xi1>
    %masked_cumsum3A_728 = tpu.scan <sum>, %rev3A_725 masked %broadcast_in_dim3A_727 : vector<16xi32>, vector<16xi1> -> vector<16xi32>
    %add3A_729 = vector.broadcast %add3A_718 : i32 to vector<16xi32>
    %add3A_730 = arith.addi %masked_cumsum3A_728, %add3A_729 : vector<16xi32>
    %ge3A_731 = arith.constant 160 : i32
    %ge3A_732 = vector.broadcast %ge3A_731 : i32 to vector<16xi32>
    %ge3A_733 = arith.cmpi sge, %add3A_730, %ge3A_732 : vector<16xi32>
    %sub3A_734 = arith.subi %add3A_730, %rev3A_725 : vector<16xi32>
    %lt3A_735 = arith.constant 160 : i32
    %lt3A_736 = vector.broadcast %lt3A_735 : i32 to vector<16xi32>
    %lt3A_737 = arith.cmpi slt, %sub3A_734, %lt3A_736 : vector<16xi32>
    %and3A_738 = arith.andi %ge3A_733, %lt3A_737 : vector<16xi1>
    %sub3A_739 = arith.subi %add3A_730, %rev3A_725 : vector<16xi32>
    %mul3A_740 = arith.constant 4096 : i32
    %mul3A_741 = vector.broadcast %mul3A_740 : i32 to vector<16xi32>
    %mul3A_742 = arith.muli %sub3A_739, %mul3A_741 : vector<16xi32>
    %sub3A_743 = arith.constant 31 : i32
    %sub3A_744 = vector.broadcast %sub3A_743 : i32 to vector<16xi32>
    %sub3A_745 = arith.subi %sub3A_744, %iota3A : vector<16xi32>
    %add3A_746 = arith.addi %mul3A_742, %sub3A_745 : vector<16xi32>
    %jit3A_747 = arith.constant -1 : i32
    %broadcast_in_dim3A_748 = vector.broadcast %jit3A_747 : i32 to vector<16xi32>
    %select_n3A_749 = arith.select %and3A_738, %add3A_746, %broadcast_in_dim3A_748 : vector<16xi1>, vector<16xi32>
    %reduce_max3A_750 = arith.constant true
    %reduce_max3A_751 = vector.broadcast %reduce_max3A_750 : i1 to vector<16xi1>
    %reduce_max3A_752 = arith.constant -2147483648 : i32
    %reduce_max3A_753 = vector.broadcast %reduce_max3A_752 : i32 to vector<16xi32>
    %reduce_max3A_754 = arith.xori %select_n3A_749, %reduce_max3A_753 : vector<16xi32>
    %reduce_max3A_755 = tpu.scan <max>, %reduce_max3A_754 masked %reduce_max3A_751 : vector<16xi32>, vector<16xi1> -> vector<16xi32>
    %reduce_max3A_756 = arith.xori %reduce_max3A_755, %reduce_max3A_753 : vector<16xi32>
    %reduce_max3A_757 = vector.extract %reduce_max3A_756[15] : i32 from vector<16xi32>
    %max3A_758 = arith.maxsi %max3A_713, %reduce_max3A_757 : i32
    %reduce_sum3A_759 = arith.constant true
    %reduce_sum3A_760 = vector.broadcast %reduce_sum3A_759 : i1 to vector<16xi1>
    %reduce_sum3A_761 = tpu.scan <sum>, %get3A_720 masked %reduce_sum3A_760 : vector<16xi32>, vector<16xi1> -> vector<16xi32>
    %reduce_sum3A_762 = vector.extract %reduce_sum3A_761[15] : i32 from vector<16xi32>
    %add3A_763 = arith.addi %add3A_718, %reduce_sum3A_762 : i32
    %get3A_764 = arith.constant 0 : index
    %get3A_765 = tpu.vector_load %arg10[%get3A_764] {strides = array<i32>} : memref<256xi32, #tpu.memory_space<vmem>>, vector<16xi32>,
    %rev3A_766 = arith.constant 15 : i32
    %rev3A_767 = vector.broadcast %rev3A_766 : i32 to vector<16xi32>
    %rev3A_768 = tpu.iota {dimensions = array<i32: 0>} : vector<16xi32>
    %rev3A_769 = arith.subi %rev3A_767, %rev3A_768 : vector<16xi32>
    %rev3A_770 = tpu.dynamic_gather %get3A_765[%rev3A_769] in [0] : vector<16xi32>, vector<16xi32> -> vector<16xi32>
    %broadcast_in_dim3A_771 = arith.constant true
    %broadcast_in_dim3A_772 = vector.broadcast %broadcast_in_dim3A_771 : i1 to vector<16xi1>
    %masked_cumsum3A_773 = tpu.scan <sum>, %rev3A_770 masked %broadcast_in_dim3A_772 : vector<16xi32>, vector<16xi1> -> vector<16xi32>
    %add3A_774 = vector.broadcast %add3A_763 : i32 to vector<16xi32>
    %add3A_775 = arith.addi %masked_cumsum3A_773, %add3A_774 : vector<16xi32>
    %ge3A_776 = arith.constant 160 : i32
    %ge3A_777 = vector.broadcast %ge3A_776 : i32 to vector<16xi32>
    %ge3A_778 = arith.cmpi sge, %add3A_775, %ge3A_777 : vector<16xi32>
    %sub3A_779 = arith.subi %add3A_775, %rev3A_770 : vector<16xi32>
    %lt3A_780 = arith.constant 160 : i32
    %lt3A_781 = vector.broadcast %lt3A_780 : i32 to vector<16xi32>
    %lt3A_782 = arith.cmpi slt, %sub3A_779, %lt3A_781 : vector<16xi32>
    %and3A_783 = arith.andi %ge3A_778, %lt3A_782 : vector<16xi1>
    %sub3A_784 = arith.subi %add3A_775, %rev3A_770 : vector<16xi32>
    %mul3A_785 = arith.constant 4096 : i32
    %mul3A_786 = vector.broadcast %mul3A_785 : i32 to vector<16xi32>
    %mul3A_787 = arith.muli %sub3A_784, %mul3A_786 : vector<16xi32>
    %sub3A_788 = arith.constant 15 : i32
    %sub3A_789 = vector.broadcast %sub3A_788 : i32 to vector<16xi32>
    %sub3A_790 = arith.subi %sub3A_789, %iota3A : vector<16xi32>
    %add3A_791 = arith.addi %mul3A_787, %sub3A_790 : vector<16xi32>
    %jit3A_792 = arith.constant -1 : i32
    %broadcast_in_dim3A_793 = vector.broadcast %jit3A_792 : i32 to vector<16xi32>
    %select_n3A_794 = arith.select %and3A_783, %add3A_791, %broadcast_in_dim3A_793 : vector<16xi1>, vector<16xi32>
    %reduce_max3A_795 = arith.constant true
    %reduce_max3A_796 = vector.broadcast %reduce_max3A_795 : i1 to vector<16xi1>
    %reduce_max3A_797 = arith.constant -2147483648 : i32
    %reduce_max3A_798 = vector.broadcast %reduce_max3A_797 : i32 to vector<16xi32>
    %reduce_max3A_799 = arith.xori %select_n3A_794, %reduce_max3A_798 : vector<16xi32>
    %reduce_max3A_800 = tpu.scan <max>, %reduce_max3A_799 masked %reduce_max3A_796 : vector<16xi32>, vector<16xi1> -> vector<16xi32>
    %reduce_max3A_801 = arith.xori %reduce_max3A_800, %reduce_max3A_798 : vector<16xi32>
    %reduce_max3A_802 = vector.extract %reduce_max3A_801[15] : i32 from vector<16xi32>
    %max3A_803 = arith.maxsi %max3A_758, %reduce_max3A_802 : i32
    %reduce_sum3A_804 = arith.constant true
    %reduce_sum3A_805 = vector.broadcast %reduce_sum3A_804 : i1 to vector<16xi1>
    %reduce_sum3A_806 = tpu.scan <sum>, %get3A_765 masked %reduce_sum3A_805 : vector<16xi32>, vector<16xi1> -> vector<16xi32>
    %reduce_sum3A_807 = vector.extract %reduce_sum3A_806[15] : i32 from vector<16xi32>
    %add3A_808 = arith.addi %add3A_763, %reduce_sum3A_807 : i32
    %and3A_809 = arith.constant 4095 : i32
    %and3A_810 = arith.andi %max3A_803, %and3A_809 : i32
    %shift_right_logical3A = arith.constant 12 : i32
    %shift_right_logical3A_811 = arith.shrui %max3A_803, %shift_right_logical3A : i32
    %mul3A_812 = arith.constant 16 : i32
    %mul3A_813 = arith.muli %and3A_810, %mul3A_812 : i32
    %get3A_814 = arith.index_cast %mul3A_813 : i32 to index
    %get3A_815 = tpu.vector_load %arg8[%get3A_814] {strides = array<i32>} : memref<4096xi32, #tpu.memory_space<vmem>>, vector<16xi32>,
    %rev3A_816 = arith.constant 15 : i32
    %rev3A_817 = vector.broadcast %rev3A_816 : i32 to vector<16xi32>
    %rev3A_818 = tpu.iota {dimensions = array<i32: 0>} : vector<16xi32>
    %rev3A_819 = arith.subi %rev3A_817, %rev3A_818 : vector<16xi32>
    %rev3A_820 = tpu.dynamic_gather %get3A_815[%rev3A_819] in [0] : vector<16xi32>, vector<16xi32> -> vector<16xi32>
    %broadcast_in_dim3A_821 = arith.constant true
    %broadcast_in_dim3A_822 = vector.broadcast %broadcast_in_dim3A_821 : i1 to vector<16xi1>
    %masked_cumsum3A_823 = tpu.scan <sum>, %rev3A_820 masked %broadcast_in_dim3A_822 : vector<16xi32>, vector<16xi1> -> vector<16xi32>
    %add3A_824 = vector.broadcast %shift_right_logical3A_811 : i32 to vector<16xi32>
    %add3A_825 = arith.addi %masked_cumsum3A_823, %add3A_824 : vector<16xi32>
    %ge3A_826 = arith.constant 160 : i32
    %ge3A_827 = vector.broadcast %ge3A_826 : i32 to vector<16xi32>
    %ge3A_828 = arith.cmpi sge, %add3A_825, %ge3A_827 : vector<16xi32>
    %sub3A_829 = arith.subi %add3A_825, %rev3A_820 : vector<16xi32>
    %lt3A_830 = arith.constant 160 : i32
    %lt3A_831 = vector.broadcast %lt3A_830 : i32 to vector<16xi32>
    %lt3A_832 = arith.cmpi slt, %sub3A_829, %lt3A_831 : vector<16xi32>
    %and3A_833 = arith.andi %ge3A_828, %lt3A_832 : vector<16xi1>
    %sub3A_834 = arith.subi %add3A_825, %rev3A_820 : vector<16xi32>
    %mul3A_835 = arith.constant 4096 : i32
    %mul3A_836 = vector.broadcast %mul3A_835 : i32 to vector<16xi32>
    %mul3A_837 = arith.muli %sub3A_834, %mul3A_836 : vector<16xi32>
    %sub3A_838 = arith.constant 15 : i32
    %sub3A_839 = vector.broadcast %sub3A_838 : i32 to vector<16xi32>
    %sub3A_840 = arith.subi %sub3A_839, %iota3A : vector<16xi32>
    %add3A_841 = arith.addi %mul3A_837, %sub3A_840 : vector<16xi32>
    %jit3A_842 = arith.constant -1 : i32
    %broadcast_in_dim3A_843 = vector.broadcast %jit3A_842 : i32 to vector<16xi32>
    %select_n3A_844 = arith.select %and3A_833, %add3A_841, %broadcast_in_dim3A_843 : vector<16xi1>, vector<16xi32>
    %reduce_max3A_845 = arith.constant true
    %reduce_max3A_846 = vector.broadcast %reduce_max3A_845 : i1 to vector<16xi1>
    %reduce_max3A_847 = arith.constant -2147483648 : i32
    %reduce_max3A_848 = vector.broadcast %reduce_max3A_847 : i32 to vector<16xi32>
    %reduce_max3A_849 = arith.xori %select_n3A_844, %reduce_max3A_848 : vector<16xi32>
    %reduce_max3A_850 = tpu.scan <max>, %reduce_max3A_849 masked %reduce_max3A_846 : vector<16xi32>, vector<16xi1> -> vector<16xi32>
    %reduce_max3A_851 = arith.xori %reduce_max3A_850, %reduce_max3A_848 : vector<16xi32>
    %reduce_max3A_852 = vector.extract %reduce_max3A_851[15] : i32 from vector<16xi32>
    %max3A_853 = arith.constant -1 : i32
    %max3A_854 = arith.maxsi %max3A_853, %reduce_max3A_852 : i32
    %and3A_855 = arith.constant 4095 : i32
    %and3A_856 = arith.andi %max3A_854, %and3A_855 : i32
    %shift_right_logical3A_857 = arith.constant 12 : i32
    %shift_right_logical3A_858 = arith.shrui %max3A_854, %shift_right_logical3A_857 : i32
    %mul3A_859 = arith.constant 16 : i32
    %mul3A_860 = arith.muli %and3A_810, %mul3A_859 : i32
    %add3A_861 = arith.addi %and3A_856, %mul3A_860 : i32
    %sub3A_862 = arith.constant 160 : i32
    %sub3A_863 = arith.subi %sub3A_862, %shift_right_logical3A_858 : i32
    %get3A_864 = arith.constant 240 : index
    %get3A_865 = tpu.vector_load %arg11[%get3A_864] {strides = array<i32>} : memref<256xi32, #tpu.memory_space<vmem>>, vector<16xi32>,
    %rev3A_866 = arith.constant 15 : i32
    %rev3A_867 = vector.broadcast %rev3A_866 : i32 to vector<16xi32>
    %rev3A_868 = tpu.iota {dimensions = array<i32: 0>} : vector<16xi32>
    %rev3A_869 = arith.subi %rev3A_867, %rev3A_868 : vector<16xi32>
    %rev3A_870 = tpu.dynamic_gather %get3A_865[%rev3A_869] in [0] : vector<16xi32>, vector<16xi32> -> vector<16xi32>
    %broadcast_in_dim3A_871 = arith.constant true
    %broadcast_in_dim3A_872 = vector.broadcast %broadcast_in_dim3A_871 : i1 to vector<16xi1>
    %masked_cumsum3A_873 = tpu.scan <sum>, %rev3A_870 masked %broadcast_in_dim3A_872 : vector<16xi32>, vector<16xi1> -> vector<16xi32>
    %add3A_874 = arith.constant 0 : i32
    %add3A_875 = vector.broadcast %add3A_874 : i32 to vector<16xi32>
    %add3A_876 = arith.addi %masked_cumsum3A_873, %add3A_875 : vector<16xi32>
    %ge3A_877 = arith.constant 160 : i32
    %ge3A_878 = vector.broadcast %ge3A_877 : i32 to vector<16xi32>
    %ge3A_879 = arith.cmpi sge, %add3A_876, %ge3A_878 : vector<16xi32>
    %sub3A_880 = arith.subi %add3A_876, %rev3A_870 : vector<16xi32>
    %lt3A_881 = arith.constant 160 : i32
    %lt3A_882 = vector.broadcast %lt3A_881 : i32 to vector<16xi32>
    %lt3A_883 = arith.cmpi slt, %sub3A_880, %lt3A_882 : vector<16xi32>
    %and3A_884 = arith.andi %ge3A_879, %lt3A_883 : vector<16xi1>
    %sub3A_885 = arith.subi %add3A_876, %rev3A_870 : vector<16xi32>
    %mul3A_886 = arith.constant 4096 : i32
    %mul3A_887 = vector.broadcast %mul3A_886 : i32 to vector<16xi32>
    %mul3A_888 = arith.muli %sub3A_885, %mul3A_887 : vector<16xi32>
    %sub3A_889 = arith.constant 255 : i32
    %sub3A_890 = vector.broadcast %sub3A_889 : i32 to vector<16xi32>
    %sub3A_891 = arith.subi %sub3A_890, %iota3A : vector<16xi32>
    %add3A_892 = arith.addi %mul3A_888, %sub3A_891 : vector<16xi32>
    %jit3A_893 = arith.constant -1 : i32
    %broadcast_in_dim3A_894 = vector.broadcast %jit3A_893 : i32 to vector<16xi32>
    %select_n3A_895 = arith.select %and3A_884, %add3A_892, %broadcast_in_dim3A_894 : vector<16xi1>, vector<16xi32>
    %reduce_max3A_896 = arith.constant true
    %reduce_max3A_897 = vector.broadcast %reduce_max3A_896 : i1 to vector<16xi1>
    %reduce_max3A_898 = arith.constant -2147483648 : i32
    %reduce_max3A_899 = vector.broadcast %reduce_max3A_898 : i32 to vector<16xi32>
    %reduce_max3A_900 = arith.xori %select_n3A_895, %reduce_max3A_899 : vector<16xi32>
    %reduce_max3A_901 = tpu.scan <max>, %reduce_max3A_900 masked %reduce_max3A_897 : vector<16xi32>, vector<16xi1> -> vector<16xi32>
    %reduce_max3A_902 = arith.xori %reduce_max3A_901, %reduce_max3A_899 : vector<16xi32>
    %reduce_max3A_903 = vector.extract %reduce_max3A_902[15] : i32 from vector<16xi32>
    %max3A_904 = arith.constant -1 : i32
    %max3A_905 = arith.maxsi %max3A_904, %reduce_max3A_903 : i32
    %reduce_sum3A_906 = arith.constant true
    %reduce_sum3A_907 = vector.broadcast %reduce_sum3A_906 : i1 to vector<16xi1>
    %reduce_sum3A_908 = tpu.scan <sum>, %get3A_865 masked %reduce_sum3A_907 : vector<16xi32>, vector<16xi1> -> vector<16xi32>
    %reduce_sum3A_909 = vector.extract %reduce_sum3A_908[15] : i32 from vector<16xi32>
    %add3A_910 = arith.constant 0 : i32
    %add3A_911 = arith.addi %add3A_910, %reduce_sum3A_909 : i32
    %get3A_912 = arith.constant 224 : index
    %get3A_913 = tpu.vector_load %arg11[%get3A_912] {strides = array<i32>} : memref<256xi32, #tpu.memory_space<vmem>>, vector<16xi32>,
    %rev3A_914 = arith.constant 15 : i32
    %rev3A_915 = vector.broadcast %rev3A_914 : i32 to vector<16xi32>
    %rev3A_916 = tpu.iota {dimensions = array<i32: 0>} : vector<16xi32>
    %rev3A_917 = arith.subi %rev3A_915, %rev3A_916 : vector<16xi32>
    %rev3A_918 = tpu.dynamic_gather %get3A_913[%rev3A_917] in [0] : vector<16xi32>, vector<16xi32> -> vector<16xi32>
    %broadcast_in_dim3A_919 = arith.constant true
    %broadcast_in_dim3A_920 = vector.broadcast %broadcast_in_dim3A_919 : i1 to vector<16xi1>
    %masked_cumsum3A_921 = tpu.scan <sum>, %rev3A_918 masked %broadcast_in_dim3A_920 : vector<16xi32>, vector<16xi1> -> vector<16xi32>
    %add3A_922 = vector.broadcast %add3A_911 : i32 to vector<16xi32>
    %add3A_923 = arith.addi %masked_cumsum3A_921, %add3A_922 : vector<16xi32>
    %ge3A_924 = arith.constant 160 : i32
    %ge3A_925 = vector.broadcast %ge3A_924 : i32 to vector<16xi32>
    %ge3A_926 = arith.cmpi sge, %add3A_923, %ge3A_925 : vector<16xi32>
    %sub3A_927 = arith.subi %add3A_923, %rev3A_918 : vector<16xi32>
    %lt3A_928 = arith.constant 160 : i32
    %lt3A_929 = vector.broadcast %lt3A_928 : i32 to vector<16xi32>
    %lt3A_930 = arith.cmpi slt, %sub3A_927, %lt3A_929 : vector<16xi32>
    %and3A_931 = arith.andi %ge3A_926, %lt3A_930 : vector<16xi1>
    %sub3A_932 = arith.subi %add3A_923, %rev3A_918 : vector<16xi32>
    %mul3A_933 = arith.constant 4096 : i32
    %mul3A_934 = vector.broadcast %mul3A_933 : i32 to vector<16xi32>
    %mul3A_935 = arith.muli %sub3A_932, %mul3A_934 : vector<16xi32>
    %sub3A_936 = arith.constant 239 : i32
    %sub3A_937 = vector.broadcast %sub3A_936 : i32 to vector<16xi32>
    %sub3A_938 = arith.subi %sub3A_937, %iota3A : vector<16xi32>
    %add3A_939 = arith.addi %mul3A_935, %sub3A_938 : vector<16xi32>
    %jit3A_940 = arith.constant -1 : i32
    %broadcast_in_dim3A_941 = vector.broadcast %jit3A_940 : i32 to vector<16xi32>
    %select_n3A_942 = arith.select %and3A_931, %add3A_939, %broadcast_in_dim3A_941 : vector<16xi1>, vector<16xi32>
    %reduce_max3A_943 = arith.constant true
    %reduce_max3A_944 = vector.broadcast %reduce_max3A_943 : i1 to vector<16xi1>
    %reduce_max3A_945 = arith.constant -2147483648 : i32
    %reduce_max3A_946 = vector.broadcast %reduce_max3A_945 : i32 to vector<16xi32>
    %reduce_max3A_947 = arith.xori %select_n3A_942, %reduce_max3A_946 : vector<16xi32>
    %reduce_max3A_948 = tpu.scan <max>, %reduce_max3A_947 masked %reduce_max3A_944 : vector<16xi32>, vector<16xi1> -> vector<16xi32>
    %reduce_max3A_949 = arith.xori %reduce_max3A_948, %reduce_max3A_946 : vector<16xi32>
    %reduce_max3A_950 = vector.extract %reduce_max3A_949[15] : i32 from vector<16xi32>
    %max3A_951 = arith.maxsi %max3A_905, %reduce_max3A_950 : i32
    %reduce_sum3A_952 = arith.constant true
    %reduce_sum3A_953 = vector.broadcast %reduce_sum3A_952 : i1 to vector<16xi1>
    %reduce_sum3A_954 = tpu.scan <sum>, %get3A_913 masked %reduce_sum3A_953 : vector<16xi32>, vector<16xi1> -> vector<16xi32>
    %reduce_sum3A_955 = vector.extract %reduce_sum3A_954[15] : i32 from vector<16xi32>
    %add3A_956 = arith.addi %add3A_911, %reduce_sum3A_955 : i32
    %get3A_957 = arith.constant 208 : index
    %get3A_958 = tpu.vector_load %arg11[%get3A_957] {strides = array<i32>} : memref<256xi32, #tpu.memory_space<vmem>>, vector<16xi32>,
    %rev3A_959 = arith.constant 15 : i32
    %rev3A_960 = vector.broadcast %rev3A_959 : i32 to vector<16xi32>
    %rev3A_961 = tpu.iota {dimensions = array<i32: 0>} : vector<16xi32>
    %rev3A_962 = arith.subi %rev3A_960, %rev3A_961 : vector<16xi32>
    %rev3A_963 = tpu.dynamic_gather %get3A_958[%rev3A_962] in [0] : vector<16xi32>, vector<16xi32> -> vector<16xi32>
    %broadcast_in_dim3A_964 = arith.constant true
    %broadcast_in_dim3A_965 = vector.broadcast %broadcast_in_dim3A_964 : i1 to vector<16xi1>
    %masked_cumsum3A_966 = tpu.scan <sum>, %rev3A_963 masked %broadcast_in_dim3A_965 : vector<16xi32>, vector<16xi1> -> vector<16xi32>
    %add3A_967 = vector.broadcast %add3A_956 : i32 to vector<16xi32>
    %add3A_968 = arith.addi %masked_cumsum3A_966, %add3A_967 : vector<16xi32>
    %ge3A_969 = arith.constant 160 : i32
    %ge3A_970 = vector.broadcast %ge3A_969 : i32 to vector<16xi32>
    %ge3A_971 = arith.cmpi sge, %add3A_968, %ge3A_970 : vector<16xi32>
    %sub3A_972 = arith.subi %add3A_968, %rev3A_963 : vector<16xi32>
    %lt3A_973 = arith.constant 160 : i32
    %lt3A_974 = vector.broadcast %lt3A_973 : i32 to vector<16xi32>
    %lt3A_975 = arith.cmpi slt, %sub3A_972, %lt3A_974 : vector<16xi32>
    %and3A_976 = arith.andi %ge3A_971, %lt3A_975 : vector<16xi1>
    %sub3A_977 = arith.subi %add3A_968, %rev3A_963 : vector<16xi32>
    %mul3A_978 = arith.constant 4096 : i32
    %mul3A_979 = vector.broadcast %mul3A_978 : i32 to vector<16xi32>
    %mul3A_980 = arith.muli %sub3A_977, %mul3A_979 : vector<16xi32>
    %sub3A_981 = arith.constant 223 : i32
    %sub3A_982 = vector.broadcast %sub3A_981 : i32 to vector<16xi32>
    %sub3A_983 = arith.subi %sub3A_982, %iota3A : vector<16xi32>
    %add3A_984 = arith.addi %mul3A_980, %sub3A_983 : vector<16xi32>
    %jit3A_985 = arith.constant -1 : i32
    %broadcast_in_dim3A_986 = vector.broadcast %jit3A_985 : i32 to vector<16xi32>
    %select_n3A_987 = arith.select %and3A_976, %add3A_984, %broadcast_in_dim3A_986 : vector<16xi1>, vector<16xi32>
    %reduce_max3A_988 = arith.constant true
    %reduce_max3A_989 = vector.broadcast %reduce_max3A_988 : i1 to vector<16xi1>
    %reduce_max3A_990 = arith.constant -2147483648 : i32
    %reduce_max3A_991 = vector.broadcast %reduce_max3A_990 : i32 to vector<16xi32>
    %reduce_max3A_992 = arith.xori %select_n3A_987, %reduce_max3A_991 : vector<16xi32>
    %reduce_max3A_993 = tpu.scan <max>, %reduce_max3A_992 masked %reduce_max3A_989 : vector<16xi32>, vector<16xi1> -> vector<16xi32>
    %reduce_max3A_994 = arith.xori %reduce_max3A_993, %reduce_max3A_991 : vector<16xi32>
    %reduce_max3A_995 = vector.extract %reduce_max3A_994[15] : i32 from vector<16xi32>
    %max3A_996 = arith.maxsi %max3A_951, %reduce_max3A_995 : i32
    %reduce_sum3A_997 = arith.constant true
    %reduce_sum3A_998 = vector.broadcast %reduce_sum3A_997 : i1 to vector<16xi1>
    %reduce_sum3A_999 = tpu.scan <sum>, %get3A_958 masked %reduce_sum3A_998 : vector<16xi32>, vector<16xi1> -> vector<16xi32>
    %reduce_sum3A_1000 = vector.extract %reduce_sum3A_999[15] : i32 from vector<16xi32>
    %add3A_1001 = arith.addi %add3A_956, %reduce_sum3A_1000 : i32
    %get3A_1002 = arith.constant 192 : index
    %get3A_1003 = tpu.vector_load %arg11[%get3A_1002] {strides = array<i32>} : memref<256xi32, #tpu.memory_space<vmem>>, vector<16xi32>,
    %rev3A_1004 = arith.constant 15 : i32
    %rev3A_1005 = vector.broadcast %rev3A_1004 : i32 to vector<16xi32>
    %rev3A_1006 = tpu.iota {dimensions = array<i32: 0>} : vector<16xi32>
    %rev3A_1007 = arith.subi %rev3A_1005, %rev3A_1006 : vector<16xi32>
    %rev3A_1008 = tpu.dynamic_gather %get3A_1003[%rev3A_1007] in [0] : vector<16xi32>, vector<16xi32> -> vector<16xi32>
    %broadcast_in_dim3A_1009 = arith.constant true
    %broadcast_in_dim3A_1010 = vector.broadcast %broadcast_in_dim3A_1009 : i1 to vector<16xi1>
    %masked_cumsum3A_1011 = tpu.scan <sum>, %rev3A_1008 masked %broadcast_in_dim3A_1010 : vector<16xi32>, vector<16xi1> -> vector<16xi32>
    %add3A_1012 = vector.broadcast %add3A_1001 : i32 to vector<16xi32>
    %add3A_1013 = arith.addi %masked_cumsum3A_1011, %add3A_1012 : vector<16xi32>
    %ge3A_1014 = arith.constant 160 : i32
    %ge3A_1015 = vector.broadcast %ge3A_1014 : i32 to vector<16xi32>
    %ge3A_1016 = arith.cmpi sge, %add3A_1013, %ge3A_1015 : vector<16xi32>
    %sub3A_1017 = arith.subi %add3A_1013, %rev3A_1008 : vector<16xi32>
    %lt3A_1018 = arith.constant 160 : i32
    %lt3A_1019 = vector.broadcast %lt3A_1018 : i32 to vector<16xi32>
    %lt3A_1020 = arith.cmpi slt, %sub3A_1017, %lt3A_1019 : vector<16xi32>
    %and3A_1021 = arith.andi %ge3A_1016, %lt3A_1020 : vector<16xi1>
    %sub3A_1022 = arith.subi %add3A_1013, %rev3A_1008 : vector<16xi32>
    %mul3A_1023 = arith.constant 4096 : i32
    %mul3A_1024 = vector.broadcast %mul3A_1023 : i32 to vector<16xi32>
    %mul3A_1025 = arith.muli %sub3A_1022, %mul3A_1024 : vector<16xi32>
    %sub3A_1026 = arith.constant 207 : i32
    %sub3A_1027 = vector.broadcast %sub3A_1026 : i32 to vector<16xi32>
    %sub3A_1028 = arith.subi %sub3A_1027, %iota3A : vector<16xi32>
    %add3A_1029 = arith.addi %mul3A_1025, %sub3A_1028 : vector<16xi32>
    %jit3A_1030 = arith.constant -1 : i32
    %broadcast_in_dim3A_1031 = vector.broadcast %jit3A_1030 : i32 to vector<16xi32>
    %select_n3A_1032 = arith.select %and3A_1021, %add3A_1029, %broadcast_in_dim3A_1031 : vector<16xi1>, vector<16xi32>
    %reduce_max3A_1033 = arith.constant true
    %reduce_max3A_1034 = vector.broadcast %reduce_max3A_1033 : i1 to vector<16xi1>
    %reduce_max3A_1035 = arith.constant -2147483648 : i32
    %reduce_max3A_1036 = vector.broadcast %reduce_max3A_1035 : i32 to vector<16xi32>
    %reduce_max3A_1037 = arith.xori %select_n3A_1032, %reduce_max3A_1036 : vector<16xi32>
    %reduce_max3A_1038 = tpu.scan <max>, %reduce_max3A_1037 masked %reduce_max3A_1034 : vector<16xi32>, vector<16xi1> -> vector<16xi32>
    %reduce_max3A_1039 = arith.xori %reduce_max3A_1038, %reduce_max3A_1036 : vector<16xi32>
    %reduce_max3A_1040 = vector.extract %reduce_max3A_1039[15] : i32 from vector<16xi32>
    %max3A_1041 = arith.maxsi %max3A_996, %reduce_max3A_1040 : i32
    %reduce_sum3A_1042 = arith.constant true
    %reduce_sum3A_1043 = vector.broadcast %reduce_sum3A_1042 : i1 to vector<16xi1>
    %reduce_sum3A_1044 = tpu.scan <sum>, %get3A_1003 masked %reduce_sum3A_1043 : vector<16xi32>, vector<16xi1> -> vector<16xi32>
    %reduce_sum3A_1045 = vector.extract %reduce_sum3A_1044[15] : i32 from vector<16xi32>
    %add3A_1046 = arith.addi %add3A_1001, %reduce_sum3A_1045 : i32
    %get3A_1047 = arith.constant 176 : index
    %get3A_1048 = tpu.vector_load %arg11[%get3A_1047] {strides = array<i32>} : memref<256xi32, #tpu.memory_space<vmem>>, vector<16xi32>,
    %rev3A_1049 = arith.constant 15 : i32
    %rev3A_1050 = vector.broadcast %rev3A_1049 : i32 to vector<16xi32>
    %rev3A_1051 = tpu.iota {dimensions = array<i32: 0>} : vector<16xi32>
    %rev3A_1052 = arith.subi %rev3A_1050, %rev3A_1051 : vector<16xi32>
    %rev3A_1053 = tpu.dynamic_gather %get3A_1048[%rev3A_1052] in [0] : vector<16xi32>, vector<16xi32> -> vector<16xi32>
    %broadcast_in_dim3A_1054 = arith.constant true
    %broadcast_in_dim3A_1055 = vector.broadcast %broadcast_in_dim3A_1054 : i1 to vector<16xi1>
    %masked_cumsum3A_1056 = tpu.scan <sum>, %rev3A_1053 masked %broadcast_in_dim3A_1055 : vector<16xi32>, vector<16xi1> -> vector<16xi32>
    %add3A_1057 = vector.broadcast %add3A_1046 : i32 to vector<16xi32>
    %add3A_1058 = arith.addi %masked_cumsum3A_1056, %add3A_1057 : vector<16xi32>
    %ge3A_1059 = arith.constant 160 : i32
    %ge3A_1060 = vector.broadcast %ge3A_1059 : i32 to vector<16xi32>
    %ge3A_1061 = arith.cmpi sge, %add3A_1058, %ge3A_1060 : vector<16xi32>
    %sub3A_1062 = arith.subi %add3A_1058, %rev3A_1053 : vector<16xi32>
    %lt3A_1063 = arith.constant 160 : i32
    %lt3A_1064 = vector.broadcast %lt3A_1063 : i32 to vector<16xi32>
    %lt3A_1065 = arith.cmpi slt, %sub3A_1062, %lt3A_1064 : vector<16xi32>
    %and3A_1066 = arith.andi %ge3A_1061, %lt3A_1065 : vector<16xi1>
    %sub3A_1067 = arith.subi %add3A_1058, %rev3A_1053 : vector<16xi32>
    %mul3A_1068 = arith.constant 4096 : i32
    %mul3A_1069 = vector.broadcast %mul3A_1068 : i32 to vector<16xi32>
    %mul3A_1070 = arith.muli %sub3A_1067, %mul3A_1069 : vector<16xi32>
    %sub3A_1071 = arith.constant 191 : i32
    %sub3A_1072 = vector.broadcast %sub3A_1071 : i32 to vector<16xi32>
    %sub3A_1073 = arith.subi %sub3A_1072, %iota3A : vector<16xi32>
    %add3A_1074 = arith.addi %mul3A_1070, %sub3A_1073 : vector<16xi32>
    %jit3A_1075 = arith.constant -1 : i32
    %broadcast_in_dim3A_1076 = vector.broadcast %jit3A_1075 : i32 to vector<16xi32>
    %select_n3A_1077 = arith.select %and3A_1066, %add3A_1074, %broadcast_in_dim3A_1076 : vector<16xi1>, vector<16xi32>
    %reduce_max3A_1078 = arith.constant true
    %reduce_max3A_1079 = vector.broadcast %reduce_max3A_1078 : i1 to vector<16xi1>
    %reduce_max3A_1080 = arith.constant -2147483648 : i32
    %reduce_max3A_1081 = vector.broadcast %reduce_max3A_1080 : i32 to vector<16xi32>
    %reduce_max3A_1082 = arith.xori %select_n3A_1077, %reduce_max3A_1081 : vector<16xi32>
    %reduce_max3A_1083 = tpu.scan <max>, %reduce_max3A_1082 masked %reduce_max3A_1079 : vector<16xi32>, vector<16xi1> -> vector<16xi32>
    %reduce_max3A_1084 = arith.xori %reduce_max3A_1083, %reduce_max3A_1081 : vector<16xi32>
    %reduce_max3A_1085 = vector.extract %reduce_max3A_1084[15] : i32 from vector<16xi32>
    %max3A_1086 = arith.maxsi %max3A_1041, %reduce_max3A_1085 : i32
    %reduce_sum3A_1087 = arith.constant true
    %reduce_sum3A_1088 = vector.broadcast %reduce_sum3A_1087 : i1 to vector<16xi1>
    %reduce_sum3A_1089 = tpu.scan <sum>, %get3A_1048 masked %reduce_sum3A_1088 : vector<16xi32>, vector<16xi1> -> vector<16xi32>
    %reduce_sum3A_1090 = vector.extract %reduce_sum3A_1089[15] : i32 from vector<16xi32>
    %add3A_1091 = arith.addi %add3A_1046, %reduce_sum3A_1090 : i32
    %get3A_1092 = arith.constant 160 : index
    %get3A_1093 = tpu.vector_load %arg11[%get3A_1092] {strides = array<i32>} : memref<256xi32, #tpu.memory_space<vmem>>, vector<16xi32>,
    %rev3A_1094 = arith.constant 15 : i32
    %rev3A_1095 = vector.broadcast %rev3A_1094 : i32 to vector<16xi32>
    %rev3A_1096 = tpu.iota {dimensions = array<i32: 0>} : vector<16xi32>
    %rev3A_1097 = arith.subi %rev3A_1095, %rev3A_1096 : vector<16xi32>
    %rev3A_1098 = tpu.dynamic_gather %get3A_1093[%rev3A_1097] in [0] : vector<16xi32>, vector<16xi32> -> vector<16xi32>
    %broadcast_in_dim3A_1099 = arith.constant true
    %broadcast_in_dim3A_1100 = vector.broadcast %broadcast_in_dim3A_1099 : i1 to vector<16xi1>
    %masked_cumsum3A_1101 = tpu.scan <sum>, %rev3A_1098 masked %broadcast_in_dim3A_1100 : vector<16xi32>, vector<16xi1> -> vector<16xi32>
    %add3A_1102 = vector.broadcast %add3A_1091 : i32 to vector<16xi32>
    %add3A_1103 = arith.addi %masked_cumsum3A_1101, %add3A_1102 : vector<16xi32>
    %ge3A_1104 = arith.constant 160 : i32
    %ge3A_1105 = vector.broadcast %ge3A_1104 : i32 to vector<16xi32>
    %ge3A_1106 = arith.cmpi sge, %add3A_1103, %ge3A_1105 : vector<16xi32>
    %sub3A_1107 = arith.subi %add3A_1103, %rev3A_1098 : vector<16xi32>
    %lt3A_1108 = arith.constant 160 : i32
    %lt3A_1109 = vector.broadcast %lt3A_1108 : i32 to vector<16xi32>
    %lt3A_1110 = arith.cmpi slt, %sub3A_1107, %lt3A_1109 : vector<16xi32>
    %and3A_1111 = arith.andi %ge3A_1106, %lt3A_1110 : vector<16xi1>
    %sub3A_1112 = arith.subi %add3A_1103, %rev3A_1098 : vector<16xi32>
    %mul3A_1113 = arith.constant 4096 : i32
    %mul3A_1114 = vector.broadcast %mul3A_1113 : i32 to vector<16xi32>
    %mul3A_1115 = arith.muli %sub3A_1112, %mul3A_1114 : vector<16xi32>
    %sub3A_1116 = arith.constant 175 : i32
    %sub3A_1117 = vector.broadcast %sub3A_1116 : i32 to vector<16xi32>
    %sub3A_1118 = arith.subi %sub3A_1117, %iota3A : vector<16xi32>
    %add3A_1119 = arith.addi %mul3A_1115, %sub3A_1118 : vector<16xi32>
    %jit3A_1120 = arith.constant -1 : i32
    %broadcast_in_dim3A_1121 = vector.broadcast %jit3A_1120 : i32 to vector<16xi32>
    %select_n3A_1122 = arith.select %and3A_1111, %add3A_1119, %broadcast_in_dim3A_1121 : vector<16xi1>, vector<16xi32>
    %reduce_max3A_1123 = arith.constant true
    %reduce_max3A_1124 = vector.broadcast %reduce_max3A_1123 : i1 to vector<16xi1>
    %reduce_max3A_1125 = arith.constant -2147483648 : i32
    %reduce_max3A_1126 = vector.broadcast %reduce_max3A_1125 : i32 to vector<16xi32>
    %reduce_max3A_1127 = arith.xori %select_n3A_1122, %reduce_max3A_1126 : vector<16xi32>
    %reduce_max3A_1128 = tpu.scan <max>, %reduce_max3A_1127 masked %reduce_max3A_1124 : vector<16xi32>, vector<16xi1> -> vector<16xi32>
    %reduce_max3A_1129 = arith.xori %reduce_max3A_1128, %reduce_max3A_1126 : vector<16xi32>
    %reduce_max3A_1130 = vector.extract %reduce_max3A_1129[15] : i32 from vector<16xi32>
    %max3A_1131 = arith.maxsi %max3A_1086, %reduce_max3A_1130 : i32
    %reduce_sum3A_1132 = arith.constant true
    %reduce_sum3A_1133 = vector.broadcast %reduce_sum3A_1132 : i1 to vector<16xi1>
    %reduce_sum3A_1134 = tpu.scan <sum>, %get3A_1093 masked %reduce_sum3A_1133 : vector<16xi32>, vector<16xi1> -> vector<16xi32>
    %reduce_sum3A_1135 = vector.extract %reduce_sum3A_1134[15] : i32 from vector<16xi32>
    %add3A_1136 = arith.addi %add3A_1091, %reduce_sum3A_1135 : i32
    %get3A_1137 = arith.constant 144 : index
    %get3A_1138 = tpu.vector_load %arg11[%get3A_1137] {strides = array<i32>} : memref<256xi32, #tpu.memory_space<vmem>>, vector<16xi32>,
    %rev3A_1139 = arith.constant 15 : i32
    %rev3A_1140 = vector.broadcast %rev3A_1139 : i32 to vector<16xi32>
    %rev3A_1141 = tpu.iota {dimensions = array<i32: 0>} : vector<16xi32>
    %rev3A_1142 = arith.subi %rev3A_1140, %rev3A_1141 : vector<16xi32>
    %rev3A_1143 = tpu.dynamic_gather %get3A_1138[%rev3A_1142] in [0] : vector<16xi32>, vector<16xi32> -> vector<16xi32>
    %broadcast_in_dim3A_1144 = arith.constant true
    %broadcast_in_dim3A_1145 = vector.broadcast %broadcast_in_dim3A_1144 : i1 to vector<16xi1>
    %masked_cumsum3A_1146 = tpu.scan <sum>, %rev3A_1143 masked %broadcast_in_dim3A_1145 : vector<16xi32>, vector<16xi1> -> vector<16xi32>
    %add3A_1147 = vector.broadcast %add3A_1136 : i32 to vector<16xi32>
    %add3A_1148 = arith.addi %masked_cumsum3A_1146, %add3A_1147 : vector<16xi32>
    %ge3A_1149 = arith.constant 160 : i32
    %ge3A_1150 = vector.broadcast %ge3A_1149 : i32 to vector<16xi32>
    %ge3A_1151 = arith.cmpi sge, %add3A_1148, %ge3A_1150 : vector<16xi32>
    %sub3A_1152 = arith.subi %add3A_1148, %rev3A_1143 : vector<16xi32>
    %lt3A_1153 = arith.constant 160 : i32
    %lt3A_1154 = vector.broadcast %lt3A_1153 : i32 to vector<16xi32>
    %lt3A_1155 = arith.cmpi slt, %sub3A_1152, %lt3A_1154 : vector<16xi32>
    %and3A_1156 = arith.andi %ge3A_1151, %lt3A_1155 : vector<16xi1>
    %sub3A_1157 = arith.subi %add3A_1148, %rev3A_1143 : vector<16xi32>
    %mul3A_1158 = arith.constant 4096 : i32
    %mul3A_1159 = vector.broadcast %mul3A_1158 : i32 to vector<16xi32>
    %mul3A_1160 = arith.muli %sub3A_1157, %mul3A_1159 : vector<16xi32>
    %sub3A_1161 = arith.constant 159 : i32
    %sub3A_1162 = vector.broadcast %sub3A_1161 : i32 to vector<16xi32>
    %sub3A_1163 = arith.subi %sub3A_1162, %iota3A : vector<16xi32>
    %add3A_1164 = arith.addi %mul3A_1160, %sub3A_1163 : vector<16xi32>
    %jit3A_1165 = arith.constant -1 : i32
    %broadcast_in_dim3A_1166 = vector.broadcast %jit3A_1165 : i32 to vector<16xi32>
    %select_n3A_1167 = arith.select %and3A_1156, %add3A_1164, %broadcast_in_dim3A_1166 : vector<16xi1>, vector<16xi32>
    %reduce_max3A_1168 = arith.constant true
    %reduce_max3A_1169 = vector.broadcast %reduce_max3A_1168 : i1 to vector<16xi1>
    %reduce_max3A_1170 = arith.constant -2147483648 : i32
    %reduce_max3A_1171 = vector.broadcast %reduce_max3A_1170 : i32 to vector<16xi32>
    %reduce_max3A_1172 = arith.xori %select_n3A_1167, %reduce_max3A_1171 : vector<16xi32>
    %reduce_max3A_1173 = tpu.scan <max>, %reduce_max3A_1172 masked %reduce_max3A_1169 : vector<16xi32>, vector<16xi1> -> vector<16xi32>
    %reduce_max3A_1174 = arith.xori %reduce_max3A_1173, %reduce_max3A_1171 : vector<16xi32>
    %reduce_max3A_1175 = vector.extract %reduce_max3A_1174[15] : i32 from vector<16xi32>
    %max3A_1176 = arith.maxsi %max3A_1131, %reduce_max3A_1175 : i32
    %reduce_sum3A_1177 = arith.constant true
    %reduce_sum3A_1178 = vector.broadcast %reduce_sum3A_1177 : i1 to vector<16xi1>
    %reduce_sum3A_1179 = tpu.scan <sum>, %get3A_1138 masked %reduce_sum3A_1178 : vector<16xi32>, vector<16xi1> -> vector<16xi32>
    %reduce_sum3A_1180 = vector.extract %reduce_sum3A_1179[15] : i32 from vector<16xi32>
    %add3A_1181 = arith.addi %add3A_1136, %reduce_sum3A_1180 : i32
    %get3A_1182 = arith.constant 128 : index
    %get3A_1183 = tpu.vector_load %arg11[%get3A_1182] {strides = array<i32>} : memref<256xi32, #tpu.memory_space<vmem>>, vector<16xi32>,
    %rev3A_1184 = arith.constant 15 : i32
    %rev3A_1185 = vector.broadcast %rev3A_1184 : i32 to vector<16xi32>
    %rev3A_1186 = tpu.iota {dimensions = array<i32: 0>} : vector<16xi32>
    %rev3A_1187 = arith.subi %rev3A_1185, %rev3A_1186 : vector<16xi32>
    %rev3A_1188 = tpu.dynamic_gather %get3A_1183[%rev3A_1187] in [0] : vector<16xi32>, vector<16xi32> -> vector<16xi32>
    %broadcast_in_dim3A_1189 = arith.constant true
    %broadcast_in_dim3A_1190 = vector.broadcast %broadcast_in_dim3A_1189 : i1 to vector<16xi1>
    %masked_cumsum3A_1191 = tpu.scan <sum>, %rev3A_1188 masked %broadcast_in_dim3A_1190 : vector<16xi32>, vector<16xi1> -> vector<16xi32>
    %add3A_1192 = vector.broadcast %add3A_1181 : i32 to vector<16xi32>
    %add3A_1193 = arith.addi %masked_cumsum3A_1191, %add3A_1192 : vector<16xi32>
    %ge3A_1194 = arith.constant 160 : i32
    %ge3A_1195 = vector.broadcast %ge3A_1194 : i32 to vector<16xi32>
    %ge3A_1196 = arith.cmpi sge, %add3A_1193, %ge3A_1195 : vector<16xi32>
    %sub3A_1197 = arith.subi %add3A_1193, %rev3A_1188 : vector<16xi32>
    %lt3A_1198 = arith.constant 160 : i32
    %lt3A_1199 = vector.broadcast %lt3A_1198 : i32 to vector<16xi32>
    %lt3A_1200 = arith.cmpi slt, %sub3A_1197, %lt3A_1199 : vector<16xi32>
    %and3A_1201 = arith.andi %ge3A_1196, %lt3A_1200 : vector<16xi1>
    %sub3A_1202 = arith.subi %add3A_1193, %rev3A_1188 : vector<16xi32>
    %mul3A_1203 = arith.constant 4096 : i32
    %mul3A_1204 = vector.broadcast %mul3A_1203 : i32 to vector<16xi32>
    %mul3A_1205 = arith.muli %sub3A_1202, %mul3A_1204 : vector<16xi32>
    %sub3A_1206 = arith.constant 143 : i32
    %sub3A_1207 = vector.broadcast %sub3A_1206 : i32 to vector<16xi32>
    %sub3A_1208 = arith.subi %sub3A_1207, %iota3A : vector<16xi32>
    %add3A_1209 = arith.addi %mul3A_1205, %sub3A_1208 : vector<16xi32>
    %jit3A_1210 = arith.constant -1 : i32
    %broadcast_in_dim3A_1211 = vector.broadcast %jit3A_1210 : i32 to vector<16xi32>
    %select_n3A_1212 = arith.select %and3A_1201, %add3A_1209, %broadcast_in_dim3A_1211 : vector<16xi1>, vector<16xi32>
    %reduce_max3A_1213 = arith.constant true
    %reduce_max3A_1214 = vector.broadcast %reduce_max3A_1213 : i1 to vector<16xi1>
    %reduce_max3A_1215 = arith.constant -2147483648 : i32
    %reduce_max3A_1216 = vector.broadcast %reduce_max3A_1215 : i32 to vector<16xi32>
    %reduce_max3A_1217 = arith.xori %select_n3A_1212, %reduce_max3A_1216 : vector<16xi32>
    %reduce_max3A_1218 = tpu.scan <max>, %reduce_max3A_1217 masked %reduce_max3A_1214 : vector<16xi32>, vector<16xi1> -> vector<16xi32>
    %reduce_max3A_1219 = arith.xori %reduce_max3A_1218, %reduce_max3A_1216 : vector<16xi32>
    %reduce_max3A_1220 = vector.extract %reduce_max3A_1219[15] : i32 from vector<16xi32>
    %max3A_1221 = arith.maxsi %max3A_1176, %reduce_max3A_1220 : i32
    %reduce_sum3A_1222 = arith.constant true
    %reduce_sum3A_1223 = vector.broadcast %reduce_sum3A_1222 : i1 to vector<16xi1>
    %reduce_sum3A_1224 = tpu.scan <sum>, %get3A_1183 masked %reduce_sum3A_1223 : vector<16xi32>, vector<16xi1> -> vector<16xi32>
    %reduce_sum3A_1225 = vector.extract %reduce_sum3A_1224[15] : i32 from vector<16xi32>
    %add3A_1226 = arith.addi %add3A_1181, %reduce_sum3A_1225 : i32
    %get3A_1227 = arith.constant 112 : index
    %get3A_1228 = tpu.vector_load %arg11[%get3A_1227] {strides = array<i32>} : memref<256xi32, #tpu.memory_space<vmem>>, vector<16xi32>,
    %rev3A_1229 = arith.constant 15 : i32
    %rev3A_1230 = vector.broadcast %rev3A_1229 : i32 to vector<16xi32>
    %rev3A_1231 = tpu.iota {dimensions = array<i32: 0>} : vector<16xi32>
    %rev3A_1232 = arith.subi %rev3A_1230, %rev3A_1231 : vector<16xi32>
    %rev3A_1233 = tpu.dynamic_gather %get3A_1228[%rev3A_1232] in [0] : vector<16xi32>, vector<16xi32> -> vector<16xi32>
    %broadcast_in_dim3A_1234 = arith.constant true
    %broadcast_in_dim3A_1235 = vector.broadcast %broadcast_in_dim3A_1234 : i1 to vector<16xi1>
    %masked_cumsum3A_1236 = tpu.scan <sum>, %rev3A_1233 masked %broadcast_in_dim3A_1235 : vector<16xi32>, vector<16xi1> -> vector<16xi32>
    %add3A_1237 = vector.broadcast %add3A_1226 : i32 to vector<16xi32>
    %add3A_1238 = arith.addi %masked_cumsum3A_1236, %add3A_1237 : vector<16xi32>
    %ge3A_1239 = arith.constant 160 : i32
    %ge3A_1240 = vector.broadcast %ge3A_1239 : i32 to vector<16xi32>
    %ge3A_1241 = arith.cmpi sge, %add3A_1238, %ge3A_1240 : vector<16xi32>
    %sub3A_1242 = arith.subi %add3A_1238, %rev3A_1233 : vector<16xi32>
    %lt3A_1243 = arith.constant 160 : i32
    %lt3A_1244 = vector.broadcast %lt3A_1243 : i32 to vector<16xi32>
    %lt3A_1245 = arith.cmpi slt, %sub3A_1242, %lt3A_1244 : vector<16xi32>
    %and3A_1246 = arith.andi %ge3A_1241, %lt3A_1245 : vector<16xi1>
    %sub3A_1247 = arith.subi %add3A_1238, %rev3A_1233 : vector<16xi32>
    %mul3A_1248 = arith.constant 4096 : i32
    %mul3A_1249 = vector.broadcast %mul3A_1248 : i32 to vector<16xi32>
    %mul3A_1250 = arith.muli %sub3A_1247, %mul3A_1249 : vector<16xi32>
    %sub3A_1251 = arith.constant 127 : i32
    %sub3A_1252 = vector.broadcast %sub3A_1251 : i32 to vector<16xi32>
    %sub3A_1253 = arith.subi %sub3A_1252, %iota3A : vector<16xi32>
    %add3A_1254 = arith.addi %mul3A_1250, %sub3A_1253 : vector<16xi32>
    %jit3A_1255 = arith.constant -1 : i32
    %broadcast_in_dim3A_1256 = vector.broadcast %jit3A_1255 : i32 to vector<16xi32>
    %select_n3A_1257 = arith.select %and3A_1246, %add3A_1254, %broadcast_in_dim3A_1256 : vector<16xi1>, vector<16xi32>
    %reduce_max3A_1258 = arith.constant true
    %reduce_max3A_1259 = vector.broadcast %reduce_max3A_1258 : i1 to vector<16xi1>
    %reduce_max3A_1260 = arith.constant -2147483648 : i32
    %reduce_max3A_1261 = vector.broadcast %reduce_max3A_1260 : i32 to vector<16xi32>
    %reduce_max3A_1262 = arith.xori %select_n3A_1257, %reduce_max3A_1261 : vector<16xi32>
    %reduce_max3A_1263 = tpu.scan <max>, %reduce_max3A_1262 masked %reduce_max3A_1259 : vector<16xi32>, vector<16xi1> -> vector<16xi32>
    %reduce_max3A_1264 = arith.xori %reduce_max3A_1263, %reduce_max3A_1261 : vector<16xi32>
    %reduce_max3A_1265 = vector.extract %reduce_max3A_1264[15] : i32 from vector<16xi32>
    %max3A_1266 = arith.maxsi %max3A_1221, %reduce_max3A_1265 : i32
    %reduce_sum3A_1267 = arith.constant true
    %reduce_sum3A_1268 = vector.broadcast %reduce_sum3A_1267 : i1 to vector<16xi1>
    %reduce_sum3A_1269 = tpu.scan <sum>, %get3A_1228 masked %reduce_sum3A_1268 : vector<16xi32>, vector<16xi1> -> vector<16xi32>
    %reduce_sum3A_1270 = vector.extract %reduce_sum3A_1269[15] : i32 from vector<16xi32>
    %add3A_1271 = arith.addi %add3A_1226, %reduce_sum3A_1270 : i32
    %get3A_1272 = arith.constant 96 : index
    %get3A_1273 = tpu.vector_load %arg11[%get3A_1272] {strides = array<i32>} : memref<256xi32, #tpu.memory_space<vmem>>, vector<16xi32>,
    %rev3A_1274 = arith.constant 15 : i32
    %rev3A_1275 = vector.broadcast %rev3A_1274 : i32 to vector<16xi32>
    %rev3A_1276 = tpu.iota {dimensions = array<i32: 0>} : vector<16xi32>
    %rev3A_1277 = arith.subi %rev3A_1275, %rev3A_1276 : vector<16xi32>
    %rev3A_1278 = tpu.dynamic_gather %get3A_1273[%rev3A_1277] in [0] : vector<16xi32>, vector<16xi32> -> vector<16xi32>
    %broadcast_in_dim3A_1279 = arith.constant true
    %broadcast_in_dim3A_1280 = vector.broadcast %broadcast_in_dim3A_1279 : i1 to vector<16xi1>
    %masked_cumsum3A_1281 = tpu.scan <sum>, %rev3A_1278 masked %broadcast_in_dim3A_1280 : vector<16xi32>, vector<16xi1> -> vector<16xi32>
    %add3A_1282 = vector.broadcast %add3A_1271 : i32 to vector<16xi32>
    %add3A_1283 = arith.addi %masked_cumsum3A_1281, %add3A_1282 : vector<16xi32>
    %ge3A_1284 = arith.constant 160 : i32
    %ge3A_1285 = vector.broadcast %ge3A_1284 : i32 to vector<16xi32>
    %ge3A_1286 = arith.cmpi sge, %add3A_1283, %ge3A_1285 : vector<16xi32>
    %sub3A_1287 = arith.subi %add3A_1283, %rev3A_1278 : vector<16xi32>
    %lt3A_1288 = arith.constant 160 : i32
    %lt3A_1289 = vector.broadcast %lt3A_1288 : i32 to vector<16xi32>
    %lt3A_1290 = arith.cmpi slt, %sub3A_1287, %lt3A_1289 : vector<16xi32>
    %and3A_1291 = arith.andi %ge3A_1286, %lt3A_1290 : vector<16xi1>
    %sub3A_1292 = arith.subi %add3A_1283, %rev3A_1278 : vector<16xi32>
    %mul3A_1293 = arith.constant 4096 : i32
    %mul3A_1294 = vector.broadcast %mul3A_1293 : i32 to vector<16xi32>
    %mul3A_1295 = arith.muli %sub3A_1292, %mul3A_1294 : vector<16xi32>
    %sub3A_1296 = arith.constant 111 : i32
    %sub3A_1297 = vector.broadcast %sub3A_1296 : i32 to vector<16xi32>
    %sub3A_1298 = arith.subi %sub3A_1297, %iota3A : vector<16xi32>
    %add3A_1299 = arith.addi %mul3A_1295, %sub3A_1298 : vector<16xi32>
    %jit3A_1300 = arith.constant -1 : i32
    %broadcast_in_dim3A_1301 = vector.broadcast %jit3A_1300 : i32 to vector<16xi32>
    %select_n3A_1302 = arith.select %and3A_1291, %add3A_1299, %broadcast_in_dim3A_1301 : vector<16xi1>, vector<16xi32>
    %reduce_max3A_1303 = arith.constant true
    %reduce_max3A_1304 = vector.broadcast %reduce_max3A_1303 : i1 to vector<16xi1>
    %reduce_max3A_1305 = arith.constant -2147483648 : i32
    %reduce_max3A_1306 = vector.broadcast %reduce_max3A_1305 : i32 to vector<16xi32>
    %reduce_max3A_1307 = arith.xori %select_n3A_1302, %reduce_max3A_1306 : vector<16xi32>
    %reduce_max3A_1308 = tpu.scan <max>, %reduce_max3A_1307 masked %reduce_max3A_1304 : vector<16xi32>, vector<16xi1> -> vector<16xi32>
    %reduce_max3A_1309 = arith.xori %reduce_max3A_1308, %reduce_max3A_1306 : vector<16xi32>
    %reduce_max3A_1310 = vector.extract %reduce_max3A_1309[15] : i32 from vector<16xi32>
    %max3A_1311 = arith.maxsi %max3A_1266, %reduce_max3A_1310 : i32
    %reduce_sum3A_1312 = arith.constant true
    %reduce_sum3A_1313 = vector.broadcast %reduce_sum3A_1312 : i1 to vector<16xi1>
    %reduce_sum3A_1314 = tpu.scan <sum>, %get3A_1273 masked %reduce_sum3A_1313 : vector<16xi32>, vector<16xi1> -> vector<16xi32>
    %reduce_sum3A_1315 = vector.extract %reduce_sum3A_1314[15] : i32 from vector<16xi32>
    %add3A_1316 = arith.addi %add3A_1271, %reduce_sum3A_1315 : i32
    %get3A_1317 = arith.constant 80 : index
    %get3A_1318 = tpu.vector_load %arg11[%get3A_1317] {strides = array<i32>} : memref<256xi32, #tpu.memory_space<vmem>>, vector<16xi32>,
    %rev3A_1319 = arith.constant 15 : i32
    %rev3A_1320 = vector.broadcast %rev3A_1319 : i32 to vector<16xi32>
    %rev3A_1321 = tpu.iota {dimensions = array<i32: 0>} : vector<16xi32>
    %rev3A_1322 = arith.subi %rev3A_1320, %rev3A_1321 : vector<16xi32>
    %rev3A_1323 = tpu.dynamic_gather %get3A_1318[%rev3A_1322] in [0] : vector<16xi32>, vector<16xi32> -> vector<16xi32>
    %broadcast_in_dim3A_1324 = arith.constant true
    %broadcast_in_dim3A_1325 = vector.broadcast %broadcast_in_dim3A_1324 : i1 to vector<16xi1>
    %masked_cumsum3A_1326 = tpu.scan <sum>, %rev3A_1323 masked %broadcast_in_dim3A_1325 : vector<16xi32>, vector<16xi1> -> vector<16xi32>
    %add3A_1327 = vector.broadcast %add3A_1316 : i32 to vector<16xi32>
    %add3A_1328 = arith.addi %masked_cumsum3A_1326, %add3A_1327 : vector<16xi32>
    %ge3A_1329 = arith.constant 160 : i32
    %ge3A_1330 = vector.broadcast %ge3A_1329 : i32 to vector<16xi32>
    %ge3A_1331 = arith.cmpi sge, %add3A_1328, %ge3A_1330 : vector<16xi32>
    %sub3A_1332 = arith.subi %add3A_1328, %rev3A_1323 : vector<16xi32>
    %lt3A_1333 = arith.constant 160 : i32
    %lt3A_1334 = vector.broadcast %lt3A_1333 : i32 to vector<16xi32>
    %lt3A_1335 = arith.cmpi slt, %sub3A_1332, %lt3A_1334 : vector<16xi32>
    %and3A_1336 = arith.andi %ge3A_1331, %lt3A_1335 : vector<16xi1>
    %sub3A_1337 = arith.subi %add3A_1328, %rev3A_1323 : vector<16xi32>
    %mul3A_1338 = arith.constant 4096 : i32
    %mul3A_1339 = vector.broadcast %mul3A_1338 : i32 to vector<16xi32>
    %mul3A_1340 = arith.muli %sub3A_1337, %mul3A_1339 : vector<16xi32>
    %sub3A_1341 = arith.constant 95 : i32
    %sub3A_1342 = vector.broadcast %sub3A_1341 : i32 to vector<16xi32>
    %sub3A_1343 = arith.subi %sub3A_1342, %iota3A : vector<16xi32>
    %add3A_1344 = arith.addi %mul3A_1340, %sub3A_1343 : vector<16xi32>
    %jit3A_1345 = arith.constant -1 : i32
    %broadcast_in_dim3A_1346 = vector.broadcast %jit3A_1345 : i32 to vector<16xi32>
    %select_n3A_1347 = arith.select %and3A_1336, %add3A_1344, %broadcast_in_dim3A_1346 : vector<16xi1>, vector<16xi32>
    %reduce_max3A_1348 = arith.constant true
    %reduce_max3A_1349 = vector.broadcast %reduce_max3A_1348 : i1 to vector<16xi1>
    %reduce_max3A_1350 = arith.constant -2147483648 : i32
    %reduce_max3A_1351 = vector.broadcast %reduce_max3A_1350 : i32 to vector<16xi32>
    %reduce_max3A_1352 = arith.xori %select_n3A_1347, %reduce_max3A_1351 : vector<16xi32>
    %reduce_max3A_1353 = tpu.scan <max>, %reduce_max3A_1352 masked %reduce_max3A_1349 : vector<16xi32>, vector<16xi1> -> vector<16xi32>
    %reduce_max3A_1354 = arith.xori %reduce_max3A_1353, %reduce_max3A_1351 : vector<16xi32>
    %reduce_max3A_1355 = vector.extract %reduce_max3A_1354[15] : i32 from vector<16xi32>
    %max3A_1356 = arith.maxsi %max3A_1311, %reduce_max3A_1355 : i32
    %reduce_sum3A_1357 = arith.constant true
    %reduce_sum3A_1358 = vector.broadcast %reduce_sum3A_1357 : i1 to vector<16xi1>
    %reduce_sum3A_1359 = tpu.scan <sum>, %get3A_1318 masked %reduce_sum3A_1358 : vector<16xi32>, vector<16xi1> -> vector<16xi32>
    %reduce_sum3A_1360 = vector.extract %reduce_sum3A_1359[15] : i32 from vector<16xi32>
    %add3A_1361 = arith.addi %add3A_1316, %reduce_sum3A_1360 : i32
    %get3A_1362 = arith.constant 64 : index
    %get3A_1363 = tpu.vector_load %arg11[%get3A_1362] {strides = array<i32>} : memref<256xi32, #tpu.memory_space<vmem>>, vector<16xi32>,
    %rev3A_1364 = arith.constant 15 : i32
    %rev3A_1365 = vector.broadcast %rev3A_1364 : i32 to vector<16xi32>
    %rev3A_1366 = tpu.iota {dimensions = array<i32: 0>} : vector<16xi32>
    %rev3A_1367 = arith.subi %rev3A_1365, %rev3A_1366 : vector<16xi32>
    %rev3A_1368 = tpu.dynamic_gather %get3A_1363[%rev3A_1367] in [0] : vector<16xi32>, vector<16xi32> -> vector<16xi32>
    %broadcast_in_dim3A_1369 = arith.constant true
    %broadcast_in_dim3A_1370 = vector.broadcast %broadcast_in_dim3A_1369 : i1 to vector<16xi1>
    %masked_cumsum3A_1371 = tpu.scan <sum>, %rev3A_1368 masked %broadcast_in_dim3A_1370 : vector<16xi32>, vector<16xi1> -> vector<16xi32>
    %add3A_1372 = vector.broadcast %add3A_1361 : i32 to vector<16xi32>
    %add3A_1373 = arith.addi %masked_cumsum3A_1371, %add3A_1372 : vector<16xi32>
    %ge3A_1374 = arith.constant 160 : i32
    %ge3A_1375 = vector.broadcast %ge3A_1374 : i32 to vector<16xi32>
    %ge3A_1376 = arith.cmpi sge, %add3A_1373, %ge3A_1375 : vector<16xi32>
    %sub3A_1377 = arith.subi %add3A_1373, %rev3A_1368 : vector<16xi32>
    %lt3A_1378 = arith.constant 160 : i32
    %lt3A_1379 = vector.broadcast %lt3A_1378 : i32 to vector<16xi32>
    %lt3A_1380 = arith.cmpi slt, %sub3A_1377, %lt3A_1379 : vector<16xi32>
    %and3A_1381 = arith.andi %ge3A_1376, %lt3A_1380 : vector<16xi1>
    %sub3A_1382 = arith.subi %add3A_1373, %rev3A_1368 : vector<16xi32>
    %mul3A_1383 = arith.constant 4096 : i32
    %mul3A_1384 = vector.broadcast %mul3A_1383 : i32 to vector<16xi32>
    %mul3A_1385 = arith.muli %sub3A_1382, %mul3A_1384 : vector<16xi32>
    %sub3A_1386 = arith.constant 79 : i32
    %sub3A_1387 = vector.broadcast %sub3A_1386 : i32 to vector<16xi32>
    %sub3A_1388 = arith.subi %sub3A_1387, %iota3A : vector<16xi32>
    %add3A_1389 = arith.addi %mul3A_1385, %sub3A_1388 : vector<16xi32>
    %jit3A_1390 = arith.constant -1 : i32
    %broadcast_in_dim3A_1391 = vector.broadcast %jit3A_1390 : i32 to vector<16xi32>
    %select_n3A_1392 = arith.select %and3A_1381, %add3A_1389, %broadcast_in_dim3A_1391 : vector<16xi1>, vector<16xi32>
    %reduce_max3A_1393 = arith.constant true
    %reduce_max3A_1394 = vector.broadcast %reduce_max3A_1393 : i1 to vector<16xi1>
    %reduce_max3A_1395 = arith.constant -2147483648 : i32
    %reduce_max3A_1396 = vector.broadcast %reduce_max3A_1395 : i32 to vector<16xi32>
    %reduce_max3A_1397 = arith.xori %select_n3A_1392, %reduce_max3A_1396 : vector<16xi32>
    %reduce_max3A_1398 = tpu.scan <max>, %reduce_max3A_1397 masked %reduce_max3A_1394 : vector<16xi32>, vector<16xi1> -> vector<16xi32>
    %reduce_max3A_1399 = arith.xori %reduce_max3A_1398, %reduce_max3A_1396 : vector<16xi32>
    %reduce_max3A_1400 = vector.extract %reduce_max3A_1399[15] : i32 from vector<16xi32>
    %max3A_1401 = arith.maxsi %max3A_1356, %reduce_max3A_1400 : i32
    %reduce_sum3A_1402 = arith.constant true
    %reduce_sum3A_1403 = vector.broadcast %reduce_sum3A_1402 : i1 to vector<16xi1>
    %reduce_sum3A_1404 = tpu.scan <sum>, %get3A_1363 masked %reduce_sum3A_1403 : vector<16xi32>, vector<16xi1> -> vector<16xi32>
    %reduce_sum3A_1405 = vector.extract %reduce_sum3A_1404[15] : i32 from vector<16xi32>
    %add3A_1406 = arith.addi %add3A_1361, %reduce_sum3A_1405 : i32
    %get3A_1407 = arith.constant 48 : index
    %get3A_1408 = tpu.vector_load %arg11[%get3A_1407] {strides = array<i32>} : memref<256xi32, #tpu.memory_space<vmem>>, vector<16xi32>,
    %rev3A_1409 = arith.constant 15 : i32
    %rev3A_1410 = vector.broadcast %rev3A_1409 : i32 to vector<16xi32>
    %rev3A_1411 = tpu.iota {dimensions = array<i32: 0>} : vector<16xi32>
    %rev3A_1412 = arith.subi %rev3A_1410, %rev3A_1411 : vector<16xi32>
    %rev3A_1413 = tpu.dynamic_gather %get3A_1408[%rev3A_1412] in [0] : vector<16xi32>, vector<16xi32> -> vector<16xi32>
    %broadcast_in_dim3A_1414 = arith.constant true
    %broadcast_in_dim3A_1415 = vector.broadcast %broadcast_in_dim3A_1414 : i1 to vector<16xi1>
    %masked_cumsum3A_1416 = tpu.scan <sum>, %rev3A_1413 masked %broadcast_in_dim3A_1415 : vector<16xi32>, vector<16xi1> -> vector<16xi32>
    %add3A_1417 = vector.broadcast %add3A_1406 : i32 to vector<16xi32>
    %add3A_1418 = arith.addi %masked_cumsum3A_1416, %add3A_1417 : vector<16xi32>
    %ge3A_1419 = arith.constant 160 : i32
    %ge3A_1420 = vector.broadcast %ge3A_1419 : i32 to vector<16xi32>
    %ge3A_1421 = arith.cmpi sge, %add3A_1418, %ge3A_1420 : vector<16xi32>
    %sub3A_1422 = arith.subi %add3A_1418, %rev3A_1413 : vector<16xi32>
    %lt3A_1423 = arith.constant 160 : i32
    %lt3A_1424 = vector.broadcast %lt3A_1423 : i32 to vector<16xi32>
    %lt3A_1425 = arith.cmpi slt, %sub3A_1422, %lt3A_1424 : vector<16xi32>
    %and3A_1426 = arith.andi %ge3A_1421, %lt3A_1425 : vector<16xi1>
    %sub3A_1427 = arith.subi %add3A_1418, %rev3A_1413 : vector<16xi32>
    %mul3A_1428 = arith.constant 4096 : i32
    %mul3A_1429 = vector.broadcast %mul3A_1428 : i32 to vector<16xi32>
    %mul3A_1430 = arith.muli %sub3A_1427, %mul3A_1429 : vector<16xi32>
    %sub3A_1431 = arith.constant 63 : i32
    %sub3A_1432 = vector.broadcast %sub3A_1431 : i32 to vector<16xi32>
    %sub3A_1433 = arith.subi %sub3A_1432, %iota3A : vector<16xi32>
    %add3A_1434 = arith.addi %mul3A_1430, %sub3A_1433 : vector<16xi32>
    %jit3A_1435 = arith.constant -1 : i32
    %broadcast_in_dim3A_1436 = vector.broadcast %jit3A_1435 : i32 to vector<16xi32>
    %select_n3A_1437 = arith.select %and3A_1426, %add3A_1434, %broadcast_in_dim3A_1436 : vector<16xi1>, vector<16xi32>
    %reduce_max3A_1438 = arith.constant true
    %reduce_max3A_1439 = vector.broadcast %reduce_max3A_1438 : i1 to vector<16xi1>
    %reduce_max3A_1440 = arith.constant -2147483648 : i32
    %reduce_max3A_1441 = vector.broadcast %reduce_max3A_1440 : i32 to vector<16xi32>
    %reduce_max3A_1442 = arith.xori %select_n3A_1437, %reduce_max3A_1441 : vector<16xi32>
    %reduce_max3A_1443 = tpu.scan <max>, %reduce_max3A_1442 masked %reduce_max3A_1439 : vector<16xi32>, vector<16xi1> -> vector<16xi32>
    %reduce_max3A_1444 = arith.xori %reduce_max3A_1443, %reduce_max3A_1441 : vector<16xi32>
    %reduce_max3A_1445 = vector.extract %reduce_max3A_1444[15] : i32 from vector<16xi32>
    %max3A_1446 = arith.maxsi %max3A_1401, %reduce_max3A_1445 : i32
    %reduce_sum3A_1447 = arith.constant true
    %reduce_sum3A_1448 = vector.broadcast %reduce_sum3A_1447 : i1 to vector<16xi1>
    %reduce_sum3A_1449 = tpu.scan <sum>, %get3A_1408 masked %reduce_sum3A_1448 : vector<16xi32>, vector<16xi1> -> vector<16xi32>
    %reduce_sum3A_1450 = vector.extract %reduce_sum3A_1449[15] : i32 from vector<16xi32>
    %add3A_1451 = arith.addi %add3A_1406, %reduce_sum3A_1450 : i32
    %get3A_1452 = arith.constant 32 : index
    %get3A_1453 = tpu.vector_load %arg11[%get3A_1452] {strides = array<i32>} : memref<256xi32, #tpu.memory_space<vmem>>, vector<16xi32>,
    %rev3A_1454 = arith.constant 15 : i32
    %rev3A_1455 = vector.broadcast %rev3A_1454 : i32 to vector<16xi32>
    %rev3A_1456 = tpu.iota {dimensions = array<i32: 0>} : vector<16xi32>
    %rev3A_1457 = arith.subi %rev3A_1455, %rev3A_1456 : vector<16xi32>
    %rev3A_1458 = tpu.dynamic_gather %get3A_1453[%rev3A_1457] in [0] : vector<16xi32>, vector<16xi32> -> vector<16xi32>
    %broadcast_in_dim3A_1459 = arith.constant true
    %broadcast_in_dim3A_1460 = vector.broadcast %broadcast_in_dim3A_1459 : i1 to vector<16xi1>
    %masked_cumsum3A_1461 = tpu.scan <sum>, %rev3A_1458 masked %broadcast_in_dim3A_1460 : vector<16xi32>, vector<16xi1> -> vector<16xi32>
    %add3A_1462 = vector.broadcast %add3A_1451 : i32 to vector<16xi32>
    %add3A_1463 = arith.addi %masked_cumsum3A_1461, %add3A_1462 : vector<16xi32>
    %ge3A_1464 = arith.constant 160 : i32
    %ge3A_1465 = vector.broadcast %ge3A_1464 : i32 to vector<16xi32>
    %ge3A_1466 = arith.cmpi sge, %add3A_1463, %ge3A_1465 : vector<16xi32>
    %sub3A_1467 = arith.subi %add3A_1463, %rev3A_1458 : vector<16xi32>
    %lt3A_1468 = arith.constant 160 : i32
    %lt3A_1469 = vector.broadcast %lt3A_1468 : i32 to vector<16xi32>
    %lt3A_1470 = arith.cmpi slt, %sub3A_1467, %lt3A_1469 : vector<16xi32>
    %and3A_1471 = arith.andi %ge3A_1466, %lt3A_1470 : vector<16xi1>
    %sub3A_1472 = arith.subi %add3A_1463, %rev3A_1458 : vector<16xi32>
    %mul3A_1473 = arith.constant 4096 : i32
    %mul3A_1474 = vector.broadcast %mul3A_1473 : i32 to vector<16xi32>
    %mul3A_1475 = arith.muli %sub3A_1472, %mul3A_1474 : vector<16xi32>
    %sub3A_1476 = arith.constant 47 : i32
    %sub3A_1477 = vector.broadcast %sub3A_1476 : i32 to vector<16xi32>
    %sub3A_1478 = arith.subi %sub3A_1477, %iota3A : vector<16xi32>
    %add3A_1479 = arith.addi %mul3A_1475, %sub3A_1478 : vector<16xi32>
    %jit3A_1480 = arith.constant -1 : i32
    %broadcast_in_dim3A_1481 = vector.broadcast %jit3A_1480 : i32 to vector<16xi32>
    %select_n3A_1482 = arith.select %and3A_1471, %add3A_1479, %broadcast_in_dim3A_1481 : vector<16xi1>, vector<16xi32>
    %reduce_max3A_1483 = arith.constant true
    %reduce_max3A_1484 = vector.broadcast %reduce_max3A_1483 : i1 to vector<16xi1>
    %reduce_max3A_1485 = arith.constant -2147483648 : i32
    %reduce_max3A_1486 = vector.broadcast %reduce_max3A_1485 : i32 to vector<16xi32>
    %reduce_max3A_1487 = arith.xori %select_n3A_1482, %reduce_max3A_1486 : vector<16xi32>
    %reduce_max3A_1488 = tpu.scan <max>, %reduce_max3A_1487 masked %reduce_max3A_1484 : vector<16xi32>, vector<16xi1> -> vector<16xi32>
    %reduce_max3A_1489 = arith.xori %reduce_max3A_1488, %reduce_max3A_1486 : vector<16xi32>
    %reduce_max3A_1490 = vector.extract %reduce_max3A_1489[15] : i32 from vector<16xi32>
    %max3A_1491 = arith.maxsi %max3A_1446, %reduce_max3A_1490 : i32
    %reduce_sum3A_1492 = arith.constant true
    %reduce_sum3A_1493 = vector.broadcast %reduce_sum3A_1492 : i1 to vector<16xi1>
    %reduce_sum3A_1494 = tpu.scan <sum>, %get3A_1453 masked %reduce_sum3A_1493 : vector<16xi32>, vector<16xi1> -> vector<16xi32>
    %reduce_sum3A_1495 = vector.extract %reduce_sum3A_1494[15] : i32 from vector<16xi32>
    %add3A_1496 = arith.addi %add3A_1451, %reduce_sum3A_1495 : i32
    %get3A_1497 = arith.constant 16 : index
    %get3A_1498 = tpu.vector_load %arg11[%get3A_1497] {strides = array<i32>} : memref<256xi32, #tpu.memory_space<vmem>>, vector<16xi32>,
    %rev3A_1499 = arith.constant 15 : i32
    %rev3A_1500 = vector.broadcast %rev3A_1499 : i32 to vector<16xi32>
    %rev3A_1501 = tpu.iota {dimensions = array<i32: 0>} : vector<16xi32>
    %rev3A_1502 = arith.subi %rev3A_1500, %rev3A_1501 : vector<16xi32>
    %rev3A_1503 = tpu.dynamic_gather %get3A_1498[%rev3A_1502] in [0] : vector<16xi32>, vector<16xi32> -> vector<16xi32>
    %broadcast_in_dim3A_1504 = arith.constant true
    %broadcast_in_dim3A_1505 = vector.broadcast %broadcast_in_dim3A_1504 : i1 to vector<16xi1>
    %masked_cumsum3A_1506 = tpu.scan <sum>, %rev3A_1503 masked %broadcast_in_dim3A_1505 : vector<16xi32>, vector<16xi1> -> vector<16xi32>
    %add3A_1507 = vector.broadcast %add3A_1496 : i32 to vector<16xi32>
    %add3A_1508 = arith.addi %masked_cumsum3A_1506, %add3A_1507 : vector<16xi32>
    %ge3A_1509 = arith.constant 160 : i32
    %ge3A_1510 = vector.broadcast %ge3A_1509 : i32 to vector<16xi32>
    %ge3A_1511 = arith.cmpi sge, %add3A_1508, %ge3A_1510 : vector<16xi32>
    %sub3A_1512 = arith.subi %add3A_1508, %rev3A_1503 : vector<16xi32>
    %lt3A_1513 = arith.constant 160 : i32
    %lt3A_1514 = vector.broadcast %lt3A_1513 : i32 to vector<16xi32>
    %lt3A_1515 = arith.cmpi slt, %sub3A_1512, %lt3A_1514 : vector<16xi32>
    %and3A_1516 = arith.andi %ge3A_1511, %lt3A_1515 : vector<16xi1>
    %sub3A_1517 = arith.subi %add3A_1508, %rev3A_1503 : vector<16xi32>
    %mul3A_1518 = arith.constant 4096 : i32
    %mul3A_1519 = vector.broadcast %mul3A_1518 : i32 to vector<16xi32>
    %mul3A_1520 = arith.muli %sub3A_1517, %mul3A_1519 : vector<16xi32>
    %sub3A_1521 = arith.constant 31 : i32
    %sub3A_1522 = vector.broadcast %sub3A_1521 : i32 to vector<16xi32>
    %sub3A_1523 = arith.subi %sub3A_1522, %iota3A : vector<16xi32>
    %add3A_1524 = arith.addi %mul3A_1520, %sub3A_1523 : vector<16xi32>
    %jit3A_1525 = arith.constant -1 : i32
    %broadcast_in_dim3A_1526 = vector.broadcast %jit3A_1525 : i32 to vector<16xi32>
    %select_n3A_1527 = arith.select %and3A_1516, %add3A_1524, %broadcast_in_dim3A_1526 : vector<16xi1>, vector<16xi32>
    %reduce_max3A_1528 = arith.constant true
    %reduce_max3A_1529 = vector.broadcast %reduce_max3A_1528 : i1 to vector<16xi1>
    %reduce_max3A_1530 = arith.constant -2147483648 : i32
    %reduce_max3A_1531 = vector.broadcast %reduce_max3A_1530 : i32 to vector<16xi32>
    %reduce_max3A_1532 = arith.xori %select_n3A_1527, %reduce_max3A_1531 : vector<16xi32>
    %reduce_max3A_1533 = tpu.scan <max>, %reduce_max3A_1532 masked %reduce_max3A_1529 : vector<16xi32>, vector<16xi1> -> vector<16xi32>
    %reduce_max3A_1534 = arith.xori %reduce_max3A_1533, %reduce_max3A_1531 : vector<16xi32>
    %reduce_max3A_1535 = vector.extract %reduce_max3A_1534[15] : i32 from vector<16xi32>
    %max3A_1536 = arith.maxsi %max3A_1491, %reduce_max3A_1535 : i32
    %reduce_sum3A_1537 = arith.constant true
    %reduce_sum3A_1538 = vector.broadcast %reduce_sum3A_1537 : i1 to vector<16xi1>
    %reduce_sum3A_1539 = tpu.scan <sum>, %get3A_1498 masked %reduce_sum3A_1538 : vector<16xi32>, vector<16xi1> -> vector<16xi32>
    %reduce_sum3A_1540 = vector.extract %reduce_sum3A_1539[15] : i32 from vector<16xi32>
    %add3A_1541 = arith.addi %add3A_1496, %reduce_sum3A_1540 : i32
    %get3A_1542 = arith.constant 0 : index
    %get3A_1543 = tpu.vector_load %arg11[%get3A_1542] {strides = array<i32>} : memref<256xi32, #tpu.memory_space<vmem>>, vector<16xi32>,
    %rev3A_1544 = arith.constant 15 : i32
    %rev3A_1545 = vector.broadcast %rev3A_1544 : i32 to vector<16xi32>
    %rev3A_1546 = tpu.iota {dimensions = array<i32: 0>} : vector<16xi32>
    %rev3A_1547 = arith.subi %rev3A_1545, %rev3A_1546 : vector<16xi32>
    %rev3A_1548 = tpu.dynamic_gather %get3A_1543[%rev3A_1547] in [0] : vector<16xi32>, vector<16xi32> -> vector<16xi32>
    %broadcast_in_dim3A_1549 = arith.constant true
    %broadcast_in_dim3A_1550 = vector.broadcast %broadcast_in_dim3A_1549 : i1 to vector<16xi1>
    %masked_cumsum3A_1551 = tpu.scan <sum>, %rev3A_1548 masked %broadcast_in_dim3A_1550 : vector<16xi32>, vector<16xi1> -> vector<16xi32>
    %add3A_1552 = vector.broadcast %add3A_1541 : i32 to vector<16xi32>
    %add3A_1553 = arith.addi %masked_cumsum3A_1551, %add3A_1552 : vector<16xi32>
    %ge3A_1554 = arith.constant 160 : i32
    %ge3A_1555 = vector.broadcast %ge3A_1554 : i32 to vector<16xi32>
    %ge3A_1556 = arith.cmpi sge, %add3A_1553, %ge3A_1555 : vector<16xi32>
    %sub3A_1557 = arith.subi %add3A_1553, %rev3A_1548 : vector<16xi32>
    %lt3A_1558 = arith.constant 160 : i32
    %lt3A_1559 = vector.broadcast %lt3A_1558 : i32 to vector<16xi32>
    %lt3A_1560 = arith.cmpi slt, %sub3A_1557, %lt3A_1559 : vector<16xi32>
    %and3A_1561 = arith.andi %ge3A_1556, %lt3A_1560 : vector<16xi1>
    %sub3A_1562 = arith.subi %add3A_1553, %rev3A_1548 : vector<16xi32>
    %mul3A_1563 = arith.constant 4096 : i32
    %mul3A_1564 = vector.broadcast %mul3A_1563 : i32 to vector<16xi32>
    %mul3A_1565 = arith.muli %sub3A_1562, %mul3A_1564 : vector<16xi32>
    %sub3A_1566 = arith.constant 15 : i32
    %sub3A_1567 = vector.broadcast %sub3A_1566 : i32 to vector<16xi32>
    %sub3A_1568 = arith.subi %sub3A_1567, %iota3A : vector<16xi32>
    %add3A_1569 = arith.addi %mul3A_1565, %sub3A_1568 : vector<16xi32>
    %jit3A_1570 = arith.constant -1 : i32
    %broadcast_in_dim3A_1571 = vector.broadcast %jit3A_1570 : i32 to vector<16xi32>
    %select_n3A_1572 = arith.select %and3A_1561, %add3A_1569, %broadcast_in_dim3A_1571 : vector<16xi1>, vector<16xi32>
    %reduce_max3A_1573 = arith.constant true
    %reduce_max3A_1574 = vector.broadcast %reduce_max3A_1573 : i1 to vector<16xi1>
    %reduce_max3A_1575 = arith.constant -2147483648 : i32
    %reduce_max3A_1576 = vector.broadcast %reduce_max3A_1575 : i32 to vector<16xi32>
    %reduce_max3A_1577 = arith.xori %select_n3A_1572, %reduce_max3A_1576 : vector<16xi32>
    %reduce_max3A_1578 = tpu.scan <max>, %reduce_max3A_1577 masked %reduce_max3A_1574 : vector<16xi32>, vector<16xi1> -> vector<16xi32>
    %reduce_max3A_1579 = arith.xori %reduce_max3A_1578, %reduce_max3A_1576 : vector<16xi32>
    %reduce_max3A_1580 = vector.extract %reduce_max3A_1579[15] : i32 from vector<16xi32>
    %max3A_1581 = arith.maxsi %max3A_1536, %reduce_max3A_1580 : i32
    %reduce_sum3A_1582 = arith.constant true
    %reduce_sum3A_1583 = vector.broadcast %reduce_sum3A_1582 : i1 to vector<16xi1>
    %reduce_sum3A_1584 = tpu.scan <sum>, %get3A_1543 masked %reduce_sum3A_1583 : vector<16xi32>, vector<16xi1> -> vector<16xi32>
    %reduce_sum3A_1585 = vector.extract %reduce_sum3A_1584[15] : i32 from vector<16xi32>
    %add3A_1586 = arith.addi %add3A_1541, %reduce_sum3A_1585 : i32
    %and3A_1587 = arith.constant 4095 : i32
    %and3A_1588 = arith.andi %max3A_1581, %and3A_1587 : i32
    %shift_right_logical3A_1589 = arith.constant 12 : i32
    %shift_right_logical3A_1590 = arith.shrui %max3A_1581, %shift_right_logical3A_1589 : i32
    %mul3A_1591 = arith.constant 16 : i32
    %mul3A_1592 = arith.muli %and3A_1588, %mul3A_1591 : i32
    %get3A_1593 = arith.index_cast %mul3A_1592 : i32 to index
    %get3A_1594 = tpu.vector_load %arg9[%get3A_1593] {strides = array<i32>} : memref<4096xi32, #tpu.memory_space<vmem>>, vector<16xi32>,
    %rev3A_1595 = arith.constant 15 : i32
    %rev3A_1596 = vector.broadcast %rev3A_1595 : i32 to vector<16xi32>
    %rev3A_1597 = tpu.iota {dimensions = array<i32: 0>} : vector<16xi32>
    %rev3A_1598 = arith.subi %rev3A_1596, %rev3A_1597 : vector<16xi32>
    %rev3A_1599 = tpu.dynamic_gather %get3A_1594[%rev3A_1598] in [0] : vector<16xi32>, vector<16xi32> -> vector<16xi32>
    %broadcast_in_dim3A_1600 = arith.constant true
    %broadcast_in_dim3A_1601 = vector.broadcast %broadcast_in_dim3A_1600 : i1 to vector<16xi1>
    %masked_cumsum3A_1602 = tpu.scan <sum>, %rev3A_1599 masked %broadcast_in_dim3A_1601 : vector<16xi32>, vector<16xi1> -> vector<16xi32>
    %add3A_1603 = vector.broadcast %shift_right_logical3A_1590 : i32 to vector<16xi32>
    %add3A_1604 = arith.addi %masked_cumsum3A_1602, %add3A_1603 : vector<16xi32>
    %ge3A_1605 = arith.constant 160 : i32
    %ge3A_1606 = vector.broadcast %ge3A_1605 : i32 to vector<16xi32>
    %ge3A_1607 = arith.cmpi sge, %add3A_1604, %ge3A_1606 : vector<16xi32>
    %sub3A_1608 = arith.subi %add3A_1604, %rev3A_1599 : vector<16xi32>
    %lt3A_1609 = arith.constant 160 : i32
    %lt3A_1610 = vector.broadcast %lt3A_1609 : i32 to vector<16xi32>
    %lt3A_1611 = arith.cmpi slt, %sub3A_1608, %lt3A_1610 : vector<16xi32>
    %and3A_1612 = arith.andi %ge3A_1607, %lt3A_1611 : vector<16xi1>
    %sub3A_1613 = arith.subi %add3A_1604, %rev3A_1599 : vector<16xi32>
    %mul3A_1614 = arith.constant 4096 : i32
    %mul3A_1615 = vector.broadcast %mul3A_1614 : i32 to vector<16xi32>
    %mul3A_1616 = arith.muli %sub3A_1613, %mul3A_1615 : vector<16xi32>
    %sub3A_1617 = arith.constant 15 : i32
    %sub3A_1618 = vector.broadcast %sub3A_1617 : i32 to vector<16xi32>
    %sub3A_1619 = arith.subi %sub3A_1618, %iota3A : vector<16xi32>
    %add3A_1620 = arith.addi %mul3A_1616, %sub3A_1619 : vector<16xi32>
    %jit3A_1621 = arith.constant -1 : i32
    %broadcast_in_dim3A_1622 = vector.broadcast %jit3A_1621 : i32 to vector<16xi32>
    %select_n3A_1623 = arith.select %and3A_1612, %add3A_1620, %broadcast_in_dim3A_1622 : vector<16xi1>, vector<16xi32>
    %reduce_max3A_1624 = arith.constant true
    %reduce_max3A_1625 = vector.broadcast %reduce_max3A_1624 : i1 to vector<16xi1>
    %reduce_max3A_1626 = arith.constant -2147483648 : i32
    %reduce_max3A_1627 = vector.broadcast %reduce_max3A_1626 : i32 to vector<16xi32>
    %reduce_max3A_1628 = arith.xori %select_n3A_1623, %reduce_max3A_1627 : vector<16xi32>
    %reduce_max3A_1629 = tpu.scan <max>, %reduce_max3A_1628 masked %reduce_max3A_1625 : vector<16xi32>, vector<16xi1> -> vector<16xi32>
    %reduce_max3A_1630 = arith.xori %reduce_max3A_1629, %reduce_max3A_1627 : vector<16xi32>
    %reduce_max3A_1631 = vector.extract %reduce_max3A_1630[15] : i32 from vector<16xi32>
    %max3A_1632 = arith.constant -1 : i32
    %max3A_1633 = arith.maxsi %max3A_1632, %reduce_max3A_1631 : i32
    %and3A_1634 = arith.constant 4095 : i32
    %and3A_1635 = arith.andi %max3A_1633, %and3A_1634 : i32
    %shift_right_logical3A_1636 = arith.constant 12 : i32
    %shift_right_logical3A_1637 = arith.shrui %max3A_1633, %shift_right_logical3A_1636 : i32
    %mul3A_1638 = arith.constant 16 : i32
    %mul3A_1639 = arith.muli %and3A_1588, %mul3A_1638 : i32
    %add3A_1640 = arith.addi %and3A_1635, %mul3A_1639 : i32
    %sub3A_1641 = arith.constant 160 : i32
    %sub3A_1642 = arith.subi %sub3A_1641, %shift_right_logical3A_1637 : i32
    %parallel_loop3A_1643 = arith.constant 0 : i32
    %parallel_loop3A_1644 = arith.constant 512 : i32
    %parallel_loop3A_1645 = arith.constant 1 : i32
    %parallel_loop3A_1646 = arith.constant 0 : i32
    %parallel_loop3A_1647 = arith.constant 0 : i32
    %parallel_loop3A_1648:2 = scf.for %parallel_loop3A_2325 = %parallel_loop3A_1643 to %parallel_loop3A_1644 step %parallel_loop3A_1645 iter_args(%parallel_loop3A_2326 = %parallel_loop3A_1646, %parallel_loop3A_2327 = %parallel_loop3A_1647) -> (i32, i32)  : i32 {
      %parallel_loop3A_2328 = arith.constant 16 : i32
      %parallel_loop3A_2329 = arith.muli %parallel_loop3A_2325, %parallel_loop3A_2328 : i32
      %parallel_loop3A_2330 = arith.index_cast %parallel_loop3A_2329 : i32 to index
      %parallel_loop3A_2331 = tpu.vector_load %arg4[%parallel_loop3A_2330] {strides = array<i32>} : memref<8192xi32, #tpu.memory_space<vmem>>, vector<16xi32>,
      %parallel_loop3A_2332 = arith.constant 16 : i32
      %parallel_loop3A_2333 = arith.muli %parallel_loop3A_2325, %parallel_loop3A_2332 : i32
      %parallel_loop3A_2334 = arith.index_cast %parallel_loop3A_2333 : i32 to index
      %parallel_loop3A_2335 = tpu.vector_load %arg5[%parallel_loop3A_2334] {strides = array<i32>} : memref<8192xi32, #tpu.memory_space<vmem>>, vector<16xi32>,
      %parallel_loop3A_2336 = arith.constant 16 : i32
      %parallel_loop3A_2337 = arith.muli %parallel_loop3A_2325, %parallel_loop3A_2336 : i32
      %parallel_loop3A_2338 = vector.broadcast %parallel_loop3A_2337 : i32 to vector<16xi32>
      %parallel_loop3A_2339 = arith.addi %parallel_loop3A_2338, %iota3A : vector<16xi32>
      %parallel_loop3A_2340 = arith.constant 19 : i32
      %parallel_loop3A_2341 = vector.broadcast %parallel_loop3A_2340 : i32 to vector<16xi32>
      %parallel_loop3A_2342 = arith.shrui %parallel_loop3A_2331, %parallel_loop3A_2341 : vector<16xi32>
      %parallel_loop3A_2343 = vector.broadcast %add3A_861 : i32 to vector<16xi32>
      %parallel_loop3A_2344 = arith.cmpi eq, %parallel_loop3A_2342, %parallel_loop3A_2343 : vector<16xi32>
      %parallel_loop3A_2345 = arith.constant 19 : i32
      %parallel_loop3A_2346 = vector.broadcast %parallel_loop3A_2345 : i32 to vector<16xi32>
      %parallel_loop3A_2347 = arith.shrui %parallel_loop3A_2335, %parallel_loop3A_2346 : vector<16xi32>
      %parallel_loop3A_2348 = vector.broadcast %add3A_1640 : i32 to vector<16xi32>
      %parallel_loop3A_2349 = arith.cmpi eq, %parallel_loop3A_2347, %parallel_loop3A_2348 : vector<16xi32>
      %parallel_loop3A_2350 = arith.index_cast %parallel_loop3A_2326 : i32 to index
      %parallel_loop3A_2351 = tpu.vector_load %arg6[%parallel_loop3A_2350] masked %parallel_loop3A_2344 {strides = array<i32>} : memref<8192xi32, #tpu.memory_space<vmem>>, vector<16xi32>, vector<16xi1>
      tpu.vector_store %arg6[%parallel_loop3A_2350], %parallel_loop3A_2339 masked %parallel_loop3A_2344 {strides = array<i32>} : memref<8192xi32, #tpu.memory_space<vmem>>, vector<16xi32>, vector<16xi1>
      %parallel_loop3A_2352 = arith.index_cast %parallel_loop3A_2327 : i32 to index
      %parallel_loop3A_2353 = tpu.vector_load %arg7[%parallel_loop3A_2352] masked %parallel_loop3A_2349 {strides = array<i32>} : memref<8192xi32, #tpu.memory_space<vmem>>, vector<16xi32>, vector<16xi1>
      tpu.vector_store %arg7[%parallel_loop3A_2352], %parallel_loop3A_2339 masked %parallel_loop3A_2349 {strides = array<i32>} : memref<8192xi32, #tpu.memory_space<vmem>>, vector<16xi32>, vector<16xi1>
      %parallel_loop3A_2354 = tpu.all_reduce %parallel_loop3A_2344 {dim = 0 : i64, kind = #tpu.reduction_kind<sum>} : vector<16xi1> -> vector<16xi32>
      %parallel_loop3A_2355 = vector.extract_strided_slice %parallel_loop3A_2354 {offsets = [0], sizes = [1], strides = [1]} : vector<16xi32> to vector<1xi32>
      %parallel_loop3A_2356 = vector.extract %parallel_loop3A_2355[0] : i32 from vector<1xi32>
      %parallel_loop3A_2357 = arith.addi %parallel_loop3A_2326, %parallel_loop3A_2356 : i32
      %parallel_loop3A_2358 = tpu.all_reduce %parallel_loop3A_2349 {dim = 0 : i64, kind = #tpu.reduction_kind<sum>} : vector<16xi1> -> vector<16xi32>
      %parallel_loop3A_2359 = vector.extract_strided_slice %parallel_loop3A_2358 {offsets = [0], sizes = [1], strides = [1]} : vector<16xi32> to vector<1xi32>
      %parallel_loop3A_2360 = vector.extract %parallel_loop3A_2359[0] : i32 from vector<1xi32>
      %parallel_loop3A_2361 = arith.addi %parallel_loop3A_2327, %parallel_loop3A_2360 : i32
      scf.yield %parallel_loop3A_2357, %parallel_loop3A_2361 : i32, i32
    } {sc.loop_unroll_factor = 4 : i64, sc.parallel_access}
    %add3A_1649 = arith.constant 15 : i32
    %add3A_1650 = arith.addi %parallel_loop3A_1648#0, %add3A_1649 : i32
    %shift_right_logical3A_1651 = arith.constant 4 : i32
    %shift_right_logical3A_1652 = arith.shrui %add3A_1650, %shift_right_logical3A_1651 : i32
    %swap3A_1653 = arith.constant 0 : index
    %swap3A_1654 = tpu.vector_load %arg10[%swap3A_1653] {strides = array<i32>} : memref<256xi32, #tpu.memory_space<vmem>>, vector<16xi32>,
    tpu.vector_store %arg10[%swap3A_1653], %broadcast_in_dim3A_3 {strides = array<i32>} : memref<256xi32, #tpu.memory_space<vmem>>, vector<16xi32>,
    %while3A = arith.constant 0 : i32
    %while3A_1655 = arith.constant 0 : i32
    %while3A_1656 = arith.subi %shift_right_logical3A_1652, %while3A : i32
    %while3A_1657 = arith.addi %while3A, %while3A_1656 : i32
    %while3A_1658 = arith.constant 1 : i32
    %while3A_1659 = arith.divsi %while3A_1656, %while3A_1658 : i32
    %while3A_1660 = arith.muli %while3A_1659, %while3A_1658 : i32
    %while3A_1661 = arith.addi %while3A, %while3A_1660 : i32
    %while3A_1662 = arith.constant 1 : i32
    %while3A_1663 = scf.for %while3A_2325 = %while3A to %while3A_1661 step %while3A_1662 iter_args(%while3A_2326 = %while3A_1655) -> (i32)  : i32 {
      %mul3A_2327 = arith.constant 16 : i32
      %mul3A_2328 = arith.muli %while3A_2325, %mul3A_2327 : i32
      %add3A_2329 = vector.broadcast %mul3A_2328 : i32 to vector<16xi32>
      %add3A_2330 = arith.addi %add3A_2329, %iota3A : vector<16xi32>
      %lt3A_2331 = vector.broadcast %parallel_loop3A_1648#0 : i32 to vector<16xi32>
      %lt3A_2332 = arith.cmpi slt, %add3A_2330, %lt3A_2331 : vector<16xi32>
      %mul3A_2333 = arith.constant 16 : i32
      %mul3A_2334 = arith.muli %while3A_2325, %mul3A_2333 : i32
      %get3A_2335 = arith.index_cast %mul3A_2334 : i32 to index
      %get3A_2336 = tpu.vector_load %arg6[%get3A_2335] {strides = array<i32>} : memref<8192xi32, #tpu.memory_space<vmem>>, vector<16xi32>,
      %and3A_2337 = arith.constant 8191 : i32
      %and3A_2338 = vector.broadcast %and3A_2337 : i32 to vector<16xi32>
      %and3A_2339 = arith.andi %get3A_2336, %and3A_2338 : vector<16xi32>
      %gather3A = tpu.vector_load_idx %arg4[%and3A_2339] masked %lt3A_2332 : memref<8192xi32, #tpu.memory_space<vmem>>[vector<16xi32>], vector<16xi32>, vector<16xi1>
      %shift_right_logical3A_2340 = arith.constant 19 : i32
      %shift_right_logical3A_2341 = vector.broadcast %shift_right_logical3A_2340 : i32 to vector<16xi32>
      %shift_right_logical3A_2342 = arith.shrui %gather3A, %shift_right_logical3A_2341 : vector<16xi32>
      %eq3A_2343 = vector.broadcast %add3A_861 : i32 to vector<16xi32>
      %eq3A_2344 = arith.cmpi eq, %shift_right_logical3A_2342, %eq3A_2343 : vector<16xi32>
      %and3A_2345 = arith.andi %lt3A_2332, %eq3A_2344 : vector<16xi1>
      %shift_right_logical3A_2346 = arith.constant 15 : i32
      %shift_right_logical3A_2347 = vector.broadcast %shift_right_logical3A_2346 : i32 to vector<16xi32>
      %shift_right_logical3A_2348 = arith.shrui %gather3A, %shift_right_logical3A_2347 : vector<16xi32>
      %and3A_2349 = arith.constant 15 : i32
      %and3A_2350 = vector.broadcast %and3A_2349 : i32 to vector<16xi32>
      %and3A_2351 = arith.andi %shift_right_logical3A_2348, %and3A_2350 : vector<16xi32>
      tpu.vector_store_idx %arg10[%and3A_2351], %broadcast_in_dim3A_1 masked %and3A_2345 {add = true} : memref<256xi32, #tpu.memory_space<vmem>>[vector<16xi32>], vector<16xi32>, vector<16xi1>
      %while3A_2352 = arith.constant 0 : i32
      scf.yield %while3A_2352 : i32
    }
    %while3A_1664 = arith.constant 1 : i32
    %while3A_1665 = scf.for %while3A_2325 = %while3A_1661 to %while3A_1657 step %while3A_1664 iter_args(%while3A_2326 = %while3A_1663) -> (i32)  : i32 {
      %mul3A_2327 = arith.constant 16 : i32
      %mul3A_2328 = arith.muli %while3A_2325, %mul3A_2327 : i32
      %add3A_2329 = vector.broadcast %mul3A_2328 : i32 to vector<16xi32>
      %add3A_2330 = arith.addi %add3A_2329, %iota3A : vector<16xi32>
      %lt3A_2331 = vector.broadcast %parallel_loop3A_1648#0 : i32 to vector<16xi32>
      %lt3A_2332 = arith.cmpi slt, %add3A_2330, %lt3A_2331 : vector<16xi32>
      %mul3A_2333 = arith.constant 16 : i32
      %mul3A_2334 = arith.muli %while3A_2325, %mul3A_2333 : i32
      %get3A_2335 = arith.index_cast %mul3A_2334 : i32 to index
      %get3A_2336 = tpu.vector_load %arg6[%get3A_2335] {strides = array<i32>} : memref<8192xi32, #tpu.memory_space<vmem>>, vector<16xi32>,
      %and3A_2337 = arith.constant 8191 : i32
      %and3A_2338 = vector.broadcast %and3A_2337 : i32 to vector<16xi32>
      %and3A_2339 = arith.andi %get3A_2336, %and3A_2338 : vector<16xi32>
      %gather3A = tpu.vector_load_idx %arg4[%and3A_2339] masked %lt3A_2332 : memref<8192xi32, #tpu.memory_space<vmem>>[vector<16xi32>], vector<16xi32>, vector<16xi1>
      %shift_right_logical3A_2340 = arith.constant 19 : i32
      %shift_right_logical3A_2341 = vector.broadcast %shift_right_logical3A_2340 : i32 to vector<16xi32>
      %shift_right_logical3A_2342 = arith.shrui %gather3A, %shift_right_logical3A_2341 : vector<16xi32>
      %eq3A_2343 = vector.broadcast %add3A_861 : i32 to vector<16xi32>
      %eq3A_2344 = arith.cmpi eq, %shift_right_logical3A_2342, %eq3A_2343 : vector<16xi32>
      %and3A_2345 = arith.andi %lt3A_2332, %eq3A_2344 : vector<16xi1>
      %shift_right_logical3A_2346 = arith.constant 15 : i32
      %shift_right_logical3A_2347 = vector.broadcast %shift_right_logical3A_2346 : i32 to vector<16xi32>
      %shift_right_logical3A_2348 = arith.shrui %gather3A, %shift_right_logical3A_2347 : vector<16xi32>
      %and3A_2349 = arith.constant 15 : i32
      %and3A_2350 = vector.broadcast %and3A_2349 : i32 to vector<16xi32>
      %and3A_2351 = arith.andi %shift_right_logical3A_2348, %and3A_2350 : vector<16xi32>
      tpu.vector_store_idx %arg10[%and3A_2351], %broadcast_in_dim3A_1 masked %and3A_2345 {add = true} : memref<256xi32, #tpu.memory_space<vmem>>[vector<16xi32>], vector<16xi32>, vector<16xi1>
      %while3A_2352 = arith.constant 0 : i32
      scf.yield %while3A_2352 : i32
    }
    %get3A_1666 = arith.constant 0 : index
    %get3A_1667 = tpu.vector_load %arg10[%get3A_1666] {strides = array<i32>} : memref<256xi32, #tpu.memory_space<vmem>>, vector<16xi32>,
    %rev3A_1668 = arith.constant 15 : i32
    %rev3A_1669 = vector.broadcast %rev3A_1668 : i32 to vector<16xi32>
    %rev3A_1670 = tpu.iota {dimensions = array<i32: 0>} : vector<16xi32>
    %rev3A_1671 = arith.subi %rev3A_1669, %rev3A_1670 : vector<16xi32>
    %rev3A_1672 = tpu.dynamic_gather %get3A_1667[%rev3A_1671] in [0] : vector<16xi32>, vector<16xi32> -> vector<16xi32>
    %broadcast_in_dim3A_1673 = arith.constant true
    %broadcast_in_dim3A_1674 = vector.broadcast %broadcast_in_dim3A_1673 : i1 to vector<16xi1>
    %masked_cumsum3A_1675 = tpu.scan <sum>, %rev3A_1672 masked %broadcast_in_dim3A_1674 : vector<16xi32>, vector<16xi1> -> vector<16xi32>
    %add3A_1676 = arith.constant 0 : i32
    %add3A_1677 = vector.broadcast %add3A_1676 : i32 to vector<16xi32>
    %add3A_1678 = arith.addi %masked_cumsum3A_1675, %add3A_1677 : vector<16xi32>
    %ge3A_1679 = vector.broadcast %sub3A_863 : i32 to vector<16xi32>
    %ge3A_1680 = arith.cmpi sge, %add3A_1678, %ge3A_1679 : vector<16xi32>
    %sub3A_1681 = arith.subi %add3A_1678, %rev3A_1672 : vector<16xi32>
    %lt3A_1682 = vector.broadcast %sub3A_863 : i32 to vector<16xi32>
    %lt3A_1683 = arith.cmpi slt, %sub3A_1681, %lt3A_1682 : vector<16xi32>
    %and3A_1684 = arith.andi %ge3A_1680, %lt3A_1683 : vector<16xi1>
    %sub3A_1685 = arith.subi %add3A_1678, %rev3A_1672 : vector<16xi32>
    %mul3A_1686 = arith.constant 4096 : i32
    %mul3A_1687 = vector.broadcast %mul3A_1686 : i32 to vector<16xi32>
    %mul3A_1688 = arith.muli %sub3A_1685, %mul3A_1687 : vector<16xi32>
    %sub3A_1689 = arith.constant 15 : i32
    %sub3A_1690 = vector.broadcast %sub3A_1689 : i32 to vector<16xi32>
    %sub3A_1691 = arith.subi %sub3A_1690, %iota3A : vector<16xi32>
    %add3A_1692 = arith.addi %mul3A_1688, %sub3A_1691 : vector<16xi32>
    %jit3A_1693 = arith.constant -1 : i32
    %broadcast_in_dim3A_1694 = vector.broadcast %jit3A_1693 : i32 to vector<16xi32>
    %select_n3A_1695 = arith.select %and3A_1684, %add3A_1692, %broadcast_in_dim3A_1694 : vector<16xi1>, vector<16xi32>
    %reduce_max3A_1696 = arith.constant true
    %reduce_max3A_1697 = vector.broadcast %reduce_max3A_1696 : i1 to vector<16xi1>
    %reduce_max3A_1698 = arith.constant -2147483648 : i32
    %reduce_max3A_1699 = vector.broadcast %reduce_max3A_1698 : i32 to vector<16xi32>
    %reduce_max3A_1700 = arith.xori %select_n3A_1695, %reduce_max3A_1699 : vector<16xi32>
    %reduce_max3A_1701 = tpu.scan <max>, %reduce_max3A_1700 masked %reduce_max3A_1697 : vector<16xi32>, vector<16xi1> -> vector<16xi32>
    %reduce_max3A_1702 = arith.xori %reduce_max3A_1701, %reduce_max3A_1699 : vector<16xi32>
    %reduce_max3A_1703 = vector.extract %reduce_max3A_1702[15] : i32 from vector<16xi32>
    %max3A_1704 = arith.constant -1 : i32
    %max3A_1705 = arith.maxsi %max3A_1704, %reduce_max3A_1703 : i32
    %and3A_1706 = arith.constant 4095 : i32
    %and3A_1707 = arith.andi %max3A_1705, %and3A_1706 : i32
    %shift_right_logical3A_1708 = arith.constant 12 : i32
    %shift_right_logical3A_1709 = arith.shrui %max3A_1705, %shift_right_logical3A_1708 : i32
    %mul3A_1710 = arith.constant 16 : i32
    %mul3A_1711 = arith.muli %add3A_861, %mul3A_1710 : i32
    %add3A_1712 = arith.addi %mul3A_1711, %and3A_1707 : i32
    %sub3A_1713 = arith.subi %sub3A_863, %shift_right_logical3A_1709 : i32
    %swap3A_1714 = arith.constant 0 : index
    %swap3A_1715 = tpu.vector_load %arg10[%swap3A_1714] {strides = array<i32>} : memref<256xi32, #tpu.memory_space<vmem>>, vector<16xi32>,
    tpu.vector_store %arg10[%swap3A_1714], %broadcast_in_dim3A_3 {strides = array<i32>} : memref<256xi32, #tpu.memory_space<vmem>>, vector<16xi32>,
    %while3A_1716 = arith.constant 0 : i32
    %while3A_1717 = arith.constant 0 : i32
    %while3A_1718 = arith.subi %shift_right_logical3A_1652, %while3A_1716 : i32
    %while3A_1719 = arith.addi %while3A_1716, %while3A_1718 : i32
    %while3A_1720 = arith.constant 1 : i32
    %while3A_1721 = arith.divsi %while3A_1718, %while3A_1720 : i32
    %while3A_1722 = arith.muli %while3A_1721, %while3A_1720 : i32
    %while3A_1723 = arith.addi %while3A_1716, %while3A_1722 : i32
    %while3A_1724 = arith.constant 1 : i32
    %while3A_1725 = scf.for %while3A_2325 = %while3A_1716 to %while3A_1723 step %while3A_1724 iter_args(%while3A_2326 = %while3A_1717) -> (i32)  : i32 {
      %mul3A_2327 = arith.constant 16 : i32
      %mul3A_2328 = arith.muli %while3A_2325, %mul3A_2327 : i32
      %add3A_2329 = vector.broadcast %mul3A_2328 : i32 to vector<16xi32>
      %add3A_2330 = arith.addi %add3A_2329, %iota3A : vector<16xi32>
      %lt3A_2331 = vector.broadcast %parallel_loop3A_1648#0 : i32 to vector<16xi32>
      %lt3A_2332 = arith.cmpi slt, %add3A_2330, %lt3A_2331 : vector<16xi32>
      %mul3A_2333 = arith.constant 16 : i32
      %mul3A_2334 = arith.muli %while3A_2325, %mul3A_2333 : i32
      %get3A_2335 = arith.index_cast %mul3A_2334 : i32 to index
      %get3A_2336 = tpu.vector_load %arg6[%get3A_2335] {strides = array<i32>} : memref<8192xi32, #tpu.memory_space<vmem>>, vector<16xi32>,
      %and3A_2337 = arith.constant 8191 : i32
      %and3A_2338 = vector.broadcast %and3A_2337 : i32 to vector<16xi32>
      %and3A_2339 = arith.andi %get3A_2336, %and3A_2338 : vector<16xi32>
      %gather3A = tpu.vector_load_idx %arg4[%and3A_2339] masked %lt3A_2332 : memref<8192xi32, #tpu.memory_space<vmem>>[vector<16xi32>], vector<16xi32>, vector<16xi1>
      %shift_right_logical3A_2340 = arith.constant 15 : i32
      %shift_right_logical3A_2341 = vector.broadcast %shift_right_logical3A_2340 : i32 to vector<16xi32>
      %shift_right_logical3A_2342 = arith.shrui %gather3A, %shift_right_logical3A_2341 : vector<16xi32>
      %eq3A_2343 = vector.broadcast %add3A_1712 : i32 to vector<16xi32>
      %eq3A_2344 = arith.cmpi eq, %shift_right_logical3A_2342, %eq3A_2343 : vector<16xi32>
      %and3A_2345 = arith.andi %lt3A_2332, %eq3A_2344 : vector<16xi1>
      %shift_right_logical3A_2346 = arith.constant 11 : i32
      %shift_right_logical3A_2347 = vector.broadcast %shift_right_logical3A_2346 : i32 to vector<16xi32>
      %shift_right_logical3A_2348 = arith.shrui %gather3A, %shift_right_logical3A_2347 : vector<16xi32>
      %and3A_2349 = arith.constant 15 : i32
      %and3A_2350 = vector.broadcast %and3A_2349 : i32 to vector<16xi32>
      %and3A_2351 = arith.andi %shift_right_logical3A_2348, %and3A_2350 : vector<16xi32>
      tpu.vector_store_idx %arg10[%and3A_2351], %broadcast_in_dim3A_1 masked %and3A_2345 {add = true} : memref<256xi32, #tpu.memory_space<vmem>>[vector<16xi32>], vector<16xi32>, vector<16xi1>
      %while3A_2352 = arith.constant 0 : i32
      scf.yield %while3A_2352 : i32
    }
    %while3A_1726 = arith.constant 1 : i32
    %while3A_1727 = scf.for %while3A_2325 = %while3A_1723 to %while3A_1719 step %while3A_1726 iter_args(%while3A_2326 = %while3A_1725) -> (i32)  : i32 {
      %mul3A_2327 = arith.constant 16 : i32
      %mul3A_2328 = arith.muli %while3A_2325, %mul3A_2327 : i32
      %add3A_2329 = vector.broadcast %mul3A_2328 : i32 to vector<16xi32>
      %add3A_2330 = arith.addi %add3A_2329, %iota3A : vector<16xi32>
      %lt3A_2331 = vector.broadcast %parallel_loop3A_1648#0 : i32 to vector<16xi32>
      %lt3A_2332 = arith.cmpi slt, %add3A_2330, %lt3A_2331 : vector<16xi32>
      %mul3A_2333 = arith.constant 16 : i32
      %mul3A_2334 = arith.muli %while3A_2325, %mul3A_2333 : i32
      %get3A_2335 = arith.index_cast %mul3A_2334 : i32 to index
      %get3A_2336 = tpu.vector_load %arg6[%get3A_2335] {strides = array<i32>} : memref<8192xi32, #tpu.memory_space<vmem>>, vector<16xi32>,
      %and3A_2337 = arith.constant 8191 : i32
      %and3A_2338 = vector.broadcast %and3A_2337 : i32 to vector<16xi32>
      %and3A_2339 = arith.andi %get3A_2336, %and3A_2338 : vector<16xi32>
      %gather3A = tpu.vector_load_idx %arg4[%and3A_2339] masked %lt3A_2332 : memref<8192xi32, #tpu.memory_space<vmem>>[vector<16xi32>], vector<16xi32>, vector<16xi1>
      %shift_right_logical3A_2340 = arith.constant 15 : i32
      %shift_right_logical3A_2341 = vector.broadcast %shift_right_logical3A_2340 : i32 to vector<16xi32>
      %shift_right_logical3A_2342 = arith.shrui %gather3A, %shift_right_logical3A_2341 : vector<16xi32>
      %eq3A_2343 = vector.broadcast %add3A_1712 : i32 to vector<16xi32>
      %eq3A_2344 = arith.cmpi eq, %shift_right_logical3A_2342, %eq3A_2343 : vector<16xi32>
      %and3A_2345 = arith.andi %lt3A_2332, %eq3A_2344 : vector<16xi1>
      %shift_right_logical3A_2346 = arith.constant 11 : i32
      %shift_right_logical3A_2347 = vector.broadcast %shift_right_logical3A_2346 : i32 to vector<16xi32>
      %shift_right_logical3A_2348 = arith.shrui %gather3A, %shift_right_logical3A_2347 : vector<16xi32>
      %and3A_2349 = arith.constant 15 : i32
      %and3A_2350 = vector.broadcast %and3A_2349 : i32 to vector<16xi32>
      %and3A_2351 = arith.andi %shift_right_logical3A_2348, %and3A_2350 : vector<16xi32>
      tpu.vector_store_idx %arg10[%and3A_2351], %broadcast_in_dim3A_1 masked %and3A_2345 {add = true} : memref<256xi32, #tpu.memory_space<vmem>>[vector<16xi32>], vector<16xi32>, vector<16xi1>
      %while3A_2352 = arith.constant 0 : i32
      scf.yield %while3A_2352 : i32
    }
    %get3A_1728 = arith.constant 0 : index
    %get3A_1729 = tpu.vector_load %arg10[%get3A_1728] {strides = array<i32>} : memref<256xi32, #tpu.memory_space<vmem>>, vector<16xi32>,
    %rev3A_1730 = arith.constant 15 : i32
    %rev3A_1731 = vector.broadcast %rev3A_1730 : i32 to vector<16xi32>
    %rev3A_1732 = tpu.iota {dimensions = array<i32: 0>} : vector<16xi32>
    %rev3A_1733 = arith.subi %rev3A_1731, %rev3A_1732 : vector<16xi32>
    %rev3A_1734 = tpu.dynamic_gather %get3A_1729[%rev3A_1733] in [0] : vector<16xi32>, vector<16xi32> -> vector<16xi32>
    %broadcast_in_dim3A_1735 = arith.constant true
    %broadcast_in_dim3A_1736 = vector.broadcast %broadcast_in_dim3A_1735 : i1 to vector<16xi1>
    %masked_cumsum3A_1737 = tpu.scan <sum>, %rev3A_1734 masked %broadcast_in_dim3A_1736 : vector<16xi32>, vector<16xi1> -> vector<16xi32>
    %add3A_1738 = arith.constant 0 : i32
    %add3A_1739 = vector.broadcast %add3A_1738 : i32 to vector<16xi32>
    %add3A_1740 = arith.addi %masked_cumsum3A_1737, %add3A_1739 : vector<16xi32>
    %ge3A_1741 = vector.broadcast %sub3A_1713 : i32 to vector<16xi32>
    %ge3A_1742 = arith.cmpi sge, %add3A_1740, %ge3A_1741 : vector<16xi32>
    %sub3A_1743 = arith.subi %add3A_1740, %rev3A_1734 : vector<16xi32>
    %lt3A_1744 = vector.broadcast %sub3A_1713 : i32 to vector<16xi32>
    %lt3A_1745 = arith.cmpi slt, %sub3A_1743, %lt3A_1744 : vector<16xi32>
    %and3A_1746 = arith.andi %ge3A_1742, %lt3A_1745 : vector<16xi1>
    %sub3A_1747 = arith.subi %add3A_1740, %rev3A_1734 : vector<16xi32>
    %mul3A_1748 = arith.constant 4096 : i32
    %mul3A_1749 = vector.broadcast %mul3A_1748 : i32 to vector<16xi32>
    %mul3A_1750 = arith.muli %sub3A_1747, %mul3A_1749 : vector<16xi32>
    %sub3A_1751 = arith.constant 15 : i32
    %sub3A_1752 = vector.broadcast %sub3A_1751 : i32 to vector<16xi32>
    %sub3A_1753 = arith.subi %sub3A_1752, %iota3A : vector<16xi32>
    %add3A_1754 = arith.addi %mul3A_1750, %sub3A_1753 : vector<16xi32>
    %jit3A_1755 = arith.constant -1 : i32
    %broadcast_in_dim3A_1756 = vector.broadcast %jit3A_1755 : i32 to vector<16xi32>
    %select_n3A_1757 = arith.select %and3A_1746, %add3A_1754, %broadcast_in_dim3A_1756 : vector<16xi1>, vector<16xi32>
    %reduce_max3A_1758 = arith.constant true
    %reduce_max3A_1759 = vector.broadcast %reduce_max3A_1758 : i1 to vector<16xi1>
    %reduce_max3A_1760 = arith.constant -2147483648 : i32
    %reduce_max3A_1761 = vector.broadcast %reduce_max3A_1760 : i32 to vector<16xi32>
    %reduce_max3A_1762 = arith.xori %select_n3A_1757, %reduce_max3A_1761 : vector<16xi32>
    %reduce_max3A_1763 = tpu.scan <max>, %reduce_max3A_1762 masked %reduce_max3A_1759 : vector<16xi32>, vector<16xi1> -> vector<16xi32>
    %reduce_max3A_1764 = arith.xori %reduce_max3A_1763, %reduce_max3A_1761 : vector<16xi32>
    %reduce_max3A_1765 = vector.extract %reduce_max3A_1764[15] : i32 from vector<16xi32>
    %max3A_1766 = arith.constant -1 : i32
    %max3A_1767 = arith.maxsi %max3A_1766, %reduce_max3A_1765 : i32
    %and3A_1768 = arith.constant 4095 : i32
    %and3A_1769 = arith.andi %max3A_1767, %and3A_1768 : i32
    %shift_right_logical3A_1770 = arith.constant 12 : i32
    %shift_right_logical3A_1771 = arith.shrui %max3A_1767, %shift_right_logical3A_1770 : i32
    %mul3A_1772 = arith.constant 16 : i32
    %mul3A_1773 = arith.muli %add3A_1712, %mul3A_1772 : i32
    %add3A_1774 = arith.addi %mul3A_1773, %and3A_1769 : i32
    %sub3A_1775 = arith.subi %sub3A_1713, %shift_right_logical3A_1771 : i32
    %swap3A_1776 = arith.constant 0 : index
    %swap3A_1777 = tpu.vector_load %arg10[%swap3A_1776] {strides = array<i32>} : memref<256xi32, #tpu.memory_space<vmem>>, vector<16xi32>,
    tpu.vector_store %arg10[%swap3A_1776], %broadcast_in_dim3A_3 {strides = array<i32>} : memref<256xi32, #tpu.memory_space<vmem>>, vector<16xi32>,
    %while3A_1778 = arith.constant 0 : i32
    %while3A_1779 = arith.constant 0 : i32
    %while3A_1780 = arith.subi %shift_right_logical3A_1652, %while3A_1778 : i32
    %while3A_1781 = arith.addi %while3A_1778, %while3A_1780 : i32
    %while3A_1782 = arith.constant 1 : i32
    %while3A_1783 = arith.divsi %while3A_1780, %while3A_1782 : i32
    %while3A_1784 = arith.muli %while3A_1783, %while3A_1782 : i32
    %while3A_1785 = arith.addi %while3A_1778, %while3A_1784 : i32
    %while3A_1786 = arith.constant 1 : i32
    %while3A_1787 = scf.for %while3A_2325 = %while3A_1778 to %while3A_1785 step %while3A_1786 iter_args(%while3A_2326 = %while3A_1779) -> (i32)  : i32 {
      %mul3A_2327 = arith.constant 16 : i32
      %mul3A_2328 = arith.muli %while3A_2325, %mul3A_2327 : i32
      %add3A_2329 = vector.broadcast %mul3A_2328 : i32 to vector<16xi32>
      %add3A_2330 = arith.addi %add3A_2329, %iota3A : vector<16xi32>
      %lt3A_2331 = vector.broadcast %parallel_loop3A_1648#0 : i32 to vector<16xi32>
      %lt3A_2332 = arith.cmpi slt, %add3A_2330, %lt3A_2331 : vector<16xi32>
      %mul3A_2333 = arith.constant 16 : i32
      %mul3A_2334 = arith.muli %while3A_2325, %mul3A_2333 : i32
      %get3A_2335 = arith.index_cast %mul3A_2334 : i32 to index
      %get3A_2336 = tpu.vector_load %arg6[%get3A_2335] {strides = array<i32>} : memref<8192xi32, #tpu.memory_space<vmem>>, vector<16xi32>,
      %and3A_2337 = arith.constant 8191 : i32
      %and3A_2338 = vector.broadcast %and3A_2337 : i32 to vector<16xi32>
      %and3A_2339 = arith.andi %get3A_2336, %and3A_2338 : vector<16xi32>
      %gather3A = tpu.vector_load_idx %arg4[%and3A_2339] masked %lt3A_2332 : memref<8192xi32, #tpu.memory_space<vmem>>[vector<16xi32>], vector<16xi32>, vector<16xi1>
      %shift_right_logical3A_2340 = arith.constant 11 : i32
      %shift_right_logical3A_2341 = vector.broadcast %shift_right_logical3A_2340 : i32 to vector<16xi32>
      %shift_right_logical3A_2342 = arith.shrui %gather3A, %shift_right_logical3A_2341 : vector<16xi32>
      %eq3A_2343 = vector.broadcast %add3A_1774 : i32 to vector<16xi32>
      %eq3A_2344 = arith.cmpi eq, %shift_right_logical3A_2342, %eq3A_2343 : vector<16xi32>
      %and3A_2345 = arith.andi %lt3A_2332, %eq3A_2344 : vector<16xi1>
      %shift_right_logical3A_2346 = arith.constant 7 : i32
      %shift_right_logical3A_2347 = vector.broadcast %shift_right_logical3A_2346 : i32 to vector<16xi32>
      %shift_right_logical3A_2348 = arith.shrui %gather3A, %shift_right_logical3A_2347 : vector<16xi32>
      %and3A_2349 = arith.constant 15 : i32
      %and3A_2350 = vector.broadcast %and3A_2349 : i32 to vector<16xi32>
      %and3A_2351 = arith.andi %shift_right_logical3A_2348, %and3A_2350 : vector<16xi32>
      tpu.vector_store_idx %arg10[%and3A_2351], %broadcast_in_dim3A_1 masked %and3A_2345 {add = true} : memref<256xi32, #tpu.memory_space<vmem>>[vector<16xi32>], vector<16xi32>, vector<16xi1>
      %while3A_2352 = arith.constant 0 : i32
      scf.yield %while3A_2352 : i32
    }
    %while3A_1788 = arith.constant 1 : i32
    %while3A_1789 = scf.for %while3A_2325 = %while3A_1785 to %while3A_1781 step %while3A_1788 iter_args(%while3A_2326 = %while3A_1787) -> (i32)  : i32 {
      %mul3A_2327 = arith.constant 16 : i32
      %mul3A_2328 = arith.muli %while3A_2325, %mul3A_2327 : i32
      %add3A_2329 = vector.broadcast %mul3A_2328 : i32 to vector<16xi32>
      %add3A_2330 = arith.addi %add3A_2329, %iota3A : vector<16xi32>
      %lt3A_2331 = vector.broadcast %parallel_loop3A_1648#0 : i32 to vector<16xi32>
      %lt3A_2332 = arith.cmpi slt, %add3A_2330, %lt3A_2331 : vector<16xi32>
      %mul3A_2333 = arith.constant 16 : i32
      %mul3A_2334 = arith.muli %while3A_2325, %mul3A_2333 : i32
      %get3A_2335 = arith.index_cast %mul3A_2334 : i32 to index
      %get3A_2336 = tpu.vector_load %arg6[%get3A_2335] {strides = array<i32>} : memref<8192xi32, #tpu.memory_space<vmem>>, vector<16xi32>,
      %and3A_2337 = arith.constant 8191 : i32
      %and3A_2338 = vector.broadcast %and3A_2337 : i32 to vector<16xi32>
      %and3A_2339 = arith.andi %get3A_2336, %and3A_2338 : vector<16xi32>
      %gather3A = tpu.vector_load_idx %arg4[%and3A_2339] masked %lt3A_2332 : memref<8192xi32, #tpu.memory_space<vmem>>[vector<16xi32>], vector<16xi32>, vector<16xi1>
      %shift_right_logical3A_2340 = arith.constant 11 : i32
      %shift_right_logical3A_2341 = vector.broadcast %shift_right_logical3A_2340 : i32 to vector<16xi32>
      %shift_right_logical3A_2342 = arith.shrui %gather3A, %shift_right_logical3A_2341 : vector<16xi32>
      %eq3A_2343 = vector.broadcast %add3A_1774 : i32 to vector<16xi32>
      %eq3A_2344 = arith.cmpi eq, %shift_right_logical3A_2342, %eq3A_2343 : vector<16xi32>
      %and3A_2345 = arith.andi %lt3A_2332, %eq3A_2344 : vector<16xi1>
      %shift_right_logical3A_2346 = arith.constant 7 : i32
      %shift_right_logical3A_2347 = vector.broadcast %shift_right_logical3A_2346 : i32 to vector<16xi32>
      %shift_right_logical3A_2348 = arith.shrui %gather3A, %shift_right_logical3A_2347 : vector<16xi32>
      %and3A_2349 = arith.constant 15 : i32
      %and3A_2350 = vector.broadcast %and3A_2349 : i32 to vector<16xi32>
      %and3A_2351 = arith.andi %shift_right_logical3A_2348, %and3A_2350 : vector<16xi32>
      tpu.vector_store_idx %arg10[%and3A_2351], %broadcast_in_dim3A_1 masked %and3A_2345 {add = true} : memref<256xi32, #tpu.memory_space<vmem>>[vector<16xi32>], vector<16xi32>, vector<16xi1>
      %while3A_2352 = arith.constant 0 : i32
      scf.yield %while3A_2352 : i32
    }
    %get3A_1790 = arith.constant 0 : index
    %get3A_1791 = tpu.vector_load %arg10[%get3A_1790] {strides = array<i32>} : memref<256xi32, #tpu.memory_space<vmem>>, vector<16xi32>,
    %rev3A_1792 = arith.constant 15 : i32
    %rev3A_1793 = vector.broadcast %rev3A_1792 : i32 to vector<16xi32>
    %rev3A_1794 = tpu.iota {dimensions = array<i32: 0>} : vector<16xi32>
    %rev3A_1795 = arith.subi %rev3A_1793, %rev3A_1794 : vector<16xi32>
    %rev3A_1796 = tpu.dynamic_gather %get3A_1791[%rev3A_1795] in [0] : vector<16xi32>, vector<16xi32> -> vector<16xi32>
    %broadcast_in_dim3A_1797 = arith.constant true
    %broadcast_in_dim3A_1798 = vector.broadcast %broadcast_in_dim3A_1797 : i1 to vector<16xi1>
    %masked_cumsum3A_1799 = tpu.scan <sum>, %rev3A_1796 masked %broadcast_in_dim3A_1798 : vector<16xi32>, vector<16xi1> -> vector<16xi32>
    %add3A_1800 = arith.constant 0 : i32
    %add3A_1801 = vector.broadcast %add3A_1800 : i32 to vector<16xi32>
    %add3A_1802 = arith.addi %masked_cumsum3A_1799, %add3A_1801 : vector<16xi32>
    %ge3A_1803 = vector.broadcast %sub3A_1775 : i32 to vector<16xi32>
    %ge3A_1804 = arith.cmpi sge, %add3A_1802, %ge3A_1803 : vector<16xi32>
    %sub3A_1805 = arith.subi %add3A_1802, %rev3A_1796 : vector<16xi32>
    %lt3A_1806 = vector.broadcast %sub3A_1775 : i32 to vector<16xi32>
    %lt3A_1807 = arith.cmpi slt, %sub3A_1805, %lt3A_1806 : vector<16xi32>
    %and3A_1808 = arith.andi %ge3A_1804, %lt3A_1807 : vector<16xi1>
    %sub3A_1809 = arith.subi %add3A_1802, %rev3A_1796 : vector<16xi32>
    %mul3A_1810 = arith.constant 4096 : i32
    %mul3A_1811 = vector.broadcast %mul3A_1810 : i32 to vector<16xi32>
    %mul3A_1812 = arith.muli %sub3A_1809, %mul3A_1811 : vector<16xi32>
    %sub3A_1813 = arith.constant 15 : i32
    %sub3A_1814 = vector.broadcast %sub3A_1813 : i32 to vector<16xi32>
    %sub3A_1815 = arith.subi %sub3A_1814, %iota3A : vector<16xi32>
    %add3A_1816 = arith.addi %mul3A_1812, %sub3A_1815 : vector<16xi32>
    %jit3A_1817 = arith.constant -1 : i32
    %broadcast_in_dim3A_1818 = vector.broadcast %jit3A_1817 : i32 to vector<16xi32>
    %select_n3A_1819 = arith.select %and3A_1808, %add3A_1816, %broadcast_in_dim3A_1818 : vector<16xi1>, vector<16xi32>
    %reduce_max3A_1820 = arith.constant true
    %reduce_max3A_1821 = vector.broadcast %reduce_max3A_1820 : i1 to vector<16xi1>
    %reduce_max3A_1822 = arith.constant -2147483648 : i32
    %reduce_max3A_1823 = vector.broadcast %reduce_max3A_1822 : i32 to vector<16xi32>
    %reduce_max3A_1824 = arith.xori %select_n3A_1819, %reduce_max3A_1823 : vector<16xi32>
    %reduce_max3A_1825 = tpu.scan <max>, %reduce_max3A_1824 masked %reduce_max3A_1821 : vector<16xi32>, vector<16xi1> -> vector<16xi32>
    %reduce_max3A_1826 = arith.xori %reduce_max3A_1825, %reduce_max3A_1823 : vector<16xi32>
    %reduce_max3A_1827 = vector.extract %reduce_max3A_1826[15] : i32 from vector<16xi32>
    %max3A_1828 = arith.constant -1 : i32
    %max3A_1829 = arith.maxsi %max3A_1828, %reduce_max3A_1827 : i32
    %and3A_1830 = arith.constant 4095 : i32
    %and3A_1831 = arith.andi %max3A_1829, %and3A_1830 : i32
    %shift_right_logical3A_1832 = arith.constant 12 : i32
    %shift_right_logical3A_1833 = arith.shrui %max3A_1829, %shift_right_logical3A_1832 : i32
    %mul3A_1834 = arith.constant 16 : i32
    %mul3A_1835 = arith.muli %add3A_1774, %mul3A_1834 : i32
    %add3A_1836 = arith.addi %mul3A_1835, %and3A_1831 : i32
    %sub3A_1837 = arith.subi %sub3A_1775, %shift_right_logical3A_1833 : i32
    %swap3A_1838 = arith.constant 0 : index
    %swap3A_1839 = tpu.vector_load %arg10[%swap3A_1838] {strides = array<i32>} : memref<256xi32, #tpu.memory_space<vmem>>, vector<16xi32>,
    tpu.vector_store %arg10[%swap3A_1838], %broadcast_in_dim3A_3 {strides = array<i32>} : memref<256xi32, #tpu.memory_space<vmem>>, vector<16xi32>,
    %while3A_1840 = arith.constant 0 : i32
    %while3A_1841 = arith.constant 0 : i32
    %while3A_1842 = arith.subi %shift_right_logical3A_1652, %while3A_1840 : i32
    %while3A_1843 = arith.addi %while3A_1840, %while3A_1842 : i32
    %while3A_1844 = arith.constant 1 : i32
    %while3A_1845 = arith.divsi %while3A_1842, %while3A_1844 : i32
    %while3A_1846 = arith.muli %while3A_1845, %while3A_1844 : i32
    %while3A_1847 = arith.addi %while3A_1840, %while3A_1846 : i32
    %while3A_1848 = arith.constant 1 : i32
    %while3A_1849 = scf.for %while3A_2325 = %while3A_1840 to %while3A_1847 step %while3A_1848 iter_args(%while3A_2326 = %while3A_1841) -> (i32)  : i32 {
      %mul3A_2327 = arith.constant 16 : i32
      %mul3A_2328 = arith.muli %while3A_2325, %mul3A_2327 : i32
      %add3A_2329 = vector.broadcast %mul3A_2328 : i32 to vector<16xi32>
      %add3A_2330 = arith.addi %add3A_2329, %iota3A : vector<16xi32>
      %lt3A_2331 = vector.broadcast %parallel_loop3A_1648#0 : i32 to vector<16xi32>
      %lt3A_2332 = arith.cmpi slt, %add3A_2330, %lt3A_2331 : vector<16xi32>
      %mul3A_2333 = arith.constant 16 : i32
      %mul3A_2334 = arith.muli %while3A_2325, %mul3A_2333 : i32
      %get3A_2335 = arith.index_cast %mul3A_2334 : i32 to index
      %get3A_2336 = tpu.vector_load %arg6[%get3A_2335] {strides = array<i32>} : memref<8192xi32, #tpu.memory_space<vmem>>, vector<16xi32>,
      %and3A_2337 = arith.constant 8191 : i32
      %and3A_2338 = vector.broadcast %and3A_2337 : i32 to vector<16xi32>
      %and3A_2339 = arith.andi %get3A_2336, %and3A_2338 : vector<16xi32>
      %gather3A = tpu.vector_load_idx %arg4[%and3A_2339] masked %lt3A_2332 : memref<8192xi32, #tpu.memory_space<vmem>>[vector<16xi32>], vector<16xi32>, vector<16xi1>
      %shift_right_logical3A_2340 = arith.constant 7 : i32
      %shift_right_logical3A_2341 = vector.broadcast %shift_right_logical3A_2340 : i32 to vector<16xi32>
      %shift_right_logical3A_2342 = arith.shrui %gather3A, %shift_right_logical3A_2341 : vector<16xi32>
      %eq3A_2343 = vector.broadcast %add3A_1836 : i32 to vector<16xi32>
      %eq3A_2344 = arith.cmpi eq, %shift_right_logical3A_2342, %eq3A_2343 : vector<16xi32>
      %and3A_2345 = arith.andi %lt3A_2332, %eq3A_2344 : vector<16xi1>
      %shift_right_logical3A_2346 = arith.constant 3 : i32
      %shift_right_logical3A_2347 = vector.broadcast %shift_right_logical3A_2346 : i32 to vector<16xi32>
      %shift_right_logical3A_2348 = arith.shrui %gather3A, %shift_right_logical3A_2347 : vector<16xi32>
      %and3A_2349 = arith.constant 15 : i32
      %and3A_2350 = vector.broadcast %and3A_2349 : i32 to vector<16xi32>
      %and3A_2351 = arith.andi %shift_right_logical3A_2348, %and3A_2350 : vector<16xi32>
      tpu.vector_store_idx %arg10[%and3A_2351], %broadcast_in_dim3A_1 masked %and3A_2345 {add = true} : memref<256xi32, #tpu.memory_space<vmem>>[vector<16xi32>], vector<16xi32>, vector<16xi1>
      %while3A_2352 = arith.constant 0 : i32
      scf.yield %while3A_2352 : i32
    }
    %while3A_1850 = arith.constant 1 : i32
    %while3A_1851 = scf.for %while3A_2325 = %while3A_1847 to %while3A_1843 step %while3A_1850 iter_args(%while3A_2326 = %while3A_1849) -> (i32)  : i32 {
      %mul3A_2327 = arith.constant 16 : i32
      %mul3A_2328 = arith.muli %while3A_2325, %mul3A_2327 : i32
      %add3A_2329 = vector.broadcast %mul3A_2328 : i32 to vector<16xi32>
      %add3A_2330 = arith.addi %add3A_2329, %iota3A : vector<16xi32>
      %lt3A_2331 = vector.broadcast %parallel_loop3A_1648#0 : i32 to vector<16xi32>
      %lt3A_2332 = arith.cmpi slt, %add3A_2330, %lt3A_2331 : vector<16xi32>
      %mul3A_2333 = arith.constant 16 : i32
      %mul3A_2334 = arith.muli %while3A_2325, %mul3A_2333 : i32
      %get3A_2335 = arith.index_cast %mul3A_2334 : i32 to index
      %get3A_2336 = tpu.vector_load %arg6[%get3A_2335] {strides = array<i32>} : memref<8192xi32, #tpu.memory_space<vmem>>, vector<16xi32>,
      %and3A_2337 = arith.constant 8191 : i32
      %and3A_2338 = vector.broadcast %and3A_2337 : i32 to vector<16xi32>
      %and3A_2339 = arith.andi %get3A_2336, %and3A_2338 : vector<16xi32>
      %gather3A = tpu.vector_load_idx %arg4[%and3A_2339] masked %lt3A_2332 : memref<8192xi32, #tpu.memory_space<vmem>>[vector<16xi32>], vector<16xi32>, vector<16xi1>
      %shift_right_logical3A_2340 = arith.constant 7 : i32
      %shift_right_logical3A_2341 = vector.broadcast %shift_right_logical3A_2340 : i32 to vector<16xi32>
      %shift_right_logical3A_2342 = arith.shrui %gather3A, %shift_right_logical3A_2341 : vector<16xi32>
      %eq3A_2343 = vector.broadcast %add3A_1836 : i32 to vector<16xi32>
      %eq3A_2344 = arith.cmpi eq, %shift_right_logical3A_2342, %eq3A_2343 : vector<16xi32>
      %and3A_2345 = arith.andi %lt3A_2332, %eq3A_2344 : vector<16xi1>
      %shift_right_logical3A_2346 = arith.constant 3 : i32
      %shift_right_logical3A_2347 = vector.broadcast %shift_right_logical3A_2346 : i32 to vector<16xi32>
      %shift_right_logical3A_2348 = arith.shrui %gather3A, %shift_right_logical3A_2347 : vector<16xi32>
      %and3A_2349 = arith.constant 15 : i32
      %and3A_2350 = vector.broadcast %and3A_2349 : i32 to vector<16xi32>
      %and3A_2351 = arith.andi %shift_right_logical3A_2348, %and3A_2350 : vector<16xi32>
      tpu.vector_store_idx %arg10[%and3A_2351], %broadcast_in_dim3A_1 masked %and3A_2345 {add = true} : memref<256xi32, #tpu.memory_space<vmem>>[vector<16xi32>], vector<16xi32>, vector<16xi1>
      %while3A_2352 = arith.constant 0 : i32
      scf.yield %while3A_2352 : i32
    }
    %get3A_1852 = arith.constant 0 : index
    %get3A_1853 = tpu.vector_load %arg10[%get3A_1852] {strides = array<i32>} : memref<256xi32, #tpu.memory_space<vmem>>, vector<16xi32>,
    %rev3A_1854 = arith.constant 15 : i32
    %rev3A_1855 = vector.broadcast %rev3A_1854 : i32 to vector<16xi32>
    %rev3A_1856 = tpu.iota {dimensions = array<i32: 0>} : vector<16xi32>
    %rev3A_1857 = arith.subi %rev3A_1855, %rev3A_1856 : vector<16xi32>
    %rev3A_1858 = tpu.dynamic_gather %get3A_1853[%rev3A_1857] in [0] : vector<16xi32>, vector<16xi32> -> vector<16xi32>
    %broadcast_in_dim3A_1859 = arith.constant true
    %broadcast_in_dim3A_1860 = vector.broadcast %broadcast_in_dim3A_1859 : i1 to vector<16xi1>
    %masked_cumsum3A_1861 = tpu.scan <sum>, %rev3A_1858 masked %broadcast_in_dim3A_1860 : vector<16xi32>, vector<16xi1> -> vector<16xi32>
    %add3A_1862 = arith.constant 0 : i32
    %add3A_1863 = vector.broadcast %add3A_1862 : i32 to vector<16xi32>
    %add3A_1864 = arith.addi %masked_cumsum3A_1861, %add3A_1863 : vector<16xi32>
    %ge3A_1865 = vector.broadcast %sub3A_1837 : i32 to vector<16xi32>
    %ge3A_1866 = arith.cmpi sge, %add3A_1864, %ge3A_1865 : vector<16xi32>
    %sub3A_1867 = arith.subi %add3A_1864, %rev3A_1858 : vector<16xi32>
    %lt3A_1868 = vector.broadcast %sub3A_1837 : i32 to vector<16xi32>
    %lt3A_1869 = arith.cmpi slt, %sub3A_1867, %lt3A_1868 : vector<16xi32>
    %and3A_1870 = arith.andi %ge3A_1866, %lt3A_1869 : vector<16xi1>
    %sub3A_1871 = arith.subi %add3A_1864, %rev3A_1858 : vector<16xi32>
    %mul3A_1872 = arith.constant 4096 : i32
    %mul3A_1873 = vector.broadcast %mul3A_1872 : i32 to vector<16xi32>
    %mul3A_1874 = arith.muli %sub3A_1871, %mul3A_1873 : vector<16xi32>
    %sub3A_1875 = arith.constant 15 : i32
    %sub3A_1876 = vector.broadcast %sub3A_1875 : i32 to vector<16xi32>
    %sub3A_1877 = arith.subi %sub3A_1876, %iota3A : vector<16xi32>
    %add3A_1878 = arith.addi %mul3A_1874, %sub3A_1877 : vector<16xi32>
    %jit3A_1879 = arith.constant -1 : i32
    %broadcast_in_dim3A_1880 = vector.broadcast %jit3A_1879 : i32 to vector<16xi32>
    %select_n3A_1881 = arith.select %and3A_1870, %add3A_1878, %broadcast_in_dim3A_1880 : vector<16xi1>, vector<16xi32>
    %reduce_max3A_1882 = arith.constant true
    %reduce_max3A_1883 = vector.broadcast %reduce_max3A_1882 : i1 to vector<16xi1>
    %reduce_max3A_1884 = arith.constant -2147483648 : i32
    %reduce_max3A_1885 = vector.broadcast %reduce_max3A_1884 : i32 to vector<16xi32>
    %reduce_max3A_1886 = arith.xori %select_n3A_1881, %reduce_max3A_1885 : vector<16xi32>
    %reduce_max3A_1887 = tpu.scan <max>, %reduce_max3A_1886 masked %reduce_max3A_1883 : vector<16xi32>, vector<16xi1> -> vector<16xi32>
    %reduce_max3A_1888 = arith.xori %reduce_max3A_1887, %reduce_max3A_1885 : vector<16xi32>
    %reduce_max3A_1889 = vector.extract %reduce_max3A_1888[15] : i32 from vector<16xi32>
    %max3A_1890 = arith.constant -1 : i32
    %max3A_1891 = arith.maxsi %max3A_1890, %reduce_max3A_1889 : i32
    %and3A_1892 = arith.constant 4095 : i32
    %and3A_1893 = arith.andi %max3A_1891, %and3A_1892 : i32
    %shift_right_logical3A_1894 = arith.constant 12 : i32
    %shift_right_logical3A_1895 = arith.shrui %max3A_1891, %shift_right_logical3A_1894 : i32
    %mul3A_1896 = arith.constant 16 : i32
    %mul3A_1897 = arith.muli %add3A_1836, %mul3A_1896 : i32
    %add3A_1898 = arith.addi %mul3A_1897, %and3A_1893 : i32
    %sub3A_1899 = arith.subi %sub3A_1837, %shift_right_logical3A_1895 : i32
    %swap3A_1900 = arith.constant 0 : index
    %swap3A_1901 = tpu.vector_load %arg10[%swap3A_1900] {strides = array<i32>} : memref<256xi32, #tpu.memory_space<vmem>>, vector<16xi32>,
    tpu.vector_store %arg10[%swap3A_1900], %broadcast_in_dim3A_3 {strides = array<i32>} : memref<256xi32, #tpu.memory_space<vmem>>, vector<16xi32>,
    %while3A_1902 = arith.constant 0 : i32
    %while3A_1903 = arith.constant 0 : i32
    %while3A_1904 = arith.subi %shift_right_logical3A_1652, %while3A_1902 : i32
    %while3A_1905 = arith.addi %while3A_1902, %while3A_1904 : i32
    %while3A_1906 = arith.constant 1 : i32
    %while3A_1907 = arith.divsi %while3A_1904, %while3A_1906 : i32
    %while3A_1908 = arith.muli %while3A_1907, %while3A_1906 : i32
    %while3A_1909 = arith.addi %while3A_1902, %while3A_1908 : i32
    %while3A_1910 = arith.constant 1 : i32
    %while3A_1911 = scf.for %while3A_2325 = %while3A_1902 to %while3A_1909 step %while3A_1910 iter_args(%while3A_2326 = %while3A_1903) -> (i32)  : i32 {
      %mul3A_2327 = arith.constant 16 : i32
      %mul3A_2328 = arith.muli %while3A_2325, %mul3A_2327 : i32
      %add3A_2329 = vector.broadcast %mul3A_2328 : i32 to vector<16xi32>
      %add3A_2330 = arith.addi %add3A_2329, %iota3A : vector<16xi32>
      %lt3A_2331 = vector.broadcast %parallel_loop3A_1648#0 : i32 to vector<16xi32>
      %lt3A_2332 = arith.cmpi slt, %add3A_2330, %lt3A_2331 : vector<16xi32>
      %mul3A_2333 = arith.constant 16 : i32
      %mul3A_2334 = arith.muli %while3A_2325, %mul3A_2333 : i32
      %get3A_2335 = arith.index_cast %mul3A_2334 : i32 to index
      %get3A_2336 = tpu.vector_load %arg6[%get3A_2335] {strides = array<i32>} : memref<8192xi32, #tpu.memory_space<vmem>>, vector<16xi32>,
      %and3A_2337 = arith.constant 8191 : i32
      %and3A_2338 = vector.broadcast %and3A_2337 : i32 to vector<16xi32>
      %and3A_2339 = arith.andi %get3A_2336, %and3A_2338 : vector<16xi32>
      %gather3A = tpu.vector_load_idx %arg4[%and3A_2339] masked %lt3A_2332 : memref<8192xi32, #tpu.memory_space<vmem>>[vector<16xi32>], vector<16xi32>, vector<16xi1>
      %shift_right_logical3A_2340 = arith.constant 3 : i32
      %shift_right_logical3A_2341 = vector.broadcast %shift_right_logical3A_2340 : i32 to vector<16xi32>
      %shift_right_logical3A_2342 = arith.shrui %gather3A, %shift_right_logical3A_2341 : vector<16xi32>
      %eq3A_2343 = vector.broadcast %add3A_1898 : i32 to vector<16xi32>
      %eq3A_2344 = arith.cmpi eq, %shift_right_logical3A_2342, %eq3A_2343 : vector<16xi32>
      %and3A_2345 = arith.andi %lt3A_2332, %eq3A_2344 : vector<16xi1>
      %shift_right_logical3A_2346 = arith.constant 0 : i32
      %shift_right_logical3A_2347 = vector.broadcast %shift_right_logical3A_2346 : i32 to vector<16xi32>
      %shift_right_logical3A_2348 = arith.shrui %gather3A, %shift_right_logical3A_2347 : vector<16xi32>
      %and3A_2349 = arith.constant 7 : i32
      %and3A_2350 = vector.broadcast %and3A_2349 : i32 to vector<16xi32>
      %and3A_2351 = arith.andi %shift_right_logical3A_2348, %and3A_2350 : vector<16xi32>
      tpu.vector_store_idx %arg10[%and3A_2351], %broadcast_in_dim3A_1 masked %and3A_2345 {add = true} : memref<256xi32, #tpu.memory_space<vmem>>[vector<16xi32>], vector<16xi32>, vector<16xi1>
      %while3A_2352 = arith.constant 0 : i32
      scf.yield %while3A_2352 : i32
    }
    %while3A_1912 = arith.constant 1 : i32
    %while3A_1913 = scf.for %while3A_2325 = %while3A_1909 to %while3A_1905 step %while3A_1912 iter_args(%while3A_2326 = %while3A_1911) -> (i32)  : i32 {
      %mul3A_2327 = arith.constant 16 : i32
      %mul3A_2328 = arith.muli %while3A_2325, %mul3A_2327 : i32
      %add3A_2329 = vector.broadcast %mul3A_2328 : i32 to vector<16xi32>
      %add3A_2330 = arith.addi %add3A_2329, %iota3A : vector<16xi32>
      %lt3A_2331 = vector.broadcast %parallel_loop3A_1648#0 : i32 to vector<16xi32>
      %lt3A_2332 = arith.cmpi slt, %add3A_2330, %lt3A_2331 : vector<16xi32>
      %mul3A_2333 = arith.constant 16 : i32
      %mul3A_2334 = arith.muli %while3A_2325, %mul3A_2333 : i32
      %get3A_2335 = arith.index_cast %mul3A_2334 : i32 to index
      %get3A_2336 = tpu.vector_load %arg6[%get3A_2335] {strides = array<i32>} : memref<8192xi32, #tpu.memory_space<vmem>>, vector<16xi32>,
      %and3A_2337 = arith.constant 8191 : i32
      %and3A_2338 = vector.broadcast %and3A_2337 : i32 to vector<16xi32>
      %and3A_2339 = arith.andi %get3A_2336, %and3A_2338 : vector<16xi32>
      %gather3A = tpu.vector_load_idx %arg4[%and3A_2339] masked %lt3A_2332 : memref<8192xi32, #tpu.memory_space<vmem>>[vector<16xi32>], vector<16xi32>, vector<16xi1>
      %shift_right_logical3A_2340 = arith.constant 3 : i32
      %shift_right_logical3A_2341 = vector.broadcast %shift_right_logical3A_2340 : i32 to vector<16xi32>
      %shift_right_logical3A_2342 = arith.shrui %gather3A, %shift_right_logical3A_2341 : vector<16xi32>
      %eq3A_2343 = vector.broadcast %add3A_1898 : i32 to vector<16xi32>
      %eq3A_2344 = arith.cmpi eq, %shift_right_logical3A_2342, %eq3A_2343 : vector<16xi32>
      %and3A_2345 = arith.andi %lt3A_2332, %eq3A_2344 : vector<16xi1>
      %shift_right_logical3A_2346 = arith.constant 0 : i32
      %shift_right_logical3A_2347 = vector.broadcast %shift_right_logical3A_2346 : i32 to vector<16xi32>
      %shift_right_logical3A_2348 = arith.shrui %gather3A, %shift_right_logical3A_2347 : vector<16xi32>
      %and3A_2349 = arith.constant 7 : i32
      %and3A_2350 = vector.broadcast %and3A_2349 : i32 to vector<16xi32>
      %and3A_2351 = arith.andi %shift_right_logical3A_2348, %and3A_2350 : vector<16xi32>
      tpu.vector_store_idx %arg10[%and3A_2351], %broadcast_in_dim3A_1 masked %and3A_2345 {add = true} : memref<256xi32, #tpu.memory_space<vmem>>[vector<16xi32>], vector<16xi32>, vector<16xi1>
      %while3A_2352 = arith.constant 0 : i32
      scf.yield %while3A_2352 : i32
    }
    %get3A_1914 = arith.constant 0 : index
    %get3A_1915 = tpu.vector_load %arg10[%get3A_1914] {strides = array<i32>} : memref<256xi32, #tpu.memory_space<vmem>>, vector<16xi32>,
    %rev3A_1916 = arith.constant 15 : i32
    %rev3A_1917 = vector.broadcast %rev3A_1916 : i32 to vector<16xi32>
    %rev3A_1918 = tpu.iota {dimensions = array<i32: 0>} : vector<16xi32>
    %rev3A_1919 = arith.subi %rev3A_1917, %rev3A_1918 : vector<16xi32>
    %rev3A_1920 = tpu.dynamic_gather %get3A_1915[%rev3A_1919] in [0] : vector<16xi32>, vector<16xi32> -> vector<16xi32>
    %broadcast_in_dim3A_1921 = arith.constant true
    %broadcast_in_dim3A_1922 = vector.broadcast %broadcast_in_dim3A_1921 : i1 to vector<16xi1>
    %masked_cumsum3A_1923 = tpu.scan <sum>, %rev3A_1920 masked %broadcast_in_dim3A_1922 : vector<16xi32>, vector<16xi1> -> vector<16xi32>
    %add3A_1924 = arith.constant 0 : i32
    %add3A_1925 = vector.broadcast %add3A_1924 : i32 to vector<16xi32>
    %add3A_1926 = arith.addi %masked_cumsum3A_1923, %add3A_1925 : vector<16xi32>
    %ge3A_1927 = vector.broadcast %sub3A_1899 : i32 to vector<16xi32>
    %ge3A_1928 = arith.cmpi sge, %add3A_1926, %ge3A_1927 : vector<16xi32>
    %sub3A_1929 = arith.subi %add3A_1926, %rev3A_1920 : vector<16xi32>
    %lt3A_1930 = vector.broadcast %sub3A_1899 : i32 to vector<16xi32>
    %lt3A_1931 = arith.cmpi slt, %sub3A_1929, %lt3A_1930 : vector<16xi32>
    %and3A_1932 = arith.andi %ge3A_1928, %lt3A_1931 : vector<16xi1>
    %sub3A_1933 = arith.subi %add3A_1926, %rev3A_1920 : vector<16xi32>
    %mul3A_1934 = arith.constant 4096 : i32
    %mul3A_1935 = vector.broadcast %mul3A_1934 : i32 to vector<16xi32>
    %mul3A_1936 = arith.muli %sub3A_1933, %mul3A_1935 : vector<16xi32>
    %sub3A_1937 = arith.constant 15 : i32
    %sub3A_1938 = vector.broadcast %sub3A_1937 : i32 to vector<16xi32>
    %sub3A_1939 = arith.subi %sub3A_1938, %iota3A : vector<16xi32>
    %add3A_1940 = arith.addi %mul3A_1936, %sub3A_1939 : vector<16xi32>
    %jit3A_1941 = arith.constant -1 : i32
    %broadcast_in_dim3A_1942 = vector.broadcast %jit3A_1941 : i32 to vector<16xi32>
    %select_n3A_1943 = arith.select %and3A_1932, %add3A_1940, %broadcast_in_dim3A_1942 : vector<16xi1>, vector<16xi32>
    %reduce_max3A_1944 = arith.constant true
    %reduce_max3A_1945 = vector.broadcast %reduce_max3A_1944 : i1 to vector<16xi1>
    %reduce_max3A_1946 = arith.constant -2147483648 : i32
    %reduce_max3A_1947 = vector.broadcast %reduce_max3A_1946 : i32 to vector<16xi32>
    %reduce_max3A_1948 = arith.xori %select_n3A_1943, %reduce_max3A_1947 : vector<16xi32>
    %reduce_max3A_1949 = tpu.scan <max>, %reduce_max3A_1948 masked %reduce_max3A_1945 : vector<16xi32>, vector<16xi1> -> vector<16xi32>
    %reduce_max3A_1950 = arith.xori %reduce_max3A_1949, %reduce_max3A_1947 : vector<16xi32>
    %reduce_max3A_1951 = vector.extract %reduce_max3A_1950[15] : i32 from vector<16xi32>
    %max3A_1952 = arith.constant -1 : i32
    %max3A_1953 = arith.maxsi %max3A_1952, %reduce_max3A_1951 : i32
    %and3A_1954 = arith.constant 4095 : i32
    %and3A_1955 = arith.andi %max3A_1953, %and3A_1954 : i32
    %shift_right_logical3A_1956 = arith.constant 12 : i32
    %shift_right_logical3A_1957 = arith.shrui %max3A_1953, %shift_right_logical3A_1956 : i32
    %mul3A_1958 = arith.constant 8 : i32
    %mul3A_1959 = arith.muli %add3A_1898, %mul3A_1958 : i32
    %add3A_1960 = arith.addi %mul3A_1959, %and3A_1955 : i32
    %sub3A_1961 = arith.subi %sub3A_1899, %shift_right_logical3A_1957 : i32
    %while3A_1962 = arith.constant 0 : i32
    %while3A_1963 = arith.constant 0 : i32
    %while3A_1964 = arith.constant -1 : i32
    %while3A_1965 = arith.subi %shift_right_logical3A_1652, %while3A_1962 : i32
    %while3A_1966 = arith.addi %while3A_1962, %while3A_1965 : i32
    %while3A_1967 = arith.constant 1 : i32
    %while3A_1968 = arith.divsi %while3A_1965, %while3A_1967 : i32
    %while3A_1969 = arith.muli %while3A_1968, %while3A_1967 : i32
    %while3A_1970 = arith.addi %while3A_1962, %while3A_1969 : i32
    %while3A_1971 = arith.constant 1 : i32
    %while3A_1972:2 = scf.for %while3A_2325 = %while3A_1962 to %while3A_1970 step %while3A_1971 iter_args(%while3A_2326 = %while3A_1963, %while3A_2327 = %while3A_1964) -> (i32, i32)  : i32 {
      %mul3A_2328 = arith.constant 16 : i32
      %mul3A_2329 = arith.muli %while3A_2325, %mul3A_2328 : i32
      %add3A_2330 = vector.broadcast %mul3A_2329 : i32 to vector<16xi32>
      %add3A_2331 = arith.addi %add3A_2330, %iota3A : vector<16xi32>
      %lt3A_2332 = vector.broadcast %parallel_loop3A_1648#0 : i32 to vector<16xi32>
      %lt3A_2333 = arith.cmpi slt, %add3A_2331, %lt3A_2332 : vector<16xi32>
      %mul3A_2334 = arith.constant 16 : i32
      %mul3A_2335 = arith.muli %while3A_2325, %mul3A_2334 : i32
      %get3A_2336 = arith.index_cast %mul3A_2335 : i32 to index
      %get3A_2337 = tpu.vector_load %arg6[%get3A_2336] {strides = array<i32>} : memref<8192xi32, #tpu.memory_space<vmem>>, vector<16xi32>,
      %and3A_2338 = arith.constant 8191 : i32
      %and3A_2339 = vector.broadcast %and3A_2338 : i32 to vector<16xi32>
      %and3A_2340 = arith.andi %get3A_2337, %and3A_2339 : vector<16xi32>
      %gather3A = tpu.vector_load_idx %arg4[%and3A_2340] masked %lt3A_2333 : memref<8192xi32, #tpu.memory_space<vmem>>[vector<16xi32>], vector<16xi32>, vector<16xi1>
      %eq3A_2341 = vector.broadcast %add3A_1960 : i32 to vector<16xi32>
      %eq3A_2342 = arith.cmpi eq, %gather3A, %eq3A_2341 : vector<16xi32>
      %and3A_2343 = arith.andi %lt3A_2333, %eq3A_2342 : vector<16xi1>
      %convert_element_type3A = arith.extui %and3A_2343 : vector<16xi1> to vector<16xi32>
      %broadcast_in_dim3A_2344 = arith.constant true
      %broadcast_in_dim3A_2345 = vector.broadcast %broadcast_in_dim3A_2344 : i1 to vector<16xi1>
      %masked_cumsum3A_2346 = tpu.scan <sum>, %convert_element_type3A masked %broadcast_in_dim3A_2345 : vector<16xi32>, vector<16xi1> -> vector<16xi32>
      %add3A_2347 = vector.broadcast %while3A_2326 : i32 to vector<16xi32>
      %add3A_2348 = arith.addi %add3A_2347, %masked_cumsum3A_2346 : vector<16xi32>
      %eq3A_2349 = vector.broadcast %sub3A_1961 : i32 to vector<16xi32>
      %eq3A_2350 = arith.cmpi eq, %add3A_2348, %eq3A_2349 : vector<16xi32>
      %and3A_2351 = arith.andi %and3A_2343, %eq3A_2350 : vector<16xi1>
      %jit3A_2352 = arith.constant -1 : i32
      %broadcast_in_dim3A_2353 = vector.broadcast %jit3A_2352 : i32 to vector<16xi32>
      %select_n3A_2354 = arith.select %and3A_2351, %and3A_2340, %broadcast_in_dim3A_2353 : vector<16xi1>, vector<16xi32>
      %reduce_max3A_2355 = arith.constant true
      %reduce_max3A_2356 = vector.broadcast %reduce_max3A_2355 : i1 to vector<16xi1>
      %reduce_max3A_2357 = arith.constant -2147483648 : i32
      %reduce_max3A_2358 = vector.broadcast %reduce_max3A_2357 : i32 to vector<16xi32>
      %reduce_max3A_2359 = arith.xori %select_n3A_2354, %reduce_max3A_2358 : vector<16xi32>
      %reduce_max3A_2360 = tpu.scan <max>, %reduce_max3A_2359 masked %reduce_max3A_2356 : vector<16xi32>, vector<16xi1> -> vector<16xi32>
      %reduce_max3A_2361 = arith.xori %reduce_max3A_2360, %reduce_max3A_2358 : vector<16xi32>
      %reduce_max3A_2362 = vector.extract %reduce_max3A_2361[15] : i32 from vector<16xi32>
      %max3A_2363 = arith.maxsi %while3A_2327, %reduce_max3A_2362 : i32
      %reduce_sum3A_2364 = arith.constant true
      %reduce_sum3A_2365 = vector.broadcast %reduce_sum3A_2364 : i1 to vector<16xi1>
      %reduce_sum3A_2366 = tpu.scan <sum>, %convert_element_type3A masked %reduce_sum3A_2365 : vector<16xi32>, vector<16xi1> -> vector<16xi32>
      %reduce_sum3A_2367 = vector.extract %reduce_sum3A_2366[15] : i32 from vector<16xi32>
      %add3A_2368 = arith.addi %while3A_2326, %reduce_sum3A_2367 : i32
      scf.yield %add3A_2368, %max3A_2363 : i32, i32
    }
    %while3A_1973 = arith.constant 1 : i32
    %while3A_1974:2 = scf.for %while3A_2325 = %while3A_1970 to %while3A_1966 step %while3A_1973 iter_args(%while3A_2326 = %while3A_1972#0, %while3A_2327 = %while3A_1972#1) -> (i32, i32)  : i32 {
      %mul3A_2328 = arith.constant 16 : i32
      %mul3A_2329 = arith.muli %while3A_2325, %mul3A_2328 : i32
      %add3A_2330 = vector.broadcast %mul3A_2329 : i32 to vector<16xi32>
      %add3A_2331 = arith.addi %add3A_2330, %iota3A : vector<16xi32>
      %lt3A_2332 = vector.broadcast %parallel_loop3A_1648#0 : i32 to vector<16xi32>
      %lt3A_2333 = arith.cmpi slt, %add3A_2331, %lt3A_2332 : vector<16xi32>
      %mul3A_2334 = arith.constant 16 : i32
      %mul3A_2335 = arith.muli %while3A_2325, %mul3A_2334 : i32
      %get3A_2336 = arith.index_cast %mul3A_2335 : i32 to index
      %get3A_2337 = tpu.vector_load %arg6[%get3A_2336] {strides = array<i32>} : memref<8192xi32, #tpu.memory_space<vmem>>, vector<16xi32>,
      %and3A_2338 = arith.constant 8191 : i32
      %and3A_2339 = vector.broadcast %and3A_2338 : i32 to vector<16xi32>
      %and3A_2340 = arith.andi %get3A_2337, %and3A_2339 : vector<16xi32>
      %gather3A = tpu.vector_load_idx %arg4[%and3A_2340] masked %lt3A_2333 : memref<8192xi32, #tpu.memory_space<vmem>>[vector<16xi32>], vector<16xi32>, vector<16xi1>
      %eq3A_2341 = vector.broadcast %add3A_1960 : i32 to vector<16xi32>
      %eq3A_2342 = arith.cmpi eq, %gather3A, %eq3A_2341 : vector<16xi32>
      %and3A_2343 = arith.andi %lt3A_2333, %eq3A_2342 : vector<16xi1>
      %convert_element_type3A = arith.extui %and3A_2343 : vector<16xi1> to vector<16xi32>
      %broadcast_in_dim3A_2344 = arith.constant true
      %broadcast_in_dim3A_2345 = vector.broadcast %broadcast_in_dim3A_2344 : i1 to vector<16xi1>
      %masked_cumsum3A_2346 = tpu.scan <sum>, %convert_element_type3A masked %broadcast_in_dim3A_2345 : vector<16xi32>, vector<16xi1> -> vector<16xi32>
      %add3A_2347 = vector.broadcast %while3A_2326 : i32 to vector<16xi32>
      %add3A_2348 = arith.addi %add3A_2347, %masked_cumsum3A_2346 : vector<16xi32>
      %eq3A_2349 = vector.broadcast %sub3A_1961 : i32 to vector<16xi32>
      %eq3A_2350 = arith.cmpi eq, %add3A_2348, %eq3A_2349 : vector<16xi32>
      %and3A_2351 = arith.andi %and3A_2343, %eq3A_2350 : vector<16xi1>
      %jit3A_2352 = arith.constant -1 : i32
      %broadcast_in_dim3A_2353 = vector.broadcast %jit3A_2352 : i32 to vector<16xi32>
      %select_n3A_2354 = arith.select %and3A_2351, %and3A_2340, %broadcast_in_dim3A_2353 : vector<16xi1>, vector<16xi32>
      %reduce_max3A_2355 = arith.constant true
      %reduce_max3A_2356 = vector.broadcast %reduce_max3A_2355 : i1 to vector<16xi1>
      %reduce_max3A_2357 = arith.constant -2147483648 : i32
      %reduce_max3A_2358 = vector.broadcast %reduce_max3A_2357 : i32 to vector<16xi32>
      %reduce_max3A_2359 = arith.xori %select_n3A_2354, %reduce_max3A_2358 : vector<16xi32>
      %reduce_max3A_2360 = tpu.scan <max>, %reduce_max3A_2359 masked %reduce_max3A_2356 : vector<16xi32>, vector<16xi1> -> vector<16xi32>
      %reduce_max3A_2361 = arith.xori %reduce_max3A_2360, %reduce_max3A_2358 : vector<16xi32>
      %reduce_max3A_2362 = vector.extract %reduce_max3A_2361[15] : i32 from vector<16xi32>
      %max3A_2363 = arith.maxsi %while3A_2327, %reduce_max3A_2362 : i32
      %reduce_sum3A_2364 = arith.constant true
      %reduce_sum3A_2365 = vector.broadcast %reduce_sum3A_2364 : i1 to vector<16xi1>
      %reduce_sum3A_2366 = tpu.scan <sum>, %convert_element_type3A masked %reduce_sum3A_2365 : vector<16xi32>, vector<16xi1> -> vector<16xi32>
      %reduce_sum3A_2367 = vector.extract %reduce_sum3A_2366[15] : i32 from vector<16xi32>
      %add3A_2368 = arith.addi %while3A_2326, %reduce_sum3A_2367 : i32
      scf.yield %add3A_2368, %max3A_2363 : i32, i32
    }
    %add3A_1975 = arith.constant 15 : i32
    %add3A_1976 = arith.addi %parallel_loop3A_1648#1, %add3A_1975 : i32
    %shift_right_logical3A_1977 = arith.constant 4 : i32
    %shift_right_logical3A_1978 = arith.shrui %add3A_1976, %shift_right_logical3A_1977 : i32
    %swap3A_1979 = arith.constant 0 : index
    %swap3A_1980 = tpu.vector_load %arg11[%swap3A_1979] {strides = array<i32>} : memref<256xi32, #tpu.memory_space<vmem>>, vector<16xi32>,
    tpu.vector_store %arg11[%swap3A_1979], %broadcast_in_dim3A_3 {strides = array<i32>} : memref<256xi32, #tpu.memory_space<vmem>>, vector<16xi32>,
    %while3A_1981 = arith.constant 0 : i32
    %while3A_1982 = arith.constant 0 : i32
    %while3A_1983 = arith.subi %shift_right_logical3A_1978, %while3A_1981 : i32
    %while3A_1984 = arith.addi %while3A_1981, %while3A_1983 : i32
    %while3A_1985 = arith.constant 1 : i32
    %while3A_1986 = arith.divsi %while3A_1983, %while3A_1985 : i32
    %while3A_1987 = arith.muli %while3A_1986, %while3A_1985 : i32
    %while3A_1988 = arith.addi %while3A_1981, %while3A_1987 : i32
    %while3A_1989 = arith.constant 1 : i32
    %while3A_1990 = scf.for %while3A_2325 = %while3A_1981 to %while3A_1988 step %while3A_1989 iter_args(%while3A_2326 = %while3A_1982) -> (i32)  : i32 {
      %mul3A_2327 = arith.constant 16 : i32
      %mul3A_2328 = arith.muli %while3A_2325, %mul3A_2327 : i32
      %add3A_2329 = vector.broadcast %mul3A_2328 : i32 to vector<16xi32>
      %add3A_2330 = arith.addi %add3A_2329, %iota3A : vector<16xi32>
      %lt3A_2331 = vector.broadcast %parallel_loop3A_1648#1 : i32 to vector<16xi32>
      %lt3A_2332 = arith.cmpi slt, %add3A_2330, %lt3A_2331 : vector<16xi32>
      %mul3A_2333 = arith.constant 16 : i32
      %mul3A_2334 = arith.muli %while3A_2325, %mul3A_2333 : i32
      %get3A_2335 = arith.index_cast %mul3A_2334 : i32 to index
      %get3A_2336 = tpu.vector_load %arg7[%get3A_2335] {strides = array<i32>} : memref<8192xi32, #tpu.memory_space<vmem>>, vector<16xi32>,
      %and3A_2337 = arith.constant 8191 : i32
      %and3A_2338 = vector.broadcast %and3A_2337 : i32 to vector<16xi32>
      %and3A_2339 = arith.andi %get3A_2336, %and3A_2338 : vector<16xi32>
      %gather3A = tpu.vector_load_idx %arg5[%and3A_2339] masked %lt3A_2332 : memref<8192xi32, #tpu.memory_space<vmem>>[vector<16xi32>], vector<16xi32>, vector<16xi1>
      %shift_right_logical3A_2340 = arith.constant 19 : i32
      %shift_right_logical3A_2341 = vector.broadcast %shift_right_logical3A_2340 : i32 to vector<16xi32>
      %shift_right_logical3A_2342 = arith.shrui %gather3A, %shift_right_logical3A_2341 : vector<16xi32>
      %eq3A_2343 = vector.broadcast %add3A_1640 : i32 to vector<16xi32>
      %eq3A_2344 = arith.cmpi eq, %shift_right_logical3A_2342, %eq3A_2343 : vector<16xi32>
      %and3A_2345 = arith.andi %lt3A_2332, %eq3A_2344 : vector<16xi1>
      %shift_right_logical3A_2346 = arith.constant 15 : i32
      %shift_right_logical3A_2347 = vector.broadcast %shift_right_logical3A_2346 : i32 to vector<16xi32>
      %shift_right_logical3A_2348 = arith.shrui %gather3A, %shift_right_logical3A_2347 : vector<16xi32>
      %and3A_2349 = arith.constant 15 : i32
      %and3A_2350 = vector.broadcast %and3A_2349 : i32 to vector<16xi32>
      %and3A_2351 = arith.andi %shift_right_logical3A_2348, %and3A_2350 : vector<16xi32>
      tpu.vector_store_idx %arg11[%and3A_2351], %broadcast_in_dim3A_1 masked %and3A_2345 {add = true} : memref<256xi32, #tpu.memory_space<vmem>>[vector<16xi32>], vector<16xi32>, vector<16xi1>
      %while3A_2352 = arith.constant 0 : i32
      scf.yield %while3A_2352 : i32
    }
    %while3A_1991 = arith.constant 1 : i32
    %while3A_1992 = scf.for %while3A_2325 = %while3A_1988 to %while3A_1984 step %while3A_1991 iter_args(%while3A_2326 = %while3A_1990) -> (i32)  : i32 {
      %mul3A_2327 = arith.constant 16 : i32
      %mul3A_2328 = arith.muli %while3A_2325, %mul3A_2327 : i32
      %add3A_2329 = vector.broadcast %mul3A_2328 : i32 to vector<16xi32>
      %add3A_2330 = arith.addi %add3A_2329, %iota3A : vector<16xi32>
      %lt3A_2331 = vector.broadcast %parallel_loop3A_1648#1 : i32 to vector<16xi32>
      %lt3A_2332 = arith.cmpi slt, %add3A_2330, %lt3A_2331 : vector<16xi32>
      %mul3A_2333 = arith.constant 16 : i32
      %mul3A_2334 = arith.muli %while3A_2325, %mul3A_2333 : i32
      %get3A_2335 = arith.index_cast %mul3A_2334 : i32 to index
      %get3A_2336 = tpu.vector_load %arg7[%get3A_2335] {strides = array<i32>} : memref<8192xi32, #tpu.memory_space<vmem>>, vector<16xi32>,
      %and3A_2337 = arith.constant 8191 : i32
      %and3A_2338 = vector.broadcast %and3A_2337 : i32 to vector<16xi32>
      %and3A_2339 = arith.andi %get3A_2336, %and3A_2338 : vector<16xi32>
      %gather3A = tpu.vector_load_idx %arg5[%and3A_2339] masked %lt3A_2332 : memref<8192xi32, #tpu.memory_space<vmem>>[vector<16xi32>], vector<16xi32>, vector<16xi1>
      %shift_right_logical3A_2340 = arith.constant 19 : i32
      %shift_right_logical3A_2341 = vector.broadcast %shift_right_logical3A_2340 : i32 to vector<16xi32>
      %shift_right_logical3A_2342 = arith.shrui %gather3A, %shift_right_logical3A_2341 : vector<16xi32>
      %eq3A_2343 = vector.broadcast %add3A_1640 : i32 to vector<16xi32>
      %eq3A_2344 = arith.cmpi eq, %shift_right_logical3A_2342, %eq3A_2343 : vector<16xi32>
      %and3A_2345 = arith.andi %lt3A_2332, %eq3A_2344 : vector<16xi1>
      %shift_right_logical3A_2346 = arith.constant 15 : i32
      %shift_right_logical3A_2347 = vector.broadcast %shift_right_logical3A_2346 : i32 to vector<16xi32>
      %shift_right_logical3A_2348 = arith.shrui %gather3A, %shift_right_logical3A_2347 : vector<16xi32>
      %and3A_2349 = arith.constant 15 : i32
      %and3A_2350 = vector.broadcast %and3A_2349 : i32 to vector<16xi32>
      %and3A_2351 = arith.andi %shift_right_logical3A_2348, %and3A_2350 : vector<16xi32>
      tpu.vector_store_idx %arg11[%and3A_2351], %broadcast_in_dim3A_1 masked %and3A_2345 {add = true} : memref<256xi32, #tpu.memory_space<vmem>>[vector<16xi32>], vector<16xi32>, vector<16xi1>
      %while3A_2352 = arith.constant 0 : i32
      scf.yield %while3A_2352 : i32
    }
    %get3A_1993 = arith.constant 0 : index
    %get3A_1994 = tpu.vector_load %arg11[%get3A_1993] {strides = array<i32>} : memref<256xi32, #tpu.memory_space<vmem>>, vector<16xi32>,
    %rev3A_1995 = arith.constant 15 : i32
    %rev3A_1996 = vector.broadcast %rev3A_1995 : i32 to vector<16xi32>
    %rev3A_1997 = tpu.iota {dimensions = array<i32: 0>} : vector<16xi32>
    %rev3A_1998 = arith.subi %rev3A_1996, %rev3A_1997 : vector<16xi32>
    %rev3A_1999 = tpu.dynamic_gather %get3A_1994[%rev3A_1998] in [0] : vector<16xi32>, vector<16xi32> -> vector<16xi32>
    %broadcast_in_dim3A_2000 = arith.constant true
    %broadcast_in_dim3A_2001 = vector.broadcast %broadcast_in_dim3A_2000 : i1 to vector<16xi1>
    %masked_cumsum3A_2002 = tpu.scan <sum>, %rev3A_1999 masked %broadcast_in_dim3A_2001 : vector<16xi32>, vector<16xi1> -> vector<16xi32>
    %add3A_2003 = arith.constant 0 : i32
    %add3A_2004 = vector.broadcast %add3A_2003 : i32 to vector<16xi32>
    %add3A_2005 = arith.addi %masked_cumsum3A_2002, %add3A_2004 : vector<16xi32>
    %ge3A_2006 = vector.broadcast %sub3A_1642 : i32 to vector<16xi32>
    %ge3A_2007 = arith.cmpi sge, %add3A_2005, %ge3A_2006 : vector<16xi32>
    %sub3A_2008 = arith.subi %add3A_2005, %rev3A_1999 : vector<16xi32>
    %lt3A_2009 = vector.broadcast %sub3A_1642 : i32 to vector<16xi32>
    %lt3A_2010 = arith.cmpi slt, %sub3A_2008, %lt3A_2009 : vector<16xi32>
    %and3A_2011 = arith.andi %ge3A_2007, %lt3A_2010 : vector<16xi1>
    %sub3A_2012 = arith.subi %add3A_2005, %rev3A_1999 : vector<16xi32>
    %mul3A_2013 = arith.constant 4096 : i32
    %mul3A_2014 = vector.broadcast %mul3A_2013 : i32 to vector<16xi32>
    %mul3A_2015 = arith.muli %sub3A_2012, %mul3A_2014 : vector<16xi32>
    %sub3A_2016 = arith.constant 15 : i32
    %sub3A_2017 = vector.broadcast %sub3A_2016 : i32 to vector<16xi32>
    %sub3A_2018 = arith.subi %sub3A_2017, %iota3A : vector<16xi32>
    %add3A_2019 = arith.addi %mul3A_2015, %sub3A_2018 : vector<16xi32>
    %jit3A_2020 = arith.constant -1 : i32
    %broadcast_in_dim3A_2021 = vector.broadcast %jit3A_2020 : i32 to vector<16xi32>
    %select_n3A_2022 = arith.select %and3A_2011, %add3A_2019, %broadcast_in_dim3A_2021 : vector<16xi1>, vector<16xi32>
    %reduce_max3A_2023 = arith.constant true
    %reduce_max3A_2024 = vector.broadcast %reduce_max3A_2023 : i1 to vector<16xi1>
    %reduce_max3A_2025 = arith.constant -2147483648 : i32
    %reduce_max3A_2026 = vector.broadcast %reduce_max3A_2025 : i32 to vector<16xi32>
    %reduce_max3A_2027 = arith.xori %select_n3A_2022, %reduce_max3A_2026 : vector<16xi32>
    %reduce_max3A_2028 = tpu.scan <max>, %reduce_max3A_2027 masked %reduce_max3A_2024 : vector<16xi32>, vector<16xi1> -> vector<16xi32>
    %reduce_max3A_2029 = arith.xori %reduce_max3A_2028, %reduce_max3A_2026 : vector<16xi32>
    %reduce_max3A_2030 = vector.extract %reduce_max3A_2029[15] : i32 from vector<16xi32>
    %max3A_2031 = arith.constant -1 : i32
    %max3A_2032 = arith.maxsi %max3A_2031, %reduce_max3A_2030 : i32
    %and3A_2033 = arith.constant 4095 : i32
    %and3A_2034 = arith.andi %max3A_2032, %and3A_2033 : i32
    %shift_right_logical3A_2035 = arith.constant 12 : i32
    %shift_right_logical3A_2036 = arith.shrui %max3A_2032, %shift_right_logical3A_2035 : i32
    %mul3A_2037 = arith.constant 16 : i32
    %mul3A_2038 = arith.muli %add3A_1640, %mul3A_2037 : i32
    %add3A_2039 = arith.addi %mul3A_2038, %and3A_2034 : i32
    %sub3A_2040 = arith.subi %sub3A_1642, %shift_right_logical3A_2036 : i32
    %swap3A_2041 = arith.constant 0 : index
    %swap3A_2042 = tpu.vector_load %arg11[%swap3A_2041] {strides = array<i32>} : memref<256xi32, #tpu.memory_space<vmem>>, vector<16xi32>,
    tpu.vector_store %arg11[%swap3A_2041], %broadcast_in_dim3A_3 {strides = array<i32>} : memref<256xi32, #tpu.memory_space<vmem>>, vector<16xi32>,
    %while3A_2043 = arith.constant 0 : i32
    %while3A_2044 = arith.constant 0 : i32
    %while3A_2045 = arith.subi %shift_right_logical3A_1978, %while3A_2043 : i32
    %while3A_2046 = arith.addi %while3A_2043, %while3A_2045 : i32
    %while3A_2047 = arith.constant 1 : i32
    %while3A_2048 = arith.divsi %while3A_2045, %while3A_2047 : i32
    %while3A_2049 = arith.muli %while3A_2048, %while3A_2047 : i32
    %while3A_2050 = arith.addi %while3A_2043, %while3A_2049 : i32
    %while3A_2051 = arith.constant 1 : i32
    %while3A_2052 = scf.for %while3A_2325 = %while3A_2043 to %while3A_2050 step %while3A_2051 iter_args(%while3A_2326 = %while3A_2044) -> (i32)  : i32 {
      %mul3A_2327 = arith.constant 16 : i32
      %mul3A_2328 = arith.muli %while3A_2325, %mul3A_2327 : i32
      %add3A_2329 = vector.broadcast %mul3A_2328 : i32 to vector<16xi32>
      %add3A_2330 = arith.addi %add3A_2329, %iota3A : vector<16xi32>
      %lt3A_2331 = vector.broadcast %parallel_loop3A_1648#1 : i32 to vector<16xi32>
      %lt3A_2332 = arith.cmpi slt, %add3A_2330, %lt3A_2331 : vector<16xi32>
      %mul3A_2333 = arith.constant 16 : i32
      %mul3A_2334 = arith.muli %while3A_2325, %mul3A_2333 : i32
      %get3A_2335 = arith.index_cast %mul3A_2334 : i32 to index
      %get3A_2336 = tpu.vector_load %arg7[%get3A_2335] {strides = array<i32>} : memref<8192xi32, #tpu.memory_space<vmem>>, vector<16xi32>,
      %and3A_2337 = arith.constant 8191 : i32
      %and3A_2338 = vector.broadcast %and3A_2337 : i32 to vector<16xi32>
      %and3A_2339 = arith.andi %get3A_2336, %and3A_2338 : vector<16xi32>
      %gather3A = tpu.vector_load_idx %arg5[%and3A_2339] masked %lt3A_2332 : memref<8192xi32, #tpu.memory_space<vmem>>[vector<16xi32>], vector<16xi32>, vector<16xi1>
      %shift_right_logical3A_2340 = arith.constant 15 : i32
      %shift_right_logical3A_2341 = vector.broadcast %shift_right_logical3A_2340 : i32 to vector<16xi32>
      %shift_right_logical3A_2342 = arith.shrui %gather3A, %shift_right_logical3A_2341 : vector<16xi32>
      %eq3A_2343 = vector.broadcast %add3A_2039 : i32 to vector<16xi32>
      %eq3A_2344 = arith.cmpi eq, %shift_right_logical3A_2342, %eq3A_2343 : vector<16xi32>
      %and3A_2345 = arith.andi %lt3A_2332, %eq3A_2344 : vector<16xi1>
      %shift_right_logical3A_2346 = arith.constant 11 : i32
      %shift_right_logical3A_2347 = vector.broadcast %shift_right_logical3A_2346 : i32 to vector<16xi32>
      %shift_right_logical3A_2348 = arith.shrui %gather3A, %shift_right_logical3A_2347 : vector<16xi32>
      %and3A_2349 = arith.constant 15 : i32
      %and3A_2350 = vector.broadcast %and3A_2349 : i32 to vector<16xi32>
      %and3A_2351 = arith.andi %shift_right_logical3A_2348, %and3A_2350 : vector<16xi32>
      tpu.vector_store_idx %arg11[%and3A_2351], %broadcast_in_dim3A_1 masked %and3A_2345 {add = true} : memref<256xi32, #tpu.memory_space<vmem>>[vector<16xi32>], vector<16xi32>, vector<16xi1>
      %while3A_2352 = arith.constant 0 : i32
      scf.yield %while3A_2352 : i32
    }
    %while3A_2053 = arith.constant 1 : i32
    %while3A_2054 = scf.for %while3A_2325 = %while3A_2050 to %while3A_2046 step %while3A_2053 iter_args(%while3A_2326 = %while3A_2052) -> (i32)  : i32 {
      %mul3A_2327 = arith.constant 16 : i32
      %mul3A_2328 = arith.muli %while3A_2325, %mul3A_2327 : i32
      %add3A_2329 = vector.broadcast %mul3A_2328 : i32 to vector<16xi32>
      %add3A_2330 = arith.addi %add3A_2329, %iota3A : vector<16xi32>
      %lt3A_2331 = vector.broadcast %parallel_loop3A_1648#1 : i32 to vector<16xi32>
      %lt3A_2332 = arith.cmpi slt, %add3A_2330, %lt3A_2331 : vector<16xi32>
      %mul3A_2333 = arith.constant 16 : i32
      %mul3A_2334 = arith.muli %while3A_2325, %mul3A_2333 : i32
      %get3A_2335 = arith.index_cast %mul3A_2334 : i32 to index
      %get3A_2336 = tpu.vector_load %arg7[%get3A_2335] {strides = array<i32>} : memref<8192xi32, #tpu.memory_space<vmem>>, vector<16xi32>,
      %and3A_2337 = arith.constant 8191 : i32
      %and3A_2338 = vector.broadcast %and3A_2337 : i32 to vector<16xi32>
      %and3A_2339 = arith.andi %get3A_2336, %and3A_2338 : vector<16xi32>
      %gather3A = tpu.vector_load_idx %arg5[%and3A_2339] masked %lt3A_2332 : memref<8192xi32, #tpu.memory_space<vmem>>[vector<16xi32>], vector<16xi32>, vector<16xi1>
      %shift_right_logical3A_2340 = arith.constant 15 : i32
      %shift_right_logical3A_2341 = vector.broadcast %shift_right_logical3A_2340 : i32 to vector<16xi32>
      %shift_right_logical3A_2342 = arith.shrui %gather3A, %shift_right_logical3A_2341 : vector<16xi32>
      %eq3A_2343 = vector.broadcast %add3A_2039 : i32 to vector<16xi32>
      %eq3A_2344 = arith.cmpi eq, %shift_right_logical3A_2342, %eq3A_2343 : vector<16xi32>
      %and3A_2345 = arith.andi %lt3A_2332, %eq3A_2344 : vector<16xi1>
      %shift_right_logical3A_2346 = arith.constant 11 : i32
      %shift_right_logical3A_2347 = vector.broadcast %shift_right_logical3A_2346 : i32 to vector<16xi32>
      %shift_right_logical3A_2348 = arith.shrui %gather3A, %shift_right_logical3A_2347 : vector<16xi32>
      %and3A_2349 = arith.constant 15 : i32
      %and3A_2350 = vector.broadcast %and3A_2349 : i32 to vector<16xi32>
      %and3A_2351 = arith.andi %shift_right_logical3A_2348, %and3A_2350 : vector<16xi32>
      tpu.vector_store_idx %arg11[%and3A_2351], %broadcast_in_dim3A_1 masked %and3A_2345 {add = true} : memref<256xi32, #tpu.memory_space<vmem>>[vector<16xi32>], vector<16xi32>, vector<16xi1>
      %while3A_2352 = arith.constant 0 : i32
      scf.yield %while3A_2352 : i32
    }
    %get3A_2055 = arith.constant 0 : index
    %get3A_2056 = tpu.vector_load %arg11[%get3A_2055] {strides = array<i32>} : memref<256xi32, #tpu.memory_space<vmem>>, vector<16xi32>,
    %rev3A_2057 = arith.constant 15 : i32
    %rev3A_2058 = vector.broadcast %rev3A_2057 : i32 to vector<16xi32>
    %rev3A_2059 = tpu.iota {dimensions = array<i32: 0>} : vector<16xi32>
    %rev3A_2060 = arith.subi %rev3A_2058, %rev3A_2059 : vector<16xi32>
    %rev3A_2061 = tpu.dynamic_gather %get3A_2056[%rev3A_2060] in [0] : vector<16xi32>, vector<16xi32> -> vector<16xi32>
    %broadcast_in_dim3A_2062 = arith.constant true
    %broadcast_in_dim3A_2063 = vector.broadcast %broadcast_in_dim3A_2062 : i1 to vector<16xi1>
    %masked_cumsum3A_2064 = tpu.scan <sum>, %rev3A_2061 masked %broadcast_in_dim3A_2063 : vector<16xi32>, vector<16xi1> -> vector<16xi32>
    %add3A_2065 = arith.constant 0 : i32
    %add3A_2066 = vector.broadcast %add3A_2065 : i32 to vector<16xi32>
    %add3A_2067 = arith.addi %masked_cumsum3A_2064, %add3A_2066 : vector<16xi32>
    %ge3A_2068 = vector.broadcast %sub3A_2040 : i32 to vector<16xi32>
    %ge3A_2069 = arith.cmpi sge, %add3A_2067, %ge3A_2068 : vector<16xi32>
    %sub3A_2070 = arith.subi %add3A_2067, %rev3A_2061 : vector<16xi32>
    %lt3A_2071 = vector.broadcast %sub3A_2040 : i32 to vector<16xi32>
    %lt3A_2072 = arith.cmpi slt, %sub3A_2070, %lt3A_2071 : vector<16xi32>
    %and3A_2073 = arith.andi %ge3A_2069, %lt3A_2072 : vector<16xi1>
    %sub3A_2074 = arith.subi %add3A_2067, %rev3A_2061 : vector<16xi32>
    %mul3A_2075 = arith.constant 4096 : i32
    %mul3A_2076 = vector.broadcast %mul3A_2075 : i32 to vector<16xi32>
    %mul3A_2077 = arith.muli %sub3A_2074, %mul3A_2076 : vector<16xi32>
    %sub3A_2078 = arith.constant 15 : i32
    %sub3A_2079 = vector.broadcast %sub3A_2078 : i32 to vector<16xi32>
    %sub3A_2080 = arith.subi %sub3A_2079, %iota3A : vector<16xi32>
    %add3A_2081 = arith.addi %mul3A_2077, %sub3A_2080 : vector<16xi32>
    %jit3A_2082 = arith.constant -1 : i32
    %broadcast_in_dim3A_2083 = vector.broadcast %jit3A_2082 : i32 to vector<16xi32>
    %select_n3A_2084 = arith.select %and3A_2073, %add3A_2081, %broadcast_in_dim3A_2083 : vector<16xi1>, vector<16xi32>
    %reduce_max3A_2085 = arith.constant true
    %reduce_max3A_2086 = vector.broadcast %reduce_max3A_2085 : i1 to vector<16xi1>
    %reduce_max3A_2087 = arith.constant -2147483648 : i32
    %reduce_max3A_2088 = vector.broadcast %reduce_max3A_2087 : i32 to vector<16xi32>
    %reduce_max3A_2089 = arith.xori %select_n3A_2084, %reduce_max3A_2088 : vector<16xi32>
    %reduce_max3A_2090 = tpu.scan <max>, %reduce_max3A_2089 masked %reduce_max3A_2086 : vector<16xi32>, vector<16xi1> -> vector<16xi32>
    %reduce_max3A_2091 = arith.xori %reduce_max3A_2090, %reduce_max3A_2088 : vector<16xi32>
    %reduce_max3A_2092 = vector.extract %reduce_max3A_2091[15] : i32 from vector<16xi32>
    %max3A_2093 = arith.constant -1 : i32
    %max3A_2094 = arith.maxsi %max3A_2093, %reduce_max3A_2092 : i32
    %and3A_2095 = arith.constant 4095 : i32
    %and3A_2096 = arith.andi %max3A_2094, %and3A_2095 : i32
    %shift_right_logical3A_2097 = arith.constant 12 : i32
    %shift_right_logical3A_2098 = arith.shrui %max3A_2094, %shift_right_logical3A_2097 : i32
    %mul3A_2099 = arith.constant 16 : i32
    %mul3A_2100 = arith.muli %add3A_2039, %mul3A_2099 : i32
    %add3A_2101 = arith.addi %mul3A_2100, %and3A_2096 : i32
    %sub3A_2102 = arith.subi %sub3A_2040, %shift_right_logical3A_2098 : i32
    %swap3A_2103 = arith.constant 0 : index
    %swap3A_2104 = tpu.vector_load %arg11[%swap3A_2103] {strides = array<i32>} : memref<256xi32, #tpu.memory_space<vmem>>, vector<16xi32>,
    tpu.vector_store %arg11[%swap3A_2103], %broadcast_in_dim3A_3 {strides = array<i32>} : memref<256xi32, #tpu.memory_space<vmem>>, vector<16xi32>,
    %while3A_2105 = arith.constant 0 : i32
    %while3A_2106 = arith.constant 0 : i32
    %while3A_2107 = arith.subi %shift_right_logical3A_1978, %while3A_2105 : i32
    %while3A_2108 = arith.addi %while3A_2105, %while3A_2107 : i32
    %while3A_2109 = arith.constant 1 : i32
    %while3A_2110 = arith.divsi %while3A_2107, %while3A_2109 : i32
    %while3A_2111 = arith.muli %while3A_2110, %while3A_2109 : i32
    %while3A_2112 = arith.addi %while3A_2105, %while3A_2111 : i32
    %while3A_2113 = arith.constant 1 : i32
    %while3A_2114 = scf.for %while3A_2325 = %while3A_2105 to %while3A_2112 step %while3A_2113 iter_args(%while3A_2326 = %while3A_2106) -> (i32)  : i32 {
      %mul3A_2327 = arith.constant 16 : i32
      %mul3A_2328 = arith.muli %while3A_2325, %mul3A_2327 : i32
      %add3A_2329 = vector.broadcast %mul3A_2328 : i32 to vector<16xi32>
      %add3A_2330 = arith.addi %add3A_2329, %iota3A : vector<16xi32>
      %lt3A_2331 = vector.broadcast %parallel_loop3A_1648#1 : i32 to vector<16xi32>
      %lt3A_2332 = arith.cmpi slt, %add3A_2330, %lt3A_2331 : vector<16xi32>
      %mul3A_2333 = arith.constant 16 : i32
      %mul3A_2334 = arith.muli %while3A_2325, %mul3A_2333 : i32
      %get3A_2335 = arith.index_cast %mul3A_2334 : i32 to index
      %get3A_2336 = tpu.vector_load %arg7[%get3A_2335] {strides = array<i32>} : memref<8192xi32, #tpu.memory_space<vmem>>, vector<16xi32>,
      %and3A_2337 = arith.constant 8191 : i32
      %and3A_2338 = vector.broadcast %and3A_2337 : i32 to vector<16xi32>
      %and3A_2339 = arith.andi %get3A_2336, %and3A_2338 : vector<16xi32>
      %gather3A = tpu.vector_load_idx %arg5[%and3A_2339] masked %lt3A_2332 : memref<8192xi32, #tpu.memory_space<vmem>>[vector<16xi32>], vector<16xi32>, vector<16xi1>
      %shift_right_logical3A_2340 = arith.constant 11 : i32
      %shift_right_logical3A_2341 = vector.broadcast %shift_right_logical3A_2340 : i32 to vector<16xi32>
      %shift_right_logical3A_2342 = arith.shrui %gather3A, %shift_right_logical3A_2341 : vector<16xi32>
      %eq3A_2343 = vector.broadcast %add3A_2101 : i32 to vector<16xi32>
      %eq3A_2344 = arith.cmpi eq, %shift_right_logical3A_2342, %eq3A_2343 : vector<16xi32>
      %and3A_2345 = arith.andi %lt3A_2332, %eq3A_2344 : vector<16xi1>
      %shift_right_logical3A_2346 = arith.constant 7 : i32
      %shift_right_logical3A_2347 = vector.broadcast %shift_right_logical3A_2346 : i32 to vector<16xi32>
      %shift_right_logical3A_2348 = arith.shrui %gather3A, %shift_right_logical3A_2347 : vector<16xi32>
      %and3A_2349 = arith.constant 15 : i32
      %and3A_2350 = vector.broadcast %and3A_2349 : i32 to vector<16xi32>
      %and3A_2351 = arith.andi %shift_right_logical3A_2348, %and3A_2350 : vector<16xi32>
      tpu.vector_store_idx %arg11[%and3A_2351], %broadcast_in_dim3A_1 masked %and3A_2345 {add = true} : memref<256xi32, #tpu.memory_space<vmem>>[vector<16xi32>], vector<16xi32>, vector<16xi1>
      %while3A_2352 = arith.constant 0 : i32
      scf.yield %while3A_2352 : i32
    }
    %while3A_2115 = arith.constant 1 : i32
    %while3A_2116 = scf.for %while3A_2325 = %while3A_2112 to %while3A_2108 step %while3A_2115 iter_args(%while3A_2326 = %while3A_2114) -> (i32)  : i32 {
      %mul3A_2327 = arith.constant 16 : i32
      %mul3A_2328 = arith.muli %while3A_2325, %mul3A_2327 : i32
      %add3A_2329 = vector.broadcast %mul3A_2328 : i32 to vector<16xi32>
      %add3A_2330 = arith.addi %add3A_2329, %iota3A : vector<16xi32>
      %lt3A_2331 = vector.broadcast %parallel_loop3A_1648#1 : i32 to vector<16xi32>
      %lt3A_2332 = arith.cmpi slt, %add3A_2330, %lt3A_2331 : vector<16xi32>
      %mul3A_2333 = arith.constant 16 : i32
      %mul3A_2334 = arith.muli %while3A_2325, %mul3A_2333 : i32
      %get3A_2335 = arith.index_cast %mul3A_2334 : i32 to index
      %get3A_2336 = tpu.vector_load %arg7[%get3A_2335] {strides = array<i32>} : memref<8192xi32, #tpu.memory_space<vmem>>, vector<16xi32>,
      %and3A_2337 = arith.constant 8191 : i32
      %and3A_2338 = vector.broadcast %and3A_2337 : i32 to vector<16xi32>
      %and3A_2339 = arith.andi %get3A_2336, %and3A_2338 : vector<16xi32>
      %gather3A = tpu.vector_load_idx %arg5[%and3A_2339] masked %lt3A_2332 : memref<8192xi32, #tpu.memory_space<vmem>>[vector<16xi32>], vector<16xi32>, vector<16xi1>
      %shift_right_logical3A_2340 = arith.constant 11 : i32
      %shift_right_logical3A_2341 = vector.broadcast %shift_right_logical3A_2340 : i32 to vector<16xi32>
      %shift_right_logical3A_2342 = arith.shrui %gather3A, %shift_right_logical3A_2341 : vector<16xi32>
      %eq3A_2343 = vector.broadcast %add3A_2101 : i32 to vector<16xi32>
      %eq3A_2344 = arith.cmpi eq, %shift_right_logical3A_2342, %eq3A_2343 : vector<16xi32>
      %and3A_2345 = arith.andi %lt3A_2332, %eq3A_2344 : vector<16xi1>
      %shift_right_logical3A_2346 = arith.constant 7 : i32
      %shift_right_logical3A_2347 = vector.broadcast %shift_right_logical3A_2346 : i32 to vector<16xi32>
      %shift_right_logical3A_2348 = arith.shrui %gather3A, %shift_right_logical3A_2347 : vector<16xi32>
      %and3A_2349 = arith.constant 15 : i32
      %and3A_2350 = vector.broadcast %and3A_2349 : i32 to vector<16xi32>
      %and3A_2351 = arith.andi %shift_right_logical3A_2348, %and3A_2350 : vector<16xi32>
      tpu.vector_store_idx %arg11[%and3A_2351], %broadcast_in_dim3A_1 masked %and3A_2345 {add = true} : memref<256xi32, #tpu.memory_space<vmem>>[vector<16xi32>], vector<16xi32>, vector<16xi1>
      %while3A_2352 = arith.constant 0 : i32
      scf.yield %while3A_2352 : i32
    }
    %get3A_2117 = arith.constant 0 : index
    %get3A_2118 = tpu.vector_load %arg11[%get3A_2117] {strides = array<i32>} : memref<256xi32, #tpu.memory_space<vmem>>, vector<16xi32>,
    %rev3A_2119 = arith.constant 15 : i32
    %rev3A_2120 = vector.broadcast %rev3A_2119 : i32 to vector<16xi32>
    %rev3A_2121 = tpu.iota {dimensions = array<i32: 0>} : vector<16xi32>
    %rev3A_2122 = arith.subi %rev3A_2120, %rev3A_2121 : vector<16xi32>
    %rev3A_2123 = tpu.dynamic_gather %get3A_2118[%rev3A_2122] in [0] : vector<16xi32>, vector<16xi32> -> vector<16xi32>
    %broadcast_in_dim3A_2124 = arith.constant true
    %broadcast_in_dim3A_2125 = vector.broadcast %broadcast_in_dim3A_2124 : i1 to vector<16xi1>
    %masked_cumsum3A_2126 = tpu.scan <sum>, %rev3A_2123 masked %broadcast_in_dim3A_2125 : vector<16xi32>, vector<16xi1> -> vector<16xi32>
    %add3A_2127 = arith.constant 0 : i32
    %add3A_2128 = vector.broadcast %add3A_2127 : i32 to vector<16xi32>
    %add3A_2129 = arith.addi %masked_cumsum3A_2126, %add3A_2128 : vector<16xi32>
    %ge3A_2130 = vector.broadcast %sub3A_2102 : i32 to vector<16xi32>
    %ge3A_2131 = arith.cmpi sge, %add3A_2129, %ge3A_2130 : vector<16xi32>
    %sub3A_2132 = arith.subi %add3A_2129, %rev3A_2123 : vector<16xi32>
    %lt3A_2133 = vector.broadcast %sub3A_2102 : i32 to vector<16xi32>
    %lt3A_2134 = arith.cmpi slt, %sub3A_2132, %lt3A_2133 : vector<16xi32>
    %and3A_2135 = arith.andi %ge3A_2131, %lt3A_2134 : vector<16xi1>
    %sub3A_2136 = arith.subi %add3A_2129, %rev3A_2123 : vector<16xi32>
    %mul3A_2137 = arith.constant 4096 : i32
    %mul3A_2138 = vector.broadcast %mul3A_2137 : i32 to vector<16xi32>
    %mul3A_2139 = arith.muli %sub3A_2136, %mul3A_2138 : vector<16xi32>
    %sub3A_2140 = arith.constant 15 : i32
    %sub3A_2141 = vector.broadcast %sub3A_2140 : i32 to vector<16xi32>
    %sub3A_2142 = arith.subi %sub3A_2141, %iota3A : vector<16xi32>
    %add3A_2143 = arith.addi %mul3A_2139, %sub3A_2142 : vector<16xi32>
    %jit3A_2144 = arith.constant -1 : i32
    %broadcast_in_dim3A_2145 = vector.broadcast %jit3A_2144 : i32 to vector<16xi32>
    %select_n3A_2146 = arith.select %and3A_2135, %add3A_2143, %broadcast_in_dim3A_2145 : vector<16xi1>, vector<16xi32>
    %reduce_max3A_2147 = arith.constant true
    %reduce_max3A_2148 = vector.broadcast %reduce_max3A_2147 : i1 to vector<16xi1>
    %reduce_max3A_2149 = arith.constant -2147483648 : i32
    %reduce_max3A_2150 = vector.broadcast %reduce_max3A_2149 : i32 to vector<16xi32>
    %reduce_max3A_2151 = arith.xori %select_n3A_2146, %reduce_max3A_2150 : vector<16xi32>
    %reduce_max3A_2152 = tpu.scan <max>, %reduce_max3A_2151 masked %reduce_max3A_2148 : vector<16xi32>, vector<16xi1> -> vector<16xi32>
    %reduce_max3A_2153 = arith.xori %reduce_max3A_2152, %reduce_max3A_2150 : vector<16xi32>
    %reduce_max3A_2154 = vector.extract %reduce_max3A_2153[15] : i32 from vector<16xi32>
    %max3A_2155 = arith.constant -1 : i32
    %max3A_2156 = arith.maxsi %max3A_2155, %reduce_max3A_2154 : i32
    %and3A_2157 = arith.constant 4095 : i32
    %and3A_2158 = arith.andi %max3A_2156, %and3A_2157 : i32
    %shift_right_logical3A_2159 = arith.constant 12 : i32
    %shift_right_logical3A_2160 = arith.shrui %max3A_2156, %shift_right_logical3A_2159 : i32
    %mul3A_2161 = arith.constant 16 : i32
    %mul3A_2162 = arith.muli %add3A_2101, %mul3A_2161 : i32
    %add3A_2163 = arith.addi %mul3A_2162, %and3A_2158 : i32
    %sub3A_2164 = arith.subi %sub3A_2102, %shift_right_logical3A_2160 : i32
    %swap3A_2165 = arith.constant 0 : index
    %swap3A_2166 = tpu.vector_load %arg11[%swap3A_2165] {strides = array<i32>} : memref<256xi32, #tpu.memory_space<vmem>>, vector<16xi32>,
    tpu.vector_store %arg11[%swap3A_2165], %broadcast_in_dim3A_3 {strides = array<i32>} : memref<256xi32, #tpu.memory_space<vmem>>, vector<16xi32>,
    %while3A_2167 = arith.constant 0 : i32
    %while3A_2168 = arith.constant 0 : i32
    %while3A_2169 = arith.subi %shift_right_logical3A_1978, %while3A_2167 : i32
    %while3A_2170 = arith.addi %while3A_2167, %while3A_2169 : i32
    %while3A_2171 = arith.constant 1 : i32
    %while3A_2172 = arith.divsi %while3A_2169, %while3A_2171 : i32
    %while3A_2173 = arith.muli %while3A_2172, %while3A_2171 : i32
    %while3A_2174 = arith.addi %while3A_2167, %while3A_2173 : i32
    %while3A_2175 = arith.constant 1 : i32
    %while3A_2176 = scf.for %while3A_2325 = %while3A_2167 to %while3A_2174 step %while3A_2175 iter_args(%while3A_2326 = %while3A_2168) -> (i32)  : i32 {
      %mul3A_2327 = arith.constant 16 : i32
      %mul3A_2328 = arith.muli %while3A_2325, %mul3A_2327 : i32
      %add3A_2329 = vector.broadcast %mul3A_2328 : i32 to vector<16xi32>
      %add3A_2330 = arith.addi %add3A_2329, %iota3A : vector<16xi32>
      %lt3A_2331 = vector.broadcast %parallel_loop3A_1648#1 : i32 to vector<16xi32>
      %lt3A_2332 = arith.cmpi slt, %add3A_2330, %lt3A_2331 : vector<16xi32>
      %mul3A_2333 = arith.constant 16 : i32
      %mul3A_2334 = arith.muli %while3A_2325, %mul3A_2333 : i32
      %get3A_2335 = arith.index_cast %mul3A_2334 : i32 to index
      %get3A_2336 = tpu.vector_load %arg7[%get3A_2335] {strides = array<i32>} : memref<8192xi32, #tpu.memory_space<vmem>>, vector<16xi32>,
      %and3A_2337 = arith.constant 8191 : i32
      %and3A_2338 = vector.broadcast %and3A_2337 : i32 to vector<16xi32>
      %and3A_2339 = arith.andi %get3A_2336, %and3A_2338 : vector<16xi32>
      %gather3A = tpu.vector_load_idx %arg5[%and3A_2339] masked %lt3A_2332 : memref<8192xi32, #tpu.memory_space<vmem>>[vector<16xi32>], vector<16xi32>, vector<16xi1>
      %shift_right_logical3A_2340 = arith.constant 7 : i32
      %shift_right_logical3A_2341 = vector.broadcast %shift_right_logical3A_2340 : i32 to vector<16xi32>
      %shift_right_logical3A_2342 = arith.shrui %gather3A, %shift_right_logical3A_2341 : vector<16xi32>
      %eq3A_2343 = vector.broadcast %add3A_2163 : i32 to vector<16xi32>
      %eq3A_2344 = arith.cmpi eq, %shift_right_logical3A_2342, %eq3A_2343 : vector<16xi32>
      %and3A_2345 = arith.andi %lt3A_2332, %eq3A_2344 : vector<16xi1>
      %shift_right_logical3A_2346 = arith.constant 3 : i32
      %shift_right_logical3A_2347 = vector.broadcast %shift_right_logical3A_2346 : i32 to vector<16xi32>
      %shift_right_logical3A_2348 = arith.shrui %gather3A, %shift_right_logical3A_2347 : vector<16xi32>
      %and3A_2349 = arith.constant 15 : i32
      %and3A_2350 = vector.broadcast %and3A_2349 : i32 to vector<16xi32>
      %and3A_2351 = arith.andi %shift_right_logical3A_2348, %and3A_2350 : vector<16xi32>
      tpu.vector_store_idx %arg11[%and3A_2351], %broadcast_in_dim3A_1 masked %and3A_2345 {add = true} : memref<256xi32, #tpu.memory_space<vmem>>[vector<16xi32>], vector<16xi32>, vector<16xi1>
      %while3A_2352 = arith.constant 0 : i32
      scf.yield %while3A_2352 : i32
    }
    %while3A_2177 = arith.constant 1 : i32
    %while3A_2178 = scf.for %while3A_2325 = %while3A_2174 to %while3A_2170 step %while3A_2177 iter_args(%while3A_2326 = %while3A_2176) -> (i32)  : i32 {
      %mul3A_2327 = arith.constant 16 : i32
      %mul3A_2328 = arith.muli %while3A_2325, %mul3A_2327 : i32
      %add3A_2329 = vector.broadcast %mul3A_2328 : i32 to vector<16xi32>
      %add3A_2330 = arith.addi %add3A_2329, %iota3A : vector<16xi32>
      %lt3A_2331 = vector.broadcast %parallel_loop3A_1648#1 : i32 to vector<16xi32>
      %lt3A_2332 = arith.cmpi slt, %add3A_2330, %lt3A_2331 : vector<16xi32>
      %mul3A_2333 = arith.constant 16 : i32
      %mul3A_2334 = arith.muli %while3A_2325, %mul3A_2333 : i32
      %get3A_2335 = arith.index_cast %mul3A_2334 : i32 to index
      %get3A_2336 = tpu.vector_load %arg7[%get3A_2335] {strides = array<i32>} : memref<8192xi32, #tpu.memory_space<vmem>>, vector<16xi32>,
      %and3A_2337 = arith.constant 8191 : i32
      %and3A_2338 = vector.broadcast %and3A_2337 : i32 to vector<16xi32>
      %and3A_2339 = arith.andi %get3A_2336, %and3A_2338 : vector<16xi32>
      %gather3A = tpu.vector_load_idx %arg5[%and3A_2339] masked %lt3A_2332 : memref<8192xi32, #tpu.memory_space<vmem>>[vector<16xi32>], vector<16xi32>, vector<16xi1>
      %shift_right_logical3A_2340 = arith.constant 7 : i32
      %shift_right_logical3A_2341 = vector.broadcast %shift_right_logical3A_2340 : i32 to vector<16xi32>
      %shift_right_logical3A_2342 = arith.shrui %gather3A, %shift_right_logical3A_2341 : vector<16xi32>
      %eq3A_2343 = vector.broadcast %add3A_2163 : i32 to vector<16xi32>
      %eq3A_2344 = arith.cmpi eq, %shift_right_logical3A_2342, %eq3A_2343 : vector<16xi32>
      %and3A_2345 = arith.andi %lt3A_2332, %eq3A_2344 : vector<16xi1>
      %shift_right_logical3A_2346 = arith.constant 3 : i32
      %shift_right_logical3A_2347 = vector.broadcast %shift_right_logical3A_2346 : i32 to vector<16xi32>
      %shift_right_logical3A_2348 = arith.shrui %gather3A, %shift_right_logical3A_2347 : vector<16xi32>
      %and3A_2349 = arith.constant 15 : i32
      %and3A_2350 = vector.broadcast %and3A_2349 : i32 to vector<16xi32>
      %and3A_2351 = arith.andi %shift_right_logical3A_2348, %and3A_2350 : vector<16xi32>
      tpu.vector_store_idx %arg11[%and3A_2351], %broadcast_in_dim3A_1 masked %and3A_2345 {add = true} : memref<256xi32, #tpu.memory_space<vmem>>[vector<16xi32>], vector<16xi32>, vector<16xi1>
      %while3A_2352 = arith.constant 0 : i32
      scf.yield %while3A_2352 : i32
    }
    %get3A_2179 = arith.constant 0 : index
    %get3A_2180 = tpu.vector_load %arg11[%get3A_2179] {strides = array<i32>} : memref<256xi32, #tpu.memory_space<vmem>>, vector<16xi32>,
    %rev3A_2181 = arith.constant 15 : i32
    %rev3A_2182 = vector.broadcast %rev3A_2181 : i32 to vector<16xi32>
    %rev3A_2183 = tpu.iota {dimensions = array<i32: 0>} : vector<16xi32>
    %rev3A_2184 = arith.subi %rev3A_2182, %rev3A_2183 : vector<16xi32>
    %rev3A_2185 = tpu.dynamic_gather %get3A_2180[%rev3A_2184] in [0] : vector<16xi32>, vector<16xi32> -> vector<16xi32>
    %broadcast_in_dim3A_2186 = arith.constant true
    %broadcast_in_dim3A_2187 = vector.broadcast %broadcast_in_dim3A_2186 : i1 to vector<16xi1>
    %masked_cumsum3A_2188 = tpu.scan <sum>, %rev3A_2185 masked %broadcast_in_dim3A_2187 : vector<16xi32>, vector<16xi1> -> vector<16xi32>
    %add3A_2189 = arith.constant 0 : i32
    %add3A_2190 = vector.broadcast %add3A_2189 : i32 to vector<16xi32>
    %add3A_2191 = arith.addi %masked_cumsum3A_2188, %add3A_2190 : vector<16xi32>
    %ge3A_2192 = vector.broadcast %sub3A_2164 : i32 to vector<16xi32>
    %ge3A_2193 = arith.cmpi sge, %add3A_2191, %ge3A_2192 : vector<16xi32>
    %sub3A_2194 = arith.subi %add3A_2191, %rev3A_2185 : vector<16xi32>
    %lt3A_2195 = vector.broadcast %sub3A_2164 : i32 to vector<16xi32>
    %lt3A_2196 = arith.cmpi slt, %sub3A_2194, %lt3A_2195 : vector<16xi32>
    %and3A_2197 = arith.andi %ge3A_2193, %lt3A_2196 : vector<16xi1>
    %sub3A_2198 = arith.subi %add3A_2191, %rev3A_2185 : vector<16xi32>
    %mul3A_2199 = arith.constant 4096 : i32
    %mul3A_2200 = vector.broadcast %mul3A_2199 : i32 to vector<16xi32>
    %mul3A_2201 = arith.muli %sub3A_2198, %mul3A_2200 : vector<16xi32>
    %sub3A_2202 = arith.constant 15 : i32
    %sub3A_2203 = vector.broadcast %sub3A_2202 : i32 to vector<16xi32>
    %sub3A_2204 = arith.subi %sub3A_2203, %iota3A : vector<16xi32>
    %add3A_2205 = arith.addi %mul3A_2201, %sub3A_2204 : vector<16xi32>
    %jit3A_2206 = arith.constant -1 : i32
    %broadcast_in_dim3A_2207 = vector.broadcast %jit3A_2206 : i32 to vector<16xi32>
    %select_n3A_2208 = arith.select %and3A_2197, %add3A_2205, %broadcast_in_dim3A_2207 : vector<16xi1>, vector<16xi32>
    %reduce_max3A_2209 = arith.constant true
    %reduce_max3A_2210 = vector.broadcast %reduce_max3A_2209 : i1 to vector<16xi1>
    %reduce_max3A_2211 = arith.constant -2147483648 : i32
    %reduce_max3A_2212 = vector.broadcast %reduce_max3A_2211 : i32 to vector<16xi32>
    %reduce_max3A_2213 = arith.xori %select_n3A_2208, %reduce_max3A_2212 : vector<16xi32>
    %reduce_max3A_2214 = tpu.scan <max>, %reduce_max3A_2213 masked %reduce_max3A_2210 : vector<16xi32>, vector<16xi1> -> vector<16xi32>
    %reduce_max3A_2215 = arith.xori %reduce_max3A_2214, %reduce_max3A_2212 : vector<16xi32>
    %reduce_max3A_2216 = vector.extract %reduce_max3A_2215[15] : i32 from vector<16xi32>
    %max3A_2217 = arith.constant -1 : i32
    %max3A_2218 = arith.maxsi %max3A_2217, %reduce_max3A_2216 : i32
    %and3A_2219 = arith.constant 4095 : i32
    %and3A_2220 = arith.andi %max3A_2218, %and3A_2219 : i32
    %shift_right_logical3A_2221 = arith.constant 12 : i32
    %shift_right_logical3A_2222 = arith.shrui %max3A_2218, %shift_right_logical3A_2221 : i32
    %mul3A_2223 = arith.constant 16 : i32
    %mul3A_2224 = arith.muli %add3A_2163, %mul3A_2223 : i32
    %add3A_2225 = arith.addi %mul3A_2224, %and3A_2220 : i32
    %sub3A_2226 = arith.subi %sub3A_2164, %shift_right_logical3A_2222 : i32
    %swap3A_2227 = arith.constant 0 : index
    %swap3A_2228 = tpu.vector_load %arg11[%swap3A_2227] {strides = array<i32>} : memref<256xi32, #tpu.memory_space<vmem>>, vector<16xi32>,
    tpu.vector_store %arg11[%swap3A_2227], %broadcast_in_dim3A_3 {strides = array<i32>} : memref<256xi32, #tpu.memory_space<vmem>>, vector<16xi32>,
    %while3A_2229 = arith.constant 0 : i32
    %while3A_2230 = arith.constant 0 : i32
    %while3A_2231 = arith.subi %shift_right_logical3A_1978, %while3A_2229 : i32
    %while3A_2232 = arith.addi %while3A_2229, %while3A_2231 : i32
    %while3A_2233 = arith.constant 1 : i32
    %while3A_2234 = arith.divsi %while3A_2231, %while3A_2233 : i32
    %while3A_2235 = arith.muli %while3A_2234, %while3A_2233 : i32
    %while3A_2236 = arith.addi %while3A_2229, %while3A_2235 : i32
    %while3A_2237 = arith.constant 1 : i32
    %while3A_2238 = scf.for %while3A_2325 = %while3A_2229 to %while3A_2236 step %while3A_2237 iter_args(%while3A_2326 = %while3A_2230) -> (i32)  : i32 {
      %mul3A_2327 = arith.constant 16 : i32
      %mul3A_2328 = arith.muli %while3A_2325, %mul3A_2327 : i32
      %add3A_2329 = vector.broadcast %mul3A_2328 : i32 to vector<16xi32>
      %add3A_2330 = arith.addi %add3A_2329, %iota3A : vector<16xi32>
      %lt3A_2331 = vector.broadcast %parallel_loop3A_1648#1 : i32 to vector<16xi32>
      %lt3A_2332 = arith.cmpi slt, %add3A_2330, %lt3A_2331 : vector<16xi32>
      %mul3A_2333 = arith.constant 16 : i32
      %mul3A_2334 = arith.muli %while3A_2325, %mul3A_2333 : i32
      %get3A_2335 = arith.index_cast %mul3A_2334 : i32 to index
      %get3A_2336 = tpu.vector_load %arg7[%get3A_2335] {strides = array<i32>} : memref<8192xi32, #tpu.memory_space<vmem>>, vector<16xi32>,
      %and3A_2337 = arith.constant 8191 : i32
      %and3A_2338 = vector.broadcast %and3A_2337 : i32 to vector<16xi32>
      %and3A_2339 = arith.andi %get3A_2336, %and3A_2338 : vector<16xi32>
      %gather3A = tpu.vector_load_idx %arg5[%and3A_2339] masked %lt3A_2332 : memref<8192xi32, #tpu.memory_space<vmem>>[vector<16xi32>], vector<16xi32>, vector<16xi1>
      %shift_right_logical3A_2340 = arith.constant 3 : i32
      %shift_right_logical3A_2341 = vector.broadcast %shift_right_logical3A_2340 : i32 to vector<16xi32>
      %shift_right_logical3A_2342 = arith.shrui %gather3A, %shift_right_logical3A_2341 : vector<16xi32>
      %eq3A_2343 = vector.broadcast %add3A_2225 : i32 to vector<16xi32>
      %eq3A_2344 = arith.cmpi eq, %shift_right_logical3A_2342, %eq3A_2343 : vector<16xi32>
      %and3A_2345 = arith.andi %lt3A_2332, %eq3A_2344 : vector<16xi1>
      %shift_right_logical3A_2346 = arith.constant 0 : i32
      %shift_right_logical3A_2347 = vector.broadcast %shift_right_logical3A_2346 : i32 to vector<16xi32>
      %shift_right_logical3A_2348 = arith.shrui %gather3A, %shift_right_logical3A_2347 : vector<16xi32>
      %and3A_2349 = arith.constant 7 : i32
      %and3A_2350 = vector.broadcast %and3A_2349 : i32 to vector<16xi32>
      %and3A_2351 = arith.andi %shift_right_logical3A_2348, %and3A_2350 : vector<16xi32>
      tpu.vector_store_idx %arg11[%and3A_2351], %broadcast_in_dim3A_1 masked %and3A_2345 {add = true} : memref<256xi32, #tpu.memory_space<vmem>>[vector<16xi32>], vector<16xi32>, vector<16xi1>
      %while3A_2352 = arith.constant 0 : i32
      scf.yield %while3A_2352 : i32
    }
    %while3A_2239 = arith.constant 1 : i32
    %while3A_2240 = scf.for %while3A_2325 = %while3A_2236 to %while3A_2232 step %while3A_2239 iter_args(%while3A_2326 = %while3A_2238) -> (i32)  : i32 {
      %mul3A_2327 = arith.constant 16 : i32
      %mul3A_2328 = arith.muli %while3A_2325, %mul3A_2327 : i32
      %add3A_2329 = vector.broadcast %mul3A_2328 : i32 to vector<16xi32>
      %add3A_2330 = arith.addi %add3A_2329, %iota3A : vector<16xi32>
      %lt3A_2331 = vector.broadcast %parallel_loop3A_1648#1 : i32 to vector<16xi32>
      %lt3A_2332 = arith.cmpi slt, %add3A_2330, %lt3A_2331 : vector<16xi32>
      %mul3A_2333 = arith.constant 16 : i32
      %mul3A_2334 = arith.muli %while3A_2325, %mul3A_2333 : i32
      %get3A_2335 = arith.index_cast %mul3A_2334 : i32 to index
      %get3A_2336 = tpu.vector_load %arg7[%get3A_2335] {strides = array<i32>} : memref<8192xi32, #tpu.memory_space<vmem>>, vector<16xi32>,
      %and3A_2337 = arith.constant 8191 : i32
      %and3A_2338 = vector.broadcast %and3A_2337 : i32 to vector<16xi32>
      %and3A_2339 = arith.andi %get3A_2336, %and3A_2338 : vector<16xi32>
      %gather3A = tpu.vector_load_idx %arg5[%and3A_2339] masked %lt3A_2332 : memref<8192xi32, #tpu.memory_space<vmem>>[vector<16xi32>], vector<16xi32>, vector<16xi1>
      %shift_right_logical3A_2340 = arith.constant 3 : i32
      %shift_right_logical3A_2341 = vector.broadcast %shift_right_logical3A_2340 : i32 to vector<16xi32>
      %shift_right_logical3A_2342 = arith.shrui %gather3A, %shift_right_logical3A_2341 : vector<16xi32>
      %eq3A_2343 = vector.broadcast %add3A_2225 : i32 to vector<16xi32>
      %eq3A_2344 = arith.cmpi eq, %shift_right_logical3A_2342, %eq3A_2343 : vector<16xi32>
      %and3A_2345 = arith.andi %lt3A_2332, %eq3A_2344 : vector<16xi1>
      %shift_right_logical3A_2346 = arith.constant 0 : i32
      %shift_right_logical3A_2347 = vector.broadcast %shift_right_logical3A_2346 : i32 to vector<16xi32>
      %shift_right_logical3A_2348 = arith.shrui %gather3A, %shift_right_logical3A_2347 : vector<16xi32>
      %and3A_2349 = arith.constant 7 : i32
      %and3A_2350 = vector.broadcast %and3A_2349 : i32 to vector<16xi32>
      %and3A_2351 = arith.andi %shift_right_logical3A_2348, %and3A_2350 : vector<16xi32>
      tpu.vector_store_idx %arg11[%and3A_2351], %broadcast_in_dim3A_1 masked %and3A_2345 {add = true} : memref<256xi32, #tpu.memory_space<vmem>>[vector<16xi32>], vector<16xi32>, vector<16xi1>
      %while3A_2352 = arith.constant 0 : i32
      scf.yield %while3A_2352 : i32
    }
    %get3A_2241 = arith.constant 0 : index
    %get3A_2242 = tpu.vector_load %arg11[%get3A_2241] {strides = array<i32>} : memref<256xi32, #tpu.memory_space<vmem>>, vector<16xi32>,
    %rev3A_2243 = arith.constant 15 : i32
    %rev3A_2244 = vector.broadcast %rev3A_2243 : i32 to vector<16xi32>
    %rev3A_2245 = tpu.iota {dimensions = array<i32: 0>} : vector<16xi32>
    %rev3A_2246 = arith.subi %rev3A_2244, %rev3A_2245 : vector<16xi32>
    %rev3A_2247 = tpu.dynamic_gather %get3A_2242[%rev3A_2246] in [0] : vector<16xi32>, vector<16xi32> -> vector<16xi32>
    %broadcast_in_dim3A_2248 = arith.constant true
    %broadcast_in_dim3A_2249 = vector.broadcast %broadcast_in_dim3A_2248 : i1 to vector<16xi1>
    %masked_cumsum3A_2250 = tpu.scan <sum>, %rev3A_2247 masked %broadcast_in_dim3A_2249 : vector<16xi32>, vector<16xi1> -> vector<16xi32>
    %add3A_2251 = arith.constant 0 : i32
    %add3A_2252 = vector.broadcast %add3A_2251 : i32 to vector<16xi32>
    %add3A_2253 = arith.addi %masked_cumsum3A_2250, %add3A_2252 : vector<16xi32>
    %ge3A_2254 = vector.broadcast %sub3A_2226 : i32 to vector<16xi32>
    %ge3A_2255 = arith.cmpi sge, %add3A_2253, %ge3A_2254 : vector<16xi32>
    %sub3A_2256 = arith.subi %add3A_2253, %rev3A_2247 : vector<16xi32>
    %lt3A_2257 = vector.broadcast %sub3A_2226 : i32 to vector<16xi32>
    %lt3A_2258 = arith.cmpi slt, %sub3A_2256, %lt3A_2257 : vector<16xi32>
    %and3A_2259 = arith.andi %ge3A_2255, %lt3A_2258 : vector<16xi1>
    %sub3A_2260 = arith.subi %add3A_2253, %rev3A_2247 : vector<16xi32>
    %mul3A_2261 = arith.constant 4096 : i32
    %mul3A_2262 = vector.broadcast %mul3A_2261 : i32 to vector<16xi32>
    %mul3A_2263 = arith.muli %sub3A_2260, %mul3A_2262 : vector<16xi32>
    %sub3A_2264 = arith.constant 15 : i32
    %sub3A_2265 = vector.broadcast %sub3A_2264 : i32 to vector<16xi32>
    %sub3A_2266 = arith.subi %sub3A_2265, %iota3A : vector<16xi32>
    %add3A_2267 = arith.addi %mul3A_2263, %sub3A_2266 : vector<16xi32>
    %jit3A_2268 = arith.constant -1 : i32
    %broadcast_in_dim3A_2269 = vector.broadcast %jit3A_2268 : i32 to vector<16xi32>
    %select_n3A_2270 = arith.select %and3A_2259, %add3A_2267, %broadcast_in_dim3A_2269 : vector<16xi1>, vector<16xi32>
    %reduce_max3A_2271 = arith.constant true
    %reduce_max3A_2272 = vector.broadcast %reduce_max3A_2271 : i1 to vector<16xi1>
    %reduce_max3A_2273 = arith.constant -2147483648 : i32
    %reduce_max3A_2274 = vector.broadcast %reduce_max3A_2273 : i32 to vector<16xi32>
    %reduce_max3A_2275 = arith.xori %select_n3A_2270, %reduce_max3A_2274 : vector<16xi32>
    %reduce_max3A_2276 = tpu.scan <max>, %reduce_max3A_2275 masked %reduce_max3A_2272 : vector<16xi32>, vector<16xi1> -> vector<16xi32>
    %reduce_max3A_2277 = arith.xori %reduce_max3A_2276, %reduce_max3A_2274 : vector<16xi32>
    %reduce_max3A_2278 = vector.extract %reduce_max3A_2277[15] : i32 from vector<16xi32>
    %max3A_2279 = arith.constant -1 : i32
    %max3A_2280 = arith.maxsi %max3A_2279, %reduce_max3A_2278 : i32
    %and3A_2281 = arith.constant 4095 : i32
    %and3A_2282 = arith.andi %max3A_2280, %and3A_2281 : i32
    %shift_right_logical3A_2283 = arith.constant 12 : i32
    %shift_right_logical3A_2284 = arith.shrui %max3A_2280, %shift_right_logical3A_2283 : i32
    %mul3A_2285 = arith.constant 8 : i32
    %mul3A_2286 = arith.muli %add3A_2225, %mul3A_2285 : i32
    %add3A_2287 = arith.addi %mul3A_2286, %and3A_2282 : i32
    %sub3A_2288 = arith.subi %sub3A_2226, %shift_right_logical3A_2284 : i32
    %while3A_2289 = arith.constant 0 : i32
    %while3A_2290 = arith.constant 0 : i32
    %while3A_2291 = arith.constant -1 : i32
    %while3A_2292 = arith.subi %shift_right_logical3A_1978, %while3A_2289 : i32
    %while3A_2293 = arith.addi %while3A_2289, %while3A_2292 : i32
    %while3A_2294 = arith.constant 1 : i32
    %while3A_2295 = arith.divsi %while3A_2292, %while3A_2294 : i32
    %while3A_2296 = arith.muli %while3A_2295, %while3A_2294 : i32
    %while3A_2297 = arith.addi %while3A_2289, %while3A_2296 : i32
    %while3A_2298 = arith.constant 1 : i32
    %while3A_2299:2 = scf.for %while3A_2325 = %while3A_2289 to %while3A_2297 step %while3A_2298 iter_args(%while3A_2326 = %while3A_2290, %while3A_2327 = %while3A_2291) -> (i32, i32)  : i32 {
      %mul3A_2328 = arith.constant 16 : i32
      %mul3A_2329 = arith.muli %while3A_2325, %mul3A_2328 : i32
      %add3A_2330 = vector.broadcast %mul3A_2329 : i32 to vector<16xi32>
      %add3A_2331 = arith.addi %add3A_2330, %iota3A : vector<16xi32>
      %lt3A_2332 = vector.broadcast %parallel_loop3A_1648#1 : i32 to vector<16xi32>
      %lt3A_2333 = arith.cmpi slt, %add3A_2331, %lt3A_2332 : vector<16xi32>
      %mul3A_2334 = arith.constant 16 : i32
      %mul3A_2335 = arith.muli %while3A_2325, %mul3A_2334 : i32
      %get3A_2336 = arith.index_cast %mul3A_2335 : i32 to index
      %get3A_2337 = tpu.vector_load %arg7[%get3A_2336] {strides = array<i32>} : memref<8192xi32, #tpu.memory_space<vmem>>, vector<16xi32>,
      %and3A_2338 = arith.constant 8191 : i32
      %and3A_2339 = vector.broadcast %and3A_2338 : i32 to vector<16xi32>
      %and3A_2340 = arith.andi %get3A_2337, %and3A_2339 : vector<16xi32>
      %gather3A = tpu.vector_load_idx %arg5[%and3A_2340] masked %lt3A_2333 : memref<8192xi32, #tpu.memory_space<vmem>>[vector<16xi32>], vector<16xi32>, vector<16xi1>
      %eq3A_2341 = vector.broadcast %add3A_2287 : i32 to vector<16xi32>
      %eq3A_2342 = arith.cmpi eq, %gather3A, %eq3A_2341 : vector<16xi32>
      %and3A_2343 = arith.andi %lt3A_2333, %eq3A_2342 : vector<16xi1>
      %convert_element_type3A = arith.extui %and3A_2343 : vector<16xi1> to vector<16xi32>
      %broadcast_in_dim3A_2344 = arith.constant true
      %broadcast_in_dim3A_2345 = vector.broadcast %broadcast_in_dim3A_2344 : i1 to vector<16xi1>
      %masked_cumsum3A_2346 = tpu.scan <sum>, %convert_element_type3A masked %broadcast_in_dim3A_2345 : vector<16xi32>, vector<16xi1> -> vector<16xi32>
      %add3A_2347 = vector.broadcast %while3A_2326 : i32 to vector<16xi32>
      %add3A_2348 = arith.addi %add3A_2347, %masked_cumsum3A_2346 : vector<16xi32>
      %eq3A_2349 = vector.broadcast %sub3A_2288 : i32 to vector<16xi32>
      %eq3A_2350 = arith.cmpi eq, %add3A_2348, %eq3A_2349 : vector<16xi32>
      %and3A_2351 = arith.andi %and3A_2343, %eq3A_2350 : vector<16xi1>
      %jit3A_2352 = arith.constant -1 : i32
      %broadcast_in_dim3A_2353 = vector.broadcast %jit3A_2352 : i32 to vector<16xi32>
      %select_n3A_2354 = arith.select %and3A_2351, %and3A_2340, %broadcast_in_dim3A_2353 : vector<16xi1>, vector<16xi32>
      %reduce_max3A_2355 = arith.constant true
      %reduce_max3A_2356 = vector.broadcast %reduce_max3A_2355 : i1 to vector<16xi1>
      %reduce_max3A_2357 = arith.constant -2147483648 : i32
      %reduce_max3A_2358 = vector.broadcast %reduce_max3A_2357 : i32 to vector<16xi32>
      %reduce_max3A_2359 = arith.xori %select_n3A_2354, %reduce_max3A_2358 : vector<16xi32>
      %reduce_max3A_2360 = tpu.scan <max>, %reduce_max3A_2359 masked %reduce_max3A_2356 : vector<16xi32>, vector<16xi1> -> vector<16xi32>
      %reduce_max3A_2361 = arith.xori %reduce_max3A_2360, %reduce_max3A_2358 : vector<16xi32>
      %reduce_max3A_2362 = vector.extract %reduce_max3A_2361[15] : i32 from vector<16xi32>
      %max3A_2363 = arith.maxsi %while3A_2327, %reduce_max3A_2362 : i32
      %reduce_sum3A_2364 = arith.constant true
      %reduce_sum3A_2365 = vector.broadcast %reduce_sum3A_2364 : i1 to vector<16xi1>
      %reduce_sum3A_2366 = tpu.scan <sum>, %convert_element_type3A masked %reduce_sum3A_2365 : vector<16xi32>, vector<16xi1> -> vector<16xi32>
      %reduce_sum3A_2367 = vector.extract %reduce_sum3A_2366[15] : i32 from vector<16xi32>
      %add3A_2368 = arith.addi %while3A_2326, %reduce_sum3A_2367 : i32
      scf.yield %add3A_2368, %max3A_2363 : i32, i32
    }
    %while3A_2300 = arith.constant 1 : i32
    %while3A_2301:2 = scf.for %while3A_2325 = %while3A_2297 to %while3A_2293 step %while3A_2300 iter_args(%while3A_2326 = %while3A_2299#0, %while3A_2327 = %while3A_2299#1) -> (i32, i32)  : i32 {
      %mul3A_2328 = arith.constant 16 : i32
      %mul3A_2329 = arith.muli %while3A_2325, %mul3A_2328 : i32
      %add3A_2330 = vector.broadcast %mul3A_2329 : i32 to vector<16xi32>
      %add3A_2331 = arith.addi %add3A_2330, %iota3A : vector<16xi32>
      %lt3A_2332 = vector.broadcast %parallel_loop3A_1648#1 : i32 to vector<16xi32>
      %lt3A_2333 = arith.cmpi slt, %add3A_2331, %lt3A_2332 : vector<16xi32>
      %mul3A_2334 = arith.constant 16 : i32
      %mul3A_2335 = arith.muli %while3A_2325, %mul3A_2334 : i32
      %get3A_2336 = arith.index_cast %mul3A_2335 : i32 to index
      %get3A_2337 = tpu.vector_load %arg7[%get3A_2336] {strides = array<i32>} : memref<8192xi32, #tpu.memory_space<vmem>>, vector<16xi32>,
      %and3A_2338 = arith.constant 8191 : i32
      %and3A_2339 = vector.broadcast %and3A_2338 : i32 to vector<16xi32>
      %and3A_2340 = arith.andi %get3A_2337, %and3A_2339 : vector<16xi32>
      %gather3A = tpu.vector_load_idx %arg5[%and3A_2340] masked %lt3A_2333 : memref<8192xi32, #tpu.memory_space<vmem>>[vector<16xi32>], vector<16xi32>, vector<16xi1>
      %eq3A_2341 = vector.broadcast %add3A_2287 : i32 to vector<16xi32>
      %eq3A_2342 = arith.cmpi eq, %gather3A, %eq3A_2341 : vector<16xi32>
      %and3A_2343 = arith.andi %lt3A_2333, %eq3A_2342 : vector<16xi1>
      %convert_element_type3A = arith.extui %and3A_2343 : vector<16xi1> to vector<16xi32>
      %broadcast_in_dim3A_2344 = arith.constant true
      %broadcast_in_dim3A_2345 = vector.broadcast %broadcast_in_dim3A_2344 : i1 to vector<16xi1>
      %masked_cumsum3A_2346 = tpu.scan <sum>, %convert_element_type3A masked %broadcast_in_dim3A_2345 : vector<16xi32>, vector<16xi1> -> vector<16xi32>
      %add3A_2347 = vector.broadcast %while3A_2326 : i32 to vector<16xi32>
      %add3A_2348 = arith.addi %add3A_2347, %masked_cumsum3A_2346 : vector<16xi32>
      %eq3A_2349 = vector.broadcast %sub3A_2288 : i32 to vector<16xi32>
      %eq3A_2350 = arith.cmpi eq, %add3A_2348, %eq3A_2349 : vector<16xi32>
      %and3A_2351 = arith.andi %and3A_2343, %eq3A_2350 : vector<16xi1>
      %jit3A_2352 = arith.constant -1 : i32
      %broadcast_in_dim3A_2353 = vector.broadcast %jit3A_2352 : i32 to vector<16xi32>
      %select_n3A_2354 = arith.select %and3A_2351, %and3A_2340, %broadcast_in_dim3A_2353 : vector<16xi1>, vector<16xi32>
      %reduce_max3A_2355 = arith.constant true
      %reduce_max3A_2356 = vector.broadcast %reduce_max3A_2355 : i1 to vector<16xi1>
      %reduce_max3A_2357 = arith.constant -2147483648 : i32
      %reduce_max3A_2358 = vector.broadcast %reduce_max3A_2357 : i32 to vector<16xi32>
      %reduce_max3A_2359 = arith.xori %select_n3A_2354, %reduce_max3A_2358 : vector<16xi32>
      %reduce_max3A_2360 = tpu.scan <max>, %reduce_max3A_2359 masked %reduce_max3A_2356 : vector<16xi32>, vector<16xi1> -> vector<16xi32>
      %reduce_max3A_2361 = arith.xori %reduce_max3A_2360, %reduce_max3A_2358 : vector<16xi32>
      %reduce_max3A_2362 = vector.extract %reduce_max3A_2361[15] : i32 from vector<16xi32>
      %max3A_2363 = arith.maxsi %while3A_2327, %reduce_max3A_2362 : i32
      %reduce_sum3A_2364 = arith.constant true
      %reduce_sum3A_2365 = vector.broadcast %reduce_sum3A_2364 : i1 to vector<16xi1>
      %reduce_sum3A_2366 = tpu.scan <sum>, %convert_element_type3A masked %reduce_sum3A_2365 : vector<16xi32>, vector<16xi1> -> vector<16xi32>
      %reduce_sum3A_2367 = vector.extract %reduce_sum3A_2366[15] : i32 from vector<16xi32>
      %add3A_2368 = arith.addi %while3A_2326, %reduce_sum3A_2367 : i32
      scf.yield %add3A_2368, %max3A_2363 : i32, i32
    }
    %eq3A = arith.constant 0 : i32
    %eq3A_2302 = vector.broadcast %eq3A : i32 to vector<16xi32>
    %eq3A_2303 = arith.cmpi eq, %iota3A, %eq3A_2302 : vector<16xi32>
    %eq3A_2304 = arith.constant 1 : i32
    %eq3A_2305 = vector.broadcast %eq3A_2304 : i32 to vector<16xi32>
    %eq3A_2306 = arith.cmpi eq, %iota3A, %eq3A_2305 : vector<16xi32>
    %eq3A_2307 = arith.constant 2 : i32
    %eq3A_2308 = vector.broadcast %eq3A_2307 : i32 to vector<16xi32>
    %eq3A_2309 = arith.cmpi eq, %iota3A, %eq3A_2308 : vector<16xi32>
    %eq3A_2310 = arith.constant 3 : i32
    %eq3A_2311 = vector.broadcast %eq3A_2310 : i32 to vector<16xi32>
    %eq3A_2312 = arith.cmpi eq, %iota3A, %eq3A_2311 : vector<16xi32>
    %jit3A_2313 = arith.constant 0 : i32
    %broadcast_in_dim3A_2314 = vector.broadcast %while3A_2301#1 : i32 to vector<16xi32>
    %broadcast_in_dim3A_2315 = vector.broadcast %jit3A_2313 : i32 to vector<16xi32>
    %select_n3A_2316 = arith.select %eq3A_2312, %broadcast_in_dim3A_2314, %broadcast_in_dim3A_2315 : vector<16xi1>, vector<16xi32>
    %broadcast_in_dim3A_2317 = vector.broadcast %while3A_1974#1 : i32 to vector<16xi32>
    %select_n3A_2318 = arith.select %eq3A_2309, %broadcast_in_dim3A_2317, %select_n3A_2316 : vector<16xi1>, vector<16xi32>
    %broadcast_in_dim3A_2319 = vector.broadcast %add3A_2287 : i32 to vector<16xi32>
    %select_n3A_2320 = arith.select %eq3A_2306, %broadcast_in_dim3A_2319, %select_n3A_2318 : vector<16xi1>, vector<16xi32>
    %broadcast_in_dim3A_2321 = vector.broadcast %add3A_1960 : i32 to vector<16xi32>
    %select_n3A_2322 = arith.select %eq3A_2303, %broadcast_in_dim3A_2321, %select_n3A_2320 : vector<16xi1>, vector<16xi32>
    %swap3A_2323 = arith.constant 0 : index
    %swap3A_2324 = tpu.vector_load %arg12[%swap3A_2323] {strides = array<i32>} : memref<16xi32, #tpu.memory_space<vmem>>, vector<16xi32>,
    tpu.vector_store %arg12[%swap3A_2323], %select_n3A_2322 {strides = array<i32>} : memref<16xi32, #tpu.memory_space<vmem>>, vector<16xi32>,
    "tpu.region"() ({
      %run_scoped3A = tpu.sem_alloc : memref<!tpu.dma_semaphore, #tpu.memory_space<semaphore_mem>>
      %dma_start3A_2325 = arith.constant 0 : i32
      %dma_start3A_2326 = tpu.memref_slice %arg3[%add3A, %dma_start3A_2325] : memref<32x16xi32, #tpu.memory_space<hbm>> -> memref<1x16xi32, #tpu.memory_space<hbm>>
      %dma_start3A_2327 = tpu.memref_squeeze %dma_start3A_2326 : memref<1x16xi32, #tpu.memory_space<hbm>> -> memref<16xi32, #tpu.memory_space<hbm>>
      %dma_start3A_2328 = arith.constant 0 : i32
      %dma_start3A_2329 = tpu.memref_slice %arg3[%add3A, %dma_start3A_2328] : memref<32x16xi32, #tpu.memory_space<hbm>> -> memref<1x16xi32, #tpu.memory_space<hbm>>
      %dma_start3A_2330 = tpu.memref_squeeze %dma_start3A_2329 : memref<1x16xi32, #tpu.memory_space<hbm>> -> memref<16xi32, #tpu.memory_space<hbm>>
      tpu.enqueue_dma source(%arg12 : memref<16xi32, #tpu.memory_space<vmem>>) target(%dma_start3A_2330 : memref<16xi32, #tpu.memory_space<hbm>>) target_semaphore(%run_scoped3A : memref<!tpu.dma_semaphore, #tpu.memory_space<semaphore_mem>>)
      %dma_wait3A_2331 = arith.constant 0 : i32
      %dma_wait3A_2332 = tpu.memref_slice %arg3[%add3A, %dma_wait3A_2331] : memref<32x16xi32, #tpu.memory_space<hbm>> -> memref<1x16xi32, #tpu.memory_space<hbm>>
      %dma_wait3A_2333 = tpu.memref_squeeze %dma_wait3A_2332 : memref<1x16xi32, #tpu.memory_space<hbm>> -> memref<16xi32, #tpu.memory_space<hbm>>
      %dma_wait3A_2334 = arith.constant 0 : i32
      %dma_wait3A_2335 = tpu.memref_slice %arg3[%add3A, %dma_wait3A_2334] : memref<32x16xi32, #tpu.memory_space<hbm>> -> memref<1x16xi32, #tpu.memory_space<hbm>>
      %dma_wait3A_2336 = tpu.memref_squeeze %dma_wait3A_2335 : memref<1x16xi32, #tpu.memory_space<hbm>> -> memref<16xi32, #tpu.memory_space<hbm>>
      tpu.wait_dma2 semaphore(%run_scoped3A : memref<!tpu.dma_semaphore, #tpu.memory_space<semaphore_mem>>) src(%arg12 : memref<16xi32, #tpu.memory_space<vmem>>) dst(%dma_wait3A_2336 : memref<16xi32, #tpu.memory_space<hbm>>)
      tpu.yield
    }) : () -> ()
    return
  }
}

module attributes {stable_mosaic.version = 14 : i64} {
  func.func @_router_body(%arg0: i32, %arg1: memref<512x4096xf32, #tpu.memory_space<vmem>>, %arg2: memref<64x4096xf32, #tpu.memory_space<vmem>>, %arg3: memref<512x64xf32, #tpu.memory_space<vmem>>, %arg4: memref<64x512xi32, #tpu.memory_space<vmem>>) attributes {dimension_semantics = [#tpu.dimension_semantics<arbitrary>], iteration_bounds = array<i64: 16>, scalar_prefetch = 0 : i64, scratch_operands = 0 : i64, tpu.core_type = #tpu.core_type<tc>, window_params = [{transform_indices = @transform_0, window_bounds = array<i64: 512, 4096>}, {pipeline_mode = #tpu.pipeline_mode<synchronous>, transform_indices = @transform_1, window_bounds = array<i64: 64, 4096>}, {transform_indices = @transform_2, window_bounds = array<i64: 512, 64>}, {transform_indices = @transform_3, window_bounds = array<i64: 64, 512>}]} {
    %get3A = arith.constant 0 : index
    %get3A_0 = arith.constant 0 : index
    %get3A_1 = vector.load %arg1[%get3A, %get3A_0] : memref<512x4096xf32, #tpu.memory_space<vmem>>, vector<512x4096xf32>
    %get3A_2 = arith.constant 0 : index
    %get3A_3 = arith.constant 0 : index
    %get3A_4 = vector.load %arg2[%get3A_2, %get3A_3] : memref<64x4096xf32, #tpu.memory_space<vmem>>, vector<64x4096xf32>
    %dot_general3A = arith.constant dense<0.000000e+00> : vector<512x64xf32>
    %dot_general3A_5 = tpu.matmul %get3A_1, %get3A_4, %dot_general3A {dimension_numbers = #tpu.dot_dimension_numbers<[1], [1], [0], [0], [0, 0, 1, 0], [], []>, transpose_lhs_hint = false} : vector<512x4096xf32>, vector<64x4096xf32>, vector<512x64xf32> -> vector<512x64xf32>
    %reduce_max3A = arith.constant dense<0xFF800000> : vector<512xf32>
    %reduce_max3A_6 = vector.multi_reduction <maximumf>, %dot_general3A_5, %reduce_max3A [1] : vector<512x64xf32> to vector<512xf32>
    %broadcast_in_dim3A = vector.shape_cast %reduce_max3A_6 : vector<512xf32> to vector<512x1xf32>
    %sub3A = vector.broadcast %broadcast_in_dim3A : vector<512x1xf32> to vector<512x64xf32>
    %sub3A_7 = arith.subf %dot_general3A_5, %sub3A : vector<512x64xf32>
    %exp3A = math.exp %sub3A_7 : vector<512x64xf32>
    %reduce_sum3A = arith.constant dense<0.000000e+00> : vector<512xf32>
    %reduce_sum3A_8 = vector.multi_reduction <add>, %exp3A, %reduce_sum3A [1] : vector<512x64xf32> to vector<512xf32>
    %broadcast_in_dim3A_9 = vector.shape_cast %reduce_sum3A_8 : vector<512xf32> to vector<512x1xf32>
    %div3A = vector.broadcast %broadcast_in_dim3A_9 : vector<512x1xf32> to vector<512x64xf32>
    %div3A_10 = arith.divf %exp3A, %div3A : vector<512x64xf32>
    %swap3A = arith.constant 0 : index
    %swap3A_11 = arith.constant 0 : index
    %swap3A_12 = vector.load %arg3[%swap3A, %swap3A_11] : memref<512x64xf32, #tpu.memory_space<vmem>>, vector<512x64xf32>
    tpu.vector_store %arg3[%swap3A, %swap3A_11], %div3A_10 {strides = array<i32>} : memref<512x64xf32, #tpu.memory_space<vmem>>, vector<512x64xf32>,
    %transpose3A = tpu.transpose %div3A_10, [1, 0] : vector<512x64xf32> -> vector<64x512xf32>
    %bitcast_convert_type3A = tpu.bitcast %transpose3A : vector<64x512xf32> -> vector<64x512xi32>
    %swap3A_13 = arith.constant 0 : index
    %swap3A_14 = arith.constant 0 : index
    %swap3A_15 = vector.load %arg4[%swap3A_13, %swap3A_14] : memref<64x512xi32, #tpu.memory_space<vmem>>, vector<64x512xi32>
    tpu.vector_store %arg4[%swap3A_13, %swap3A_14], %bitcast_convert_type3A {strides = array<i32>} : memref<64x512xi32, #tpu.memory_space<vmem>>, vector<64x512xi32>,
    return
  }
  func.func @transform_0(%arg0: i32) -> (i32, i32) {
    %c0_i32 = arith.constant 0 : i32
    %c0_i32_0 = arith.constant 0 : i32
    return %arg0, %c0_i32 : i32, i32
  }
  func.func @transform_1(%arg0: i32) -> (i32, i32) {
    %c0_i32 = arith.constant 0 : i32
    %c0_i32_0 = arith.constant 0 : i32
    %c0_i32_1 = arith.constant 0 : i32
    return %c0_i32, %c0_i32_0 : i32, i32
  }
  func.func @transform_2(%arg0: i32) -> (i32, i32) {
    %c0_i32 = arith.constant 0 : i32
    %c0_i32_0 = arith.constant 0 : i32
    return %arg0, %c0_i32 : i32, i32
  }
  func.func @transform_3(%arg0: i32) -> (i32, i32) {
    %c0_i32 = arith.constant 0 : i32
    %c0_i32_0 = arith.constant 0 : i32
    return %c0_i32, %arg0 : i32, i32
  }
}

module attributes {stable_mosaic.version = 14 : i64} {
  func.func @_mask_body(%arg0: memref<8192x64xf32, #tpu.memory_space<vmem>>, %arg1: memref<1x64xi32, #tpu.memory_space<vmem>>, %arg2: memref<1x64xi32, #tpu.memory_space<vmem>>, %arg3: memref<8192x64xf32, #tpu.memory_space<vmem>>, %arg4: memref<8192x64xf32, #tpu.memory_space<vmem>>) attributes {dimension_semantics = [], scalar_prefetch = 0 : i64, scratch_operands = 0 : i64, tpu.core_type = #tpu.core_type<tc>} {
    %get3A = arith.constant 0 : index
    %get3A_0 = arith.constant 0 : index
    %get3A_1 = vector.load %arg0[%get3A, %get3A_0] : memref<8192x64xf32, #tpu.memory_space<vmem>>, vector<8192x64xf32>
    %bitcast_convert_type3A = tpu.bitcast %get3A_1 : vector<8192x64xf32> -> vector<8192x64xi32>
    %get3A_2 = arith.constant 0 : index
    %get3A_3 = arith.constant 0 : index
    %get3A_4 = vector.load %arg1[%get3A_2, %get3A_3] : memref<1x64xi32, #tpu.memory_space<vmem>>, vector<1x64xi32>
    %get3A_5 = arith.constant 0 : index
    %get3A_6 = arith.constant 0 : index
    %get3A_7 = vector.load %arg2[%get3A_5, %get3A_6] : memref<1x64xi32, #tpu.memory_space<vmem>>, vector<1x64xi32>
    %iota3A = tpu.iota {dimensions = array<i32: 0>} : vector<8192x64xi32>
    %gt3A = vector.broadcast %get3A_4 : vector<1x64xi32> to vector<8192x64xi32>
    %gt3A_8 = arith.cmpi sgt, %bitcast_convert_type3A, %gt3A : vector<8192x64xi32>
    %eq3A = vector.broadcast %get3A_4 : vector<1x64xi32> to vector<8192x64xi32>
    %eq3A_9 = arith.cmpi eq, %bitcast_convert_type3A, %eq3A : vector<8192x64xi32>
    %le3A = vector.broadcast %get3A_7 : vector<1x64xi32> to vector<8192x64xi32>
    %le3A_10 = arith.cmpi sle, %iota3A, %le3A : vector<8192x64xi32>
    %and3A = arith.andi %eq3A_9, %le3A_10 : vector<8192x64xi1>
    %or3A = arith.ori %gt3A_8, %and3A : vector<8192x64xi1>
    %jit3A = arith.constant 0.000000e+00 : f32
    %broadcast_in_dim3A = vector.broadcast %jit3A : f32 to vector<8192x64xf32>
    %select_n3A = arith.select %or3A, %get3A_1, %broadcast_in_dim3A : vector<8192x64xi1>, vector<8192x64xf32>
    %reduce_sum3A = arith.constant dense<0.000000e+00> : vector<8192xf32>
    %reduce_sum3A_11 = vector.multi_reduction <add>, %select_n3A, %reduce_sum3A [1] : vector<8192x64xf32> to vector<8192xf32>
    %broadcast_in_dim3A_12 = vector.shape_cast %reduce_sum3A_11 : vector<8192xf32> to vector<8192x1xf32>
    %gt3A_13 = arith.constant 0.000000e+00 : f32
    %gt3A_14 = vector.broadcast %gt3A_13 : f32 to vector<8192x1xf32>
    %gt3A_15 = arith.cmpf ogt, %broadcast_in_dim3A_12, %gt3A_14 : vector<8192x1xf32>
    %div3A = vector.broadcast %broadcast_in_dim3A_12 : vector<8192x1xf32> to vector<8192x64xf32>
    %div3A_16 = arith.divf %select_n3A, %div3A : vector<8192x64xf32>
    %jit3A_17 = arith.constant 0.000000e+00 : f32
    %broadcast_in_dim3A_18 = vector.shape_cast %gt3A_15 : vector<8192x1xi1> to vector<8192x1xi1>
    %broadcast_in_dim3A_19 = vector.broadcast %broadcast_in_dim3A_18 : vector<8192x1xi1> to vector<8192x64xi1>
    %broadcast_in_dim3A_20 = vector.broadcast %jit3A_17 : f32 to vector<8192x64xf32>
    %select_n3A_21 = arith.select %broadcast_in_dim3A_19, %div3A_16, %broadcast_in_dim3A_20 : vector<8192x64xi1>, vector<8192x64xf32>
    %swap3A = arith.constant 0 : index
    %swap3A_22 = arith.constant 0 : index
    %swap3A_23 = vector.load %arg3[%swap3A, %swap3A_22] : memref<8192x64xf32, #tpu.memory_space<vmem>>, vector<8192x64xf32>
    tpu.vector_store %arg3[%swap3A, %swap3A_22], %select_n3A {strides = array<i32>} : memref<8192x64xf32, #tpu.memory_space<vmem>>, vector<8192x64xf32>,
    %swap3A_24 = arith.constant 0 : index
    %swap3A_25 = arith.constant 0 : index
    %swap3A_26 = vector.load %arg4[%swap3A_24, %swap3A_25] : memref<8192x64xf32, #tpu.memory_space<vmem>>, vector<8192x64xf32>
    tpu.vector_store %arg4[%swap3A_24, %swap3A_25], %select_n3A_21 {strides = array<i32>} : memref<8192x64xf32, #tpu.memory_space<vmem>>, vector<8192x64xf32>,
    return
  }
}

</mosaic_0001>

<sc_bundles>
// kernel: kernel.5.cloned.1.call-start
scs
__scs_entry_jumppad:
0x0: {  	(pc) =	sbr.rel $0x88, $3  }
0x1: {  	(tag) =	ssettag $0x0;
	lr =	simm.s32 $0x1  }
0x2: {  	[smem:$0x3F9F] =	sst lr;
	_ =	strace $0xD0000000  }
0x3: {  	_ = 	snop  }
0x4: {  	_ = 	snop  }
0x5: {  	_ = 	snop  }
0x6: {  	_ = 	snop  }
0x7: {  	_ = 	snop  }
__scs_overlays_trampoline_lowered:
0x8: {  	[smem:$0x3FAE] =	sst s0  }
0x9: {  	[smem:$0x3FAF] =	sst s1  }
0xa: {  	[smem:$0x3FB0] =	sst s2  }
0xb: {  	[smem:$0x3FB1] =	sst s3  }
0xc: {  	[smem:$0x3FB2] =	sst s4  }
0xd: {  	[smem:$0x3FB3] =	sst s5  }
0xe: {  	[smem:$0x3FB4] =	sst s6  }
0xf: {  	[smem:$0x3FB5] =	sst s7  }
0x10: {  	[smem:$0x3FB6] =	sst s8  }
0x11: {  	[smem:$0x3FB7] =	sst s9;
	s0 =	simm.s32 @!p0 $0x0  }
0x12: {  	s1 =	sld [smem:$0x3F9D];
	s0 =	simm.s32 @p0 $0x1  }
0x13: {  	[smem:$0x3FB8] =	sst s0;
	s0 =	simm.s32 @!p1 $0x0  }
0x14: {  	s2 =	sld [smem:$0x3F9C];
	s0 =	simm.s32 @p1 $0x1  }
0x15: {  	[smem:$0x3FB9] =	sst s0;
	s0 =	simm.s32 @!p2 $0x0  }
0x16: {  	s3 =	sld [smem:$0x3FDB];
	s0 =	simm.s32 @p2 $0x1  }
0x17: {  	s4 =	simm.s32 $0x1BF5;
	[smem:$0x3FBB] =	sst s0  }
0x18: {  	s0 =	sld [smem:$0x3F9E];
	_ =	swait.ge [sflag:s4], $0x0  }
0x19: {  	s7 =	sld [smem:$0x3F9F]  }
0x1a: {  	s8 =	sadd.s32 $0xFFFFE003, lr  }
0x1b: {  	s9 =	sadd.s32 $0xFFFFFEF7, lr;
	s5 =	simm.s32 $0xFFFFFFFF;
	p2 =	slt.u32 s8, $0xFFFFF086  }
0x1c: {  	p1 =	slt.u32 s9, $0xF7A;
	s5 =	simm.s32 @!p2 $0x0  }
0x1d: {  	s5 =	simm.s32 @p1 $0x1;
	p0 =	seq.s32 s7, s2  }
0x1e: {  	s7 =	smul.u32 @!p0 $0xF7A, s2;
	p2 =	seq.s32 @!p0 s5, $0x0  }
0x1f: {  	s9 =	smul.u32 $0xF7A, s1;
	s8 =	simm.s32 @!p0 $0x1BF5;
	p2 =	por !p2, p0  }
0x20: {  	[sflag:s8] =	ssyncset.s32 @!p0 $0xFFFFF086;
	s6 =	sadd.s32 @!p0 s3, s7;
	s7 =	simm.s32 @!p0 $0x108  }
0x21: {  	s3 =	sadd.s32 s3, s9;
	s6 =	sadd.s32 @!p0 $0x88, s6;
	s7 =	simm.s32 @p2 $0x1082  }
0x22: {  	[simem:s7], [sflag:s8] =	dma.local @!p0 [hbm:s6], $0xF7A  }
0x23: {  	s9 =	sor.u32 $0xD0000000, s2;
	s6 =	simm.s32 $0x108;
	_ =	swait.ge @!p0 [sflag:s8], $0x0  }
0x24: {  	s3 =	sadd.s32 $0x88, s3;
	s6 =	simm.s32 @!p1 $0x1082;
	[sflag:s4] =	ssyncset.s32 $0xFFFFF086  }
0x25: {  	[simem:s6], [sflag:s4] =	dma.local [hbm:s3], $0xF7A  }
0x26: {  	[smem:$0x3F9F] =	sst s1;
	(tag) =	ssettag s2;
	_ =	strace s9  }
0x27: {  	s1 =	sld [smem:$0x3FAF]  }
0x28: {  	s2 =	sld [smem:$0x3FB0]  }
0x29: {  	s4 =	sld [smem:$0x3FB2]  }
0x2a: {  	p0 =	seq.s32 s5, $0x0;
	s5 =	sld [smem:$0x3FB3]  }
0x2b: {  	s6 =	sld [smem:$0x3FB4]  }
0x2c: {  	s7 =	sld [smem:$0x3FB5]  }
0x2d: {  	s3 =	simm.s32 $0x108;
	s8 =	sld [smem:$0x3FB6]  }
0x2e: {  	s3 =	simm.s32 @!p0 $0x1082;
	s9 =	sld [smem:$0x3FB7]  }
0x2f: {  	lr =	sadd.s32 s0, s3;
	s0 =	sld [smem:$0x3FAE]  }
0x30: {  	s3 =	sld [smem:$0x3FB1]  }
0x31: {  	[smem:$0x3FBA] =	sst s10  }
0x32: {  	s10 =	sld [smem:$0x3FB8];
	_ =	sdelay $0x3  }
0x33: {  	p0 =	seq.s32 s10, $0x1;
	s10 =	sld [smem:$0x3FBA];
	_ =	sdelay $0x3  }
0x34: {  	[smem:$0x3FBA] =	sst s10  }
0x35: {  	s10 =	sld [smem:$0x3FB9];
	_ =	sdelay $0x3  }
0x36: {  	p1 =	seq.s32 s10, $0x1;
	s10 =	sld [smem:$0x3FBA];
	_ =	sdelay $0x3  }
0x37: {  	[smem:$0x3FBA] =	sst s10  }
0x38: {  	s10 =	sld [smem:$0x3FBB]  }
0x39: {  	_ = 	snop;
	(pc) =	sbr.ind lr, $3  }
0x3a: {  	_ = 	snop  }
0x3b: {  	_ = 	snop  }
0x3c: {  	p2 =	seq.s32 s10, $0x1;
	s10 =	sld [smem:$0x3FBA]  }
0x3d: {  	_ =	shalt  }
0x3e: {  	_ =	shalt  }
0x3f: {  	_ =	shalt  }
0x40: {  	_ =	shalt  }
0x41: {  	_ =	shalt  }
0x42: {  	_ =	shalt  }
0x43: {  	_ =	shalt  }
0x44: {  	_ =	shalt  }
0x45: {  	_ =	shalt  }
0x46: {  	_ =	shalt  }
0x47: {  	_ =	shalt  }
0x48: {  	_ =	shalt  }
0x49: {  	_ =	shalt  }
0x4a: {  	_ =	shalt  }
0x4b: {  	_ =	shalt  }
0x4c: {  	_ =	shalt  }
0x4d: {  	_ =	shalt  }
0x4e: {  	_ =	shalt  }
0x4f: {  	_ =	shalt  }
0x50: {  	_ =	shalt  }
0x51: {  	_ =	shalt  }
0x52: {  	_ =	shalt  }
0x53: {  	_ =	shalt  }
0x54: {  	_ =	shalt  }
0x55: {  	_ =	shalt  }
0x56: {  	_ =	shalt  }
0x57: {  	_ =	shalt  }
0x58: {  	_ =	shalt  }
0x59: {  	_ =	shalt  }
0x5a: {  	_ =	shalt  }
0x5b: {  	_ =	shalt  }
0x5c: {  	_ =	shalt  }
0x5d: {  	_ =	shalt  }
0x5e: {  	_ =	shalt  }
0x5f: {  	_ =	shalt  }
0x60: {  	_ =	shalt  }
0x61: {  	_ =	shalt  }
0x62: {  	_ =	shalt  }
0x63: {  	_ =	shalt  }
0x64: {  	_ =	shalt  }
0x65: {  	_ =	shalt  }
0x66: {  	_ =	shalt  }
0x67: {  	_ =	shalt  }
0x68: {  	_ =	shalt  }
0x69: {  	_ =	shalt  }
0x6a: {  	_ =	shalt  }
0x6b: {  	_ =	shalt  }
0x6c: {  	_ =	shalt  }
0x6d: {  	_ =	shalt  }
0x6e: {  	_ =	shalt  }
0x6f: {  	_ =	shalt  }
0x70: {  	_ =	shalt  }
0x71: {  	_ =	shalt  }
0x72: {  	_ =	shalt  }
0x73: {  	_ =	shalt  }
0x74: {  	_ =	shalt  }
0x75: {  	_ =	shalt  }
0x76: {  	_ =	shalt  }
0x77: {  	_ =	shalt  }
0x78: {  	_ =	shalt  }
0x79: {  	_ =	shalt  }
0x7a: {  	_ =	shalt  }
0x7b: {  	_ =	shalt  }
0x7c: {  	_ =	shalt  }
0x7d: {  	_ =	shalt  }
0x7e: {  	_ =	shalt  }
0x7f: {  	_ =	shalt  }
0x80: {  	_ =	shalt  }
0x81: {  	_ =	shalt  }
0x82: {  	_ =	shalt  }
0x83: {  	_ =	shalt  }
0x84: {  	_ =	shalt  }
0x85: {  	_ =	shalt  }
0x86: {  	_ =	shalt  }
0x87: {  	_ =	shalt  }
.Lfunc_end0:
.L_simem_size_0:
called_computation_lowered:
.L_overlay_start_0:
0x88: {  	s2 =	sld [smem:$0x3FD9]  }
0x89: {  	s3 =	sld [smem:$0x3FFE];
	_ =	sdelay $0x1  }
0x8a: {  	s1 =	srdreg.scid  }
0x8b: {  	s0 =	sand.u32 $0x1, s1  }
0x8c: {  	s15 =	sshll.u32 s0, $0xA;
	s2 =	sadd.s32 s3, s2  }
0x8d: {  	s2 =	sadd.s32 s2, s15  }
0x8e: {  	[smem:$0x3FC6] =	sst s2  }
0x8f: {  	_ = 	snop  }
0x90: {  	s2 =	sld [smem:$0x3FD0];
	_ =	sdelay $0x2  }
0x91: {  	s16 =	simm.s32 $0xA;
	s4 =	simm.s32 $0x10  }
0x92: {  	[smem:s4], [sflag:s16] =	dma.local [hbm:s2], $0x1  }
0x93: {  	_ =	swait.eq [sflag:s16], $0x1  }
0x94: {  	[sflag:s16] =	ssyncset.done $0x0  }
0x95: {  	s17 =	sld [smem:$0x10];
	[sflag:s16] =	ssyncadd.s32 $0xFFFFFFFF  }
0x96: {  	s18 =	sld [smem:$0x11];
	(tm) =	ssettm $0x1  }
0x97: {  	s19 =	sld [smem:$0x3FFB];
	_ =	sdelay $0x3  }
0x98: {  	_ =	strace s19  }
0x99: {  	s4 =	sld [smem:$0x3FFC];
	_ =	sdelay $0x3  }
0x9a: {  	_ =	strace s4  }
0x9b: {  	s4 =	sld [smem:$0x3FFD];
	_ =	sdelay $0x3  }
0x9c: {  	_ =	strace s4  }
0x9d: {  	_ =	strace $0x8FFFFFFF  }
0x9e: {  	s20 =	sld [smem:$0x3FDB];
	_ =	sdelay $0x1  }
0x9f: {  	s5 =	simm.s32 $_scs_section_size  }
0xa0: {  	s6 =	simm.s32 $_size__tile_overlayer_lowered;
	s7 =	simm.s32 $_tile_overlayer_lowered  }
0xa1: {  	s23 =	simm.s32 $0x1BFF;
	s22 =	sshll.u32 s7, $0x1;
	s4 =	sadd.s32 s5, s20  }
0xa2: {  	s8 =	simm.s32 $0x0;
	s21 =	sshll.u32 s6, $0x1;
	s6 =	sadd.s32 s22, s4  }
0xa3: {  	[timem:s8], [sflag:s23] =	dma.local [hbm:s6], s21  }
0xa4: {  	_ =	swait.ge [sflag:s23], s21  }
0xa5: {  	s5 =	ssub.s32 $0x0, s21;
	[sflag:s23] =	ssyncset.done $0x0  }
0xa6: {  	[sflag:s23] =	ssyncadd.s32 s5;
	_ =	sdelay $0x1  }
0xa7: {  	s24 =	simm.s32 $0x1B8B  }
0xa8: {  	_ =	swait.ge [sflag:s24], $0x1  }
0xa9: {  	[sflag:s24] =	ssyncset.done $0x0  }
0xaa: {  	s25 =	simm.s32 $0x1B8E;
	[sflag:s24] =	ssyncadd.s32 $0xFFFFFFFF  }
0xab: {  	s26 =	simm.s32 $execute0_lowered;
	[smem:$0x3FD2] =	sst s25  }
0xac: {  	s5 =	sshll.u32 s26, $0x1;
	_ =	strace $0x80000046;
	[dreg:$0x1] =	wrdreg $0xFFFFFFFF  }
0xad: {  	s28 =	simm.s32 $_size_execute0_lowered;
	s4 =	sadd.s32 s4, s5;
	[dreg:$0x0] =	wrdreg $0x0  }
0xae: {  	s5 =	sshll.u32 s28, $0x1;
	[dreg:$0x2] =	wrdreg s4  }
0xaf: {  	[dreg:$0x3] =	wrdreg s5  }
0xb0: {  	[dreg:$0x4] =	wrdreg $0xC0  }
0xb1: {  	_ =	task [dreg:s8], $0x5FFFF  }
0xb2: {  	[dreg:$0x1] =	wrdreg $0xFFFFFFFF  }
0xb3: {  	[dreg:$0x0] =	wrdreg $0x60  }
0xb4: {  	[dreg:$0x2] =	wrdreg s18  }
0xb5: {  	[dreg:$0x3] =	wrdreg s17  }
0xb6: {  	[dreg:$0x4] =	wrdreg $0x9  }
0xb7: {  	_ =	task.clear_ibuf [dreg:s8], $0x5FFFF;
	_ =	strace $0x90000046  }
0xb8: {  	s29 =	simm.s32 $0x9;
	_ =	strace $0x80000048  }
0xb9: {  	_ =	swait.ge [sflag:s29], $0x1  }
0xba: {  	[sflag:s29] =	ssyncadd.s32 $0xFFFFFFFF  }
0xbb: {  	_ =	strace $0x90000048  }
0xbc: {  	_ =	sfence  }
0xbd: {  	s30 =	sld [smem:$0x0];
	_ =	sdelay $0x2  }
0xbe: {  	s31 =	sshll.u32 s1, $0xD;
	s1 =	sshrl.u32 s1, $0x2  }
0xbf: {  	s3 =	sand.u32 $0x4000, s31;
	s1 =	sadd.s32 s1, s30  }
0xc0: {  	s0 =	sor.u32 s3, s0;
	s1 =	sshll.u32 s1, $0x11  }
0xc1: {  	s0 =	sor.u32 s1, s0  }
0xc2: {  	s0 =	sadd.s32 $0x8F2B, s0  }
0xc3: {  	[sflag:s0] =	ssyncadd.remote.s32 $0x1  }
0xc4: {  	_ =	sfence.sel $0xFFFF  }
0xc5: {  	[dreg:$0x0] =	wrdreg $0xFFFFFFFF;
	(pc) =	sbr.abs _section_cstart, $3  }
0xc6: {  	[dreg:$0x1] =	wrdreg $0xFFFFFFFF  }
0xc7: {  	_ =	task.clear_ibuf [dreg:s8], $0x2FFFF;
	_ =	strace $0x9FFFFFFF  }
0xc8: {  	(tm) =	ssettm $0x7FFFFFFF  }
0xc9: {  	_ =	shalt  }
tec
execute0_lowered:
.L_overlay_start_1:
0x0: {  	(tag) =	ssettag $0x1  }
0x1: {  	s0 =	rddreg [dreg:$0x0];
	s1 =	srdreg.scid  }
0x2: {  	s4 =	stileid.u32;
	s3 =	rddreg [dreg:$0x1]  }
0x3: {  	v0 =	vlaneseq.u32;
	s6 =	simm.s32 $0x9000;
	s1 =	sand.u32 $0x1, s1;
	s2 =	sshll.u32 s4, $0x1  }
0x4: {  	s7 =	simm.s32 $0xA100;
	v19 =	vmul.u32 $0xFFFFFFFF, v0;
	s10 =	sor.u32 s1, s2;
	s2 =	simm.s32 $0x0  }
0x5: {  	s13 =	simm.s32 $0x1;
	s4 =	sshll.u32 s4, $0xC;
	[smem:$0x7FF] =	sst s2  }
0x6: {  	s14 =	simm.s32 $0x2;
	s15 =	simm.s32 $0x8000;
	s17 =	simm.s32 $0x3;
	v4 =	vadd.s32 $0x800000FF, v19;
	v5 =	vadd.s32 $0x800000EF, v19;
	v6 =	vadd.s32 $0x800000DF, v19  }
0x7: {  	s18 =	simm.s32 $0x0;
	s1 =	ssub.s32 $0x2, s1;
	s5 =	sshll.u32 s10, $0x5;
	v7 =	vadd.s32 $0x800000CF, v19;
	v8 =	vadd.s32 $0x800000BF, v19;
	v9 =	vadd.s32 $0x800000AF, v19  }
.Ltmp0:
0x8: {  	v1 =	vimm.s32 $0x0;
	s9 =	sshrl.u32 s1, $0x1;
	v10 =	vadd.s32 $0x8000009F, v19;
	v11 =	vadd.s32 $0x8000008F, v19;
	s4 =	sor.u32 s4, s5;
	(pc) =	sbr.rel .LBB2_1-.Ltmp0, $4  }
0x9: {  	v2 =	vimm.s32 $0x1;
	vm2 =	vcmask $0xB08;
	s31 =	sshll.u32 s10, $0x4;
	v12 =	vadd.s32 $0x8000007F, v19;
	_ =	strace $0x80000047;
	s8 =	sand.u32 $0xE060, s4  }
0xa: {  	v13 =	vadd.s32 $0x8000006F, v19;
	v14 =	vadd.s32 $0x8000005F, v19;
	v15 =	vadd.s32 $0x8000004F, v19;
	s29 =	ssub.s32 s1, s9;
	s1 =	sadd.s32 s3, s31;
	s8 =	sadd.s32 s0, s8  }
0xb: {  	vm3 =	vcmask $0xF0C;
	v16 =	vadd.s32 $0x8000003F, v19;
	v17 =	vadd.s32 $0x8000002F, v19;
	s5 =	simm.s32 $0xA000;
	[dreg:$0x4] =	wrdreg s1;
	s30 =	sadd.s32 $0x10, s8  }
0xc: {  	v3 =	vadd.s32 $0xF, v19;
	v18 =	vadd.s32 $0x8000001F, v19;
	v19 =	vadd.s32 $0x8000000F, v19;
	s4 =	simm.s32 $0x2000;
	s11 =	smax.u32 s29, $0x1;
	[dreg:$0x3] =	wrdreg s30  }
.LBB2_61:
0xd: {  	s0 =	simm.s32 $0xFFFFFFFF  }
.LBB2_83:
0xe: {  	v20 =	vmov s19;
	vm0 =	vcmask $0x300  }
0xf: {  	v20 =	vnsel vm0, $0x0, v20;
	vm0 =	vcmask $0x704  }
0x10: {  	v20 =	vsel vm0, s20, v20  }
0x11: {  	s18 =	sadd.s32 $0x1, s18;
	v20 =	vsel vm2, s23, v20  }
0x12: {  	p0 =	sne.s32 s18, s11;
	v20 =	vsel vm3, s0, v20  }
.Ltmp1:
0x13: {  	s31 =	rddreg [dreg:$0x4];
	s1 =	simm.s32 $0xA200;
	[tilespmem:$0xA200] =	vst v20;
	(pc) =	sbr.rel @!p0 .LBB2_84-.Ltmp1, $4  }
0x14: {  	[hbm4b:s31+s2] =	stream.linear.scatter [tilespmem:s1], [sflag:$0x3], $0x80, $0x38;
	[tilespmem:$0xA280] =	vst v63  }
0x15: {  	_ =	swait.ge [sflag:s17], $0x80  }
0x16: {  	[sflag:s17] =	ssyncset.done $0x0  }
0x17: {  	[sflag:s17] =	ssyncadd.s32 $0xFFFFFF80  }
.LBB2_1:
0x18: {  	s0 =	simm.s32 $0x400;
	s3 =	simm.s32 $0x80  }
0x19: {  	[tilespmem:s2], [sflag:$0x1] =	stream.strided.gather [hbm4b:s8+s3], $0x2000, s0, s3, $0x38;
	[tilespmem:$0xA280] =	vst v63  }
0x1a: {  	s1 =	rddreg [dreg:$0x3];
	s31 =	simm.s32 $0x8020  }
0x1b: {  	[tilespmem:s4], [sflag:$0x2] =	stream.strided.gather [hbm4b:s1+s3], $0x2000, s0, s3, $0x38;
	[tilespmem:$0xA280] =	vst v63  }
0x1c: {  	[tilespmem:s31+$0xFFFFFFF0] =	vst v1  }
0x1d: {  	[tilespmem:s31+$0x0] =	vst v1  }
0x1e: {  	[tilespmem:s31+$0x10] =	vst v1  }
0x1f: {  	s0 =	simm.s32 $0x9020;
	[tilespmem:s31+$0xFFFFFFE0] =	vst v1  }
0x20: {  	[tilespmem:s0+$0xFFFFFFF0] =	vst v1  }
0x21: {  	[tilespmem:s0+$0x0] =	vst v1  }
0x22: {  	[tilespmem:s0+$0x10] =	vst v1  }
0x23: {  	s1 =	simm.s32 $0x0;
	s3 =	simm.s32 $0x8060;
	[tilespmem:s0+$0xFFFFFFE0] =	vst v1  }
.LBB2_2:
0x24: {  	[tilespmem:s3+$0xFFFFFFF0] =	vst v1;
	s0 =	sadd.s32 $0x40, s0  }
0x25: {  	s1 =	sadd.s32 $0x40, s1;
	[tilespmem:s0+$0xFFFFFFF0] =	vst v1  }
0x26: {  	p0 =	slt.u32 s1, $0xFC0;
	[tilespmem:s3+$0x0] =	vst v1  }
.Ltmp2:
0x27: {  	[tilespmem:s0+$0x0] =	vst v1;
	(pc) =	sbr.rel @p0 .LBB2_2-.Ltmp2, $4  }
0x28: {  	[tilespmem:s3+$0x10] =	vst v1  }
0x29: {  	[tilespmem:s0+$0x10] =	vst v1  }
0x2a: {  	[tilespmem:s3+$0xFFFFFFE0] =	vst v1  }
0x2b: {  	s3 =	sadd.s32 $0x40, s3;
	[tilespmem:s0+$0xFFFFFFE0] =	vst v1  }
0x2c: {  	[tilespmem:$0xA000] =	vst v1  }
0x2d: {  	[tilespmem:$0xA100] =	vst v1  }
0x2e: {  	[tilespmem:$0xA010] =	vst v1  }
0x2f: {  	[tilespmem:$0xA110] =	vst v1  }
0x30: {  	[tilespmem:$0xA020] =	vst v1  }
0x31: {  	[tilespmem:$0xA120] =	vst v1  }
0x32: {  	[tilespmem:$0xA030] =	vst v1  }
0x33: {  	[tilespmem:$0xA130] =	vst v1  }
0x34: {  	[tilespmem:$0xA040] =	vst v1  }
0x35: {  	[tilespmem:$0xA140] =	vst v1  }
0x36: {  	[tilespmem:$0xA050] =	vst v1  }
0x37: {  	[tilespmem:$0xA150] =	vst v1  }
0x38: {  	[tilespmem:$0xA060] =	vst v1  }
0x39: {  	[tilespmem:$0xA160] =	vst v1  }
0x3a: {  	[tilespmem:$0xA070] =	vst v1  }
0x3b: {  	[tilespmem:$0xA170] =	vst v1  }
0x3c: {  	[tilespmem:$0xA080] =	vst v1  }
0x3d: {  	[tilespmem:$0xA180] =	vst v1  }
0x3e: {  	[tilespmem:$0xA090] =	vst v1  }
0x3f: {  	[tilespmem:$0xA190] =	vst v1  }
0x40: {  	[tilespmem:$0xA0A0] =	vst v1  }
0x41: {  	[tilespmem:$0xA1A0] =	vst v1  }
0x42: {  	[tilespmem:$0xA0B0] =	vst v1  }
0x43: {  	[tilespmem:$0xA1B0] =	vst v1  }
0x44: {  	[tilespmem:$0xA0C0] =	vst v1  }
0x45: {  	[tilespmem:$0xA1C0] =	vst v1  }
0x46: {  	[tilespmem:$0xA0D0] =	vst v1  }
0x47: {  	[tilespmem:$0xA1D0] =	vst v1  }
0x48: {  	[tilespmem:$0xA0E0] =	vst v1  }
0x49: {  	[tilespmem:$0xA1E0] =	vst v1  }
0x4a: {  	[tilespmem:$0xA0F0] =	vst v1  }
0x4b: {  	[tilespmem:$0xA1F0] =	vst v1  }
0x4c: {  	_ =	swait.ge [sflag:s13], $0x2000  }
0x4d: {  	[sflag:s13] =	ssyncset.done $0x0  }
0x4e: {  	[sflag:s13] =	ssyncadd.s32 $0xFFFFE000  }
0x4f: {  	_ =	swait.ge [sflag:s14], $0x2000  }
0x50: {  	[sflag:s14] =	ssyncset.done $0x0  }
0x51: {  	s0 =	simm.s32 $0x20;
	[sflag:s14] =	ssyncadd.s32 $0xFFFFE000  }
0x52: {  	v20 =	vld [tilespmem:s0+$0x10]  }
0x53: {  	v22 =	vld [tilespmem:s0+$0xFFFFFFF0]  }
0x54: {  	v28 =	vld [tilespmem:s0+$0x0];
	_ =	sdelay $0x1  }
0x55: {  	s1 =	simm.s32 $0x2020  }
0x56: {  	v21 =	vld [tilespmem:s1+$0x10];
	v24 =	vshrl.u32 v20, $0x13  }
0x57: {  	v23 =	vld [tilespmem:s1+$0xFFFFFFE0];
	v29 =	vshrl.u32 v22, $0x13  }
0x58: {  	v25 =	vld [tilespmem:s1+$0xFFFFFFF0];
	v62 =	vshrl.u32 v28, $0x13  }
0x59: {  	v26 =	vld [tilespmem:s0+$0xFFFFFFE0];
	v20 =	vshrl.u32 v20, $0x17  }
0x5a: {  	v30 =	vld [tilespmem:s1+$0x0];
	v22 =	vshrl.u32 v22, $0x17  }
0x5b: {  	v63 =	vshrl.u32 v28, $0x17;
	[tilespmem:v24+s15+$0x0] =	vst.idx.add.s32.msk $0xffff, v2  }
0x5c: {  	v27 =	vshrl.u32 v21, $0x13;
	[tilespmem:v29+s15+$0x0] =	vst.idx.add.s32.msk $0xffff, v2  }
0x5d: {  	v21 =	vshrl.u32 v21, $0x17;
	[tilespmem:v62+s15+$0x0] =	vst.idx.add.s32.msk $0xffff, v2  }
0x5e: {  	v61 =	vshrl.u32 v25, $0x13;
	[tilespmem:v20+s5+$0x0] =	vst.idx.add.s32.msk $0xffff, v2  }
0x5f: {  	v20 =	vshrl.u32 v26, $0x13;
	[tilespmem:v22+s5+$0x0] =	vst.idx.add.s32.msk $0xffff, v2  }
0x60: {  	v22 =	vshrl.u32 v25, $0x17;
	[tilespmem:v63+s5+$0x0] =	vst.idx.add.s32.msk $0xffff, v2  }
0x61: {  	v26 =	vshrl.u32 v26, $0x17;
	[tilespmem:v27+s6+$0x0] =	vst.idx.add.s32.msk $0xffff, v2  }
0x62: {  	[tilespmem:v21+s7+$0x0] =	vst.idx.add.s32.msk $0xffff, v2;
	v21 =	vshrl.u32 v23, $0x13  }
0x63: {  	[tilespmem:v61+s6+$0x0] =	vst.idx.add.s32.msk $0xffff, v2;
	v23 =	vshrl.u32 v23, $0x17  }
0x64: {  	[tilespmem:v20+s15+$0x0] =	vst.idx.add.s32.msk $0xffff, v2  }
0x65: {  	[tilespmem:v22+s7+$0x0] =	vst.idx.add.s32.msk $0xffff, v2  }
0x66: {  	[tilespmem:v26+s5+$0x0] =	vst.idx.add.s32.msk $0xffff, v2  }
0x67: {  	[tilespmem:v21+s6+$0x0] =	vst.idx.add.s32.msk $0xffff, v2  }
0x68: {  	s3 =	simm.s32 $0x60;
	s0 =	simm.s32 $0x0;
	v20 =	vshrl.u32 v30, $0x17;
	v21 =	vshrl.u32 v30, $0x13;
	[tilespmem:v23+s7+$0x0] =	vst.idx.add.s32.msk $0xffff, v2  }
.LBB2_4:
0x69: {  	v22 =	vld [tilespmem:s3+$0x10]  }
0x6a: {  	s1 =	sadd.s32 $0x40, s1;
	v23 =	vld [tilespmem:s3+$0xFFFFFFF0]  }
0x6b: {  	v24 =	vld [tilespmem:s1+$0x10]  }
0x6c: {  	s0 =	sadd.s32 $0x4, s0;
	v25 =	vld [tilespmem:s1+$0xFFFFFFE0]  }
0x6d: {  	p0 =	slt.u32 s0, $0x1FC;
	v26 =	vld [tilespmem:s1+$0xFFFFFFF0]  }
0x6e: {  	v27 =	vld [tilespmem:s3+$0x0];
	v28 =	vshrl.u32 v22, $0x13  }
0x6f: {  	v22 =	vshrl.u32 v22, $0x17;
	v29 =	vshrl.u32 v23, $0x13;
	v23 =	vshrl.u32 v23, $0x17;
	v30 =	vld [tilespmem:s1+$0x0]  }
0x70: {  	v31 =	vld [tilespmem:s3+$0xFFFFFFE0];
	v32 =	vshrl.u32 v24, $0x13  }
0x71: {  	v24 =	vshrl.u32 v24, $0x17;
	v33 =	vshrl.u32 v25, $0x13;
	v25 =	vshrl.u32 v25, $0x17;
	[tilespmem:v21+s6+$0x0] =	vst.idx.add.s32.msk $0xffff, v2  }
0x72: {  	v34 =	vshrl.u32 v26, $0x13;
	v26 =	vshrl.u32 v26, $0x17;
	[tilespmem:v20+s7+$0x0] =	vst.idx.add.s32.msk $0xffff, v2  }
0x73: {  	v35 =	vshrl.u32 v27, $0x13;
	v27 =	vshrl.u32 v27, $0x17;
	[tilespmem:v28+s15+$0x0] =	vst.idx.add.s32.msk $0xffff, v2  }
0x74: {  	v21 =	vshrl.u32 v30, $0x13;
	v20 =	vshrl.u32 v30, $0x17;
	[tilespmem:v22+s5+$0x0] =	vst.idx.add.s32.msk $0xffff, v2  }
0x75: {  	v22 =	vshrl.u32 v31, $0x13;
	v28 =	vshrl.u32 v31, $0x17;
	[tilespmem:v32+s6+$0x0] =	vst.idx.add.s32.msk $0xffff, v2  }
0x76: {  	[tilespmem:v24+s7+$0x0] =	vst.idx.add.s32.msk $0xffff, v2  }
0x77: {  	[tilespmem:v29+s15+$0x0] =	vst.idx.add.s32.msk $0xffff, v2  }
0x78: {  	[tilespmem:v23+s5+$0x0] =	vst.idx.add.s32.msk $0xffff, v2  }
0x79: {  	[tilespmem:v34+s6+$0x0] =	vst.idx.add.s32.msk $0xffff, v2  }
0x7a: {  	[tilespmem:v22+s15+$0x0] =	vst.idx.add.s32.msk $0xffff, v2  }
0x7b: {  	[tilespmem:v28+s5+$0x0] =	vst.idx.add.s32.msk $0xffff, v2  }
.Ltmp3:
0x7c: {  	[tilespmem:v33+s6+$0x0] =	vst.idx.add.s32.msk $0xffff, v2;
	(pc) =	sbr.rel @p0 .LBB2_4-.Ltmp3, $4  }
0x7d: {  	[tilespmem:v25+s7+$0x0] =	vst.idx.add.s32.msk $0xffff, v2  }
0x7e: {  	[tilespmem:v26+s7+$0x0] =	vst.idx.add.s32.msk $0xffff, v2  }
0x7f: {  	[tilespmem:v35+s15+$0x0] =	vst.idx.add.s32.msk $0xffff, v2  }
0x80: {  	s3 =	sadd.s32 $0x40, s3;
	[tilespmem:v27+s5+$0x0] =	vst.idx.add.s32.msk $0xffff, v2  }
0x81: {  	_ =	sdelay $0x3  }
0x82: {  	[tilespmem:v21+s6+$0x0] =	vst.idx.add.s32.msk $0xffff, v2  }
0x83: {  	[tilespmem:v20+s7+$0x0] =	vst.idx.add.s32.msk $0xffff, v2  }
0x84: {  	v20 =	vld [tilespmem:$0xA0F0];
	_ =	sdelay $0x4  }
0x85: {  	v21 =	vperm.xlane v20, v3;
	_ =	sdelay $0x1  }
0x86: {  	(xrf0) =	vadd.scan.msk.s32 $0xffff, v21;
	_ =	sdelay $0x5  }
0x87: {  	v22, _, _ =	vpop (xrf0)  }
0x88: {  	v23 =	vld [tilespmem:$0xA0E0];
	v21 =	vsub.s32 v22, v21  }
0x89: {  	vm0 =	vgt.s32 v22, $0x9F;
	vm1 =	vlt.s32 v21, $0xA0;
	v21 =	vshll.u32 v21, $0xC  }
0x8a: {  	vm0 =	vmand vm0, vm1;
	v21 =	vxor.u32 v4, v21  }
0x8b: {  	v21 =	vnsel vm0, $0x7FFFFFFF, v21  }
0x8c: {  	(xrf0) =	vmax.scan.msk.u32 $0xffff, v21  }
0x8d: {  	(xrf0) =	vadd.scan.msk.s32 $0xffff, v20;
	v20 =	vperm.xlane v23, v3;
	_ =	sdelay $0x1  }
0x8e: {  	(xrf0) =	vadd.scan.msk.s32 $0xffff, v20;
	_ =	sdelay $0x2  }
0x8f: {  	v21, _, _ =	vpop (xrf0)  }
0x90: {  	v22, _, _ =	vpop (xrf0)  }
0x91: {  	v24 =	vbroadcast v22, $0xF  }
0x92: {  	v25, _, _ =	vpop (xrf0)  }
0x93: {  	v24 =	vadd.s32 v24, v25  }
0x94: {  	v20 =	vsub.s32 v24, v20  }
0x95: {  	vm0 =	vgt.s32 v24, $0x9F;
	vm1 =	vlt.s32 v20, $0xA0;
	v20 =	vshll.u32 v20, $0xC  }
0x96: {  	vm0 =	vmand vm0, vm1;
	v20 =	vxor.u32 v5, v20  }
0x97: {  	v20 =	vnsel vm0, $0x7FFFFFFF, v20  }
0x98: {  	(xrf0) =	vmax.scan.msk.u32 $0xffff, v20  }
0x99: {  	(xrf0) =	vadd.scan.msk.s32 $0xffff, v23;
	_ =	sdelay $0x3  }
0x9a: {  	(v2sf) =	vpush v21, $0xF  }
0x9b: {  	(v2sf) =	vpush v22, $0xF;
	v20, _, _ =	vpop (xrf0)  }
0x9c: {  	(v2sf) =	vpush v20, $0xF;
	v20, _, _ =	vpop (xrf0)  }
0x9d: {  	(v2sf) =	vpush v20, $0xF;
	_ =	sdelay $0x2  }
0x9e: {  	v20 =	vld [tilespmem:$0xA0D0];
	_ =	sdelay $0x4  }
0x9f: {  	v21 =	vperm.xlane v20, v3;
	_ =	sdelay $0x1  }
0xa0: {  	(xrf0) =	vadd.scan.msk.s32 $0xffff, v21;
	_ =	sdelay $0x1  }
0xa1: {  	s19 =	spop (v2sf)  }
0xa2: {  	s0 =	spop (v2sf)  }
0xa3: {  	s20 =	spop (v2sf)  }
0xa4: {  	s1 =	spop (v2sf)  }
0xa5: {  	v22, _, _ =	vpop (xrf0);
	s0 =	sadd.s32 s0, s1  }
0xa6: {  	v22 =	vadd.s32 s0, v22  }
0xa7: {  	v21 =	vsub.s32 v22, v21  }
0xa8: {  	vm0 =	vgt.s32 v22, $0x9F;
	vm1 =	vlt.s32 v21, $0xA0;
	v21 =	vshll.u32 v21, $0xC  }
0xa9: {  	vm0 =	vmand vm0, vm1;
	v21 =	vxor.u32 v6, v21  }
0xaa: {  	v21 =	vnsel vm0, $0x7FFFFFFF, v21  }
0xab: {  	(xrf0) =	vmax.scan.msk.u32 $0xffff, v21  }
0xac: {  	(xrf0) =	vadd.scan.msk.s32 $0xffff, v20;
	_ =	sdelay $0x4  }
0xad: {  	v20, _, _ =	vpop (xrf0)  }
0xae: {  	(v2sf) =	vpush v20, $0xF;
	v20, _, _ =	vpop (xrf0)  }
0xaf: {  	(v2sf) =	vpush v20, $0xF;
	_ =	sdelay $0x2  }
0xb0: {  	v20 =	vld [tilespmem:$0xA0C0];
	_ =	sdelay $0x4  }
0xb1: {  	v21 =	vperm.xlane v20, v3;
	_ =	sdelay $0x1  }
0xb2: {  	(xrf0) =	vadd.scan.msk.s32 $0xffff, v21;
	_ =	sdelay $0x3  }
0xb3: {  	s21 =	spop (v2sf)  }
0xb4: {  	s22 =	spop (v2sf)  }
0xb5: {  	v22, _, _ =	vpop (xrf0);
	s0 =	sadd.s32 s0, s22  }
0xb6: {  	v22 =	vadd.s32 s0, v22  }
0xb7: {  	v21 =	vsub.s32 v22, v21  }
0xb8: {  	vm0 =	vgt.s32 v22, $0x9F;
	vm1 =	vlt.s32 v21, $0xA0;
	v21 =	vshll.u32 v21, $0xC  }
0xb9: {  	vm0 =	vmand vm0, vm1;
	v21 =	vxor.u32 v7, v21  }
0xba: {  	v21 =	vnsel vm0, $0x7FFFFFFF, v21  }
0xbb: {  	(xrf0) =	vmax.scan.msk.u32 $0xffff, v21  }
0xbc: {  	(xrf0) =	vadd.scan.msk.s32 $0xffff, v20;
	_ =	sdelay $0x4  }
0xbd: {  	v20, _, _ =	vpop (xrf0)  }
0xbe: {  	(v2sf) =	vpush v20, $0xF;
	v20, _, _ =	vpop (xrf0)  }
0xbf: {  	(v2sf) =	vpush v20, $0xF;
	_ =	sdelay $0x2  }
0xc0: {  	v20 =	vld [tilespmem:$0xA0B0];
	_ =	sdelay $0x4  }
0xc1: {  	v21 =	vperm.xlane v20, v3;
	_ =	sdelay $0x1  }
0xc2: {  	(xrf0) =	vadd.scan.msk.s32 $0xffff, v21;
	_ =	sdelay $0x3  }
0xc3: {  	s22 =	spop (v2sf)  }
0xc4: {  	s23 =	spop (v2sf)  }
0xc5: {  	v22, _, _ =	vpop (xrf0);
	s0 =	sadd.s32 s0, s23  }
0xc6: {  	v22 =	vadd.s32 s0, v22  }
0xc7: {  	v21 =	vsub.s32 v22, v21  }
0xc8: {  	vm0 =	vgt.s32 v22, $0x9F;
	vm1 =	vlt.s32 v21, $0xA0;
	v21 =	vshll.u32 v21, $0xC  }
0xc9: {  	vm0 =	vmand vm0, vm1;
	v21 =	vxor.u32 v8, v21  }
0xca: {  	v21 =	vnsel vm0, $0x7FFFFFFF, v21  }
0xcb: {  	(xrf0) =	vmax.scan.msk.u32 $0xffff, v21  }
0xcc: {  	(xrf0) =	vadd.scan.msk.s32 $0xffff, v20;
	_ =	sdelay $0x4  }
0xcd: {  	v20, _, _ =	vpop (xrf0)  }
0xce: {  	(v2sf) =	vpush v20, $0xF;
	v20, _, _ =	vpop (xrf0)  }
0xcf: {  	(v2sf) =	vpush v20, $0xF;
	_ =	sdelay $0x2  }
0xd0: {  	v20 =	vld [tilespmem:$0xA0A0];
	_ =	sdelay $0x4  }
0xd1: {  	v21 =	vperm.xlane v20, v3;
	_ =	sdelay $0x1  }
0xd2: {  	(xrf0) =	vadd.scan.msk.s32 $0xffff, v21;
	_ =	sdelay $0x3  }
0xd3: {  	s23 =	spop (v2sf)  }
0xd4: {  	s24 =	spop (v2sf)  }
0xd5: {  	v22, _, _ =	vpop (xrf0);
	s0 =	sadd.s32 s0, s24  }
0xd6: {  	v22 =	vadd.s32 s0, v22  }
0xd7: {  	v21 =	vsub.s32 v22, v21  }
0xd8: {  	vm0 =	vgt.s32 v22, $0x9F;
	vm1 =	vlt.s32 v21, $0xA0;
	v21 =	vshll.u32 v21, $0xC  }
0xd9: {  	vm0 =	vmand vm0, vm1;
	v21 =	vxor.u32 v9, v21  }
0xda: {  	v21 =	vnsel vm0, $0x7FFFFFFF, v21  }
0xdb: {  	(xrf0) =	vmax.scan.msk.u32 $0xffff, v21  }
0xdc: {  	(xrf0) =	vadd.scan.msk.s32 $0xffff, v20;
	_ =	sdelay $0x4  }
0xdd: {  	v20, _, _ =	vpop (xrf0)  }
0xde: {  	(v2sf) =	vpush v20, $0xF;
	v20, _, _ =	vpop (xrf0)  }
0xdf: {  	(v2sf) =	vpush v20, $0xF;
	_ =	sdelay $0x2  }
0xe0: {  	v20 =	vld [tilespmem:$0xA090];
	_ =	sdelay $0x4  }
0xe1: {  	v21 =	vperm.xlane v20, v3;
	_ =	sdelay $0x1  }
0xe2: {  	(xrf0) =	vadd.scan.msk.s32 $0xffff, v21;
	_ =	sdelay $0x3  }
0xe3: {  	s24 =	spop (v2sf)  }
0xe4: {  	s25 =	spop (v2sf)  }
0xe5: {  	v22, _, _ =	vpop (xrf0);
	s0 =	sadd.s32 s0, s25  }
0xe6: {  	v22 =	vadd.s32 s0, v22  }
0xe7: {  	v21 =	vsub.s32 v22, v21  }
0xe8: {  	vm0 =	vgt.s32 v22, $0x9F;
	vm1 =	vlt.s32 v21, $0xA0;
	v21 =	vshll.u32 v21, $0xC  }
0xe9: {  	vm0 =	vmand vm0, vm1;
	v21 =	vxor.u32 v10, v21  }
0xea: {  	v21 =	vnsel vm0, $0x7FFFFFFF, v21  }
0xeb: {  	(xrf0) =	vmax.scan.msk.u32 $0xffff, v21  }
0xec: {  	(xrf0) =	vadd.scan.msk.s32 $0xffff, v20;
	_ =	sdelay $0x4  }
0xed: {  	v20, _, _ =	vpop (xrf0)  }
0xee: {  	(v2sf) =	vpush v20, $0xF;
	v20, _, _ =	vpop (xrf0)  }
0xef: {  	(v2sf) =	vpush v20, $0xF;
	_ =	sdelay $0x2  }
0xf0: {  	v20 =	vld [tilespmem:$0xA080];
	_ =	sdelay $0x4  }
0xf1: {  	v21 =	vperm.xlane v20, v3;
	_ =	sdelay $0x1  }
0xf2: {  	(xrf0) =	vadd.scan.msk.s32 $0xffff, v21;
	_ =	sdelay $0x3  }
0xf3: {  	s25 =	spop (v2sf)  }
0xf4: {  	s26 =	spop (v2sf)  }
0xf5: {  	v22, _, _ =	vpop (xrf0);
	s0 =	sadd.s32 s0, s26  }
0xf6: {  	v22 =	vadd.s32 s0, v22  }
0xf7: {  	v21 =	vsub.s32 v22, v21  }
0xf8: {  	vm0 =	vgt.s32 v22, $0x9F;
	vm1 =	vlt.s32 v21, $0xA0;
	v21 =	vshll.u32 v21, $0xC  }
0xf9: {  	vm0 =	vmand vm0, vm1;
	v21 =	vxor.u32 v11, v21  }
0xfa: {  	v21 =	vnsel vm0, $0x7FFFFFFF, v21  }
0xfb: {  	(xrf0) =	vmax.scan.msk.u32 $0xffff, v21  }
0xfc: {  	(xrf0) =	vadd.scan.msk.s32 $0xffff, v20;
	_ =	sdelay $0x4  }
0xfd: {  	v20, _, _ =	vpop (xrf0)  }
0xfe: {  	(v2sf) =	vpush v20, $0xF;
	v20, _, _ =	vpop (xrf0)  }
0xff: {  	(v2sf) =	vpush v20, $0xF;
	_ =	sdelay $0x2  }
0x100: {  	v20 =	vld [tilespmem:$0xA070];
	_ =	sdelay $0x4  }
0x101: {  	v21 =	vperm.xlane v20, v3;
	_ =	sdelay $0x1  }
0x102: {  	(xrf0) =	vadd.scan.msk.s32 $0xffff, v21;
	_ =	sdelay $0x3  }
0x103: {  	s26 =	spop (v2sf)  }
0x104: {  	s29 =	spop (v2sf)  }
0x105: {  	v22, _, _ =	vpop (xrf0);
	s0 =	sadd.s32 s0, s29  }
0x106: {  	v22 =	vadd.s32 s0, v22  }
0x107: {  	v21 =	vsub.s32 v22, v21  }
0x108: {  	vm0 =	vgt.s32 v22, $0x9F;
	vm1 =	vlt.s32 v21, $0xA0;
	v21 =	vshll.u32 v21, $0xC  }
0x109: {  	vm0 =	vmand vm0, vm1;
	v21 =	vxor.u32 v12, v21  }
0x10a: {  	v21 =	vnsel vm0, $0x7FFFFFFF, v21  }
0x10b: {  	(xrf0) =	vmax.scan.msk.u32 $0xffff, v21  }
0x10c: {  	(xrf0) =	vadd.scan.msk.s32 $0xffff, v20;
	_ =	sdelay $0x4  }
0x10d: {  	v20, _, _ =	vpop (xrf0)  }
0x10e: {  	(v2sf) =	vpush v20, $0xF;
	v20, _, _ =	vpop (xrf0)  }
0x10f: {  	(v2sf) =	vpush v20, $0xF;
	_ =	sdelay $0x2  }
0x110: {  	v20 =	vld [tilespmem:$0xA060];
	_ =	sdelay $0x4  }
0x111: {  	v21 =	vperm.xlane v20, v3;
	_ =	sdelay $0x1  }
0x112: {  	(xrf0) =	vadd.scan.msk.s32 $0xffff, v21;
	_ =	sdelay $0x3  }
0x113: {  	s28 =	spop (v2sf)  }
0x114: {  	s30 =	spop (v2sf)  }
0x115: {  	v22, _, _ =	vpop (xrf0);
	s0 =	sadd.s32 s0, s30  }
0x116: {  	v22 =	vadd.s32 s0, v22  }
0x117: {  	v21 =	vsub.s32 v22, v21  }
0x118: {  	vm0 =	vgt.s32 v22, $0x9F;
	vm1 =	vlt.s32 v21, $0xA0;
	v21 =	vshll.u32 v21, $0xC  }
0x119: {  	vm0 =	vmand vm0, vm1;
	v21 =	vxor.u32 v13, v21  }
0x11a: {  	v21 =	vnsel vm0, $0x7FFFFFFF, v21  }
0x11b: {  	(xrf0) =	vmax.scan.msk.u32 $0xffff, v21  }
0x11c: {  	(xrf0) =	vadd.scan.msk.s32 $0xffff, v20;
	_ =	sdelay $0x4  }
0x11d: {  	v20, _, _ =	vpop (xrf0)  }
0x11e: {  	(v2sf) =	vpush v20, $0xF;
	v20, _, _ =	vpop (xrf0)  }
0x11f: {  	(v2sf) =	vpush v20, $0xF;
	_ =	sdelay $0x2  }
0x120: {  	v20 =	vld [tilespmem:$0xA050];
	_ =	sdelay $0x4  }
0x121: {  	v21 =	vperm.xlane v20, v3;
	_ =	sdelay $0x1  }
0x122: {  	(xrf0) =	vadd.scan.msk.s32 $0xffff, v21;
	_ =	sdelay $0x3  }
0x123: {  	s29 =	spop (v2sf)  }
0x124: {  	s31 =	spop (v2sf)  }
0x125: {  	v22, _, _ =	vpop (xrf0);
	s0 =	sadd.s32 s0, s31  }
0x126: {  	v22 =	vadd.s32 s0, v22  }
0x127: {  	v21 =	vsub.s32 v22, v21  }
0x128: {  	vm0 =	vgt.s32 v22, $0x9F;
	vm1 =	vlt.s32 v21, $0xA0;
	v21 =	vshll.u32 v21, $0xC  }
0x129: {  	vm0 =	vmand vm0, vm1;
	v21 =	vxor.u32 v14, v21  }
0x12a: {  	v21 =	vnsel vm0, $0x7FFFFFFF, v21  }
0x12b: {  	(xrf0) =	vmax.scan.msk.u32 $0xffff, v21  }
0x12c: {  	(xrf0) =	vadd.scan.msk.s32 $0xffff, v20;
	_ =	sdelay $0x4  }
0x12d: {  	v20, _, _ =	vpop (xrf0)  }
0x12e: {  	(v2sf) =	vpush v20, $0xF;
	v20, _, _ =	vpop (xrf0)  }
0x12f: {  	(v2sf) =	vpush v20, $0xF;
	_ =	sdelay $0x2  }
0x130: {  	v20 =	vld [tilespmem:$0xA040];
	_ =	sdelay $0x4  }
0x131: {  	v21 =	vperm.xlane v20, v3;
	_ =	sdelay $0x1  }
0x132: {  	(xrf0) =	vadd.scan.msk.s32 $0xffff, v21;
	_ =	sdelay $0x3  }
0x133: {  	s30 =	spop (v2sf)  }
0x134: {  	s3 =	spop (v2sf)  }
0x135: {  	v22, _, _ =	vpop (xrf0);
	s0 =	sadd.s32 s0, s3  }
0x136: {  	v22 =	vadd.s32 s0, v22  }
0x137: {  	v21 =	vsub.s32 v22, v21  }
0x138: {  	vm0 =	vgt.s32 v22, $0x9F;
	vm1 =	vlt.s32 v21, $0xA0;
	v21 =	vshll.u32 v21, $0xC  }
0x139: {  	vm0 =	vmand vm0, vm1;
	v21 =	vxor.u32 v15, v21  }
0x13a: {  	v21 =	vnsel vm0, $0x7FFFFFFF, v21  }
0x13b: {  	(xrf0) =	vmax.scan.msk.u32 $0xffff, v21  }
0x13c: {  	(xrf0) =	vadd.scan.msk.s32 $0xffff, v20;
	_ =	sdelay $0x4  }
0x13d: {  	v20, _, _ =	vpop (xrf0)  }
0x13e: {  	(v2sf) =	vpush v20, $0xF;
	v20, _, _ =	vpop (xrf0)  }
0x13f: {  	(v2sf) =	vpush v20, $0xF;
	_ =	sdelay $0x2  }
0x140: {  	v20 =	vld [tilespmem:$0xA030];
	_ =	sdelay $0x4  }
0x141: {  	v21 =	vperm.xlane v20, v3;
	_ =	sdelay $0x1  }
0x142: {  	(xrf0) =	vadd.scan.msk.s32 $0xffff, v21;
	_ =	sdelay $0x3  }
0x143: {  	s1 =	spop (v2sf)  }
0x144: {  	s3 =	spop (v2sf)  }
0x145: {  	v22, _, _ =	vpop (xrf0);
	s3 =	sadd.s32 s0, s3  }
0x146: {  	v22 =	vadd.s32 s3, v22  }
0x147: {  	v21 =	vsub.s32 v22, v21  }
0x148: {  	vm0 =	vgt.s32 v22, $0x9F;
	vm1 =	vlt.s32 v21, $0xA0;
	v21 =	vshll.u32 v21, $0xC  }
0x149: {  	vm0 =	vmand vm0, vm1;
	v21 =	vxor.u32 v16, v21  }
0x14a: {  	v21 =	vnsel vm0, $0x7FFFFFFF, v21  }
0x14b: {  	(xrf0) =	vmax.scan.msk.u32 $0xffff, v21  }
0x14c: {  	(xrf0) =	vadd.scan.msk.s32 $0xffff, v20;
	_ =	sdelay $0x4  }
0x14d: {  	v20, _, _ =	vpop (xrf0)  }
0x14e: {  	(v2sf) =	vpush v20, $0xF;
	v20, _, _ =	vpop (xrf0)  }
0x14f: {  	(v2sf) =	vpush v20, $0xF;
	_ =	sdelay $0x2  }
0x150: {  	v20 =	vld [tilespmem:$0xA020];
	_ =	sdelay $0x4  }
0x151: {  	v21 =	vperm.xlane v20, v3;
	_ =	sdelay $0x1  }
0x152: {  	(xrf0) =	vadd.scan.msk.s32 $0xffff, v21;
	_ =	sdelay $0x3  }
0x153: {  	s0 =	spop (v2sf)  }
0x154: {  	s16 =	spop (v2sf)  }
0x155: {  	v22, _, _ =	vpop (xrf0);
	s3 =	sadd.s32 s3, s16  }
0x156: {  	v22 =	vadd.s32 s3, v22  }
0x157: {  	v21 =	vsub.s32 v22, v21  }
0x158: {  	vm0 =	vgt.s32 v22, $0x9F;
	vm1 =	vlt.s32 v21, $0xA0;
	v21 =	vshll.u32 v21, $0xC  }
0x159: {  	vm0 =	vmand vm0, vm1;
	v21 =	vxor.u32 v17, v21  }
0x15a: {  	v21 =	vnsel vm0, $0x7FFFFFFF, v21  }
0x15b: {  	(xrf0) =	vmax.scan.msk.u32 $0xffff, v21  }
0x15c: {  	(xrf0) =	vadd.scan.msk.s32 $0xffff, v20;
	_ =	sdelay $0x4  }
0x15d: {  	v20, _, _ =	vpop (xrf0)  }
0x15e: {  	(v2sf) =	vpush v20, $0xF;
	v20, _, _ =	vpop (xrf0)  }
0x15f: {  	(v2sf) =	vpush v20, $0xF;
	_ =	sdelay $0x2  }
0x160: {  	v20 =	vld [tilespmem:$0xA010];
	_ =	sdelay $0x4  }
0x161: {  	v21 =	vperm.xlane v20, v3;
	_ =	sdelay $0x1  }
0x162: {  	(xrf0) =	vadd.scan.msk.s32 $0xffff, v21;
	_ =	sdelay $0x3  }
0x163: {  	s9 =	spop (v2sf)  }
0x164: {  	s31 =	spop (v2sf)  }
0x165: {  	v22, _, _ =	vpop (xrf0);
	s3 =	sadd.s32 s3, s31  }
0x166: {  	v22 =	vadd.s32 s3, v22  }
0x167: {  	v21 =	vsub.s32 v22, v21  }
0x168: {  	vm0 =	vgt.s32 v22, $0x9F;
	vm1 =	vlt.s32 v21, $0xA0;
	v21 =	vshll.u32 v21, $0xC  }
0x169: {  	vm0 =	vmand vm0, vm1;
	v21 =	vxor.u32 v18, v21  }
0x16a: {  	v21 =	vnsel vm0, $0x7FFFFFFF, v21  }
0x16b: {  	(xrf0) =	vmax.scan.msk.u32 $0xffff, v21  }
0x16c: {  	(xrf0) =	vadd.scan.msk.s32 $0xffff, v20;
	_ =	sdelay $0x4  }
0x16d: {  	v20, _, _ =	vpop (xrf0)  }
0x16e: {  	(v2sf) =	vpush v20, $0xF;
	v20, _, _ =	vpop (xrf0)  }
0x16f: {  	(v2sf) =	vpush v20, $0xF;
	_ =	sdelay $0x2  }
0x170: {  	v20 =	vld [tilespmem:$0xA000];
	_ =	sdelay $0x4  }
0x171: {  	v20 =	vperm.xlane v20, v3;
	_ =	sdelay $0x1  }
0x172: {  	(xrf0) =	vadd.scan.msk.s32 $0xffff, v20;
	_ =	sdelay $0x3  }
0x173: {  	s10 =	spop (v2sf)  }
0x174: {  	s12 =	spop (v2sf)  }
0x175: {  	v21, _, _ =	vpop (xrf0);
	s3 =	sadd.s32 s3, s12  }
0x176: {  	s12 =	sxor.u32 $0x80000000, s19;
	s19 =	sxor.u32 $0x80000000, s20;
	v21 =	vadd.s32 s3, v21  }
0x177: {  	p0 =	sgt.s32 s12, s19;
	v20 =	vsub.s32 v21, v20  }
0x178: {  	s3 =	sxor.u32 $0x80000000, s21;
	s19 =	smov.u32 @p0 s12;
	vm0 =	vgt.s32 v21, $0x9F;
	vm1 =	vlt.s32 v20, $0xA0;
	v20 =	vshll.u32 v20, $0xC  }
0x179: {  	p0 =	sgt.s32 s19, s3;
	vm0 =	vmand vm0, vm1;
	v20 =	vxor.u32 v19, v20  }
0x17a: {  	s12 =	sxor.u32 $0x80000000, s22;
	s3 =	smov.u32 @p0 s19;
	v20 =	vnsel vm0, $0x7FFFFFFF, v20  }
0x17b: {  	p0 =	sgt.s32 s3, s12;
	(xrf0) =	vmax.scan.msk.u32 $0xffff, v20  }
0x17c: {  	s12 =	smov.u32 @p0 s3;
	s3 =	sxor.u32 $0x80000000, s23  }
0x17d: {  	p0 =	sgt.s32 s12, s3  }
0x17e: {  	s3 =	smov.u32 @p0 s12;
	s12 =	sxor.u32 $0x80000000, s24  }
0x17f: {  	p0 =	sgt.s32 s3, s12  }
0x180: {  	s12 =	smov.u32 @p0 s3;
	s3 =	sxor.u32 $0x80000000, s25  }
0x181: {  	p0 =	sgt.s32 s12, s3;
	v20, _, _ =	vpop (xrf0)  }
0x182: {  	s3 =	smov.u32 @p0 s12;
	s12 =	sxor.u32 $0x80000000, s26;
	(v2sf) =	vpush v20, $0xF  }
0x183: {  	p0 =	sgt.s32 s3, s12  }
0x184: {  	s12 =	smov.u32 @p0 s3;
	s3 =	sxor.u32 $0x80000000, s28  }
0x185: {  	p0 =	sgt.s32 s12, s3  }
0x186: {  	s3 =	smov.u32 @p0 s12;
	s12 =	sxor.u32 $0x80000000, s29  }
0x187: {  	p0 =	sgt.s32 s3, s12  }
0x188: {  	s12 =	smov.u32 @p0 s3;
	s3 =	sxor.u32 $0x80000000, s30  }
0x189: {  	p0 =	sgt.s32 s12, s3  }
0x18a: {  	s1 =	sxor.u32 $0x80000000, s1;
	s3 =	smov.u32 @p0 s12  }
0x18b: {  	p0 =	sgt.s32 s3, s1  }
0x18c: {  	s0 =	sxor.u32 $0x80000000, s0;
	s1 =	smov.u32 @p0 s3  }
0x18d: {  	p0 =	sgt.s32 s1, s0  }
0x18e: {  	s0 =	smov.u32 @p0 s1;
	s1 =	sxor.u32 $0x80000000, s9  }
0x18f: {  	p0 =	sgt.s32 s0, s1  }
0x190: {  	s1 =	smov.u32 @p0 s0;
	s0 =	sxor.u32 $0x80000000, s10  }
0x191: {  	p0 =	sgt.s32 s1, s0;
	s23 =	spop (v2sf)  }
0x192: {  	s0 =	smov.u32 @p0 s1;
	s1 =	sxor.u32 $0x80000000, s23  }
0x193: {  	p0 =	sgt.s32 s0, s1  }
0x194: {  	s1 =	smov.u32 @p0 s0  }
0x195: {  	s0 =	sshra.s32 s1, $0x1F  }
0x196: {  	s0 =	sor.u32 s0, s1  }
0x197: {  	s1 =	sshll.u32 s0, $0x4  }
0x198: {  	s19 =	sand.u32 $0xFFF0, s1  }
0x199: {  	v20 =	vld [tilespmem:s19+$0x8000];
	_ =	sdelay $0x4  }
0x19a: {  	v20 =	vperm.xlane v20, v3;
	_ =	sdelay $0x1  }
0x19b: {  	(xrf0) =	vadd.scan.msk.s32 $0xffff, v20;
	_ =	sdelay $0x5  }
0x19c: {  	v22 =	vld [tilespmem:$0xA1F0];
	s0 =	sshrl.u32 s0, $0xC;
	v21, _, _ =	vpop (xrf0)  }
0x19d: {  	v21 =	vadd.s32 s0, v21  }
0x19e: {  	v20 =	vsub.s32 v21, v20  }
0x19f: {  	vm0 =	vgt.s32 v21, $0x9F;
	vm1 =	vlt.s32 v20, $0xA0;
	v20 =	vshll.u32 v20, $0xC  }
0x1a0: {  	vm0 =	vmand vm0, vm1;
	v20 =	vxor.u32 v19, v20  }
0x1a1: {  	v21 =	vperm.xlane v22, v3;
	v20 =	vnsel vm0, $0x7FFFFFFF, v20  }
0x1a2: {  	(xrf0) =	vmax.scan.msk.u32 $0xffff, v20  }
0x1a3: {  	(xrf0) =	vadd.scan.msk.s32 $0xffff, v21;
	_ =	sdelay $0x4  }
0x1a4: {  	v20, _, _ =	vpop (xrf0)  }
0x1a5: {  	v23, _, _ =	vpop (xrf0)  }
0x1a6: {  	v24 =	vld [tilespmem:$0xA1E0];
	v21 =	vsub.s32 v23, v21  }
0x1a7: {  	vm0 =	vgt.s32 v23, $0x9F;
	vm1 =	vlt.s32 v21, $0xA0;
	v21 =	vshll.u32 v21, $0xC  }
0x1a8: {  	vm0 =	vmand vm0, vm1;
	v21 =	vxor.u32 v4, v21  }
0x1a9: {  	v21 =	vnsel vm0, $0x7FFFFFFF, v21  }
0x1aa: {  	(xrf0) =	vmax.scan.msk.u32 $0xffff, v21  }
0x1ab: {  	v21 =	vperm.xlane v24, v3;
	(xrf0) =	vadd.scan.msk.s32 $0xffff, v22;
	_ =	sdelay $0x1  }
0x1ac: {  	(xrf0) =	vadd.scan.msk.s32 $0xffff, v21;
	_ =	sdelay $0x2  }
0x1ad: {  	v22, _, _ =	vpop (xrf0)  }
0x1ae: {  	v23, _, _ =	vpop (xrf0)  }
0x1af: {  	v25 =	vbroadcast v23, $0xF  }
0x1b0: {  	v26, _, _ =	vpop (xrf0)  }
0x1b1: {  	v25 =	vadd.s32 v25, v26  }
0x1b2: {  	v21 =	vsub.s32 v25, v21  }
0x1b3: {  	vm0 =	vgt.s32 v25, $0x9F;
	vm1 =	vlt.s32 v21, $0xA0;
	v21 =	vshll.u32 v21, $0xC  }
0x1b4: {  	vm0 =	vmand vm0, vm1;
	v21 =	vxor.u32 v5, v21  }
0x1b5: {  	v21 =	vnsel vm0, $0x7FFFFFFF, v21  }
0x1b6: {  	(xrf0) =	vmax.scan.msk.u32 $0xffff, v21  }
0x1b7: {  	(xrf0) =	vadd.scan.msk.s32 $0xffff, v24;
	_ =	sdelay $0x2  }
0x1b8: {  	(v2sf) =	vpush v20, $0xF  }
0x1b9: {  	(v2sf) =	vpush v22, $0xF  }
0x1ba: {  	(v2sf) =	vpush v23, $0xF;
	v20, _, _ =	vpop (xrf0)  }
0x1bb: {  	(v2sf) =	vpush v20, $0xF;
	v20, _, _ =	vpop (xrf0)  }
0x1bc: {  	(v2sf) =	vpush v20, $0xF;
	_ =	sdelay $0x2  }
0x1bd: {  	v20 =	vld [tilespmem:$0xA1D0];
	_ =	sdelay $0x4  }
0x1be: {  	v21 =	vperm.xlane v20, v3;
	_ =	sdelay $0x1  }
0x1bf: {  	(xrf0) =	vadd.scan.msk.s32 $0xffff, v21  }
0x1c0: {  	s20 =	spop (v2sf)  }
0x1c1: {  	s21 =	spop (v2sf)  }
0x1c2: {  	s24 =	spop (v2sf)  }
0x1c3: {  	s22 =	spop (v2sf)  }
0x1c4: {  	s25 =	spop (v2sf)  }
0x1c5: {  	v22, _, _ =	vpop (xrf0);
	s0 =	sadd.s32 s24, s25  }
0x1c6: {  	v22 =	vadd.s32 s0, v22  }
0x1c7: {  	v21 =	vsub.s32 v22, v21  }
0x1c8: {  	vm0 =	vgt.s32 v22, $0x9F;
	vm1 =	vlt.s32 v21, $0xA0;
	v21 =	vshll.u32 v21, $0xC  }
0x1c9: {  	vm0 =	vmand vm0, vm1;
	v21 =	vxor.u32 v6, v21  }
0x1ca: {  	v21 =	vnsel vm0, $0x7FFFFFFF, v21  }
0x1cb: {  	(xrf0) =	vmax.scan.msk.u32 $0xffff, v21  }
0x1cc: {  	(xrf0) =	vadd.scan.msk.s32 $0xffff, v20;
	_ =	sdelay $0x4  }
0x1cd: {  	v20, _, _ =	vpop (xrf0)  }
0x1ce: {  	(v2sf) =	vpush v20, $0xF;
	v20, _, _ =	vpop (xrf0)  }
0x1cf: {  	(v2sf) =	vpush v20, $0xF;
	_ =	sdelay $0x2  }
0x1d0: {  	v20 =	vld [tilespmem:$0xA1C0];
	_ =	sdelay $0x4  }
0x1d1: {  	v21 =	vperm.xlane v20, v3;
	_ =	sdelay $0x1  }
0x1d2: {  	(xrf0) =	vadd.scan.msk.s32 $0xffff, v21;
	_ =	sdelay $0x3  }
0x1d3: {  	s23 =	spop (v2sf)  }
0x1d4: {  	s26 =	spop (v2sf)  }
0x1d5: {  	v22, _, _ =	vpop (xrf0);
	s0 =	sadd.s32 s0, s26  }
0x1d6: {  	v22 =	vadd.s32 s0, v22  }
0x1d7: {  	v21 =	vsub.s32 v22, v21  }
0x1d8: {  	vm0 =	vgt.s32 v22, $0x9F;
	vm1 =	vlt.s32 v21, $0xA0;
	v21 =	vshll.u32 v21, $0xC  }
0x1d9: {  	vm0 =	vmand vm0, vm1;
	v21 =	vxor.u32 v7, v21  }
0x1da: {  	v21 =	vnsel vm0, $0x7FFFFFFF, v21  }
0x1db: {  	(xrf0) =	vmax.scan.msk.u32 $0xffff, v21  }
0x1dc: {  	(xrf0) =	vadd.scan.msk.s32 $0xffff, v20;
	_ =	sdelay $0x4  }
0x1dd: {  	v20, _, _ =	vpop (xrf0)  }
0x1de: {  	(v2sf) =	vpush v20, $0xF;
	v20, _, _ =	vpop (xrf0)  }
0x1df: {  	(v2sf) =	vpush v20, $0xF;
	_ =	sdelay $0x2  }
0x1e0: {  	v20 =	vld [tilespmem:$0xA1B0];
	_ =	sdelay $0x4  }
0x1e1: {  	v21 =	vperm.xlane v20, v3;
	_ =	sdelay $0x1  }
0x1e2: {  	(xrf0) =	vadd.scan.msk.s32 $0xffff, v21;
	_ =	sdelay $0x3  }
0x1e3: {  	s24 =	spop (v2sf)  }
0x1e4: {  	s29 =	spop (v2sf)  }
0x1e5: {  	v22, _, _ =	vpop (xrf0);
	s0 =	sadd.s32 s0, s29  }
0x1e6: {  	v22 =	vadd.s32 s0, v22  }
0x1e7: {  	v21 =	vsub.s32 v22, v21  }
0x1e8: {  	vm0 =	vgt.s32 v22, $0x9F;
	vm1 =	vlt.s32 v21, $0xA0;
	v21 =	vshll.u32 v21, $0xC  }
0x1e9: {  	vm0 =	vmand vm0, vm1;
	v21 =	vxor.u32 v8, v21  }
0x1ea: {  	v21 =	vnsel vm0, $0x7FFFFFFF, v21  }
0x1eb: {  	(xrf0) =	vmax.scan.msk.u32 $0xffff, v21  }
0x1ec: {  	(xrf0) =	vadd.scan.msk.s32 $0xffff, v20;
	_ =	sdelay $0x4  }
0x1ed: {  	v20, _, _ =	vpop (xrf0)  }
0x1ee: {  	(v2sf) =	vpush v20, $0xF;
	v20, _, _ =	vpop (xrf0)  }
0x1ef: {  	(v2sf) =	vpush v20, $0xF;
	_ =	sdelay $0x2  }
0x1f0: {  	v20 =	vld [tilespmem:$0xA1A0];
	_ =	sdelay $0x4  }
0x1f1: {  	v21 =	vperm.xlane v20, v3;
	_ =	sdelay $0x1  }
0x1f2: {  	(xrf0) =	vadd.scan.msk.s32 $0xffff, v21;
	_ =	sdelay $0x3  }
0x1f3: {  	s25 =	spop (v2sf)  }
0x1f4: {  	s30 =	spop (v2sf)  }
0x1f5: {  	v22, _, _ =	vpop (xrf0);
	s0 =	sadd.s32 s0, s30  }
0x1f6: {  	v22 =	vadd.s32 s0, v22  }
0x1f7: {  	v21 =	vsub.s32 v22, v21  }
0x1f8: {  	vm0 =	vgt.s32 v22, $0x9F;
	vm1 =	vlt.s32 v21, $0xA0;
	v21 =	vshll.u32 v21, $0xC  }
0x1f9: {  	vm0 =	vmand vm0, vm1;
	v21 =	vxor.u32 v9, v21  }
0x1fa: {  	v21 =	vnsel vm0, $0x7FFFFFFF, v21  }
0x1fb: {  	(xrf0) =	vmax.scan.msk.u32 $0xffff, v21  }
0x1fc: {  	(xrf0) =	vadd.scan.msk.s32 $0xffff, v20;
	_ =	sdelay $0x4  }
0x1fd: {  	v20, _, _ =	vpop (xrf0)  }
0x1fe: {  	(v2sf) =	vpush v20, $0xF;
	v20, _, _ =	vpop (xrf0)  }
0x1ff: {  	(v2sf) =	vpush v20, $0xF;
	_ =	sdelay $0x2  }
0x200: {  	v20 =	vld [tilespmem:$0xA190];
	_ =	sdelay $0x4  }
0x201: {  	v21 =	vperm.xlane v20, v3;
	_ =	sdelay $0x1  }
0x202: {  	(xrf0) =	vadd.scan.msk.s32 $0xffff, v21;
	_ =	sdelay $0x3  }
0x203: {  	s26 =	spop (v2sf)  }
0x204: {  	s31 =	spop (v2sf)  }
0x205: {  	v22, _, _ =	vpop (xrf0);
	s0 =	sadd.s32 s0, s31  }
0x206: {  	v22 =	vadd.s32 s0, v22  }
0x207: {  	v21 =	vsub.s32 v22, v21  }
0x208: {  	vm0 =	vgt.s32 v22, $0x9F;
	vm1 =	vlt.s32 v21, $0xA0;
	v21 =	vshll.u32 v21, $0xC  }
0x209: {  	vm0 =	vmand vm0, vm1;
	v21 =	vxor.u32 v10, v21  }
0x20a: {  	v21 =	vnsel vm0, $0x7FFFFFFF, v21  }
0x20b: {  	(xrf0) =	vmax.scan.msk.u32 $0xffff, v21  }
0x20c: {  	(xrf0) =	vadd.scan.msk.s32 $0xffff, v20;
	_ =	sdelay $0x4  }
0x20d: {  	v20, _, _ =	vpop (xrf0)  }
0x20e: {  	(v2sf) =	vpush v20, $0xF;
	v20, _, _ =	vpop (xrf0)  }
0x20f: {  	(v2sf) =	vpush v20, $0xF;
	_ =	sdelay $0x2  }
0x210: {  	v20 =	vld [tilespmem:$0xA180];
	_ =	sdelay $0x4  }
0x211: {  	v21 =	vperm.xlane v20, v3;
	_ =	sdelay $0x1  }
0x212: {  	(xrf0) =	vadd.scan.msk.s32 $0xffff, v21;
	_ =	sdelay $0x3  }
0x213: {  	s28 =	spop (v2sf)  }
0x214: {  	s3 =	spop (v2sf)  }
0x215: {  	v22, _, _ =	vpop (xrf0);
	s0 =	sadd.s32 s0, s3  }
0x216: {  	v22 =	vadd.s32 s0, v22  }
0x217: {  	v21 =	vsub.s32 v22, v21  }
0x218: {  	vm0 =	vgt.s32 v22, $0x9F;
	vm1 =	vlt.s32 v21, $0xA0;
	v21 =	vshll.u32 v21, $0xC  }
0x219: {  	vm0 =	vmand vm0, vm1;
	v21 =	vxor.u32 v11, v21  }
0x21a: {  	v21 =	vnsel vm0, $0x7FFFFFFF, v21  }
0x21b: {  	(xrf0) =	vmax.scan.msk.u32 $0xffff, v21  }
0x21c: {  	(xrf0) =	vadd.scan.msk.s32 $0xffff, v20;
	_ =	sdelay $0x4  }
0x21d: {  	v20, _, _ =	vpop (xrf0)  }
0x21e: {  	(v2sf) =	vpush v20, $0xF;
	v20, _, _ =	vpop (xrf0)  }
0x21f: {  	(v2sf) =	vpush v20, $0xF;
	_ =	sdelay $0x2  }
0x220: {  	v20 =	vld [tilespmem:$0xA170];
	_ =	sdelay $0x4  }
0x221: {  	v21 =	vperm.xlane v20, v3;
	_ =	sdelay $0x1  }
0x222: {  	(xrf0) =	vadd.scan.msk.s32 $0xffff, v21;
	_ =	sdelay $0x3  }
0x223: {  	s29 =	spop (v2sf)  }
0x224: {  	s9 =	spop (v2sf)  }
0x225: {  	v22, _, _ =	vpop (xrf0);
	s0 =	sadd.s32 s0, s9  }
0x226: {  	v22 =	vadd.s32 s0, v22  }
0x227: {  	v21 =	vsub.s32 v22, v21  }
0x228: {  	vm0 =	vgt.s32 v22, $0x9F;
	vm1 =	vlt.s32 v21, $0xA0;
	v21 =	vshll.u32 v21, $0xC  }
0x229: {  	vm0 =	vmand vm0, vm1;
	v21 =	vxor.u32 v12, v21  }
0x22a: {  	v21 =	vnsel vm0, $0x7FFFFFFF, v21  }
0x22b: {  	(xrf0) =	vmax.scan.msk.u32 $0xffff, v21  }
0x22c: {  	(xrf0) =	vadd.scan.msk.s32 $0xffff, v20;
	_ =	sdelay $0x4  }
0x22d: {  	v20, _, _ =	vpop (xrf0)  }
0x22e: {  	(v2sf) =	vpush v20, $0xF;
	v20, _, _ =	vpop (xrf0)  }
0x22f: {  	(v2sf) =	vpush v20, $0xF;
	_ =	sdelay $0x2  }
0x230: {  	v20 =	vld [tilespmem:$0xA160];
	_ =	sdelay $0x4  }
0x231: {  	v21 =	vperm.xlane v20, v3;
	_ =	sdelay $0x1  }
0x232: {  	(xrf0) =	vadd.scan.msk.s32 $0xffff, v21;
	_ =	sdelay $0x3  }
0x233: {  	s30 =	spop (v2sf)  }
0x234: {  	s10 =	spop (v2sf)  }
0x235: {  	v22, _, _ =	vpop (xrf0);
	s0 =	sadd.s32 s0, s10  }
0x236: {  	v22 =	vadd.s32 s0, v22  }
0x237: {  	v21 =	vsub.s32 v22, v21  }
0x238: {  	vm0 =	vgt.s32 v22, $0x9F;
	vm1 =	vlt.s32 v21, $0xA0;
	v21 =	vshll.u32 v21, $0xC  }
0x239: {  	vm0 =	vmand vm0, vm1;
	v21 =	vxor.u32 v13, v21  }
0x23a: {  	v21 =	vnsel vm0, $0x7FFFFFFF, v21  }
0x23b: {  	(xrf0) =	vmax.scan.msk.u32 $0xffff, v21  }
0x23c: {  	(xrf0) =	vadd.scan.msk.s32 $0xffff, v20;
	_ =	sdelay $0x4  }
0x23d: {  	v20, _, _ =	vpop (xrf0)  }
0x23e: {  	(v2sf) =	vpush v20, $0xF;
	v20, _, _ =	vpop (xrf0)  }
0x23f: {  	(v2sf) =	vpush v20, $0xF;
	_ =	sdelay $0x2  }
0x240: {  	v20 =	vld [tilespmem:$0xA150];
	_ =	sdelay $0x4  }
0x241: {  	v21 =	vperm.xlane v20, v3;
	_ =	sdelay $0x1  }
0x242: {  	(xrf0) =	vadd.scan.msk.s32 $0xffff, v21;
	_ =	sdelay $0x3  }
0x243: {  	s31 =	spop (v2sf)  }
0x244: {  	s12 =	spop (v2sf)  }
0x245: {  	v22, _, _ =	vpop (xrf0);
	s0 =	sadd.s32 s0, s12  }
0x246: {  	v22 =	vadd.s32 s0, v22  }
0x247: {  	v21 =	vsub.s32 v22, v21  }
0x248: {  	vm0 =	vgt.s32 v22, $0x9F;
	vm1 =	vlt.s32 v21, $0xA0;
	v21 =	vshll.u32 v21, $0xC  }
0x249: {  	vm0 =	vmand vm0, vm1;
	v21 =	vxor.u32 v14, v21  }
0x24a: {  	v21 =	vnsel vm0, $0x7FFFFFFF, v21  }
0x24b: {  	(xrf0) =	vmax.scan.msk.u32 $0xffff, v21  }
0x24c: {  	(xrf0) =	vadd.scan.msk.s32 $0xffff, v20;
	_ =	sdelay $0x4  }
0x24d: {  	v20, _, _ =	vpop (xrf0)  }
0x24e: {  	(v2sf) =	vpush v20, $0xF;
	v20, _, _ =	vpop (xrf0)  }
0x24f: {  	(v2sf) =	vpush v20, $0xF;
	_ =	sdelay $0x2  }
0x250: {  	v20 =	vld [tilespmem:$0xA140];
	_ =	sdelay $0x4  }
0x251: {  	v21 =	vperm.xlane v20, v3;
	_ =	sdelay $0x1  }
0x252: {  	(xrf0) =	vadd.scan.msk.s32 $0xffff, v21;
	_ =	sdelay $0x3  }
0x253: {  	s1 =	spop (v2sf)  }
0x254: {  	s16 =	spop (v2sf)  }
0x255: {  	v22, _, _ =	vpop (xrf0);
	s3 =	sadd.s32 s0, s16  }
0x256: {  	v22 =	vadd.s32 s3, v22  }
0x257: {  	v21 =	vsub.s32 v22, v21  }
0x258: {  	vm0 =	vgt.s32 v22, $0x9F;
	vm1 =	vlt.s32 v21, $0xA0;
	v21 =	vshll.u32 v21, $0xC  }
0x259: {  	vm0 =	vmand vm0, vm1;
	v21 =	vxor.u32 v15, v21  }
0x25a: {  	v21 =	vnsel vm0, $0x7FFFFFFF, v21  }
0x25b: {  	(xrf0) =	vmax.scan.msk.u32 $0xffff, v21  }
0x25c: {  	(xrf0) =	vadd.scan.msk.s32 $0xffff, v20;
	_ =	sdelay $0x4  }
0x25d: {  	v20, _, _ =	vpop (xrf0)  }
0x25e: {  	(v2sf) =	vpush v20, $0xF;
	v20, _, _ =	vpop (xrf0)  }
0x25f: {  	(v2sf) =	vpush v20, $0xF;
	_ =	sdelay $0x2  }
0x260: {  	v20 =	vld [tilespmem:$0xA130];
	_ =	sdelay $0x4  }
0x261: {  	v21 =	vperm.xlane v20, v3;
	_ =	sdelay $0x1  }
0x262: {  	(xrf0) =	vadd.scan.msk.s32 $0xffff, v21;
	_ =	sdelay $0x3  }
0x263: {  	s0 =	spop (v2sf)  }
0x264: {  	s9 =	spop (v2sf)  }
0x265: {  	v22, _, _ =	vpop (xrf0);
	s3 =	sadd.s32 s3, s9  }
0x266: {  	v22 =	vadd.s32 s3, v22  }
0x267: {  	v21 =	vsub.s32 v22, v21  }
0x268: {  	vm0 =	vgt.s32 v22, $0x9F;
	vm1 =	vlt.s32 v21, $0xA0;
	v21 =	vshll.u32 v21, $0xC  }
0x269: {  	vm0 =	vmand vm0, vm1;
	v21 =	vxor.u32 v16, v21  }
0x26a: {  	v21 =	vnsel vm0, $0x7FFFFFFF, v21  }
0x26b: {  	(xrf0) =	vmax.scan.msk.u32 $0xffff, v21  }
0x26c: {  	(xrf0) =	vadd.scan.msk.s32 $0xffff, v20;
	_ =	sdelay $0x4  }
0x26d: {  	v20, _, _ =	vpop (xrf0)  }
0x26e: {  	(v2sf) =	vpush v20, $0xF;
	v20, _, _ =	vpop (xrf0)  }
0x26f: {  	(v2sf) =	vpush v20, $0xF;
	_ =	sdelay $0x2  }
0x270: {  	v20 =	vld [tilespmem:$0xA120];
	_ =	sdelay $0x4  }
0x271: {  	v21 =	vperm.xlane v20, v3;
	_ =	sdelay $0x1  }
0x272: {  	(xrf0) =	vadd.scan.msk.s32 $0xffff, v21;
	_ =	sdelay $0x3  }
0x273: {  	s16 =	spop (v2sf)  }
0x274: {  	s10 =	spop (v2sf)  }
0x275: {  	v22, _, _ =	vpop (xrf0);
	s12 =	sadd.s32 s3, s10  }
0x276: {  	v22 =	vadd.s32 s12, v22  }
0x277: {  	v21 =	vsub.s32 v22, v21  }
0x278: {  	vm0 =	vgt.s32 v22, $0x9F;
	vm1 =	vlt.s32 v21, $0xA0;
	v21 =	vshll.u32 v21, $0xC  }
0x279: {  	vm0 =	vmand vm0, vm1;
	v21 =	vxor.u32 v17, v21  }
0x27a: {  	v21 =	vnsel vm0, $0x7FFFFFFF, v21  }
0x27b: {  	(xrf0) =	vmax.scan.msk.u32 $0xffff, v21  }
0x27c: {  	(xrf0) =	vadd.scan.msk.s32 $0xffff, v20;
	_ =	sdelay $0x4  }
0x27d: {  	v20, _, _ =	vpop (xrf0)  }
0x27e: {  	(v2sf) =	vpush v20, $0xF;
	v20, _, _ =	vpop (xrf0)  }
0x27f: {  	(v2sf) =	vpush v20, $0xF;
	_ =	sdelay $0x2  }
0x280: {  	v20 =	vld [tilespmem:$0xA110];
	_ =	sdelay $0x4  }
0x281: {  	v21 =	vperm.xlane v20, v3;
	_ =	sdelay $0x1  }
0x282: {  	(xrf0) =	vadd.scan.msk.s32 $0xffff, v21;
	_ =	sdelay $0x3  }
0x283: {  	s3 =	spop (v2sf)  }
0x284: {  	s9 =	spop (v2sf)  }
0x285: {  	v22, _, _ =	vpop (xrf0);
	s9 =	sadd.s32 s12, s9  }
0x286: {  	v22 =	vadd.s32 s9, v22  }
0x287: {  	v21 =	vsub.s32 v22, v21  }
0x288: {  	vm0 =	vgt.s32 v22, $0x9F;
	vm1 =	vlt.s32 v21, $0xA0;
	v21 =	vshll.u32 v21, $0xC  }
0x289: {  	vm0 =	vmand vm0, vm1;
	v21 =	vxor.u32 v18, v21  }
0x28a: {  	v21 =	vnsel vm0, $0x7FFFFFFF, v21  }
0x28b: {  	(xrf0) =	vmax.scan.msk.u32 $0xffff, v21  }
0x28c: {  	(xrf0) =	vadd.scan.msk.s32 $0xffff, v20;
	_ =	sdelay $0x4  }
0x28d: {  	v20, _, _ =	vpop (xrf0)  }
0x28e: {  	(v2sf) =	vpush v20, $0xF;
	v20, _, _ =	vpop (xrf0)  }
0x28f: {  	(v2sf) =	vpush v20, $0xF;
	_ =	sdelay $0x2  }
0x290: {  	v20 =	vld [tilespmem:$0xA100];
	_ =	sdelay $0x4  }
0x291: {  	v20 =	vperm.xlane v20, v3;
	_ =	sdelay $0x1  }
0x292: {  	(xrf0) =	vadd.scan.msk.s32 $0xffff, v20;
	_ =	sdelay $0x3  }
0x293: {  	s12 =	spop (v2sf)  }
0x294: {  	s10 =	spop (v2sf)  }
0x295: {  	v21, _, _ =	vpop (xrf0);
	s9 =	sadd.s32 s9, s10  }
0x296: {  	s10 =	sxor.u32 $0x80000000, s22;
	v21 =	vadd.s32 s9, v21;
	s9 =	sxor.u32 $0x80000000, s21  }
0x297: {  	p0 =	sgt.s32 s9, s10;
	v20 =	vsub.s32 v21, v20  }
0x298: {  	vm0 =	vgt.s32 v21, $0x9F;
	s10 =	smov.u32 @p0 s9;
	s9 =	sxor.u32 $0x80000000, s23;
	vm1 =	vlt.s32 v20, $0xA0;
	v20 =	vshll.u32 v20, $0xC  }
0x299: {  	p0 =	sgt.s32 s10, s9;
	vm0 =	vmand vm0, vm1;
	v20 =	vxor.u32 v19, v20  }
0x29a: {  	s9 =	smov.u32 @p0 s10;
	s10 =	sxor.u32 $0x80000000, s24;
	v20 =	vnsel vm0, $0x7FFFFFFF, v20  }
0x29b: {  	p0 =	sgt.s32 s9, s10;
	(xrf0) =	vmax.scan.msk.u32 $0xffff, v20  }
0x29c: {  	s10 =	smov.u32 @p0 s9;
	s9 =	sxor.u32 $0x80000000, s25  }
0x29d: {  	p0 =	sgt.s32 s10, s9  }
0x29e: {  	s9 =	smov.u32 @p0 s10;
	s10 =	sxor.u32 $0x80000000, s26  }
0x29f: {  	p0 =	sgt.s32 s9, s10  }
0x2a0: {  	s10 =	smov.u32 @p0 s9;
	s9 =	sxor.u32 $0x80000000, s28  }
0x2a1: {  	p0 =	sgt.s32 s10, s9;
	v20, _, _ =	vpop (xrf0)  }
0x2a2: {  	s9 =	smov.u32 @p0 s10;
	s10 =	sxor.u32 $0x80000000, s29;
	(v2sf) =	vpush v20, $0xF  }
0x2a3: {  	p0 =	sgt.s32 s9, s10  }
0x2a4: {  	s10 =	smov.u32 @p0 s9;
	s9 =	sxor.u32 $0x80000000, s30  }
0x2a5: {  	p0 =	sgt.s32 s10, s9  }
0x2a6: {  	s9 =	smov.u32 @p0 s10;
	s10 =	sxor.u32 $0x80000000, s31  }
0x2a7: {  	p0 =	sgt.s32 s9, s10  }
0x2a8: {  	s1 =	sxor.u32 $0x80000000, s1;
	s10 =	smov.u32 @p0 s9  }
0x2a9: {  	p0 =	sgt.s32 s10, s1  }
0x2aa: {  	s0 =	sxor.u32 $0x80000000, s0;
	s1 =	smov.u32 @p0 s10  }
0x2ab: {  	p0 =	sgt.s32 s1, s0  }
0x2ac: {  	s0 =	smov.u32 @p0 s1;
	s1 =	sxor.u32 $0x80000000, s16  }
0x2ad: {  	p0 =	sgt.s32 s0, s1  }
0x2ae: {  	s1 =	smov.u32 @p0 s0;
	s0 =	sxor.u32 $0x80000000, s3  }
0x2af: {  	p0 =	sgt.s32 s1, s0  }
0x2b0: {  	s0 =	smov.u32 @p0 s1;
	s1 =	sxor.u32 $0x80000000, s12  }
0x2b1: {  	p0 =	sgt.s32 s0, s1;
	s31 =	spop (v2sf)  }
0x2b2: {  	s1 =	smov.u32 @p0 s0;
	s0 =	sxor.u32 $0x80000000, s31  }
0x2b3: {  	p0 =	sgt.s32 s1, s0  }
0x2b4: {  	s0 =	smov.u32 @p0 s1  }
0x2b5: {  	s1 =	sshra.s32 s0, $0x1F  }
0x2b6: {  	s0 =	sor.u32 s1, s0  }
0x2b7: {  	s1 =	sshll.u32 s0, $0x4  }
0x2b8: {  	s1 =	sand.u32 $0xFFF0, s1  }
0x2b9: {  	v20 =	vld [tilespmem:s1+$0x9000];
	_ =	sdelay $0x4  }
0x2ba: {  	v20 =	vperm.xlane v20, v3;
	_ =	sdelay $0x1  }
0x2bb: {  	(xrf0) =	vadd.scan.msk.s32 $0xffff, v20;
	_ =	sdelay $0x5  }
0x2bc: {  	s0 =	sshrl.u32 s0, $0xC;
	v21, _, _ =	vpop (xrf0)  }
0x2bd: {  	v21 =	vadd.s32 s0, v21  }
0x2be: {  	v20 =	vsub.s32 v21, v20  }
0x2bf: {  	vm0 =	vgt.s32 v21, $0x9F;
	vm1 =	vlt.s32 v20, $0xA0;
	v20 =	vshll.u32 v20, $0xC  }
0x2c0: {  	vm0 =	vmand vm0, vm1;
	v20 =	vxor.u32 v19, v20  }
0x2c1: {  	v20 =	vnsel vm0, $0x7FFFFFFF, v20  }
0x2c2: {  	(xrf0) =	vmax.scan.msk.u32 $0xffff, v20;
	_ =	sdelay $0x5  }
0x2c3: {  	v20, _, _ =	vpop (xrf0)  }
0x2c4: {  	(v2sf) =	vpush v20, $0xF;
	_ =	sdelay $0x8  }
0x2c5: {  	s22 =	simm.s32 $0x2020  }
0x2c6: {  	v25 =	vld [tilespmem:s22+$0x0]  }
0x2c7: {  	v27 =	vld [tilespmem:s22+$0xFFFFFFF0];
	s3 =	simm.s32 $0x20  }
0x2c8: {  	v22 =	vld [tilespmem:s3+$0x10]  }
0x2c9: {  	v24 =	vld [tilespmem:s3+$0x0]  }
0x2ca: {  	s24 =	sxor.u32 $0x80000000, s20;
	v26 =	vld [tilespmem:s3+$0xFFFFFFF0]  }
0x2cb: {  	s25 =	sshra.s32 s24, $0x1F;
	v28 =	vld [tilespmem:s3+$0xFFFFFFE0];
	s23 =	spop (v2sf)  }
0x2cc: {  	v29 =	vld [tilespmem:s22+$0xFFFFFFE0];
	s9 =	sxor.u32 $0x80000000, s23;
	s23 =	sor.u32 s25, s24  }
0x2cd: {  	s29 =	sand.u32 $0xFFF, s23  }
0x2ce: {  	v25 =	vshrl.u32 v25, $0x13;
	v27 =	vshrl.u32 v27, $0x13;
	v22 =	vshrl.u32 v22, $0x13;
	s26 =	sshra.s32 s9, $0x1F;
	s19 =	sadd.s32 s19, s29  }
0x2cf: {  	v24 =	vshrl.u32 v24, $0x13;
	v26 =	vshrl.u32 v26, $0x13;
	s21 =	sor.u32 s26, s9;
	v21 =	vmov s19  }
0x2d0: {  	s30 =	sand.u32 $0xFFF, s21;
	vm5 =	veq.s32 v22, v21;
	v22 =	vshrl.u32 v28, $0x13;
	vm7 =	veq.s32 v24, v21  }
0x2d1: {  	v23 =	vld [tilespmem:s22+$0x10];
	s20 =	sadd.s32 s1, s30;
	v28 =	vshrl.u32 v29, $0x13;
	vm9 =	veq.s32 v26, v21;
	v24 =	vmpcnt.ones.xlane vm5  }
0x2d2: {  	s22 =	simm.s32 $0x2060;
	v20 =	vmov s20;
	v26 =	vmpcnt.ones.xlane vm7;
	vm0 =	veq.s32 v22, v21  }
0x2d3: {  	v30 =	vld [tilespmem:s22+$0xFFFFFFE0];
	v22 =	vmpcnt.ones.xlane vm9;
	vm1 =	veq.s32 v28, v20;
	(v2sf) =	vpush v24, $0x0  }
0x2d4: {  	s31 =	simm.s32 $0x60;
	v28 =	vmpcnt.ones.xlane vm0;
	vm6 =	veq.s32 v25, v20;
	v25 =	vld [tilespmem:s22+$0x0];
	(v2sf) =	vpush v26, $0x0  }
0x2d5: {  	vm4 =	veq.s32 v27, v20;
	v24 =	vld [tilespmem:s31+$0x10];
	v29 =	vmpcnt.ones.xlane vm1;
	(v2sf) =	vpush v22, $0x0  }
0x2d6: {  	v23 =	vshrl.u32 v23, $0x13;
	v27 =	vmpcnt.ones.xlane vm4;
	v26 =	vld [tilespmem:s22+$0x10];
	(v2sf) =	vpush v28, $0x0  }
0x2d7: {  	vm8 =	veq.s32 v23, v20;
	v22 =	vld [tilespmem:s31+$0x0];
	v28 =	vmpcnt.ones.xlane vm6;
	(v2sf) =	vpush v29, $0x0  }
0x2d8: {  	v23 =	vmpcnt.ones.xlane vm8;
	v29 =	vld [tilespmem:s31+$0xFFFFFFF0];
	(v2sf) =	vpush v27, $0x0  }
0x2d9: {  	v27 =	vld [tilespmem:s22+$0xFFFFFFF0];
	(v2sf) =	vpush v28, $0x0  }
0x2da: {  	s1 =	simm.s32 $0x0;
	vm12 =	vmmov vm9;
	vm10 =	vmmov vm7;
	v28 =	vld [tilespmem:s31+$0xFFFFFFE0];
	(v2sf) =	vpush v23, $0x0  }
0x2db: {  	v32 =	vor.u32 s1, v0;
	vm7 =	vmmov vm5;
	v31 =	vshrl.u32 v24, $0x13  }
0x2dc: {  	vm5 =	veq.s32 v31, v21;
	v33 =	vshrl.u32 v22, $0x13;
	v23 =	vshrl.u32 v25, $0x13  }
0x2dd: {  	v22 =	vshrl.u32 v26, $0x13;
	vm11 =	veq.s32 v33, v21;
	v25 =	vshrl.u32 v29, $0x13  }
0x2de: {  	v29 =	vmpcnt.ones.xlane vm5;
	v26 =	vmpcnt.ones.xlane vm11;
	v24 =	vshrl.u32 v27, $0x13  }
0x2df: {  	s28 =	simm.s32 $0x0;
	s0 =	simm.s32 $0x0;
	[tilespmem:s1+$0x4000] =	vst.msk vm0, v32;
	v27 =	vshrl.u32 v30, $0x13;
	vm13 =	veq.s32 v25, v21;
	v28 =	vshrl.u32 v28, $0x13  }
0x2e0: {  	s25 =	simm.s32 $0x4;
	s24 =	simm.s32 $0x0;
	s26 =	simm.s32 $0xA0;
	[tilespmem:s1+$0x6000] =	vst.msk vm1, v32;
	v25 =	vmpcnt.ones.xlane vm13;
	(v2sf) =	vpush v29, $0x0;
	vm9 =	veq.s32 v28, v21  }
.LBB2_6:
0x2e1: {  	vm14 =	veq.s32 v27, v20;
	v27 =	vmpcnt.ones.xlane vm9;
	(v2sf) =	vpush v26, $0x0  }
0x2e2: {  	v28 =	vld [tilespmem:s26+$0x10];
	s22 =	sadd.s32 $0x40, s22;
	s3 =	spop (v2sf);
	vm15 =	vmmov vm4;
	vm0 =	vmmov vm6;
	vm1 =	vmmov vm8  }
0x2e3: {  	vm4 =	veq.s32 v24, v20;
	v26 =	vld [tilespmem:s22+$0x10];
	v29 =	vmpcnt.ones.xlane vm14;
	(v2sf) =	vpush v25, $0x0;
	s9 =	spop (v2sf)  }
0x2e4: {  	vm6 =	veq.s32 v23, v20;
	s12 =	sadd.s32 $0x10, s1;
	v25 =	vmpcnt.ones.xlane vm4;
	v24 =	vld [tilespmem:s26+$0x0];
	(v2sf) =	vpush v27, $0x0;
	s10 =	spop (v2sf)  }
0x2e5: {  	vm8 =	veq.s32 v22, v20;
	s24 =	sadd.s32 $0x40, s24;
	s29 =	sadd.s32 $0x20, s1;
	v27 =	vmpcnt.ones.xlane vm6;
	v23 =	vld [tilespmem:s22+$0x0];
	(v2sf) =	vpush v29, $0x0;
	s16 =	spop (v2sf)  }
0x2e6: {  	s1 =	sadd.s32 $0x30, s1;
	s25 =	sadd.s32 $0x4, s25;
	v22 =	vmpcnt.ones.xlane vm8;
	v29 =	vld [tilespmem:s26+$0xFFFFFFF0];
	(v2sf) =	vpush v25, $0x0;
	s30 =	spop (v2sf)  }
0x2e7: {  	s0 =	sadd.s32 s0, s16;
	v25 =	vld [tilespmem:s22+$0xFFFFFFF0];
	(v2sf) =	vpush v27, $0x0;
	s16 =	sadd.s32 s28, s30;
	v27 =	vor.u32 s12, v0;
	s12 =	spop (v2sf)  }
0x2e8: {  	v31 =	vor.u32 s29, v0;
	v30 =	vld [tilespmem:s26+$0xFFFFFFE0];
	(v2sf) =	vpush v22, $0x0;
	[tilespmem:s0+$0x4000] =	vst.msk vm12, v27;
	s0 =	sadd.s32 s0, s10;
	s10 =	sadd.s32 s16, s12;
	s12 =	spop (v2sf);
	vm12 =	vmmov vm13  }
0x2e9: {  	v33 =	vor.u32 s1, v0;
	v32 =	vld [tilespmem:s22+$0xFFFFFFE0];
	[tilespmem:s0+$0x4000] =	vst.msk vm10, v31;
	s0 =	sadd.s32 s0, s9;
	s9 =	sadd.s32 s10, s12;
	s1 =	spop (v2sf);
	vm10 =	vmmov vm11  }
0x2ea: {  	v34 =	vor.u32 s24, v0;
	p0 =	slt.u32 s25, $0x1FC;
	v28 =	vshrl.u32 v28, $0x13;
	[tilespmem:s0+$0x4000] =	vst.msk vm7, v33;
	s0 =	sadd.s32 s0, s3;
	s28 =	sadd.s32 s9, s1;
	vm7 =	vmmov vm5  }
.Ltmp4:
0x2eb: {  	v22 =	vshrl.u32 v26, $0x13;
	v35 =	vshrl.u32 v24, $0x13;
	v23 =	vshrl.u32 v23, $0x13;
	s1 =	smov.u32 s24;
	[tilespmem:s9+$0x6000] =	vst.msk vm1, v33;
	(pc) =	sbr.rel @p0 .LBB2_6-.Ltmp4, $4  }
0x2ec: {  	vm5 =	veq.s32 v28, v21;
	v26 =	vshrl.u32 v29, $0x13;
	v24 =	vshrl.u32 v25, $0x13;
	[tilespmem:s10+$0x6000] =	vst.msk vm0, v31  }
0x2ed: {  	vm11 =	veq.s32 v35, v21;
	v28 =	vmpcnt.ones.xlane vm5;
	v25 =	vshrl.u32 v30, $0x13;
	[tilespmem:s16+$0x6000] =	vst.msk vm15, v27  }
0x2ee: {  	vm13 =	veq.s32 v26, v21;
	v26 =	vmpcnt.ones.xlane vm11;
	v27 =	vshrl.u32 v32, $0x13;
	[tilespmem:s0+$0x4000] =	vst.msk vm9, v34  }
0x2ef: {  	s26 =	sadd.s32 $0x40, s26;
	vm9 =	veq.s32 v25, v21;
	v25 =	vmpcnt.ones.xlane vm13;
	(v2sf) =	vpush v28, $0x0;
	[tilespmem:s28+$0x6000] =	vst.msk vm14, v34  }
0x2f0: {  	v60 =	vmpcnt.ones.xlane vm9;
	(v2sf) =	vpush v26, $0x0  }
0x2f1: {  	(v2sf) =	vpush v25, $0x0  }
0x2f2: {  	(v2sf) =	vpush v60, $0x0;
	_ =	sdelay $0x1  }
0x2f3: {  	vm15 =	veq.s32 v27, v20  }
0x2f4: {  	vm14 =	veq.s32 v24, v20;
	v61 =	vmpcnt.ones.xlane vm15  }
0x2f5: {  	vm0 =	veq.s32 v23, v20;
	s3 =	spop (v2sf);
	v24 =	vmpcnt.ones.xlane vm14  }
0x2f6: {  	vm1 =	veq.s32 v22, v20;
	v23 =	vmpcnt.ones.xlane vm0;
	s9 =	spop (v2sf);
	(v2sf) =	vpush v61, $0x0  }
0x2f7: {  	v22 =	vmpcnt.ones.xlane vm1;
	s10 =	spop (v2sf);
	(v2sf) =	vpush v24, $0x0  }
0x2f8: {  	s16 =	sadd.s32 $0x10, s1;
	s12 =	spop (v2sf);
	(v2sf) =	vpush v23, $0x0  }
0x2f9: {  	s31 =	sadd.s32 $0x20, s1;
	s22 =	spop (v2sf);
	s0 =	sadd.s32 s0, s12;
	(v2sf) =	vpush v22, $0x0;
	v22 =	vor.u32 s16, v0  }
0x2fa: {  	s25 =	spop (v2sf);
	v23 =	vor.u32 s31, v0;
	[tilespmem:s0+$0x4000] =	vst.msk vm12, v22;
	s0 =	sadd.s32 s0, s10  }
0x2fb: {  	s26 =	sadd.s32 $0x30, s1;
	vm4 =	vmmov vm4;
	s29 =	sadd.s32 s28, s22;
	s31 =	spop (v2sf);
	[tilespmem:s0+$0x4000] =	vst.msk vm10, v23  }
0x2fc: {  	v62 =	vor.u32 s26, v0;
	s30 =	sadd.s32 s29, s25;
	s25 =	spop (v2sf);
	s0 =	sadd.s32 s0, s9;
	[tilespmem:s29+$0x6000] =	vst.msk vm4, v22  }
0x2fd: {  	vm6 =	vmmov vm6;
	[tilespmem:s0+$0x4000] =	vst.msk vm7, v62;
	s12 =	spop (v2sf)  }
0x2fe: {  	vm8 =	vmmov vm8;
	s26 =	sadd.s32 $0x40, s24;
	s22 =	sadd.s32 s30, s31;
	[tilespmem:s30+$0x6000] =	vst.msk vm6, v23;
	s10 =	spop (v2sf)  }
0x2ff: {  	v23 =	vor.u32 s26, v0;
	s0 =	sadd.s32 s0, s3;
	[tilespmem:s22+$0x6000] =	vst.msk vm8, v62;
	s3 =	spop (v2sf)  }
0x300: {  	s1 =	sadd.s32 s22, s25;
	s29 =	sadd.s32 $0x10, s26;
	[tilespmem:s0+$0x4000] =	vst.msk vm9, v23;
	s30 =	spop (v2sf)  }
0x301: {  	s24 =	sadd.s32 $0x20, s26;
	vm4 =	vmmov vm13;
	v22 =	vor.u32 s29, v0;
	[tilespmem:s1+$0x6000] =	vst.msk vm15, v23;
	s0 =	sadd.s32 s0, s30  }
0x302: {  	vm15 =	vmmov vm11;
	v23 =	vor.u32 s24, v0;
	[tilespmem:s0+$0x4000] =	vst.msk vm4, v22;
	s0 =	sadd.s32 s0, s3  }
0x303: {  	s22 =	sadd.s32 $0x30, s26;
	[tilespmem:s0+$0x4000] =	vst.msk vm15, v23;
	s0 =	sadd.s32 s0, s10  }
0x304: {  	v63 =	vor.u32 s22, v0;
	vm4 =	vmmov vm5;
	s25 =	sadd.s32 s0, s12  }
0x305: {  	[tilespmem:s0+$0x4000] =	vst.msk vm4, v63;
	s0 =	sadd.s32 $0xF, s25  }
0x306: {  	s31 =	spop (v2sf);
	s28 =	sshrl.u32 s0, $0x4  }
0x307: {  	s1 =	sadd.s32 s1, s31;
	s26 =	spop (v2sf);
	p0 =	seq.s32 s28, $0x0  }
.Ltmp5:
0x308: {  	vm0 =	vmmov vm0;
	s29 =	sadd.s32 s1, s26;
	s30 =	spop (v2sf);
	(pc) =	sbr.rel @p0 .LBB2_10-.Ltmp5, $4  }
0x309: {  	vm1 =	vmmov vm1;
	s9 =	sadd.s32 s29, s30;
	[tilespmem:s29+$0x6000] =	vst.msk vm0, v23  }
0x30a: {  	[tilespmem:s9+$0x6000] =	vst.msk vm1, v63;
	vm1 =	vmmov vm14  }
0x30b: {  	s31 =	spop (v2sf);
	[tilespmem:s1+$0x6000] =	vst.msk vm1, v22  }
0x30c: {  	s22 =	sadd.s32 s9, s31;
	[tilespmem:$0xA000] =	vst v1  }
0x30d: {  	v22 =	vmov s25;
	s0 =	simm.s32 $0x4000;
	s1 =	simm.s32 $0x0;
	s3 =	smov.u32 s28  }
.LBB2_9:
0x30e: {  	v23 =	vld [tilespmem:s0+$0x0];
	_ =	sdelay $0x2  }
0x30f: {  	v24 =	vor.u32 s1, v0  }
0x310: {  	vm0 =	vlt.s32 v24, v22  }
0x311: {  	v23 =	vand.u32 $0x1FFF, v23;
	_ =	sdelay $0x4  }
0x312: {  	v23 =	vld.idx.msk [tilespmem:v23+s2+$0x0], vm0;
	_ =	sdelay $0x4  }
0x313: {  	v63 =	vshrl.u32 v23, $0x13  }
0x314: {  	vm1 =	veq.s32 v63, v21  }
0x315: {  	v23 =	vshrl.u32 v23, $0xF;
	vm0 =	vmand vm0, vm1  }
0x316: {  	p1 =	sne.s32 s3, $0x1;
	v23 =	vand.u32 $0xF, v23  }
.Ltmp6:
0x317: {  	_ = 	snop;
	(pc) =	sbr.rel @p1 .LBB2_9-.Ltmp6, $2  }
0x318: {  	_ =	sdelay $0x2  }
0x319: {  	s0 =	sadd.s32 $0x10, s0;
	s1 =	sadd.s32 $0x10, s1;
	s3 =	sadd.s32 $0xFFFFFFFF, s3;
	[tilespmem:v23+s5+$0x0] =	vst.idx.add.s32.msk vm0, v2  }
.LBB2_10:
0x31a: {  	v21 =	vld [tilespmem:$0xA000];
	_ =	sdelay $0x4  }
0x31b: {  	v21 =	vperm.xlane v21, v3;
	_ =	sdelay $0x1  }
0x31c: {  	(xrf0) =	vadd.scan.msk.s32 $0xffff, v21;
	_ =	sdelay $0x5  }
0x31d: {  	s0 =	sshrl.u32 s23, $0xC;
	v22, _, _ =	vpop (xrf0)  }
0x31e: {  	s0 =	ssub.s32 $0xA0, s0;
	v21 =	vsub.s32 v22, v21  }
0x31f: {  	vm0 =	vge.s32 v22, s0;
	vm1 =	vlt.s32 v21, s0;
	v21 =	vshll.u32 v21, $0xC  }
0x320: {  	vm0 =	vmand vm0, vm1;
	v21 =	vxor.u32 v19, v21  }
0x321: {  	v21 =	vnsel vm0, $0x7FFFFFFF, v21  }
0x322: {  	(xrf0) =	vmax.scan.msk.u32 $0xffff, v21;
	_ =	sdelay $0x5  }
0x323: {  	v21, _, _ =	vpop (xrf0)  }
0x324: {  	(v2sf) =	vpush v21, $0xF;
	_ =	sdelay $0xe  }
0x325: {  	s1 =	spop (v2sf)  }
.Ltmp7:
0x326: {  	s1 =	sxor.u32 $0x80000000, s1;
	(pc) =	sbr.rel @p0 .LBB2_13-.Ltmp7, $4  }
0x327: {  	s3 =	sshra.s32 s1, $0x1F  }
0x328: {  	s3 =	sor.u32 s3, s1  }
0x329: {  	s9 =	sshll.u32 s19, $0x4;
	s1 =	sand.u32 $0xFFF, s3  }
0x32a: {  	[tilespmem:$0xA000] =	vst v1;
	s1 =	sadd.s32 s9, s1  }
0x32b: {  	v21 =	vmov s25;
	v22 =	vmov s1;
	s16 =	simm.s32 $0x4000;
	s19 =	simm.s32 $0x0;
	s23 =	smov.u32 s28  }
.LBB2_12:
0x32c: {  	v23 =	vld [tilespmem:s16+$0x0];
	_ =	sdelay $0x2  }
0x32d: {  	v24 =	vor.u32 s19, v0  }
0x32e: {  	vm0 =	vlt.s32 v24, v21  }
0x32f: {  	v23 =	vand.u32 $0x1FFF, v23;
	_ =	sdelay $0x4  }
0x330: {  	v23 =	vld.idx.msk [tilespmem:v23+s2+$0x0], vm0;
	_ =	sdelay $0x4  }
0x331: {  	v63 =	vshrl.u32 v23, $0xF  }
0x332: {  	vm1 =	veq.s32 v63, v22  }
0x333: {  	v23 =	vshrl.u32 v23, $0xB;
	vm0 =	vmand vm0, vm1  }
0x334: {  	p1 =	sne.s32 s23, $0x1;
	v23 =	vand.u32 $0xF, v23  }
.Ltmp8:
0x335: {  	_ = 	snop;
	(pc) =	sbr.rel @p1 .LBB2_12-.Ltmp8, $2  }
0x336: {  	_ =	sdelay $0x2  }
0x337: {  	s16 =	sadd.s32 $0x10, s16;
	s19 =	sadd.s32 $0x10, s19;
	s23 =	sadd.s32 $0xFFFFFFFF, s23;
	[tilespmem:v23+s5+$0x0] =	vst.idx.add.s32.msk vm0, v2  }
.LBB2_13:
0x338: {  	v21 =	vld [tilespmem:$0xA000];
	_ =	sdelay $0x4  }
0x339: {  	v21 =	vperm.xlane v21, v3;
	_ =	sdelay $0x1  }
0x33a: {  	(xrf0) =	vadd.scan.msk.s32 $0xffff, v21;
	_ =	sdelay $0x5  }
0x33b: {  	s3 =	sshrl.u32 s3, $0xC;
	v22, _, _ =	vpop (xrf0)  }
0x33c: {  	s0 =	ssub.s32 s0, s3;
	v21 =	vsub.s32 v22, v21  }
0x33d: {  	vm0 =	vge.s32 v22, s0;
	vm1 =	vlt.s32 v21, s0;
	v21 =	vshll.u32 v21, $0xC  }
0x33e: {  	vm0 =	vmand vm0, vm1;
	v21 =	vxor.u32 v19, v21  }
0x33f: {  	v21 =	vnsel vm0, $0x7FFFFFFF, v21  }
0x340: {  	(xrf0) =	vmax.scan.msk.u32 $0xffff, v21;
	_ =	sdelay $0x5  }
0x341: {  	v21, _, _ =	vpop (xrf0)  }
0x342: {  	(v2sf) =	vpush v21, $0xF;
	_ =	sdelay $0xe  }
0x343: {  	s31 =	spop (v2sf)  }
.Ltmp9:
0x344: {  	s3 =	sxor.u32 $0x80000000, s31;
	(pc) =	sbr.rel @p0 .LBB2_16-.Ltmp9, $4  }
0x345: {  	s9 =	sshra.s32 s3, $0x1F  }
0x346: {  	s3 =	sor.u32 s9, s3  }
0x347: {  	s1 =	sshll.u32 s1, $0x4;
	s9 =	sand.u32 $0xFFF, s3  }
0x348: {  	[tilespmem:$0xA000] =	vst v1;
	s1 =	sadd.s32 s1, s9  }
0x349: {  	v21 =	vmov s25;
	v22 =	vmov s1;
	s16 =	simm.s32 $0x4000;
	s19 =	simm.s32 $0x0;
	s23 =	smov.u32 s28  }
.LBB2_15:
0x34a: {  	v23 =	vld [tilespmem:s16+$0x0];
	_ =	sdelay $0x2  }
0x34b: {  	v24 =	vor.u32 s19, v0  }
0x34c: {  	vm0 =	vlt.s32 v24, v21  }
0x34d: {  	v23 =	vand.u32 $0x1FFF, v23;
	_ =	sdelay $0x4  }
0x34e: {  	v23 =	vld.idx.msk [tilespmem:v23+s2+$0x0], vm0;
	_ =	sdelay $0x4  }
0x34f: {  	v63 =	vshrl.u32 v23, $0xB  }
0x350: {  	vm1 =	veq.s32 v63, v22  }
0x351: {  	v23 =	vshrl.u32 v23, $0x7;
	vm0 =	vmand vm0, vm1  }
0x352: {  	p1 =	sne.s32 s23, $0x1;
	v23 =	vand.u32 $0xF, v23  }
.Ltmp10:
0x353: {  	_ = 	snop;
	(pc) =	sbr.rel @p1 .LBB2_15-.Ltmp10, $2  }
0x354: {  	_ =	sdelay $0x2  }
0x355: {  	s16 =	sadd.s32 $0x10, s16;
	s19 =	sadd.s32 $0x10, s19;
	s23 =	sadd.s32 $0xFFFFFFFF, s23;
	[tilespmem:v23+s5+$0x0] =	vst.idx.add.s32.msk vm0, v2  }
.LBB2_16:
0x356: {  	v21 =	vld [tilespmem:$0xA000];
	_ =	sdelay $0x4  }
0x357: {  	v21 =	vperm.xlane v21, v3;
	_ =	sdelay $0x1  }
0x358: {  	(xrf0) =	vadd.scan.msk.s32 $0xffff, v21;
	_ =	sdelay $0x5  }
0x359: {  	s3 =	sshrl.u32 s3, $0xC;
	v22, _, _ =	vpop (xrf0)  }
0x35a: {  	s0 =	ssub.s32 s0, s3;
	v21 =	vsub.s32 v22, v21  }
0x35b: {  	vm0 =	vge.s32 v22, s0;
	vm1 =	vlt.s32 v21, s0;
	v21 =	vshll.u32 v21, $0xC  }
0x35c: {  	vm0 =	vmand vm0, vm1;
	v21 =	vxor.u32 v19, v21  }
0x35d: {  	v21 =	vnsel vm0, $0x7FFFFFFF, v21  }
0x35e: {  	(xrf0) =	vmax.scan.msk.u32 $0xffff, v21;
	_ =	sdelay $0x5  }
0x35f: {  	v21, _, _ =	vpop (xrf0)  }
0x360: {  	(v2sf) =	vpush v21, $0xF;
	_ =	sdelay $0xe  }
0x361: {  	s31 =	spop (v2sf)  }
.Ltmp11:
0x362: {  	s3 =	sxor.u32 $0x80000000, s31;
	(pc) =	sbr.rel @p0 .LBB2_19-.Ltmp11, $4  }
0x363: {  	s9 =	sshra.s32 s3, $0x1F  }
0x364: {  	s3 =	sor.u32 s9, s3  }
0x365: {  	s1 =	sshll.u32 s1, $0x4;
	s9 =	sand.u32 $0xFFF, s3  }
0x366: {  	[tilespmem:$0xA000] =	vst v1;
	s1 =	sadd.s32 s1, s9  }
0x367: {  	v21 =	vmov s25;
	v22 =	vmov s1;
	s16 =	simm.s32 $0x4000;
	s19 =	simm.s32 $0x0;
	s23 =	smov.u32 s28  }
.LBB2_18:
0x368: {  	v23 =	vld [tilespmem:s16+$0x0];
	_ =	sdelay $0x2  }
0x369: {  	v24 =	vor.u32 s19, v0  }
0x36a: {  	vm0 =	vlt.s32 v24, v21  }
0x36b: {  	v23 =	vand.u32 $0x1FFF, v23;
	_ =	sdelay $0x4  }
0x36c: {  	v23 =	vld.idx.msk [tilespmem:v23+s2+$0x0], vm0;
	_ =	sdelay $0x4  }
0x36d: {  	v63 =	vshrl.u32 v23, $0x7  }
0x36e: {  	vm1 =	veq.s32 v63, v22  }
0x36f: {  	v23 =	vshrl.u32 v23, $0x3;
	vm0 =	vmand vm0, vm1  }
0x370: {  	p1 =	sne.s32 s23, $0x1;
	v23 =	vand.u32 $0xF, v23  }
.Ltmp12:
0x371: {  	_ = 	snop;
	(pc) =	sbr.rel @p1 .LBB2_18-.Ltmp12, $2  }
0x372: {  	_ =	sdelay $0x2  }
0x373: {  	s16 =	sadd.s32 $0x10, s16;
	s19 =	sadd.s32 $0x10, s19;
	s23 =	sadd.s32 $0xFFFFFFFF, s23;
	[tilespmem:v23+s5+$0x0] =	vst.idx.add.s32.msk vm0, v2  }
.LBB2_19:
0x374: {  	v21 =	vld [tilespmem:$0xA000];
	_ =	sdelay $0x4  }
0x375: {  	v21 =	vperm.xlane v21, v3;
	_ =	sdelay $0x1  }
0x376: {  	(xrf0) =	vadd.scan.msk.s32 $0xffff, v21;
	_ =	sdelay $0x5  }
0x377: {  	s3 =	sshrl.u32 s3, $0xC;
	v22, _, _ =	vpop (xrf0)  }
0x378: {  	s0 =	ssub.s32 s0, s3;
	v21 =	vsub.s32 v22, v21  }
0x379: {  	vm0 =	vge.s32 v22, s0;
	vm1 =	vlt.s32 v21, s0;
	v21 =	vshll.u32 v21, $0xC  }
0x37a: {  	vm0 =	vmand vm0, vm1;
	v21 =	vxor.u32 v19, v21  }
0x37b: {  	v21 =	vnsel vm0, $0x7FFFFFFF, v21  }
0x37c: {  	(xrf0) =	vmax.scan.msk.u32 $0xffff, v21;
	_ =	sdelay $0x5  }
0x37d: {  	v21, _, _ =	vpop (xrf0)  }
0x37e: {  	(v2sf) =	vpush v21, $0xF;
	_ =	sdelay $0xe  }
0x37f: {  	s31 =	spop (v2sf)  }
.Ltmp13:
0x380: {  	s3 =	sxor.u32 $0x80000000, s31;
	(pc) =	sbr.rel @p0 .LBB2_22-.Ltmp13, $4  }
0x381: {  	s9 =	sshra.s32 s3, $0x1F  }
0x382: {  	s3 =	sor.u32 s9, s3  }
0x383: {  	s1 =	sshll.u32 s1, $0x4;
	s9 =	sand.u32 $0xFFF, s3  }
0x384: {  	[tilespmem:$0xA000] =	vst v1;
	s1 =	sadd.s32 s1, s9  }
0x385: {  	v21 =	vmov s25;
	v22 =	vmov s1;
	s16 =	simm.s32 $0x4000;
	s19 =	simm.s32 $0x0;
	s23 =	smov.u32 s28  }
.LBB2_21:
0x386: {  	v23 =	vld [tilespmem:s16+$0x0];
	_ =	sdelay $0x2  }
0x387: {  	v24 =	vor.u32 s19, v0  }
0x388: {  	vm0 =	vlt.s32 v24, v21  }
0x389: {  	v23 =	vand.u32 $0x1FFF, v23;
	_ =	sdelay $0x4  }
0x38a: {  	v23 =	vld.idx.msk [tilespmem:v23+s2+$0x0], vm0;
	_ =	sdelay $0x4  }
0x38b: {  	v63 =	vshrl.u32 v23, $0x3  }
0x38c: {  	vm1 =	veq.s32 v63, v22  }
0x38d: {  	vm0 =	vmand vm0, vm1  }
0x38e: {  	p1 =	sne.s32 s23, $0x1;
	v23 =	vand.u32 $0x7, v23  }
.Ltmp14:
0x38f: {  	_ = 	snop;
	(pc) =	sbr.rel @p1 .LBB2_21-.Ltmp14, $2  }
0x390: {  	_ =	sdelay $0x2  }
0x391: {  	s16 =	sadd.s32 $0x10, s16;
	s19 =	sadd.s32 $0x10, s19;
	s23 =	sadd.s32 $0xFFFFFFFF, s23;
	[tilespmem:v23+s5+$0x0] =	vst.idx.add.s32.msk vm0, v2  }
.LBB2_22:
0x392: {  	v21 =	vld [tilespmem:$0xA000];
	_ =	sdelay $0x4  }
0x393: {  	v21 =	vperm.xlane v21, v3;
	_ =	sdelay $0x1  }
0x394: {  	(xrf0) =	vadd.scan.msk.s32 $0xffff, v21;
	_ =	sdelay $0x5  }
0x395: {  	s3 =	sshrl.u32 s3, $0xC;
	v22, _, _ =	vpop (xrf0)  }
0x396: {  	s0 =	ssub.s32 s0, s3;
	v21 =	vsub.s32 v22, v21  }
0x397: {  	vm0 =	vge.s32 v22, s0;
	vm1 =	vlt.s32 v21, s0;
	v21 =	vshll.u32 v21, $0xC  }
0x398: {  	vm0 =	vmand vm0, vm1;
	v21 =	vxor.u32 v19, v21  }
0x399: {  	v21 =	vnsel vm0, $0x7FFFFFFF, v21  }
0x39a: {  	(xrf0) =	vmax.scan.msk.u32 $0xffff, v21;
	_ =	sdelay $0x5  }
0x39b: {  	v21, _, _ =	vpop (xrf0)  }
0x39c: {  	(v2sf) =	vpush v21, $0xF;
	_ =	sdelay $0xe  }
0x39d: {  	s31 =	spop (v2sf)  }
.Ltmp15:
0x39e: {  	s3 =	sxor.u32 $0x80000000, s31;
	(pc) =	sbr.rel @p0 .LBB2_23-.Ltmp15, $4  }
0x39f: {  	s9 =	sshra.s32 s3, $0x1F  }
0x3a0: {  	s3 =	sor.u32 s9, s3  }
0x3a1: {  	s1 =	sshll.u32 s1, $0x3;
	s9 =	sand.u32 $0xFFF, s3  }
0x3a2: {  	s19 =	sadd.s32 s1, s9  }
0x3a3: {  	p0 =	por $0x0, $0x0  }
0x3a4: {  	s1 =	sshrl.u32 s3, $0xC;
	s24 =	simm.s32 $0xFFFFFFFF;
	s3 =	simm.s32 @!p0 $0x0  }
0x3a5: {  	p5 =	sne.s32 s28, $0x1;
	p1 =	por $0x0, $0x0;
	s3 =	simm.s32 @p0 $0x1  }
0x3a6: {  	p2 =	por $0x0, $0x0;
	[smem:$0x7F9] =	sst s3;
	s3 =	simm.s32 @!p1 $0x0  }
0x3a7: {  	p6 =	por $0x0, $0x0;
	s1 =	ssub.s32 s0, s1;
	s3 =	simm.s32 @p1 $0x1  }
.Ltmp16:
0x3a8: {  	[smem:$0x7FA] =	sst s3;
	s3 =	simm.s32 @!p2 $0x0;
	(pc) =	sbr.rel @!p5 .LBB2_25-.Ltmp16, $4  }
0x3a9: {  	p3 =	por $0x0, $0x0;
	v21 =	vmov s1;
	s1 =	simm.s32 @!p6 $0x0;
	s3 =	simm.s32 @p2 $0x1  }
0x3aa: {  	s1 =	simm.s32 @p6 $0x1;
	[smem:$0x7FB] =	sst s3;
	s3 =	simm.s32 @!p3 $0x0  }
0x3ab: {  	s26 =	simm.s32 $0x4000;
	[smem:$0x7FD] =	sst s1;
	s3 =	simm.s32 @p3 $0x1  }
0x3ac: {  	s23 =	simm.s32 $0x0;
	v23 =	vmov s25;
	v22 =	vmov s19;
	s0 =	sadd.s32 $0xFFFFFFFF, s28;
	[smem:$0x7FC] =	sst s3  }
0x3ad: {  	v24 =	vld [tilespmem:s26+$0x0];
	p5 =	sne.s32 s0, $0x1  }
.Ltmp17:
0x3ae: {  	_ = 	snop;
	(pc) =	sbr.rel @!p5 .LBB2_27-.Ltmp17, $3  }
0x3af: {  	_ =	sdelay $0x1  }
0x3b0: {  	v25 =	vor.u32 s23, v0  }
0x3b1: {  	s0 =	sadd.s32 $0xFFFFFFFF, s0;
	s26 =	simm.s32 $0x4010;
	vm4 =	vlt.s32 v25, v23;
	v25 =	vand.u32 $0x1FFF, v24  }
0x3b2: {  	v24 =	vld [tilespmem:s26+$0x0];
	p5 =	sne.s32 s0, $0x1  }
.Ltmp18:
0x3b3: {  	_ = 	snop;
	(pc) =	sbr.rel @!p5 .LBB2_29-.Ltmp18, $4  }
0x3b4: {  	p0 =	por $0x1, $0x1  }
0x3b5: {  	s25 =	simm.s32 $0x10;
	s1 =	simm.s32 @!p0 $0x0  }
0x3b6: {  	v26 =	vor.u32 s25, v0;
	s1 =	simm.s32 @p0 $0x1  }
0x3b7: {  	vm5 =	vmmov vm4;
	v27 =	vld.idx.msk [tilespmem:v25+s2+$0x0], vm4;
	s0 =	sadd.s32 $0xFFFFFFFF, s0;
	s26 =	simm.s32 $0x4020;
	vm4 =	vlt.s32 v26, v23;
	[smem:$0x7F9] =	sst s1;
	v24 =	vand.u32 $0x1FFF, v24  }
0x3b8: {  	_ =	sdelay $0x1  }
0x3b9: {  	v26 =	vld [tilespmem:s26+$0x0];
	p5 =	sne.s32 s0, $0x1  }
.Ltmp19:
0x3ba: {  	_ = 	snop;
	(pc) =	sbr.rel @!p5 .LBB2_31-.Ltmp19, $4  }
0x3bb: {  	p1 =	por $0x1, $0x1;
	vm0 =	veq.s32 v27, v22  }
0x3bc: {  	s25 =	simm.s32 $0x20;
	s1 =	simm.s32 @!p1 $0x0;
	vm0 =	vmand vm5, vm0  }
0x3bd: {  	s0 =	sadd.s32 $0xFFFFFFFF, s0;
	v29 =	vor.u32 s25, v0;
	s1 =	simm.s32 @p1 $0x1;
	vm5 =	vmmov vm4;
	v28 =	vsel vm0, $0x1, v1  }
0x3be: {  	s26 =	simm.s32 $0x4030;
	p0 =	por $0x1, $0x1;
	[smem:$0x7FA] =	sst s1;
	v27 =	vld.idx.msk [tilespmem:v24+s2+$0x0], vm4;
	vm4 =	vlt.s32 v29, v23;
	vm7 =	vmmov vm0;
	(xrf0) =	vadd.scan.msk.s32 $0xffff, v28;
	v28 =	vand.u32 $0x1FFF, v26  }
0x3bf: {  	_ =	sdelay $0x1  }
0x3c0: {  	v26 =	vld [tilespmem:s26+$0x0];
	p5 =	sne.s32 s0, $0x1  }
.Ltmp20:
0x3c1: {  	_ = 	snop;
	(pc) =	sbr.rel @!p5 .LBB2_33-.Ltmp20, $4  }
0x3c2: {  	s25 =	simm.s32 $0x30;
	p2 =	por $0x1, $0x1;
	vm0 =	veq.s32 v27, v22  }
0x3c3: {  	vm12 =	vmmov vm7;
	v30 =	vor.u32 s25, v0;
	s1 =	simm.s32 @!p2 $0x0;
	vm0 =	vmand vm5, vm0  }
0x3c4: {  	s1 =	simm.s32 @p2 $0x1;
	v27 =	vld.idx.msk [tilespmem:v28+s2+$0x0], vm4;
	v32, _, _ =	vpop (xrf0);
	vm5 =	vmmov vm4;
	vm4 =	vlt.s32 v30, v23;
	v29 =	vsel vm0, $0x1, v1  }
0x3c5: {  	s0 =	sadd.s32 $0xFFFFFFFF, s0;
	s26 =	simm.s32 $0x4040;
	[smem:$0x7FB] =	sst s1;
	v26 =	vand.u32 $0x1FFF, v26;
	(v2sf) =	vpush v32, $0xF;
	vm7 =	vmmov vm0;
	(xrf0) =	vadd.scan.msk.s32 $0xffff, v29  }
0x3c6: {  	_ =	sdelay $0x1  }
0x3c7: {  	v30 =	vld [tilespmem:s26+$0x0];
	p5 =	sne.s32 s0, $0x1  }
.Ltmp21:
0x3c8: {  	v25 =	vor.u32 $0x80000000, v25;
	vm0 =	veq.s32 v27, v22;
	v27 =	vadd.s32 s23, v32;
	(pc) =	sbr.rel @!p5 .LBB2_35-.Ltmp21, $4  }
0x3c9: {  	s25 =	simm.s32 $0x40;
	vm6 =	vmmov vm7;
	p3 =	por $0x1, $0x1;
	vm0 =	vmand vm5, vm0;
	vm1 =	veq.s32 v27, v21  }
0x3ca: {  	v63 =	vor.u32 s25, v0;
	s1 =	simm.s32 @!p3 $0x0;
	v31 =	vsel vm0, $0x1, v1;
	vm1 =	vmand vm12, vm1  }
0x3cb: {  	s0 =	sadd.s32 $0xFFFFFFFF, s0;
	s1 =	simm.s32 @p3 $0x1;
	vm5 =	vmmov vm4;
	v27 =	vld.idx.msk [tilespmem:v26+s2+$0x0], vm4;
	vm4 =	vlt.s32 v63, v23;
	v29, _, _ =	vpop (xrf0);
	(xrf0) =	vadd.scan.msk.s32 $0xffff, v31;
	v25 =	vnsel vm1, $0x7FFFFFFF, v25  }
0x3cc: {  	s26 =	simm.s32 $0x4050;
	p4 =	por $0x0, $0x0;
	[smem:$0x7FC] =	sst s1;
	v30 =	vand.u32 $0x1FFF, v30;
	vm7 =	vmmov vm0;
	(v2sf) =	vpush v29, $0xF;
	(xrf0) =	vmax.scan.msk.u32 $0xffff, v25  }
0x3cd: {  	_ =	sdelay $0x5  }
0x3ce: {  	v25 =	vld [tilespmem:s26+$0x0];
	s31 =	spop (v2sf)  }
0x3cf: {  	s25 =	simm.s32 $0x50;
	v34 =	vor.u32 $0x80000000, v24;
	p5 =	sne.s32 s0, $0x1;
	s29 =	sadd.s32 $0x0, s31  }
.Ltmp22:
0x3d0: {  	v33 =	vor.u32 s25, v0;
	vm0 =	veq.s32 v27, v22;
	v27 =	vadd.s32 s29, v29;
	(pc) =	sbr.rel @!p5 .LBB2_37-.Ltmp22, $4  }
0x3d1: {  	vm0 =	vmand vm5, vm0;
	v31, _, _ =	vpop (xrf0);
	vm5 =	vmmov vm4;
	vm1 =	veq.s32 v27, v21  }
0x3d2: {  	s1 =	simm.s32 @!p4 $0x0;
	v32 =	vsel vm0, $0x1, v1;
	(v2sf) =	vpush v31, $0xF;
	vm1 =	vmand vm6, vm1  }
0x3d3: {  	s0 =	sadd.s32 $0xFFFFFFFF, s0;
	s1 =	simm.s32 @p4 $0x1;
	(xrf0) =	vadd.scan.msk.s32 $0xffff, v32;
	v27 =	vld.idx.msk [tilespmem:v30+s2+$0x0], vm4;
	vm4 =	vlt.s32 v33, v23;
	v33 =	vand.u32 $0x1FFF, v25;
	v25, _, _ =	vpop (xrf0);
	v63 =	vnsel vm1, $0x7FFFFFFF, v34  }
0x3d4: {  	s26 =	simm.s32 $0x4060;
	vm9 =	vmmov vm7;
	p4 =	por $0x1, $0x1;
	[smem:$0x7F8] =	sst s1;
	vm8 =	vmmov vm0;
	(v2sf) =	vpush v25, $0xF;
	(xrf0) =	vmax.scan.msk.u32 $0xffff, v63  }
0x3d5: {  	_ =	sdelay $0x1  }
0x3d6: {  	s1 =	spop (v2sf)  }
0x3d7: {  	s29 =	sadd.s32 s29, s1  }
0x3d8: {  	s25 =	simm.s32 $0x60;
	vm0 =	veq.s32 v27, v22;
	v27 =	vadd.s32 s29, v31;
	v34, _, _ =	vpop (xrf0)  }
0x3d9: {  	vm1 =	veq.s32 v27, v21;
	v27 =	vor.u32 s25, v0;
	(v2sf) =	vpush v34, $0xF;
	_ =	sdelay $0x2  }
0x3da: {  	vm10 =	vmmov vm4;
	v37 =	vld.idx.msk [tilespmem:v33+s2+$0x0], vm4;
	vm4 =	vlt.s32 v27, v23;
	v27, _, _ =	vpop (xrf0)  }
0x3db: {  	(v2sf) =	vpush v27, $0xF;
	_ =	sdelay $0x2  }
0x3dc: {  	v25 =	vld [tilespmem:s26+$0x0];
	p5 =	sne.s32 s0, $0x1  }
.Ltmp23:
0x3dd: {  	_ = 	snop;
	(pc) =	sbr.rel @!p5 .LBB2_39-.Ltmp23, $4  }
0x3de: {  	p6 =	por $0x1, $0x1;
	vm0 =	vmand vm5, vm0  }
0x3df: {  	v35 =	vor.u32 $0x80000000, v28;
	s1 =	simm.s32 @!p6 $0x0;
	v32 =	vsel vm0, $0x1, v1;
	vm1 =	vmand vm9, vm1  }
0x3e0: {  	s1 =	simm.s32 @p6 $0x1;
	(xrf0) =	vadd.scan.msk.s32 $0xffff, v32;
	v63 =	vnsel vm1, $0x7FFFFFFF, v35  }
0x3e1: {  	s0 =	sadd.s32 $0xFFFFFFFF, s0;
	s26 =	simm.s32 $0x4070;
	vm11 =	vmmov vm8;
	[smem:$0x7FD] =	sst s1;
	v25 =	vand.u32 $0x1FFF, v25;
	vm13 =	vmmov vm0;
	(xrf0) =	vmax.scan.msk.u32 $0xffff, v63  }
0x3e2: {  	_ =	sdelay $0x3  }
0x3e3: {  	v32, _, _ =	vpop (xrf0)  }
0x3e4: {  	(v2sf) =	vpush v32, $0xF;
	v62, _, _ =	vpop (xrf0)  }
0x3e5: {  	v35 =	vld [tilespmem:s26+$0x0];
	s1 =	spop (v2sf);
	vm0 =	veq.s32 v37, v22;
	(v2sf) =	vpush v62, $0xF  }
0x3e6: {  	p6 =	sne.s32 s0, $0x1;
	s29 =	sadd.s32 s29, s1;
	vm0 =	vmand vm10, vm0  }
.Ltmp24:
0x3e7: {  	v27 =	vadd.s32 s29, v34;
	v36 =	vsel vm0, $0x1, v1;
	(pc) =	sbr.rel @!p6 .LBB2_41-.Ltmp24, $4  }
0x3e8: {  	vm5 =	vmmov vm4;
	s25 =	simm.s32 $0x70;
	v39 =	vor.u32 $0x80000000, v26;
	p4 =	por $0x1, $0x1;
	vm1 =	veq.s32 v27, v21;
	v27 =	vld.idx.msk [tilespmem:v25+s2+$0x0], vm4;
	(xrf0) =	vadd.scan.msk.s32 $0xffff, v36  }
0x3e9: {  	s0 =	sadd.s32 $0xFFFFFFFF, s0;
	vm12 =	vmmov vm13;
	v38 =	vor.u32 s25, v0;
	s31 =	spop (v2sf);
	s1 =	simm.s32 @!p4 $0x0;
	vm1 =	vmand vm11, vm1  }
0x3ea: {  	s26 =	simm.s32 $0x4080;
	s30 =	sxor.u32 $0x80000000, s31;
	vm7 =	vmmov vm0;
	s1 =	simm.s32 @p4 $0x1;
	v35 =	vand.u32 $0x1FFF, v35;
	v63 =	vnsel vm1, $0x7FFFFFFF, v39  }
0x3eb: {  	s28 =	simm.s32 $0xFFFFFFFF;
	vm4 =	vlt.s32 v38, v23;
	p5 =	slt.s32 s30, $0xFFFFFFFF;
	[smem:$0x7F8] =	sst s1;
	v39 =	vmovc v30;
	v36 =	vmov v33;
	(xrf0) =	vmax.scan.msk.u32 $0xffff, v63;
	v40 =	vmov v35  }
.LBB2_42:
0x3ec: {  	s1 =	smov.u32 s28;
	s28 =	smov.u32 s30  }
0x3ed: {  	p6 =	sne.s32 s0, $0x1;
	s0 =	sadd.s32 $0xFFFFFFFF, s0;
	vm0 =	veq.s32 v27, v22;
	v38 =	vld [tilespmem:s26+$0x0];
	s28 =	smov.u32 @p5 s1  }
0x3ee: {  	vm0 =	vmand vm5, vm0;
	vm5 =	vmmov vm4;
	v41, _, _ =	vpop (xrf0);
	s1 =	spop (v2sf)  }
0x3ef: {  	s25 =	sadd.s32 $0x10, s25;
	v27 =	vld.idx.msk [tilespmem:v35+s2+$0x0], vm4;
	v35 =	vsel vm0, $0x1, v1;
	(v2sf) =	vpush v41, $0xF;
	s29 =	sadd.s32 s29, s1  }
.Ltmp25:
0x3f0: {  	v42 =	vor.u32 s25, v0;
	(xrf0) =	vadd.scan.msk.s32 $0xffff, v35;
	v35 =	vadd.s32 s29, v32;
	v32 =	vmov v41;
	(pc) =	sbr.rel @p6 .LBB2_42-.Ltmp25, $4  }
0x3f1: {  	vm4 =	vlt.s32 v42, v23;
	vm1 =	veq.s32 v35, v21  }
0x3f2: {  	v35 =	vand.u32 $0x1FFF, v38;
	vm1 =	vmand vm12, vm1;
	v38 =	vor.u32 $0x80000000, v39;
	v39, _, _ =	vpop (xrf0);
	s1 =	spop (v2sf)  }
0x3f3: {  	v38 =	vnsel vm1, $0x7FFFFFFF, v38;
	(v2sf) =	vpush v39, $0xF;
	s30 =	sxor.u32 $0x80000000, s1;
	v39 =	vmovc v36;
	v36 =	vmovc v25;
	v25 =	vmov v40  }
0x3f4: {  	s26 =	sadd.s32 $0x10, s26;
	vm12 =	vmmov vm7;
	vm7 =	vmmov vm0;
	v40 =	vmovc v35;
	(xrf0) =	vmax.scan.msk.u32 $0xffff, v38;
	p5 =	sgt.s32 s28, s30  }
0x3f5: {  	v38 =	vmov v25;
	v25 =	vmov v40;
	p4 =	por $0x1, $0x1  }
.LBB2_44:
0x3f6: {  	_ =	sdelay $0x1  }
0x3f7: {  	s0 =	sld [smem:$0x7FC]  }
0x3f8: {  	s1 =	sld [smem:$0x7F9]  }
0x3f9: {  	s16 =	sld [smem:$0x7FA]  }
0x3fa: {  	v35 =	vld.idx.msk @p0 [tilespmem:v35+s2+$0x0], vm4;
	s12 =	sld [smem:$0x7FB];
	p6 =	seq.s32 s0, $0x1  }
0x3fb: {  	p1 =	seq.s32 s1, $0x1;
	s0 =	spop @p6 (v2sf)  }
0x3fc: {  	s1 =	simm.s32 $0x0;
	p2 =	seq.s32 s16, $0x1;
	vm0 =	veq.s32 @p1 v27, v22;
	s0 =	sadd.s32 @p6 s29, s0  }
0x3fd: {  	p3 =	seq.s32 s12, $0x1;
	v40, _, _ =	vpop @p2 (xrf0);
	vm1 =	vmand @p1 vm5, vm0;
	vm0 =	vmmov @p0 vm4;
	s1 =	smov.u32 @p6 s0  }
0x3fe: {  	(v2sf) =	vpush @p2 v40, $0xF;
	v27 =	vsel @p1 vm1, $0x1, v1;
	v32 =	vadd.s32 @p3 s1, v32  }
0x3ff: {  	vm10 =	vmmov @p0 vm0;
	(xrf0) =	vadd.scan.msk.s32 @p1 $0xffff, v27;
	v27 =	vpsel p0, v35, v37;
	vm4 =	veq.s32 @p3 v32, v21  }
0x400: {  	v32 =	vor.u32 @p3 $0x80000000, v39;
	vm0 =	veq.s32 @p0 v27, v22;
	vm4 =	vmand @p3 vm12, vm4  }
0x401: {  	s0 =	simm.s32 @!p6 $0x0;
	vm0 =	vmand @p0 vm10, vm0;
	v27 =	vnsel @p3 vm4, $0x7FFFFFFF, v32  }
0x402: {  	v60 =	vld [tilespmem:s26+$0x0];
	s0 =	simm.s32 @p6 $0x1;
	(xrf0) =	vmax.scan.msk.u32 @p3 $0xffff, v27;
	v27 =	vsel @p0 vm0, $0x1, v1  }
0x403: {  	s3 =	simm.s32 $0x0;
	[smem:$0x7FC] =	sst s0;
	s0 =	sadd.s32 @p0 $0x10, s25  }
0x404: {  	v35, _, _ =	vpop @p6 (xrf0);
	s25 =	sld [smem:$0x7FD];
	s3 =	smov.u32 @p0 s0;
	(xrf0) =	vadd.scan.msk.s32 @p0 $0xffff, v27  }
0x405: {  	(v2sf) =	vpush @p6 v35, $0xF;
	v61 =	vor.u32 s3, v0;
	v27, _, _ =	vpop @p1 (xrf0)  }
0x406: {  	vm4 =	vlt.s32 v61, v23;
	(v2sf) =	vpush @p1 v27, $0xF  }
0x407: {  	v23 =	vand.u32 $0x1FFF, v60;
	p6 =	seq.s32 s25, $0x1  }
0x408: {  	s0 =	simm.s32 @!p6 $0x0  }
0x409: {  	s3 =	spop @p6 (v2sf);
	s0 =	simm.s32 @p6 $0x1;
	v32, _, _ =	vpop @p3 (xrf0)  }
0x40a: {  	v35 =	vmov @p2 v40;
	[smem:$0x7FD] =	sst s0;
	s0 =	spop @p3 (v2sf);
	(v2sf) =	vpush @p3 v32, $0xF;
	v32, _, _ =	vpop @p0 (xrf0)  }
0x40b: {  	(v2sf) =	vpush @p0 v32, $0xF  }
0x40c: {  	vm5 =	vmmov @p2 vm7;
	s0 =	sadd.s32 @p3 s1, s0;
	s1 =	simm.s32 $0x0;
	v62 =	vld.idx.msk [tilespmem:v23+s2+$0x0], vm4  }
0x40d: {  	vm11 =	vmmov @p2 vm5;
	vm1 =	vmmov @p1 vm1;
	v34 =	vpsel p2, v35, v34;
	v35 =	vmovc @p2 v36;
	s1 =	smov.u32 @p3 s0  }
0x40e: {  	s26 =	sld [smem:$0x7F8];
	vm13 =	vmmov @p1 vm1;
	v35 =	vpsel p2, v35, v26;
	s0 =	spop @p4 (v2sf);
	v34 =	vadd.s32 @p2 s1, v34  }
0x40f: {  	s10 =	sld [smem:$0x7FC];
	vm1 =	vmmov vm4;
	v27 =	vpsel p1, v27, v31;
	vm5 =	veq.s32 @p2 v34, v21;
	s9 =	spop @p2 (v2sf)  }
0x410: {  	p6 =	por p4, p4;
	vm4 =	vmmov @p1 vm13;
	v34 =	vor.u32 @p2 $0x80000000, v35;
	vm5 =	vmand @p2 vm11, vm5;
	s1 =	sadd.s32 @p2 s1, s9;
	s9 =	simm.s32 $0x0  }
0x411: {  	s12 =	sld [smem:$0x7FD];
	p4 =	seq.s32 s26, $0x1;
	vm9 =	vmmov @p1 vm4;
	v34 =	vnsel @p2 vm5, $0x7FFFFFFF, v34;
	s9 =	smov.u32 @p2 s1;
	vm4 =	veq.s32 v62, v22  }
0x412: {  	p5 =	por !p5, !p4;
	(xrf0) =	vmax.scan.msk.u32 @p2 $0xffff, v34;
	v22 =	vadd.s32 @p1 s9, v27;
	vm1 =	vmand vm1, vm4  }
0x413: {  	v35 =	vmov @p1 v38;
	s28 =	smov.u32 @p5 s30;
	p5 =	seq.s32 s10, $0x1;
	s1 =	simm.s32 $0xFFFFFFFF;
	vm4 =	veq.s32 @p1 v22, v21;
	v22 =	vsel vm1, $0x1, v1  }
0x414: {  	v30 =	vpsel p1, v35, v30;
	s10 =	spop @p5 (v2sf);
	s1 =	smov.u32 @p4 s28;
	p4 =	seq.s32 s12, $0x1  }
0x415: {  	v25 =	vpsel p0, v25, v33;
	v27 =	vpsel p1, v30, v28;
	s3 =	sxor.u32 @p4 $0x80000000, s3;
	s12 =	spop @p1 (v2sf)  }
0x416: {  	vm0 =	vmmov @p0 vm0;
	v27 =	vor.u32 @p1 $0x80000000, v27;
	vm4 =	vmand @p1 vm9, vm4;
	(xrf0) =	vadd.scan.msk.s32 $0xffff, v22;
	p5 =	sgt.s32 @p4 s1, s3;
	v22 =	vmovc @p0 v32;
	s9 =	sadd.s32 @p1 s9, s12;
	s12 =	simm.s32 $0x0  }
0x417: {  	vm8 =	vmmov @p0 vm0;
	v27 =	vnsel @p1 vm4, $0x7FFFFFFF, v27;
	p5 =	por @!p4 p0, p0;
	v22 =	vpsel p0, v22, v29;
	s12 =	smov.u32 @p1 s9  }
0x418: {  	v25 =	vpsel p0, v25, v26;
	vm0 =	vmmov @p0 vm8;
	s3 =	smov.u32 @p4 s3;
	v26, _, _ =	vpop @p2 (xrf0);
	(xrf0) =	vmax.scan.msk.u32 @p1 $0xffff, v27;
	p5 =	por !p5, !p4;
	v22 =	vadd.s32 @p0 s12, v22  }
0x419: {  	v24 =	vpsel p0, v25, v24;
	vm6 =	vmmov @p0 vm0;
	s1 =	smov.u32 @p5 s3;
	s3 =	simm.s32 $0xFFFFFFFF;
	s9 =	spop @p3 (v2sf);
	vm0 =	veq.s32 @p0 v22, v21  }
0x41a: {  	(v2sf) =	vpush @p2 v26, $0xF;
	s3 =	smov.u32 @p4 s1;
	v22 =	vor.u32 @p0 $0x80000000, v24;
	s1 =	spop @p0 (v2sf);
	vm0 =	vmand @p0 vm6, vm0  }
0x41b: {  	s0 =	sxor.u32 @p6 $0x80000000, s0;
	s1 =	sadd.s32 @p0 s12, s1;
	v22 =	vnsel @p0 vm0, $0x7FFFFFFF, v22  }
0x41c: {  	s29 =	sld [smem:$0x7FC];
	p5 =	sgt.s32 @p6 s3, s0;
	v63, _, _ =	vpop (xrf0);
	s23 =	smov.u32 @p0 s1  }
0x41d: {  	p5 =	por @!p6 p0, p0;
	vm0 =	vmmov vm1;
	(xrf0) =	vmax.scan.msk.u32 @p0 $0xffff, v22;
	v24 =	vadd.s32 s23, v63  }
0x41e: {  	s0 =	smov.u32 @p6 s0;
	p5 =	por !p5, !p6;
	(v2sf) =	vpush v63, $0xF;
	vm0 =	vmmov vm0;
	vm1 =	veq.s32 v24, v21;
	v22, _, _ =	vpop @p1 (xrf0)  }
0x41f: {  	p4 =	seq.s32 s29, $0x1;
	s3 =	smov.u32 @p5 s0;
	s0 =	simm.s32 $0xFFFFFFFF;
	v21 =	vor.u32 $0x80000000, v23;
	vm0 =	vmand vm0, vm1;
	(v2sf) =	vpush @p1 v22, $0xF  }
0x420: {  	s0 =	smov.u32 @p6 s3;
	s1 =	sxor.u32 @p4 $0x80000000, s10;
	v21 =	vnsel vm0, $0x7FFFFFFF, v21  }
0x421: {  	p5 =	sgt.s32 @p4 s0, s1  }
0x422: {  	p5 =	por @!p4 p0, p0;
	(xrf0) =	vmax.scan.msk.u32 $0xffff, v21  }
0x423: {  	s1 =	smov.u32 @p4 s1;
	p5 =	por !p5, !p4;
	v21, _, _ =	vpop @p0 (xrf0)  }
0x424: {  	s0 =	smov.u32 @p5 s1;
	s1 =	simm.s32 $0xFFFFFFFF;
	(v2sf) =	vpush @p0 v21, $0xF  }
0x425: {  	s3 =	sxor.u32 @p3 $0x80000000, s9;
	s1 =	smov.u32 @p4 s0  }
0x426: {  	p4 =	sgt.s32 @p3 s1, s3  }
0x427: {  	p4 =	por @!p3 p0, p0  }
0x428: {  	s0 =	smov.u32 @p3 s3;
	p4 =	por !p4, !p3;
	v21, _, _ =	vpop (xrf0)  }
0x429: {  	s3 =	simm.s32 $0xFFFFFFFF;
	s1 =	smov.u32 @p4 s0;
	s0 =	spop @p2 (v2sf);
	(v2sf) =	vpush v21, $0xF  }
0x42a: {  	s0 =	sxor.u32 @p2 $0x80000000, s0;
	s3 =	smov.u32 @p3 s1  }
0x42b: {  	p3 =	sgt.s32 @p2 s3, s0  }
0x42c: {  	p3 =	por @!p2 p0, p0  }
0x42d: {  	s0 =	smov.u32 @p2 s0;
	s30 =	spop (v2sf);
	p3 =	por !p3, !p2  }
0x42e: {  	s1 =	simm.s32 $0xFFFFFFFF;
	s3 =	smov.u32 @p3 s0;
	s0 =	spop @p1 (v2sf)  }
0x42f: {  	s1 =	smov.u32 @p2 s3;
	s0 =	sxor.u32 @p1 $0x80000000, s0  }
0x430: {  	p2 =	sgt.s32 @p1 s1, s0  }
0x431: {  	p2 =	por @!p1 p0, p0  }
0x432: {  	s0 =	smov.u32 @p1 s0;
	p2 =	por !p2, !p1  }
0x433: {  	s3 =	simm.s32 $0xFFFFFFFF;
	s1 =	smov.u32 @p2 s0;
	s0 =	spop @p0 (v2sf)  }
0x434: {  	s0 =	sxor.u32 @p0 $0x80000000, s0;
	s3 =	smov.u32 @p1 s1  }
0x435: {  	p1 =	sgt.s32 @p0 s3, s0  }
0x436: {  	p1 =	por @!p0 p0, p0  }
.Ltmp26:
0x437: {  	s0 =	smov.u32 @p0 s0;
	p1 =	por !p1, !p0;
	(pc) =	sbr.rel .LBB2_45-.Ltmp26, $4  }
0x438: {  	s31 =	spop (v2sf);
	s3 =	smov.u32 @p1 s0  }
0x439: {  	s23 =	sxor.u32 $0x80000000, s31;
	s24 =	smov.u32 @p0 s3  }
0x43a: {  	p0 =	sgt.s32 s24, s23  }
0x43b: {  	s23 =	smov.u32 @p0 s24  }
.LBB2_23:
0x43c: {  	s23 =	simm.s32 $0xFFFFFFFF  }
.LBB2_45:
0x43d: {  	s0 =	sadd.s32 $0xF, s22  }
0x43e: {  	s26 =	sshrl.u32 s0, $0x4  }
0x43f: {  	p0 =	seq.s32 s26, $0x0  }
.Ltmp27:
0x440: {  	_ = 	snop;
	(pc) =	sbr.rel @p0 .LBB2_48-.Ltmp27, $2  }
0x441: {  	_ =	sdelay $0x2  }
0x442: {  	[tilespmem:$0xA100] =	vst v1  }
0x443: {  	v21 =	vmov s22;
	s0 =	simm.s32 $0x6000;
	s1 =	simm.s32 $0x0;
	s3 =	smov.u32 s26  }
.LBB2_47:
0x444: {  	v22 =	vld [tilespmem:s0+$0x0];
	_ =	sdelay $0x2  }
0x445: {  	v23 =	vor.u32 s1, v0  }
0x446: {  	vm0 =	vlt.s32 v23, v21  }
0x447: {  	v22 =	vand.u32 $0x1FFF, v22;
	_ =	sdelay $0x4  }
0x448: {  	v22 =	vld.idx.msk [tilespmem:v22+s4+$0x0], vm0;
	_ =	sdelay $0x4  }
0x449: {  	v23 =	vshrl.u32 v22, $0x13  }
0x44a: {  	vm1 =	veq.s32 v23, v20  }
0x44b: {  	v22 =	vshrl.u32 v22, $0xF;
	vm0 =	vmand vm0, vm1  }
0x44c: {  	p1 =	sne.s32 s3, $0x1;
	v22 =	vand.u32 $0xF, v22  }
.Ltmp28:
0x44d: {  	_ = 	snop;
	(pc) =	sbr.rel @p1 .LBB2_47-.Ltmp28, $2  }
0x44e: {  	_ =	sdelay $0x2  }
0x44f: {  	s0 =	sadd.s32 $0x10, s0;
	s1 =	sadd.s32 $0x10, s1;
	s3 =	sadd.s32 $0xFFFFFFFF, s3;
	[tilespmem:v22+s7+$0x0] =	vst.idx.add.s32.msk vm0, v2  }
.LBB2_48:
0x450: {  	v20 =	vld [tilespmem:$0xA100];
	_ =	sdelay $0x4  }
0x451: {  	v20 =	vperm.xlane v20, v3;
	_ =	sdelay $0x1  }
0x452: {  	(xrf0) =	vadd.scan.msk.s32 $0xffff, v20;
	_ =	sdelay $0x5  }
0x453: {  	s0 =	sshrl.u32 s21, $0xC;
	v21, _, _ =	vpop (xrf0)  }
0x454: {  	s0 =	ssub.s32 $0xA0, s0;
	v20 =	vsub.s32 v21, v20  }
0x455: {  	vm0 =	vge.s32 v21, s0;
	vm1 =	vlt.s32 v20, s0;
	v20 =	vshll.u32 v20, $0xC  }
0x456: {  	vm0 =	vmand vm0, vm1;
	v20 =	vxor.u32 v19, v20  }
0x457: {  	v20 =	vnsel vm0, $0x7FFFFFFF, v20  }
0x458: {  	(xrf0) =	vmax.scan.msk.u32 $0xffff, v20;
	_ =	sdelay $0x5  }
0x459: {  	v20, _, _ =	vpop (xrf0)  }
0x45a: {  	(v2sf) =	vpush v20, $0xF;
	_ =	sdelay $0xe  }
0x45b: {  	s1 =	spop (v2sf)  }
.Ltmp29:
0x45c: {  	s1 =	sxor.u32 $0x80000000, s1;
	(pc) =	sbr.rel @p0 .LBB2_51-.Ltmp29, $4  }
0x45d: {  	s3 =	sshra.s32 s1, $0x1F  }
0x45e: {  	s3 =	sor.u32 s3, s1  }
0x45f: {  	s9 =	sshll.u32 s20, $0x4;
	s1 =	sand.u32 $0xFFF, s3  }
0x460: {  	[tilespmem:$0xA100] =	vst v1;
	s1 =	sadd.s32 s9, s1  }
0x461: {  	v20 =	vmov s22;
	v21 =	vmov s1;
	s16 =	simm.s32 $0x6000;
	s20 =	simm.s32 $0x0;
	s21 =	smov.u32 s26  }
.LBB2_50:
0x462: {  	v22 =	vld [tilespmem:s16+$0x0];
	_ =	sdelay $0x2  }
0x463: {  	v23 =	vor.u32 s20, v0  }
0x464: {  	vm0 =	vlt.s32 v23, v20  }
0x465: {  	v22 =	vand.u32 $0x1FFF, v22;
	_ =	sdelay $0x4  }
0x466: {  	v22 =	vld.idx.msk [tilespmem:v22+s4+$0x0], vm0;
	_ =	sdelay $0x4  }
0x467: {  	v23 =	vshrl.u32 v22, $0xF  }
0x468: {  	vm1 =	veq.s32 v23, v21  }
0x469: {  	v22 =	vshrl.u32 v22, $0xB;
	vm0 =	vmand vm0, vm1  }
0x46a: {  	p1 =	sne.s32 s21, $0x1;
	v22 =	vand.u32 $0xF, v22  }
.Ltmp30:
0x46b: {  	_ = 	snop;
	(pc) =	sbr.rel @p1 .LBB2_50-.Ltmp30, $2  }
0x46c: {  	_ =	sdelay $0x2  }
0x46d: {  	s16 =	sadd.s32 $0x10, s16;
	s20 =	sadd.s32 $0x10, s20;
	s21 =	sadd.s32 $0xFFFFFFFF, s21;
	[tilespmem:v22+s7+$0x0] =	vst.idx.add.s32.msk vm0, v2  }
.LBB2_51:
0x46e: {  	v20 =	vld [tilespmem:$0xA100];
	_ =	sdelay $0x4  }
0x46f: {  	v20 =	vperm.xlane v20, v3;
	_ =	sdelay $0x1  }
0x470: {  	(xrf0) =	vadd.scan.msk.s32 $0xffff, v20;
	_ =	sdelay $0x5  }
0x471: {  	s3 =	sshrl.u32 s3, $0xC;
	v21, _, _ =	vpop (xrf0)  }
0x472: {  	s0 =	ssub.s32 s0, s3;
	v20 =	vsub.s32 v21, v20  }
0x473: {  	vm0 =	vge.s32 v21, s0;
	vm1 =	vlt.s32 v20, s0;
	v20 =	vshll.u32 v20, $0xC  }
0x474: {  	vm0 =	vmand vm0, vm1;
	v20 =	vxor.u32 v19, v20  }
0x475: {  	v20 =	vnsel vm0, $0x7FFFFFFF, v20  }
0x476: {  	(xrf0) =	vmax.scan.msk.u32 $0xffff, v20;
	_ =	sdelay $0x5  }
0x477: {  	v20, _, _ =	vpop (xrf0)  }
0x478: {  	(v2sf) =	vpush v20, $0xF;
	_ =	sdelay $0xe  }
0x479: {  	s31 =	spop (v2sf)  }
.Ltmp31:
0x47a: {  	s3 =	sxor.u32 $0x80000000, s31;
	(pc) =	sbr.rel @p0 .LBB2_54-.Ltmp31, $4  }
0x47b: {  	s9 =	sshra.s32 s3, $0x1F  }
0x47c: {  	s3 =	sor.u32 s9, s3  }
0x47d: {  	s1 =	sshll.u32 s1, $0x4;
	s9 =	sand.u32 $0xFFF, s3  }
0x47e: {  	[tilespmem:$0xA100] =	vst v1;
	s1 =	sadd.s32 s1, s9  }
0x47f: {  	v20 =	vmov s22;
	v21 =	vmov s1;
	s16 =	simm.s32 $0x6000;
	s20 =	simm.s32 $0x0;
	s21 =	smov.u32 s26  }
.LBB2_53:
0x480: {  	v22 =	vld [tilespmem:s16+$0x0];
	_ =	sdelay $0x2  }
0x481: {  	v23 =	vor.u32 s20, v0  }
0x482: {  	vm0 =	vlt.s32 v23, v20  }
0x483: {  	v22 =	vand.u32 $0x1FFF, v22;
	_ =	sdelay $0x4  }
0x484: {  	v22 =	vld.idx.msk [tilespmem:v22+s4+$0x0], vm0;
	_ =	sdelay $0x4  }
0x485: {  	v23 =	vshrl.u32 v22, $0xB  }
0x486: {  	vm1 =	veq.s32 v23, v21  }
0x487: {  	v22 =	vshrl.u32 v22, $0x7;
	vm0 =	vmand vm0, vm1  }
0x488: {  	p1 =	sne.s32 s21, $0x1;
	v22 =	vand.u32 $0xF, v22  }
.Ltmp32:
0x489: {  	_ = 	snop;
	(pc) =	sbr.rel @p1 .LBB2_53-.Ltmp32, $2  }
0x48a: {  	_ =	sdelay $0x2  }
0x48b: {  	s16 =	sadd.s32 $0x10, s16;
	s20 =	sadd.s32 $0x10, s20;
	s21 =	sadd.s32 $0xFFFFFFFF, s21;
	[tilespmem:v22+s7+$0x0] =	vst.idx.add.s32.msk vm0, v2  }
.LBB2_54:
0x48c: {  	v20 =	vld [tilespmem:$0xA100];
	_ =	sdelay $0x4  }
0x48d: {  	v20 =	vperm.xlane v20, v3;
	_ =	sdelay $0x1  }
0x48e: {  	(xrf0) =	vadd.scan.msk.s32 $0xffff, v20;
	_ =	sdelay $0x5  }
0x48f: {  	s3 =	sshrl.u32 s3, $0xC;
	v21, _, _ =	vpop (xrf0)  }
0x490: {  	s0 =	ssub.s32 s0, s3;
	v20 =	vsub.s32 v21, v20  }
0x491: {  	vm0 =	vge.s32 v21, s0;
	vm1 =	vlt.s32 v20, s0;
	v20 =	vshll.u32 v20, $0xC  }
0x492: {  	vm0 =	vmand vm0, vm1;
	v20 =	vxor.u32 v19, v20  }
0x493: {  	v20 =	vnsel vm0, $0x7FFFFFFF, v20  }
0x494: {  	(xrf0) =	vmax.scan.msk.u32 $0xffff, v20;
	_ =	sdelay $0x5  }
0x495: {  	v20, _, _ =	vpop (xrf0)  }
0x496: {  	(v2sf) =	vpush v20, $0xF;
	_ =	sdelay $0xe  }
0x497: {  	s31 =	spop (v2sf)  }
.Ltmp33:
0x498: {  	s3 =	sxor.u32 $0x80000000, s31;
	(pc) =	sbr.rel @p0 .LBB2_57-.Ltmp33, $4  }
0x499: {  	s9 =	sshra.s32 s3, $0x1F  }
0x49a: {  	s3 =	sor.u32 s9, s3  }
0x49b: {  	s1 =	sshll.u32 s1, $0x4;
	s9 =	sand.u32 $0xFFF, s3  }
0x49c: {  	[tilespmem:$0xA100] =	vst v1;
	s1 =	sadd.s32 s1, s9  }
0x49d: {  	v20 =	vmov s22;
	v21 =	vmov s1;
	s16 =	simm.s32 $0x6000;
	s20 =	simm.s32 $0x0;
	s21 =	smov.u32 s26  }
.LBB2_56:
0x49e: {  	v22 =	vld [tilespmem:s16+$0x0];
	_ =	sdelay $0x2  }
0x49f: {  	v23 =	vor.u32 s20, v0  }
0x4a0: {  	vm0 =	vlt.s32 v23, v20  }
0x4a1: {  	v22 =	vand.u32 $0x1FFF, v22;
	_ =	sdelay $0x4  }
0x4a2: {  	v22 =	vld.idx.msk [tilespmem:v22+s4+$0x0], vm0;
	_ =	sdelay $0x4  }
0x4a3: {  	v23 =	vshrl.u32 v22, $0x7  }
0x4a4: {  	vm1 =	veq.s32 v23, v21  }
0x4a5: {  	v22 =	vshrl.u32 v22, $0x3;
	vm0 =	vmand vm0, vm1  }
0x4a6: {  	p1 =	sne.s32 s21, $0x1;
	v22 =	vand.u32 $0xF, v22  }
.Ltmp34:
0x4a7: {  	_ = 	snop;
	(pc) =	sbr.rel @p1 .LBB2_56-.Ltmp34, $2  }
0x4a8: {  	_ =	sdelay $0x2  }
0x4a9: {  	s16 =	sadd.s32 $0x10, s16;
	s20 =	sadd.s32 $0x10, s20;
	s21 =	sadd.s32 $0xFFFFFFFF, s21;
	[tilespmem:v22+s7+$0x0] =	vst.idx.add.s32.msk vm0, v2  }
.LBB2_57:
0x4aa: {  	v20 =	vld [tilespmem:$0xA100];
	_ =	sdelay $0x4  }
0x4ab: {  	v20 =	vperm.xlane v20, v3;
	_ =	sdelay $0x1  }
0x4ac: {  	(xrf0) =	vadd.scan.msk.s32 $0xffff, v20;
	_ =	sdelay $0x5  }
0x4ad: {  	s3 =	sshrl.u32 s3, $0xC;
	v21, _, _ =	vpop (xrf0)  }
0x4ae: {  	s0 =	ssub.s32 s0, s3;
	v20 =	vsub.s32 v21, v20  }
0x4af: {  	vm0 =	vge.s32 v21, s0;
	vm1 =	vlt.s32 v20, s0;
	v20 =	vshll.u32 v20, $0xC  }
0x4b0: {  	vm0 =	vmand vm0, vm1;
	v20 =	vxor.u32 v19, v20  }
0x4b1: {  	v20 =	vnsel vm0, $0x7FFFFFFF, v20  }
0x4b2: {  	(xrf0) =	vmax.scan.msk.u32 $0xffff, v20;
	_ =	sdelay $0x5  }
0x4b3: {  	v20, _, _ =	vpop (xrf0)  }
0x4b4: {  	(v2sf) =	vpush v20, $0xF;
	_ =	sdelay $0xe  }
0x4b5: {  	s31 =	spop (v2sf)  }
.Ltmp35:
0x4b6: {  	s3 =	sxor.u32 $0x80000000, s31;
	(pc) =	sbr.rel @p0 .LBB2_60-.Ltmp35, $4  }
0x4b7: {  	s9 =	sshra.s32 s3, $0x1F  }
0x4b8: {  	s3 =	sor.u32 s9, s3  }
0x4b9: {  	s1 =	sshll.u32 s1, $0x4;
	s9 =	sand.u32 $0xFFF, s3  }
0x4ba: {  	[tilespmem:$0xA100] =	vst v1;
	s1 =	sadd.s32 s1, s9  }
0x4bb: {  	v20 =	vmov s22;
	v21 =	vmov s1;
	s16 =	simm.s32 $0x6000;
	s20 =	simm.s32 $0x0;
	s21 =	smov.u32 s26  }
.LBB2_59:
0x4bc: {  	v22 =	vld [tilespmem:s16+$0x0];
	_ =	sdelay $0x2  }
0x4bd: {  	v23 =	vor.u32 s20, v0  }
0x4be: {  	vm0 =	vlt.s32 v23, v20  }
0x4bf: {  	v22 =	vand.u32 $0x1FFF, v22;
	_ =	sdelay $0x4  }
0x4c0: {  	v22 =	vld.idx.msk [tilespmem:v22+s4+$0x0], vm0;
	_ =	sdelay $0x4  }
0x4c1: {  	v23 =	vshrl.u32 v22, $0x3  }
0x4c2: {  	vm1 =	veq.s32 v23, v21  }
0x4c3: {  	vm0 =	vmand vm0, vm1  }
0x4c4: {  	p1 =	sne.s32 s21, $0x1;
	v22 =	vand.u32 $0x7, v22  }
.Ltmp36:
0x4c5: {  	_ = 	snop;
	(pc) =	sbr.rel @p1 .LBB2_59-.Ltmp36, $2  }
0x4c6: {  	_ =	sdelay $0x2  }
0x4c7: {  	s16 =	sadd.s32 $0x10, s16;
	s20 =	sadd.s32 $0x10, s20;
	s21 =	sadd.s32 $0xFFFFFFFF, s21;
	[tilespmem:v22+s7+$0x0] =	vst.idx.add.s32.msk vm0, v2  }
.LBB2_60:
0x4c8: {  	v20 =	vld [tilespmem:$0xA100];
	_ =	sdelay $0x4  }
0x4c9: {  	v20 =	vperm.xlane v20, v3;
	_ =	sdelay $0x1  }
0x4ca: {  	(xrf0) =	vadd.scan.msk.s32 $0xffff, v20;
	_ =	sdelay $0x5  }
0x4cb: {  	s3 =	sshrl.u32 s3, $0xC;
	v21, _, _ =	vpop (xrf0)  }
0x4cc: {  	s0 =	ssub.s32 s0, s3;
	v20 =	vsub.s32 v21, v20  }
0x4cd: {  	vm0 =	vge.s32 v21, s0;
	vm1 =	vlt.s32 v20, s0;
	v20 =	vshll.u32 v20, $0xC  }
0x4ce: {  	vm0 =	vmand vm0, vm1;
	v20 =	vxor.u32 v19, v20  }
0x4cf: {  	v20 =	vnsel vm0, $0x7FFFFFFF, v20  }
0x4d0: {  	(xrf0) =	vmax.scan.msk.u32 $0xffff, v20;
	_ =	sdelay $0x5  }
0x4d1: {  	v20, _, _ =	vpop (xrf0)  }
0x4d2: {  	(v2sf) =	vpush v20, $0xF;
	_ =	sdelay $0xe  }
0x4d3: {  	s31 =	spop (v2sf)  }
.Ltmp37:
0x4d4: {  	s3 =	sxor.u32 $0x80000000, s31;
	(pc) =	sbr.rel @p0 .LBB2_61-.Ltmp37, $4  }
0x4d5: {  	s9 =	sshra.s32 s3, $0x1F  }
0x4d6: {  	s3 =	sor.u32 s9, s3  }
0x4d7: {  	s1 =	sshll.u32 s1, $0x3;
	s9 =	sand.u32 $0xFFF, s3  }
0x4d8: {  	s20 =	sadd.s32 s1, s9  }
0x4d9: {  	p0 =	por $0x0, $0x0  }
0x4da: {  	s1 =	sshrl.u32 s3, $0xC;
	s21 =	simm.s32 $0xFFFFFFFF;
	s3 =	simm.s32 @!p0 $0x0  }
0x4db: {  	p5 =	sne.s32 s26, $0x1;
	p1 =	por $0x0, $0x0;
	s3 =	simm.s32 @p0 $0x1  }
0x4dc: {  	p2 =	por $0x0, $0x0;
	[smem:$0x7F3] =	sst s3;
	s3 =	simm.s32 @!p1 $0x0  }
0x4dd: {  	p6 =	por $0x0, $0x0;
	s1 =	ssub.s32 s0, s1;
	s3 =	simm.s32 @p1 $0x1  }
.Ltmp38:
0x4de: {  	[smem:$0x7F4] =	sst s3;
	s3 =	simm.s32 @!p2 $0x0;
	(pc) =	sbr.rel @!p5 .LBB2_63-.Ltmp38, $4  }
0x4df: {  	p3 =	por $0x0, $0x0;
	v20 =	vmov s1;
	s1 =	simm.s32 @!p6 $0x0;
	s3 =	simm.s32 @p2 $0x1  }
0x4e0: {  	s1 =	simm.s32 @p6 $0x1;
	[smem:$0x7F5] =	sst s3;
	s3 =	simm.s32 @!p3 $0x0  }
0x4e1: {  	s25 =	simm.s32 $0x6000;
	[smem:$0x7F7] =	sst s1;
	s3 =	simm.s32 @p3 $0x1  }
0x4e2: {  	s24 =	simm.s32 $0x0;
	v22 =	vmov s22;
	v21 =	vmov s20;
	s0 =	sadd.s32 $0xFFFFFFFF, s26;
	[smem:$0x7F6] =	sst s3  }
0x4e3: {  	v23 =	vld [tilespmem:s25+$0x0];
	p5 =	sne.s32 s0, $0x1  }
.Ltmp39:
0x4e4: {  	_ = 	snop;
	(pc) =	sbr.rel @!p5 .LBB2_65-.Ltmp39, $3  }
0x4e5: {  	_ =	sdelay $0x1  }
0x4e6: {  	v24 =	vor.u32 s24, v0  }
0x4e7: {  	s0 =	sadd.s32 $0xFFFFFFFF, s0;
	s25 =	simm.s32 $0x6010;
	vm4 =	vlt.s32 v24, v22;
	v24 =	vand.u32 $0x1FFF, v23  }
0x4e8: {  	v23 =	vld [tilespmem:s25+$0x0];
	p5 =	sne.s32 s0, $0x1  }
.Ltmp40:
0x4e9: {  	_ = 	snop;
	(pc) =	sbr.rel @!p5 .LBB2_67-.Ltmp40, $4  }
0x4ea: {  	p0 =	por $0x1, $0x1  }
0x4eb: {  	s22 =	simm.s32 $0x10;
	s1 =	simm.s32 @!p0 $0x0  }
0x4ec: {  	v25 =	vor.u32 s22, v0;
	s1 =	simm.s32 @p0 $0x1  }
0x4ed: {  	vm5 =	vmmov vm4;
	v26 =	vld.idx.msk [tilespmem:v24+s4+$0x0], vm4;
	s0 =	sadd.s32 $0xFFFFFFFF, s0;
	s25 =	simm.s32 $0x6020;
	vm4 =	vlt.s32 v25, v22;
	[smem:$0x7F3] =	sst s1;
	v23 =	vand.u32 $0x1FFF, v23  }
0x4ee: {  	_ =	sdelay $0x1  }
0x4ef: {  	v25 =	vld [tilespmem:s25+$0x0];
	p5 =	sne.s32 s0, $0x1  }
.Ltmp41:
0x4f0: {  	_ = 	snop;
	(pc) =	sbr.rel @!p5 .LBB2_69-.Ltmp41, $4  }
0x4f1: {  	p1 =	por $0x1, $0x1;
	vm0 =	veq.s32 v26, v21  }
0x4f2: {  	s22 =	simm.s32 $0x20;
	s1 =	simm.s32 @!p1 $0x0;
	vm0 =	vmand vm5, vm0  }
0x4f3: {  	s0 =	sadd.s32 $0xFFFFFFFF, s0;
	v28 =	vor.u32 s22, v0;
	s1 =	simm.s32 @p1 $0x1;
	vm5 =	vmmov vm4;
	v27 =	vsel vm0, $0x1, v1  }
0x4f4: {  	s25 =	simm.s32 $0x6030;
	p0 =	por $0x1, $0x1;
	[smem:$0x7F4] =	sst s1;
	v26 =	vld.idx.msk [tilespmem:v23+s4+$0x0], vm4;
	vm4 =	vlt.s32 v28, v22;
	vm7 =	vmmov vm0;
	(xrf0) =	vadd.scan.msk.s32 $0xffff, v27;
	v27 =	vand.u32 $0x1FFF, v25  }
0x4f5: {  	_ =	sdelay $0x1  }
0x4f6: {  	v25 =	vld [tilespmem:s25+$0x0];
	p5 =	sne.s32 s0, $0x1  }
.Ltmp42:
0x4f7: {  	_ = 	snop;
	(pc) =	sbr.rel @!p5 .LBB2_71-.Ltmp42, $4  }
0x4f8: {  	s22 =	simm.s32 $0x30;
	p2 =	por $0x1, $0x1;
	vm0 =	veq.s32 v26, v21  }
0x4f9: {  	vm12 =	vmmov vm7;
	v29 =	vor.u32 s22, v0;
	s1 =	simm.s32 @!p2 $0x0;
	vm0 =	vmand vm5, vm0  }
0x4fa: {  	s1 =	simm.s32 @p2 $0x1;
	v26 =	vld.idx.msk [tilespmem:v27+s4+$0x0], vm4;
	v31, _, _ =	vpop (xrf0);
	vm5 =	vmmov vm4;
	vm4 =	vlt.s32 v29, v22;
	v28 =	vsel vm0, $0x1, v1  }
0x4fb: {  	s0 =	sadd.s32 $0xFFFFFFFF, s0;
	s25 =	simm.s32 $0x6040;
	[smem:$0x7F5] =	sst s1;
	v25 =	vand.u32 $0x1FFF, v25;
	(v2sf) =	vpush v31, $0xF;
	vm7 =	vmmov vm0;
	(xrf0) =	vadd.scan.msk.s32 $0xffff, v28  }
0x4fc: {  	_ =	sdelay $0x1  }
0x4fd: {  	v29 =	vld [tilespmem:s25+$0x0];
	p5 =	sne.s32 s0, $0x1  }
.Ltmp43:
0x4fe: {  	v24 =	vor.u32 $0x80000000, v24;
	vm0 =	veq.s32 v26, v21;
	v26 =	vadd.s32 s24, v31;
	(pc) =	sbr.rel @!p5 .LBB2_73-.Ltmp43, $4  }
0x4ff: {  	s22 =	simm.s32 $0x40;
	vm6 =	vmmov vm7;
	p3 =	por $0x1, $0x1;
	vm0 =	vmand vm5, vm0;
	vm1 =	veq.s32 v26, v20  }
0x500: {  	s1 =	simm.s32 @!p3 $0x0;
	v31 =	vor.u32 s22, v0;
	v30 =	vsel vm0, $0x1, v1;
	vm1 =	vmand vm12, vm1  }
0x501: {  	s0 =	sadd.s32 $0xFFFFFFFF, s0;
	s1 =	simm.s32 @p3 $0x1;
	vm5 =	vmmov vm4;
	v26 =	vld.idx.msk [tilespmem:v25+s4+$0x0], vm4;
	vm4 =	vlt.s32 v31, v22;
	v28, _, _ =	vpop (xrf0);
	(xrf0) =	vadd.scan.msk.s32 $0xffff, v30;
	v24 =	vnsel vm1, $0x7FFFFFFF, v24  }
0x502: {  	s25 =	simm.s32 $0x6050;
	p4 =	por $0x0, $0x0;
	[smem:$0x7F6] =	sst s1;
	v29 =	vand.u32 $0x1FFF, v29;
	vm7 =	vmmov vm0;
	(v2sf) =	vpush v28, $0xF;
	(xrf0) =	vmax.scan.msk.u32 $0xffff, v24  }
0x503: {  	_ =	sdelay $0x5  }
0x504: {  	v24 =	vld [tilespmem:s25+$0x0];
	s31 =	spop (v2sf)  }
0x505: {  	s22 =	simm.s32 $0x50;
	v33 =	vor.u32 $0x80000000, v23;
	p5 =	sne.s32 s0, $0x1;
	s28 =	sadd.s32 $0x0, s31  }
.Ltmp44:
0x506: {  	v32 =	vor.u32 s22, v0;
	vm0 =	veq.s32 v26, v21;
	v26 =	vadd.s32 s28, v28;
	(pc) =	sbr.rel @!p5 .LBB2_75-.Ltmp44, $4  }
0x507: {  	vm0 =	vmand vm5, vm0;
	v30, _, _ =	vpop (xrf0);
	vm5 =	vmmov vm4;
	vm1 =	veq.s32 v26, v20  }
0x508: {  	s1 =	simm.s32 @!p4 $0x0;
	v31 =	vsel vm0, $0x1, v1;
	(v2sf) =	vpush v30, $0xF;
	vm1 =	vmand vm6, vm1  }
0x509: {  	s0 =	sadd.s32 $0xFFFFFFFF, s0;
	s1 =	simm.s32 @p4 $0x1;
	(xrf0) =	vadd.scan.msk.s32 $0xffff, v31;
	v26 =	vld.idx.msk [tilespmem:v29+s4+$0x0], vm4;
	vm4 =	vlt.s32 v32, v22;
	v32 =	vand.u32 $0x1FFF, v24;
	v24, _, _ =	vpop (xrf0);
	v31 =	vnsel vm1, $0x7FFFFFFF, v33  }
0x50a: {  	s25 =	simm.s32 $0x6060;
	vm9 =	vmmov vm7;
	p4 =	por $0x1, $0x1;
	[smem:$0x7F2] =	sst s1;
	vm8 =	vmmov vm0;
	(v2sf) =	vpush v24, $0xF;
	(xrf0) =	vmax.scan.msk.u32 $0xffff, v31  }
0x50b: {  	_ =	sdelay $0x1  }
0x50c: {  	s1 =	spop (v2sf)  }
0x50d: {  	s28 =	sadd.s32 s28, s1  }
0x50e: {  	s22 =	simm.s32 $0x60;
	vm0 =	veq.s32 v26, v21;
	v26 =	vadd.s32 s28, v30;
	v33, _, _ =	vpop (xrf0)  }
0x50f: {  	vm1 =	veq.s32 v26, v20;
	v26 =	vor.u32 s22, v0;
	(v2sf) =	vpush v33, $0xF;
	_ =	sdelay $0x2  }
0x510: {  	vm10 =	vmmov vm4;
	v36 =	vld.idx.msk [tilespmem:v32+s4+$0x0], vm4;
	vm4 =	vlt.s32 v26, v22;
	v26, _, _ =	vpop (xrf0)  }
0x511: {  	(v2sf) =	vpush v26, $0xF;
	_ =	sdelay $0x2  }
0x512: {  	v24 =	vld [tilespmem:s25+$0x0];
	p5 =	sne.s32 s0, $0x1  }
.Ltmp45:
0x513: {  	_ = 	snop;
	(pc) =	sbr.rel @!p5 .LBB2_77-.Ltmp45, $4  }
0x514: {  	p6 =	por $0x1, $0x1;
	vm0 =	vmand vm5, vm0  }
0x515: {  	v34 =	vor.u32 $0x80000000, v27;
	s1 =	simm.s32 @!p6 $0x0;
	v31 =	vsel vm0, $0x1, v1;
	vm1 =	vmand vm9, vm1  }
0x516: {  	s1 =	simm.s32 @p6 $0x1;
	(xrf0) =	vadd.scan.msk.s32 $0xffff, v31;
	v31 =	vnsel vm1, $0x7FFFFFFF, v34  }
0x517: {  	s0 =	sadd.s32 $0xFFFFFFFF, s0;
	s25 =	simm.s32 $0x6070;
	vm11 =	vmmov vm8;
	[smem:$0x7F7] =	sst s1;
	v24 =	vand.u32 $0x1FFF, v24;
	vm13 =	vmmov vm0;
	(xrf0) =	vmax.scan.msk.u32 $0xffff, v31  }
0x518: {  	_ =	sdelay $0x3  }
0x519: {  	v31, _, _ =	vpop (xrf0)  }
0x51a: {  	(v2sf) =	vpush v31, $0xF;
	v62, _, _ =	vpop (xrf0)  }
0x51b: {  	v34 =	vld [tilespmem:s25+$0x0];
	s1 =	spop (v2sf);
	vm0 =	veq.s32 v36, v21;
	(v2sf) =	vpush v62, $0xF  }
0x51c: {  	p6 =	sne.s32 s0, $0x1;
	s28 =	sadd.s32 s28, s1;
	vm0 =	vmand vm10, vm0  }
.Ltmp46:
0x51d: {  	v26 =	vadd.s32 s28, v33;
	v35 =	vsel vm0, $0x1, v1;
	(pc) =	sbr.rel @!p6 .LBB2_79-.Ltmp46, $4  }
0x51e: {  	vm5 =	vmmov vm4;
	s22 =	simm.s32 $0x70;
	v38 =	vor.u32 $0x80000000, v25;
	p4 =	por $0x1, $0x1;
	vm1 =	veq.s32 v26, v20;
	v26 =	vld.idx.msk [tilespmem:v24+s4+$0x0], vm4;
	(xrf0) =	vadd.scan.msk.s32 $0xffff, v35  }
0x51f: {  	s0 =	sadd.s32 $0xFFFFFFFF, s0;
	vm12 =	vmmov vm13;
	v37 =	vor.u32 s22, v0;
	s31 =	spop (v2sf);
	s1 =	simm.s32 @!p4 $0x0;
	vm1 =	vmand vm11, vm1  }
0x520: {  	s25 =	simm.s32 $0x6080;
	s29 =	sxor.u32 $0x80000000, s31;
	vm7 =	vmmov vm0;
	s1 =	simm.s32 @p4 $0x1;
	v34 =	vand.u32 $0x1FFF, v34;
	v63 =	vnsel vm1, $0x7FFFFFFF, v38  }
0x521: {  	s26 =	simm.s32 $0xFFFFFFFF;
	vm4 =	vlt.s32 v37, v22;
	p5 =	slt.s32 s29, $0xFFFFFFFF;
	[smem:$0x7F2] =	sst s1;
	v38 =	vmovc v29;
	v35 =	vmov v32;
	(xrf0) =	vmax.scan.msk.u32 $0xffff, v63;
	v39 =	vmov v34  }
.LBB2_80:
0x522: {  	s1 =	smov.u32 s26;
	s26 =	smov.u32 s29  }
0x523: {  	p6 =	sne.s32 s0, $0x1;
	s0 =	sadd.s32 $0xFFFFFFFF, s0;
	vm0 =	veq.s32 v26, v21;
	v37 =	vld [tilespmem:s25+$0x0];
	s26 =	smov.u32 @p5 s1  }
0x524: {  	vm0 =	vmand vm5, vm0;
	vm5 =	vmmov vm4;
	v40, _, _ =	vpop (xrf0);
	s1 =	spop (v2sf)  }
0x525: {  	s22 =	sadd.s32 $0x10, s22;
	v26 =	vld.idx.msk [tilespmem:v34+s4+$0x0], vm4;
	v34 =	vsel vm0, $0x1, v1;
	(v2sf) =	vpush v40, $0xF;
	s28 =	sadd.s32 s28, s1  }
.Ltmp47:
0x526: {  	v41 =	vor.u32 s22, v0;
	(xrf0) =	vadd.scan.msk.s32 $0xffff, v34;
	v34 =	vadd.s32 s28, v31;
	v31 =	vmov v40;
	(pc) =	sbr.rel @p6 .LBB2_80-.Ltmp47, $4  }
0x527: {  	vm4 =	vlt.s32 v41, v22;
	vm1 =	veq.s32 v34, v20  }
0x528: {  	v34 =	vand.u32 $0x1FFF, v37;
	vm1 =	vmand vm12, vm1;
	v37 =	vor.u32 $0x80000000, v38;
	v38, _, _ =	vpop (xrf0);
	s1 =	spop (v2sf)  }
0x529: {  	v37 =	vnsel vm1, $0x7FFFFFFF, v37;
	(v2sf) =	vpush v38, $0xF;
	s29 =	sxor.u32 $0x80000000, s1;
	v38 =	vmovc v35;
	v35 =	vmovc v24;
	v24 =	vmov v39  }
0x52a: {  	s25 =	sadd.s32 $0x10, s25;
	vm12 =	vmmov vm7;
	vm7 =	vmmov vm0;
	v39 =	vmovc v34;
	(xrf0) =	vmax.scan.msk.u32 $0xffff, v37;
	p5 =	sgt.s32 s26, s29  }
0x52b: {  	v37 =	vmov v24;
	v24 =	vmov v39;
	p4 =	por $0x1, $0x1  }
.LBB2_82:
0x52c: {  	_ =	sdelay $0x1  }
0x52d: {  	s0 =	sld [smem:$0x7F6]  }
0x52e: {  	s1 =	sld [smem:$0x7F3];
	_ =	sdelay $0x1  }
0x52f: {  	v34 =	vld.idx.msk @p0 [tilespmem:v34+s4+$0x0], vm4;
	s12 =	sld [smem:$0x7F5];
	p6 =	seq.s32 s0, $0x1  }
0x530: {  	s16 =	sld [smem:$0x7F4];
	p1 =	seq.s32 s1, $0x1;
	s0 =	spop @p6 (v2sf)  }
0x531: {  	s1 =	simm.s32 $0x0;
	vm0 =	veq.s32 @p1 v26, v21;
	s0 =	sadd.s32 @p6 s28, s0  }
0x532: {  	p3 =	seq.s32 s12, $0x1;
	vm1 =	vmand @p1 vm5, vm0;
	s1 =	smov.u32 @p6 s0  }
0x533: {  	p2 =	seq.s32 s16, $0x1;
	vm0 =	vmmov @p0 vm4;
	v26 =	vsel @p1 vm1, $0x1, v1;
	v31 =	vadd.s32 @p3 s1, v31  }
0x534: {  	v39, _, _ =	vpop @p2 (xrf0);
	vm10 =	vmmov @p0 vm0;
	(xrf0) =	vadd.scan.msk.s32 @p1 $0xffff, v26;
	v26 =	vpsel p0, v34, v36;
	vm4 =	veq.s32 @p3 v31, v20  }
0x535: {  	v31 =	vor.u32 @p3 $0x80000000, v38;
	vm0 =	veq.s32 @p0 v26, v21;
	vm4 =	vmand @p3 vm12, vm4  }
0x536: {  	(v2sf) =	vpush @p2 v39, $0xF;
	vm0 =	vmand @p0 vm10, vm0;
	v26 =	vnsel @p3 vm4, $0x7FFFFFFF, v31  }
0x537: {  	(xrf0) =	vmax.scan.msk.u32 @p3 $0xffff, v26;
	v26 =	vsel @p0 vm0, $0x1, v1  }
0x538: {  	s0 =	simm.s32 @!p6 $0x0  }
0x539: {  	v58 =	vld [tilespmem:s25+$0x0];
	s25 =	sld [smem:$0x7F7];
	s0 =	simm.s32 @p6 $0x1;
	v34, _, _ =	vpop @p6 (xrf0);
	(xrf0) =	vadd.scan.msk.s32 @p0 $0xffff, v26  }
0x53a: {  	s3 =	simm.s32 $0x0;
	[smem:$0x7F6] =	sst s0;
	s0 =	sadd.s32 @p0 $0x10, s22;
	(v2sf) =	vpush @p6 v34, $0xF;
	v26, _, _ =	vpop @p1 (xrf0)  }
0x53b: {  	s3 =	smov.u32 @p0 s0;
	(v2sf) =	vpush @p1 v26, $0xF  }
0x53c: {  	p6 =	seq.s32 s25, $0x1;
	v59 =	vor.u32 s3, v0  }
0x53d: {  	s0 =	simm.s32 @!p6 $0x0;
	vm4 =	vlt.s32 v59, v22  }
0x53e: {  	v60 =	vand.u32 $0x1FFF, v58;
	s0 =	simm.s32 @p6 $0x1;
	s3 =	spop @p6 (v2sf);
	v31, _, _ =	vpop @p3 (xrf0)  }
0x53f: {  	[smem:$0x7F7] =	sst s0;
	s0 =	spop @p3 (v2sf);
	(v2sf) =	vpush @p3 v31, $0xF;
	v31, _, _ =	vpop @p0 (xrf0)  }
0x540: {  	v34 =	vmov @p2 v39;
	(v2sf) =	vpush @p0 v31, $0xF  }
0x541: {  	s0 =	sadd.s32 @p3 s1, s0;
	s1 =	simm.s32 $0x0  }
0x542: {  	v33 =	vpsel p2, v34, v33;
	s1 =	smov.u32 @p3 s0  }
0x543: {  	vm5 =	vmmov @p2 vm7;
	s28 =	sld [smem:$0x7F2];
	v34 =	vmov @p2 v35;
	v33 =	vadd.s32 @p2 s1, v33;
	v61 =	vld.idx.msk [tilespmem:v60+s4+$0x0], vm4  }
0x544: {  	vm11 =	vmmov @p2 vm5;
	s10 =	sld [smem:$0x7F6];
	v34 =	vpsel p2, v34, v25;
	s0 =	spop @p4 (v2sf);
	vm5 =	veq.s32 @p2 v33, v20  }
0x545: {  	vm1 =	vmmov @p1 vm1;
	p6 =	por p4, p4;
	s12 =	sld [smem:$0x7F7];
	v33 =	vor.u32 @p2 $0x80000000, v34;
	vm5 =	vmand @p2 vm11, vm5;
	s9 =	spop @p2 (v2sf)  }
0x546: {  	vm13 =	vmmov @p1 vm1;
	p4 =	seq.s32 s28, $0x1;
	v33 =	vnsel @p2 vm5, $0x7FFFFFFF, v33;
	s1 =	sadd.s32 @p2 s1, s9;
	s9 =	simm.s32 $0x0  }
0x547: {  	vm1 =	vmmov vm4;
	p5 =	por !p5, !p4;
	v26 =	vpsel p1, v26, v30;
	vm4 =	vmmov @p1 vm13;
	(xrf0) =	vmax.scan.msk.u32 @p2 $0xffff, v33;
	s9 =	smov.u32 @p2 s1  }
0x548: {  	v34 =	vmovc @p1 v37;
	s26 =	smov.u32 @p5 s29;
	p5 =	seq.s32 s10, $0x1;
	vm9 =	vmmov @p1 vm4;
	vm4 =	veq.s32 v61, v21;
	s1 =	simm.s32 $0xFFFFFFFF;
	v21 =	vadd.s32 @p1 s9, v26  }
0x549: {  	v24 =	vpsel p0, v24, v32;
	v29 =	vpsel p1, v34, v29;
	vm1 =	vmand vm1, vm4;
	s10 =	spop @p5 (v2sf);
	s1 =	smov.u32 @p4 s26;
	p4 =	seq.s32 s12, $0x1  }
0x54a: {  	v26 =	vpsel p1, v29, v27;
	vm4 =	veq.s32 @p1 v21, v20;
	s3 =	sxor.u32 @p4 $0x80000000, s3;
	v62 =	vsel vm1, $0x1, v1;
	s12 =	spop @p1 (v2sf)  }
0x54b: {  	vm0 =	vmmov @p0 vm0;
	v26 =	vor.u32 @p1 $0x80000000, v26;
	vm4 =	vmand @p1 vm9, vm4;
	(xrf0) =	vadd.scan.msk.s32 $0xffff, v62;
	p5 =	sgt.s32 @p4 s1, s3;
	v21 =	vmovc @p0 v31;
	s9 =	sadd.s32 @p1 s9, s12;
	s12 =	simm.s32 $0x0  }
0x54c: {  	vm8 =	vmmov @p0 vm0;
	v26 =	vnsel @p1 vm4, $0x7FFFFFFF, v26;
	p5 =	por @!p4 p0, p0;
	v21 =	vpsel p0, v21, v28;
	s12 =	smov.u32 @p1 s9  }
0x54d: {  	v24 =	vpsel p0, v24, v25;
	vm0 =	vmmov @p0 vm8;
	v25, _, _ =	vpop @p2 (xrf0);
	s3 =	smov.u32 @p4 s3;
	(xrf0) =	vmax.scan.msk.u32 @p1 $0xffff, v26;
	p5 =	por !p5, !p4;
	v21 =	vadd.s32 @p0 s12, v21  }
0x54e: {  	v23 =	vpsel p0, v24, v23;
	vm6 =	vmmov @p0 vm0;
	s1 =	smov.u32 @p5 s3;
	s3 =	simm.s32 $0xFFFFFFFF;
	s9 =	spop @p3 (v2sf);
	vm0 =	veq.s32 @p0 v21, v20  }
0x54f: {  	(v2sf) =	vpush @p2 v25, $0xF;
	s3 =	smov.u32 @p4 s1;
	v21 =	vor.u32 @p0 $0x80000000, v23;
	s1 =	spop @p0 (v2sf);
	vm0 =	vmand @p0 vm6, vm0  }
0x550: {  	s0 =	sxor.u32 @p6 $0x80000000, s0;
	s1 =	sadd.s32 @p0 s12, s1;
	v21 =	vnsel @p0 vm0, $0x7FFFFFFF, v21  }
0x551: {  	s29 =	sld [smem:$0x7F6];
	p5 =	sgt.s32 @p6 s3, s0;
	v63, _, _ =	vpop (xrf0);
	s24 =	smov.u32 @p0 s1  }
0x552: {  	p5 =	por @!p6 p0, p0;
	vm0 =	vmmov vm1;
	(xrf0) =	vmax.scan.msk.u32 @p0 $0xffff, v21;
	v23 =	vadd.s32 s24, v63  }
0x553: {  	s0 =	smov.u32 @p6 s0;
	p5 =	por !p5, !p6;
	(v2sf) =	vpush v63, $0xF;
	vm0 =	vmmov vm0;
	vm1 =	veq.s32 v23, v20;
	v21, _, _ =	vpop @p1 (xrf0)  }
0x554: {  	p4 =	seq.s32 s29, $0x1;
	s3 =	smov.u32 @p5 s0;
	s0 =	simm.s32 $0xFFFFFFFF;
	v20 =	vor.u32 $0x80000000, v60;
	vm0 =	vmand vm0, vm1;
	(v2sf) =	vpush @p1 v21, $0xF  }
0x555: {  	s0 =	smov.u32 @p6 s3;
	s1 =	sxor.u32 @p4 $0x80000000, s10;
	v20 =	vnsel vm0, $0x7FFFFFFF, v20  }
0x556: {  	p5 =	sgt.s32 @p4 s0, s1  }
0x557: {  	p5 =	por @!p4 p0, p0;
	(xrf0) =	vmax.scan.msk.u32 $0xffff, v20  }
0x558: {  	s1 =	smov.u32 @p4 s1;
	p5 =	por !p5, !p4;
	v20, _, _ =	vpop @p0 (xrf0)  }
0x559: {  	s0 =	smov.u32 @p5 s1;
	s1 =	simm.s32 $0xFFFFFFFF;
	(v2sf) =	vpush @p0 v20, $0xF  }
0x55a: {  	s3 =	sxor.u32 @p3 $0x80000000, s9;
	s1 =	smov.u32 @p4 s0  }
0x55b: {  	p4 =	sgt.s32 @p3 s1, s3  }
0x55c: {  	p4 =	por @!p3 p0, p0  }
0x55d: {  	s0 =	smov.u32 @p3 s3;
	p4 =	por !p4, !p3;
	v20, _, _ =	vpop (xrf0)  }
0x55e: {  	s3 =	simm.s32 $0xFFFFFFFF;
	s1 =	smov.u32 @p4 s0;
	s0 =	spop @p2 (v2sf);
	(v2sf) =	vpush v20, $0xF  }
0x55f: {  	s0 =	sxor.u32 @p2 $0x80000000, s0;
	s3 =	smov.u32 @p3 s1  }
0x560: {  	p3 =	sgt.s32 @p2 s3, s0  }
0x561: {  	p3 =	por @!p2 p0, p0  }
0x562: {  	s0 =	smov.u32 @p2 s0;
	s30 =	spop (v2sf);
	p3 =	por !p3, !p2  }
0x563: {  	s1 =	simm.s32 $0xFFFFFFFF;
	s3 =	smov.u32 @p3 s0;
	s0 =	spop @p1 (v2sf)  }
0x564: {  	s1 =	smov.u32 @p2 s3;
	s0 =	sxor.u32 @p1 $0x80000000, s0  }
0x565: {  	p2 =	sgt.s32 @p1 s1, s0  }
0x566: {  	p2 =	por @!p1 p0, p0  }
0x567: {  	s0 =	smov.u32 @p1 s0;
	p2 =	por !p2, !p1  }
0x568: {  	s3 =	simm.s32 $0xFFFFFFFF;
	s1 =	smov.u32 @p2 s0;
	s0 =	spop @p0 (v2sf)  }
0x569: {  	s0 =	sxor.u32 @p0 $0x80000000, s0;
	s3 =	smov.u32 @p1 s1  }
0x56a: {  	p1 =	sgt.s32 @p0 s3, s0  }
0x56b: {  	p1 =	por @!p0 p0, p0  }
.Ltmp48:
0x56c: {  	s0 =	smov.u32 @p0 s0;
	p1 =	por !p1, !p0;
	(pc) =	sbr.rel .LBB2_83-.Ltmp48, $4  }
0x56d: {  	s31 =	spop (v2sf);
	s3 =	smov.u32 @p1 s0  }
0x56e: {  	s0 =	sxor.u32 $0x80000000, s31;
	s21 =	smov.u32 @p0 s3  }
0x56f: {  	p0 =	sgt.s32 s21, s0  }
0x570: {  	s0 =	smov.u32 @p0 s21  }
.LBB2_25:
.Ltmp49:
0x571: {  	(pc) =	sbr.rel .LBB2_44-.Ltmp49, $4  }
0x572: {  	p4 =	por $0x0, $0x0  }
0x573: {  	p0 =	por $0x0, $0x0;
	s0 =	simm.s32 @!p4 $0x0  }
0x574: {  	s28 =	simm.s32 $0xFFFFFFFF;
	s25 =	simm.s32 $0x0;
	s0 =	simm.s32 @p4 $0x1  }
0x575: {  	s29 =	simm.s32 $0x0;
	p4 =	por $0x0, $0x0;
	[smem:$0x7F8] =	sst s0  }
.LBB2_63:
.Ltmp50:
0x576: {  	(pc) =	sbr.rel .LBB2_82-.Ltmp50, $4  }
0x577: {  	p4 =	por $0x0, $0x0  }
0x578: {  	p0 =	por $0x0, $0x0;
	s0 =	simm.s32 @!p4 $0x0  }
0x579: {  	s26 =	simm.s32 $0xFFFFFFFF;
	s22 =	simm.s32 $0x0;
	s0 =	simm.s32 @p4 $0x1  }
0x57a: {  	s28 =	simm.s32 $0x0;
	p4 =	por $0x0, $0x0;
	[smem:$0x7F2] =	sst s0  }
.LBB2_27:
.Ltmp51:
0x57b: {  	(pc) =	sbr.rel .LBB2_44-.Ltmp51, $4  }
0x57c: {  	p4 =	por $0x0, $0x0  }
0x57d: {  	p0 =	por $0x1, $0x1;
	s0 =	simm.s32 @!p4 $0x0  }
0x57e: {  	s28 =	simm.s32 $0xFFFFFFFF;
	s25 =	simm.s32 $0x0;
	s0 =	simm.s32 @p4 $0x1  }
0x57f: {  	v35 =	vmov v25;
	s29 =	simm.s32 $0x0;
	p4 =	por $0x0, $0x0;
	[smem:$0x7F8] =	sst s0  }
.LBB2_65:
.Ltmp52:
0x580: {  	(pc) =	sbr.rel .LBB2_82-.Ltmp52, $4  }
0x581: {  	p4 =	por $0x0, $0x0  }
0x582: {  	p0 =	por $0x1, $0x1;
	s0 =	simm.s32 @!p4 $0x0  }
0x583: {  	s26 =	simm.s32 $0xFFFFFFFF;
	s22 =	simm.s32 $0x0;
	s0 =	simm.s32 @p4 $0x1  }
0x584: {  	v34 =	vmov v24;
	s28 =	simm.s32 $0x0;
	p4 =	por $0x0, $0x0;
	[smem:$0x7F2] =	sst s0  }
.LBB2_29:
.Ltmp53:
0x585: {  	(pc) =	sbr.rel .LBB2_44-.Ltmp53, $4  }
0x586: {  	p4 =	por $0x0, $0x0  }
0x587: {  	s0 =	simm.s32 @!p4 $0x0  }
0x588: {  	p0 =	por $0x1, $0x1;
	s28 =	simm.s32 $0xFFFFFFFF;
	s0 =	simm.s32 @p4 $0x1  }
0x589: {  	v38 =	vmov v25;
	v35 =	vmov v24;
	v25 =	vmov v24;
	s29 =	simm.s32 $0x0;
	p4 =	por $0x0, $0x0;
	[smem:$0x7F8] =	sst s0  }
.LBB2_67:
.Ltmp54:
0x58a: {  	(pc) =	sbr.rel .LBB2_82-.Ltmp54, $4  }
0x58b: {  	p4 =	por $0x0, $0x0  }
0x58c: {  	s0 =	simm.s32 @!p4 $0x0  }
0x58d: {  	p0 =	por $0x1, $0x1;
	s26 =	simm.s32 $0xFFFFFFFF;
	s0 =	simm.s32 @p4 $0x1  }
0x58e: {  	v37 =	vmov v24;
	v34 =	vmov v23;
	v24 =	vmov v23;
	s28 =	simm.s32 $0x0;
	p4 =	por $0x0, $0x0;
	[smem:$0x7F2] =	sst s0  }
.LBB2_31:
.Ltmp55:
0x58f: {  	(pc) =	sbr.rel .LBB2_44-.Ltmp55, $4  }
0x590: {  	p4 =	por $0x0, $0x0  }
0x591: {  	s0 =	simm.s32 @!p4 $0x0  }
0x592: {  	s28 =	simm.s32 $0xFFFFFFFF;
	s0 =	simm.s32 @p4 $0x1  }
0x593: {  	v36 =	vmovc v25;
	v35 =	vmov v28;
	v38 =	vmov v24;
	v25 =	vmov v28;
	s29 =	simm.s32 $0x0;
	p4 =	por $0x0, $0x0;
	[smem:$0x7F8] =	sst s0  }
.LBB2_69:
.Ltmp56:
0x594: {  	(pc) =	sbr.rel .LBB2_82-.Ltmp56, $4  }
0x595: {  	p4 =	por $0x0, $0x0  }
0x596: {  	s0 =	simm.s32 @!p4 $0x0  }
0x597: {  	s26 =	simm.s32 $0xFFFFFFFF;
	s0 =	simm.s32 @p4 $0x1  }
0x598: {  	v35 =	vmovc v24;
	v34 =	vmov v27;
	v37 =	vmov v23;
	v24 =	vmov v27;
	s28 =	simm.s32 $0x0;
	p4 =	por $0x0, $0x0;
	[smem:$0x7F2] =	sst s0  }
.LBB2_33:
.Ltmp57:
0x599: {  	(pc) =	sbr.rel .LBB2_44-.Ltmp57, $4  }
0x59a: {  	p4 =	por $0x0, $0x0  }
0x59b: {  	s0 =	simm.s32 @!p4 $0x0  }
0x59c: {  	s28 =	simm.s32 $0xFFFFFFFF;
	s0 =	simm.s32 @p4 $0x1  }
0x59d: {  	v39 =	vmovc v25;
	v35 =	vmovc v26;
	v36 =	vmov v24;
	v38 =	vmov v28;
	v25 =	vmov v26;
	s29 =	simm.s32 $0x0;
	p4 =	por $0x0, $0x0;
	[smem:$0x7F8] =	sst s0  }
.LBB2_71:
.Ltmp58:
0x59e: {  	(pc) =	sbr.rel .LBB2_82-.Ltmp58, $4  }
0x59f: {  	p4 =	por $0x0, $0x0  }
0x5a0: {  	s0 =	simm.s32 @!p4 $0x0  }
0x5a1: {  	s26 =	simm.s32 $0xFFFFFFFF;
	s0 =	simm.s32 @p4 $0x1  }
0x5a2: {  	v38 =	vmovc v24;
	v34 =	vmovc v25;
	v35 =	vmov v23;
	v37 =	vmov v27;
	v24 =	vmov v25;
	s28 =	simm.s32 $0x0;
	p4 =	por $0x0, $0x0;
	[smem:$0x7F2] =	sst s0  }
.LBB2_35:
.Ltmp59:
0x5a3: {  	(pc) =	sbr.rel .LBB2_44-.Ltmp59, $4  }
0x5a4: {  	_ = 	snop  }
0x5a5: {  	s0 =	simm.s32 @!p4 $0x0  }
0x5a6: {  	v35 =	vmov v30;
	v36 =	vmov v28;
	s28 =	simm.s32 $0xFFFFFFFF;
	s0 =	simm.s32 @p4 $0x1  }
0x5a7: {  	v38 =	vmovc v26;
	v25 =	vmovc v30;
	s29 =	simm.s32 $0x0;
	v32 =	vmov v29;
	vm12 =	vmmov vm6;
	v39 =	vmov v24;
	p4 =	por $0x0, $0x0;
	[smem:$0x7F8] =	sst s0  }
.LBB2_73:
.Ltmp60:
0x5a8: {  	(pc) =	sbr.rel .LBB2_82-.Ltmp60, $4  }
0x5a9: {  	_ = 	snop  }
0x5aa: {  	s0 =	simm.s32 @!p4 $0x0  }
0x5ab: {  	v34 =	vmov v29;
	v35 =	vmov v27;
	s26 =	simm.s32 $0xFFFFFFFF;
	s0 =	simm.s32 @p4 $0x1  }
0x5ac: {  	v37 =	vmovc v25;
	v24 =	vmovc v29;
	s28 =	simm.s32 $0x0;
	v31 =	vmov v28;
	vm12 =	vmmov vm6;
	v38 =	vmov v23;
	p4 =	por $0x0, $0x0;
	[smem:$0x7F2] =	sst s0  }
.LBB2_37:
.Ltmp61:
0x5ad: {  	(pc) =	sbr.rel .LBB2_44-.Ltmp61, $3  }
0x5ae: {  	_ =	sdelay $0x1  }
0x5af: {  	v35 =	vmov v33;
	v38 =	vmov v30;
	v25 =	vmov v33  }
0x5b0: {  	s28 =	simm.s32 $0xFFFFFFFF;
	v32 =	vmovc v31;
	vm12 =	vmmov vm9;
	v39 =	vmovc v28;
	v36 =	vmov v26;
	vm7 =	vmmov vm8  }
.LBB2_75:
.Ltmp62:
0x5b1: {  	(pc) =	sbr.rel .LBB2_82-.Ltmp62, $3  }
0x5b2: {  	_ =	sdelay $0x1  }
0x5b3: {  	v34 =	vmov v32;
	v37 =	vmov v29;
	v24 =	vmov v32  }
0x5b4: {  	s26 =	simm.s32 $0xFFFFFFFF;
	v31 =	vmovc v30;
	vm12 =	vmmov vm9;
	v38 =	vmovc v27;
	v35 =	vmov v25;
	vm7 =	vmmov vm8  }
.LBB2_39:
.Ltmp63:
0x5b5: {  	(pc) =	sbr.rel .LBB2_44-.Ltmp63, $3  }
0x5b6: {  	_ =	sdelay $0x1  }
0x5b7: {  	v27 =	vmovc v37;
	vm5 =	vmmov vm10;
	v35 =	vmov v25;
	v32 =	vmov v34  }
0x5b8: {  	s28 =	simm.s32 $0xFFFFFFFF;
	vm12 =	vmmov vm11;
	v39 =	vmovc v26;
	v36 =	vmovc v30;
	v38 =	vmov v33;
	vm7 =	vmmov vm13  }
.LBB2_77:
.Ltmp64:
0x5b9: {  	(pc) =	sbr.rel .LBB2_82-.Ltmp64, $3  }
0x5ba: {  	_ =	sdelay $0x1  }
0x5bb: {  	v26 =	vmovc v36;
	vm5 =	vmmov vm10;
	v34 =	vmov v24;
	v31 =	vmov v33  }
0x5bc: {  	s26 =	simm.s32 $0xFFFFFFFF;
	vm12 =	vmmov vm11;
	v38 =	vmovc v25;
	v35 =	vmovc v29;
	v37 =	vmov v32;
	vm7 =	vmmov vm13  }
.LBB2_41:
.Ltmp65:
0x5bd: {  	(pc) =	sbr.rel .LBB2_44-.Ltmp65, $2  }
0x5be: {  	_ =	sdelay $0x2  }
0x5bf: {  	v38 =	vmovc v25;
	s28 =	simm.s32 $0xFFFFFFFF;
	v39 =	vmov v30;
	v36 =	vmov v33;
	v25 =	vmov v35;
	p4 =	por $0x1, $0x1  }
.LBB2_79:
.Ltmp66:
0x5c0: {  	(pc) =	sbr.rel .LBB2_82-.Ltmp66, $2  }
0x5c1: {  	_ =	sdelay $0x2  }
0x5c2: {  	v37 =	vmovc v24;
	s26 =	simm.s32 $0xFFFFFFFF;
	v38 =	vmov v29;
	v35 =	vmov v32;
	v24 =	vmov v34;
	p4 =	por $0x1, $0x1  }
.LBB2_84:
0x5c3: {  	_ =	sfence.sel $0x180000  }
0x5c4: {  	[bflag:$0x0] =	sbarrier.arrive $0xFFFF  }
0x5c5: {  	_ =	strace $0x90000047  }
0x5c6: {  	s0 =	stileid.u32;
	[bflag:$0x2] =	sbarrier.arrive $0xFFFF  }
0x5c7: {  	p0 =	sne.s32 s0, $0x0;
	s0 =	rddreg [dreg:$0x2]  }
0x5c8: {  	s0 =	sadd.s32 @!p0 $0x100000, s0  }
0x5c9: {  	[sflag:s0] =	ssyncadd.tile.s32 @!p0 $0x1;
	_ =	shalt  }
.Lfunc_end2:
_tile_overlayer_lowered:
.L_overlay_start_2:
0x5ca: {  	(tag) =	ssettag $0x2  }
0x5cb: {  	s0 =	rddreg [dreg:$0x0];
	s2 =	stileid.u32  }
0x5cc: {  	s1 =	rddreg [dreg:$0x1];
	p0 =	sne.s32 s2, $0x0  }
0x5cd: {  	s3 =	rddreg [dreg:$0x2];
	[bflag:$0x3] =	sbarrier.arrive $0xFFFF;
	s2 =	simm.s32 @!p0 $0x1C03  }
0x5ce: {  	[timem:s3], [sflag:s2] =	dma.local @!p0 [hbm:s0], s1  }
0x5cf: {  	s0 =	simm.s32 @!p0 $0x3  }
0x5d0: {  	_ =	swait.ge @!p0 [sflag:s0], s1  }
0x5d1: {  	s1 =	ssub.s32 @!p0 $0x0, s1;
	[sflag:s0] =	ssyncset.done @!p0 $0x0  }
0x5d2: {  	[sflag:s0] =	ssyncadd.s32 @!p0 s1  }
0x5d3: {  	[bflag:$0x3] =	sbarrier.arrive $0xFFFF  }
0x5d4: {  	_ =	shalt  }

</sc_bundles>
